<compile_context>
chip_gen: v7x
topology: tpu7x:2x2x1
jax: 0.10.2.dev20260603
libtpu: 0.0.44.dev20260713+nightly
codegen_flags: <defaults>
</compile_context>

<pallas_src>
import functools

import jax
import jax.numpy as jnp
from jax import lax
from jax.experimental import pallas as pl
from jax.experimental.pallas import tpu as pltpu
from jax.experimental.pallas import tpu_sc as plsc

_LANES = 16
_NWORKERS = 32
_CHUNK = 32768
_SPLIT = 29696
_NBUF = 2
_UNROLL = 16
_NACC = 8


def _sc_partial_sums(atomic_numbers, table_bcast, table_pad):
    natoms = atomic_numbers.shape[0]
    nrefs = table_bcast.shape[0] // _LANES
    npad = table_pad.shape[0]
    per_w = natoms // _NWORKERS
    nchunks = per_w // _CHUNK
    nstream = _CHUNK - _SPLIT
    assert per_w % _CHUNK == 0 and nchunks >= 2

    mesh = plsc.VectorSubcoreMesh(core_axis_name="c", subcore_axis_name="s")

    @functools.partial(
        pl.kernel,
        mesh=mesh,
        out_type=jax.ShapeDtypeStruct((_NWORKERS, _LANES), jnp.float32),
        compiler_params=pltpu.CompilerParams(
            use_tc_tiling_on_sc=False, needs_layout_passes=False
        ),
        scratch_types=[
            [pltpu.VMEM((_CHUNK,), jnp.int32) for _ in range(_NBUF)],
            [pltpu.VMEM((nstream,), jnp.float32) for _ in range(_NBUF)],
            pltpu.VMEM((nrefs * _LANES,), jnp.float32),
            pltpu.VMEM((nrefs * _LANES,), jnp.float32),
            pltpu.VMEM_SHARED((npad,), jnp.float32),
            pltpu.VMEM((_LANES,), jnp.float32),
            [pltpu.SemaphoreType.DMA for _ in range(_NBUF)],
            [pltpu.SemaphoreType.DMA for _ in range(_NBUF)],
        ],
    )
    def k(an_hbm, tabb_hbm, tabp_hbm, out_hbm, bufs, vals, hist, tab_v,
          tabs, acc_v, sems_i, sems_g):
        wid = lax.axis_index("s") * 2 + lax.axis_index("c")
        base = wid * per_w

        @pl.when(lax.axis_index("s") == 0)
        def _():
            pltpu.sync_copy(tabp_hbm, tabs)

        pltpu.sync_copy(tabb_hbm, tab_v)
        zeros = jnp.zeros((_LANES,), jnp.float32)
        for b in range(nrefs):
            hist[pl.ds(b * _LANES, _LANES)] = zeros
        plsc.subcore_barrier()

        lanes = lax.iota(jnp.int32, _LANES)
        ones = jnp.ones((_LANES,), jnp.float32)

        def start_idx(c):
            return pltpu.async_copy(
                an_hbm.at[pl.ds(base + c * _CHUNK, _CHUNK)],
                bufs[c % _NBUF],
                sems_i[c % _NBUF],
            )

        def start_gather(c):
            return pltpu.async_copy(
                tabs.at[bufs[c % _NBUF].at[pl.ds(_SPLIT, nstream)]],
                vals[c % _NBUF],
                sems_g[c % _NBUF],
            )

        def process_hist(buf):
            def body(i, carry):
                start_i = i * (_UNROLL * _LANES)
                idxs = [
                    buf[pl.ds(start_i + u * _LANES, _LANES)]
                    for u in range(_UNROLL)
                ]
                addrs = [ix * _LANES + lanes for ix in idxs]
                for a in addrs:
                    plsc.addupdate_scatter(hist, [a], ones)
                return carry

            lax.fori_loop(0, _SPLIT // (_UNROLL * _LANES), body, 0)

        def accum(v, accs):
            def body(i, accs):
                loads = [
                    v[pl.ds((i * _NACC + u) * _LANES, _LANES)]
                    for u in range(_NACC)
                ]
                return tuple(a + x for a, x in zip(accs, loads))

            return lax.fori_loop(0, nstream // (_NACC * _LANES), body, accs)

        accs = tuple(jnp.zeros((_LANES,), jnp.float32) for _ in range(_NACC))

        hidx = [start_idx(0)]
        hg = {}
        for c in range(nchunks):
            if c + 1 < nchunks:
                hidx.append(start_idx(c + 1))
            hidx[c].wait()
            hg[c] = start_gather(c)
            process_hist(bufs[c % _NBUF])
            hg[c].wait()
            accs = accum(vals[c % _NBUF], accs)

        acc = accs[0]
        for a in accs[1:]:
            acc = acc + a
        for b in range(nrefs):
            acc = acc + hist[pl.ds(b * _LANES, _LANES)] * tab_v[pl.ds(b * _LANES, _LANES)]
        acc_v[...] = acc
        pltpu.sync_copy(acc_v, out_hbm.at[wid])

    return k(atomic_numbers, table_bcast, table_pad)


def _tc_combine(partials_ref, te_ref, out_ref):
    out_ref[...] = te_ref[...] - jnp.sum(partials_ref[...])


def kernel(total_energy, atomic_numbers, per_atom_references):
    an = atomic_numbers.astype(jnp.int32)
    nrefs = per_atom_references.shape[0]
    table_f32 = per_atom_references.astype(jnp.float32)
    table_bcast = jnp.broadcast_to(
        table_f32[:, None], (nrefs, _LANES)
    ).reshape(nrefs * _LANES)
    npad = -(-nrefs // _LANES) * _LANES
    table_pad = jnp.pad(table_f32, (0, npad - nrefs))

    partials = _sc_partial_sums(an, table_bcast, table_pad)

    return pl.pallas_call(
        _tc_combine,
        out_shape=jax.ShapeDtypeStruct(total_energy.shape, jnp.float32),
    )(partials, total_energy)

# --- scband reference (transcript-rebuilt; emitter-appended) ---
"""Pipeline reference for scband-per-atom-referencer-43946105372720 (READ-ONLY COPY).

The authoritative reference and input builder live on the scoring server;
editing this copy changes nothing except your own understanding.
"""

import jax, jax.numpy as jnp
import numpy as np

NATOMS = 8388608
BSZ = 16384
NUM_REFS = 100

def setup_inputs(seed: int = 0) -> dict:
    key = jax.random.key(seed)
    k1, k2 = jax.random.split(key)
    total_energy = jax.random.normal(k1, (BSZ,), dtype=jnp.float32)
    atomic_numbers = jax.random.randint(k2, (NATOMS,), 0, NUM_REFS, dtype=jnp.int64 if jax.config.jax_enable_x64 else jnp.int32)
    # per-atom reference energies buffer, matching hparams.references = [-0.1, -0.2, ..., -10.0]
    per_atom_references = (-0.1 * jnp.arange(1, NUM_REFS + 1, dtype=jnp.float32))
    return {"total_energy": total_energy, "atomic_numbers": atomic_numbers, "per_atom_references": per_atom_references}

def reference(total_energy, atomic_numbers, per_atom_references):
    # PerAtomReferencer.reference: total_energy - per_atom_references[atomic_numbers].sum()
    gathered = jnp.take(per_atom_references, atomic_numbers, axis=0)
    correction = jnp.sum(gathered)
    return total_energy - correction

if __name__ == "__main__":
    import jax
    _d = setup_inputs()
    print(jax.jit(kernel)(*tuple(_d.values())))

</pallas_src>

<mosaic_0001>
#map = affine_map<(d0, d1) -> (0)>
#map1 = affine_map<(d0, d1) -> (0, 0)>
module attributes {stable_mosaic.version = 14 : i64} {
  func.func @k(%arg0: i32, %arg1: i32, %arg2: memref<8388608xi32, #tpu.memory_space<hbm>>, %arg3: memref<1600xf32, #tpu.memory_space<hbm>>, %arg4: memref<112xf32, #tpu.memory_space<hbm>>, %arg5: memref<32x16xf32, #tpu.memory_space<hbm>>, %arg6: memref<32768xi32, #tpu.memory_space<vmem>>, %arg7: memref<32768xi32, #tpu.memory_space<vmem>>, %arg8: memref<3072xf32, #tpu.memory_space<vmem>>, %arg9: memref<3072xf32, #tpu.memory_space<vmem>>, %arg10: memref<1600xf32, #tpu.memory_space<vmem>>, %arg11: memref<1600xf32, #tpu.memory_space<vmem>>, %arg12: memref<112xf32, #tpu.memory_space<vmem_shared>>, %arg13: memref<16xf32, #tpu.memory_space<vmem>>, %arg14: memref<!tpu.dma_semaphore, #tpu.memory_space<semaphore_mem>>, %arg15: memref<!tpu.dma_semaphore, #tpu.memory_space<semaphore_mem>>, %arg16: memref<!tpu.dma_semaphore, #tpu.memory_space<semaphore_mem>>, %arg17: memref<!tpu.dma_semaphore, #tpu.memory_space<semaphore_mem>>) attributes {dimension_semantics = [#tpu.dimension_semantics<core_parallel>, #tpu.dimension_semantics<subcore_parallel>], iteration_bounds = array<i64: 2, 16>, scalar_prefetch = 0 : i64, scratch_operands = 12 : i64, tpu.core_type = #tpu.core_type<sc_vector_subcore>, window_params = [{transform_indices = #map}, {transform_indices = #map}, {transform_indices = #map}, {transform_indices = #map1}]} {
    %mul3A = arith.constant 2 : i32
    %mul3A_0 = arith.muli %arg1, %mul3A : i32
    %add3A = arith.addi %mul3A_0, %arg0 : i32
    %mul3A_1 = arith.constant 262144 : i32
    %mul3A_2 = arith.muli %add3A, %mul3A_1 : i32
    %eq3A = arith.constant 0 : i32
    %eq3A_3 = arith.cmpi eq, %arg1, %eq3A : i32
    %convert_element_type3A = arith.extui %eq3A_3 : i1 to i32
    %cond3A = arith.constant 0 : i32
    %cond3A_4 = arith.cmpi ne, %convert_element_type3A, %cond3A : i32
    scf.if %cond3A_4 {
      "tpu.region"() ({
        %run_scoped3A = tpu.sem_alloc : memref<!tpu.dma_semaphore, #tpu.memory_space<semaphore_mem>>
        tpu.enqueue_dma source(%arg4 : memref<112xf32, #tpu.memory_space<hbm>>) target(%arg12 : memref<112xf32, #tpu.memory_space<vmem_shared>>) target_semaphore(%run_scoped3A : memref<!tpu.dma_semaphore, #tpu.memory_space<semaphore_mem>>)
        tpu.wait_dma2 semaphore(%run_scoped3A : memref<!tpu.dma_semaphore, #tpu.memory_space<semaphore_mem>>) src(%arg4 : memref<112xf32, #tpu.memory_space<hbm>>) dst(%arg12 : memref<112xf32, #tpu.memory_space<vmem_shared>>)
        tpu.yield
      }) : () -> ()
    } else {
    }
    "tpu.region"() ({
      %run_scoped3A = tpu.sem_alloc : memref<!tpu.dma_semaphore, #tpu.memory_space<semaphore_mem>>
      tpu.enqueue_dma source(%arg3 : memref<1600xf32, #tpu.memory_space<hbm>>) target(%arg11 : memref<1600xf32, #tpu.memory_space<vmem>>) target_semaphore(%run_scoped3A : memref<!tpu.dma_semaphore, #tpu.memory_space<semaphore_mem>>)
      tpu.wait_dma2 semaphore(%run_scoped3A : memref<!tpu.dma_semaphore, #tpu.memory_space<semaphore_mem>>) src(%arg3 : memref<1600xf32, #tpu.memory_space<hbm>>) dst(%arg11 : memref<1600xf32, #tpu.memory_space<vmem>>)
      tpu.yield
    }) : () -> ()
    %broadcast_in_dim3A = arith.constant 0.000000e+00 : f32
    %broadcast_in_dim3A_5 = vector.broadcast %broadcast_in_dim3A : f32 to vector<16xf32>
    %swap3A = arith.constant 0 : index
    %swap3A_6 = tpu.vector_load %arg10[%swap3A] {strides = array<i32>} : memref<1600xf32, #tpu.memory_space<vmem>>, vector<16xf32>,
    tpu.vector_store %arg10[%swap3A], %broadcast_in_dim3A_5 {strides = array<i32>} : memref<1600xf32, #tpu.memory_space<vmem>>, vector<16xf32>,
    %swap3A_7 = arith.constant 16 : index
    %swap3A_8 = tpu.vector_load %arg10[%swap3A_7] {strides = array<i32>} : memref<1600xf32, #tpu.memory_space<vmem>>, vector<16xf32>,
    tpu.vector_store %arg10[%swap3A_7], %broadcast_in_dim3A_5 {strides = array<i32>} : memref<1600xf32, #tpu.memory_space<vmem>>, vector<16xf32>,
    %swap3A_9 = arith.constant 32 : index
    %swap3A_10 = tpu.vector_load %arg10[%swap3A_9] {strides = array<i32>} : memref<1600xf32, #tpu.memory_space<vmem>>, vector<16xf32>,
    tpu.vector_store %arg10[%swap3A_9], %broadcast_in_dim3A_5 {strides = array<i32>} : memref<1600xf32, #tpu.memory_space<vmem>>, vector<16xf32>,
    %swap3A_11 = arith.constant 48 : index
    %swap3A_12 = tpu.vector_load %arg10[%swap3A_11] {strides = array<i32>} : memref<1600xf32, #tpu.memory_space<vmem>>, vector<16xf32>,
    tpu.vector_store %arg10[%swap3A_11], %broadcast_in_dim3A_5 {strides = array<i32>} : memref<1600xf32, #tpu.memory_space<vmem>>, vector<16xf32>,
    %swap3A_13 = arith.constant 64 : index
    %swap3A_14 = tpu.vector_load %arg10[%swap3A_13] {strides = array<i32>} : memref<1600xf32, #tpu.memory_space<vmem>>, vector<16xf32>,
    tpu.vector_store %arg10[%swap3A_13], %broadcast_in_dim3A_5 {strides = array<i32>} : memref<1600xf32, #tpu.memory_space<vmem>>, vector<16xf32>,
    %swap3A_15 = arith.constant 80 : index
    %swap3A_16 = tpu.vector_load %arg10[%swap3A_15] {strides = array<i32>} : memref<1600xf32, #tpu.memory_space<vmem>>, vector<16xf32>,
    tpu.vector_store %arg10[%swap3A_15], %broadcast_in_dim3A_5 {strides = array<i32>} : memref<1600xf32, #tpu.memory_space<vmem>>, vector<16xf32>,
    %swap3A_17 = arith.constant 96 : index
    %swap3A_18 = tpu.vector_load %arg10[%swap3A_17] {strides = array<i32>} : memref<1600xf32, #tpu.memory_space<vmem>>, vector<16xf32>,
    tpu.vector_store %arg10[%swap3A_17], %broadcast_in_dim3A_5 {strides = array<i32>} : memref<1600xf32, #tpu.memory_space<vmem>>, vector<16xf32>,
    %swap3A_19 = arith.constant 112 : index
    %swap3A_20 = tpu.vector_load %arg10[%swap3A_19] {strides = array<i32>} : memref<1600xf32, #tpu.memory_space<vmem>>, vector<16xf32>,
    tpu.vector_store %arg10[%swap3A_19], %broadcast_in_dim3A_5 {strides = array<i32>} : memref<1600xf32, #tpu.memory_space<vmem>>, vector<16xf32>,
    %swap3A_21 = arith.constant 128 : index
    %swap3A_22 = tpu.vector_load %arg10[%swap3A_21] {strides = array<i32>} : memref<1600xf32, #tpu.memory_space<vmem>>, vector<16xf32>,
    tpu.vector_store %arg10[%swap3A_21], %broadcast_in_dim3A_5 {strides = array<i32>} : memref<1600xf32, #tpu.memory_space<vmem>>, vector<16xf32>,
    %swap3A_23 = arith.constant 144 : index
    %swap3A_24 = tpu.vector_load %arg10[%swap3A_23] {strides = array<i32>} : memref<1600xf32, #tpu.memory_space<vmem>>, vector<16xf32>,
    tpu.vector_store %arg10[%swap3A_23], %broadcast_in_dim3A_5 {strides = array<i32>} : memref<1600xf32, #tpu.memory_space<vmem>>, vector<16xf32>,
    %swap3A_25 = arith.constant 160 : index
    %swap3A_26 = tpu.vector_load %arg10[%swap3A_25] {strides = array<i32>} : memref<1600xf32, #tpu.memory_space<vmem>>, vector<16xf32>,
    tpu.vector_store %arg10[%swap3A_25], %broadcast_in_dim3A_5 {strides = array<i32>} : memref<1600xf32, #tpu.memory_space<vmem>>, vector<16xf32>,
    %swap3A_27 = arith.constant 176 : index
    %swap3A_28 = tpu.vector_load %arg10[%swap3A_27] {strides = array<i32>} : memref<1600xf32, #tpu.memory_space<vmem>>, vector<16xf32>,
    tpu.vector_store %arg10[%swap3A_27], %broadcast_in_dim3A_5 {strides = array<i32>} : memref<1600xf32, #tpu.memory_space<vmem>>, vector<16xf32>,
    %swap3A_29 = arith.constant 192 : index
    %swap3A_30 = tpu.vector_load %arg10[%swap3A_29] {strides = array<i32>} : memref<1600xf32, #tpu.memory_space<vmem>>, vector<16xf32>,
    tpu.vector_store %arg10[%swap3A_29], %broadcast_in_dim3A_5 {strides = array<i32>} : memref<1600xf32, #tpu.memory_space<vmem>>, vector<16xf32>,
    %swap3A_31 = arith.constant 208 : index
    %swap3A_32 = tpu.vector_load %arg10[%swap3A_31] {strides = array<i32>} : memref<1600xf32, #tpu.memory_space<vmem>>, vector<16xf32>,
    tpu.vector_store %arg10[%swap3A_31], %broadcast_in_dim3A_5 {strides = array<i32>} : memref<1600xf32, #tpu.memory_space<vmem>>, vector<16xf32>,
    %swap3A_33 = arith.constant 224 : index
    %swap3A_34 = tpu.vector_load %arg10[%swap3A_33] {strides = array<i32>} : memref<1600xf32, #tpu.memory_space<vmem>>, vector<16xf32>,
    tpu.vector_store %arg10[%swap3A_33], %broadcast_in_dim3A_5 {strides = array<i32>} : memref<1600xf32, #tpu.memory_space<vmem>>, vector<16xf32>,
    %swap3A_35 = arith.constant 240 : index
    %swap3A_36 = tpu.vector_load %arg10[%swap3A_35] {strides = array<i32>} : memref<1600xf32, #tpu.memory_space<vmem>>, vector<16xf32>,
    tpu.vector_store %arg10[%swap3A_35], %broadcast_in_dim3A_5 {strides = array<i32>} : memref<1600xf32, #tpu.memory_space<vmem>>, vector<16xf32>,
    %swap3A_37 = arith.constant 256 : index
    %swap3A_38 = tpu.vector_load %arg10[%swap3A_37] {strides = array<i32>} : memref<1600xf32, #tpu.memory_space<vmem>>, vector<16xf32>,
    tpu.vector_store %arg10[%swap3A_37], %broadcast_in_dim3A_5 {strides = array<i32>} : memref<1600xf32, #tpu.memory_space<vmem>>, vector<16xf32>,
    %swap3A_39 = arith.constant 272 : index
    %swap3A_40 = tpu.vector_load %arg10[%swap3A_39] {strides = array<i32>} : memref<1600xf32, #tpu.memory_space<vmem>>, vector<16xf32>,
    tpu.vector_store %arg10[%swap3A_39], %broadcast_in_dim3A_5 {strides = array<i32>} : memref<1600xf32, #tpu.memory_space<vmem>>, vector<16xf32>,
    %swap3A_41 = arith.constant 288 : index
    %swap3A_42 = tpu.vector_load %arg10[%swap3A_41] {strides = array<i32>} : memref<1600xf32, #tpu.memory_space<vmem>>, vector<16xf32>,
    tpu.vector_store %arg10[%swap3A_41], %broadcast_in_dim3A_5 {strides = array<i32>} : memref<1600xf32, #tpu.memory_space<vmem>>, vector<16xf32>,
    %swap3A_43 = arith.constant 304 : index
    %swap3A_44 = tpu.vector_load %arg10[%swap3A_43] {strides = array<i32>} : memref<1600xf32, #tpu.memory_space<vmem>>, vector<16xf32>,
    tpu.vector_store %arg10[%swap3A_43], %broadcast_in_dim3A_5 {strides = array<i32>} : memref<1600xf32, #tpu.memory_space<vmem>>, vector<16xf32>,
    %swap3A_45 = arith.constant 320 : index
    %swap3A_46 = tpu.vector_load %arg10[%swap3A_45] {strides = array<i32>} : memref<1600xf32, #tpu.memory_space<vmem>>, vector<16xf32>,
    tpu.vector_store %arg10[%swap3A_45], %broadcast_in_dim3A_5 {strides = array<i32>} : memref<1600xf32, #tpu.memory_space<vmem>>, vector<16xf32>,
    %swap3A_47 = arith.constant 336 : index
    %swap3A_48 = tpu.vector_load %arg10[%swap3A_47] {strides = array<i32>} : memref<1600xf32, #tpu.memory_space<vmem>>, vector<16xf32>,
    tpu.vector_store %arg10[%swap3A_47], %broadcast_in_dim3A_5 {strides = array<i32>} : memref<1600xf32, #tpu.memory_space<vmem>>, vector<16xf32>,
    %swap3A_49 = arith.constant 352 : index
    %swap3A_50 = tpu.vector_load %arg10[%swap3A_49] {strides = array<i32>} : memref<1600xf32, #tpu.memory_space<vmem>>, vector<16xf32>,
    tpu.vector_store %arg10[%swap3A_49], %broadcast_in_dim3A_5 {strides = array<i32>} : memref<1600xf32, #tpu.memory_space<vmem>>, vector<16xf32>,
    %swap3A_51 = arith.constant 368 : index
    %swap3A_52 = tpu.vector_load %arg10[%swap3A_51] {strides = array<i32>} : memref<1600xf32, #tpu.memory_space<vmem>>, vector<16xf32>,
    tpu.vector_store %arg10[%swap3A_51], %broadcast_in_dim3A_5 {strides = array<i32>} : memref<1600xf32, #tpu.memory_space<vmem>>, vector<16xf32>,
    %swap3A_53 = arith.constant 384 : index
    %swap3A_54 = tpu.vector_load %arg10[%swap3A_53] {strides = array<i32>} : memref<1600xf32, #tpu.memory_space<vmem>>, vector<16xf32>,
    tpu.vector_store %arg10[%swap3A_53], %broadcast_in_dim3A_5 {strides = array<i32>} : memref<1600xf32, #tpu.memory_space<vmem>>, vector<16xf32>,
    %swap3A_55 = arith.constant 400 : index
    %swap3A_56 = tpu.vector_load %arg10[%swap3A_55] {strides = array<i32>} : memref<1600xf32, #tpu.memory_space<vmem>>, vector<16xf32>,
    tpu.vector_store %arg10[%swap3A_55], %broadcast_in_dim3A_5 {strides = array<i32>} : memref<1600xf32, #tpu.memory_space<vmem>>, vector<16xf32>,
    %swap3A_57 = arith.constant 416 : index
    %swap3A_58 = tpu.vector_load %arg10[%swap3A_57] {strides = array<i32>} : memref<1600xf32, #tpu.memory_space<vmem>>, vector<16xf32>,
    tpu.vector_store %arg10[%swap3A_57], %broadcast_in_dim3A_5 {strides = array<i32>} : memref<1600xf32, #tpu.memory_space<vmem>>, vector<16xf32>,
    %swap3A_59 = arith.constant 432 : index
    %swap3A_60 = tpu.vector_load %arg10[%swap3A_59] {strides = array<i32>} : memref<1600xf32, #tpu.memory_space<vmem>>, vector<16xf32>,
    tpu.vector_store %arg10[%swap3A_59], %broadcast_in_dim3A_5 {strides = array<i32>} : memref<1600xf32, #tpu.memory_space<vmem>>, vector<16xf32>,
    %swap3A_61 = arith.constant 448 : index
    %swap3A_62 = tpu.vector_load %arg10[%swap3A_61] {strides = array<i32>} : memref<1600xf32, #tpu.memory_space<vmem>>, vector<16xf32>,
    tpu.vector_store %arg10[%swap3A_61], %broadcast_in_dim3A_5 {strides = array<i32>} : memref<1600xf32, #tpu.memory_space<vmem>>, vector<16xf32>,
    %swap3A_63 = arith.constant 464 : index
    %swap3A_64 = tpu.vector_load %arg10[%swap3A_63] {strides = array<i32>} : memref<1600xf32, #tpu.memory_space<vmem>>, vector<16xf32>,
    tpu.vector_store %arg10[%swap3A_63], %broadcast_in_dim3A_5 {strides = array<i32>} : memref<1600xf32, #tpu.memory_space<vmem>>, vector<16xf32>,
    %swap3A_65 = arith.constant 480 : index
    %swap3A_66 = tpu.vector_load %arg10[%swap3A_65] {strides = array<i32>} : memref<1600xf32, #tpu.memory_space<vmem>>, vector<16xf32>,
    tpu.vector_store %arg10[%swap3A_65], %broadcast_in_dim3A_5 {strides = array<i32>} : memref<1600xf32, #tpu.memory_space<vmem>>, vector<16xf32>,
    %swap3A_67 = arith.constant 496 : index
    %swap3A_68 = tpu.vector_load %arg10[%swap3A_67] {strides = array<i32>} : memref<1600xf32, #tpu.memory_space<vmem>>, vector<16xf32>,
    tpu.vector_store %arg10[%swap3A_67], %broadcast_in_dim3A_5 {strides = array<i32>} : memref<1600xf32, #tpu.memory_space<vmem>>, vector<16xf32>,
    %swap3A_69 = arith.constant 512 : index
    %swap3A_70 = tpu.vector_load %arg10[%swap3A_69] {strides = array<i32>} : memref<1600xf32, #tpu.memory_space<vmem>>, vector<16xf32>,
    tpu.vector_store %arg10[%swap3A_69], %broadcast_in_dim3A_5 {strides = array<i32>} : memref<1600xf32, #tpu.memory_space<vmem>>, vector<16xf32>,
    %swap3A_71 = arith.constant 528 : index
    %swap3A_72 = tpu.vector_load %arg10[%swap3A_71] {strides = array<i32>} : memref<1600xf32, #tpu.memory_space<vmem>>, vector<16xf32>,
    tpu.vector_store %arg10[%swap3A_71], %broadcast_in_dim3A_5 {strides = array<i32>} : memref<1600xf32, #tpu.memory_space<vmem>>, vector<16xf32>,
    %swap3A_73 = arith.constant 544 : index
    %swap3A_74 = tpu.vector_load %arg10[%swap3A_73] {strides = array<i32>} : memref<1600xf32, #tpu.memory_space<vmem>>, vector<16xf32>,
    tpu.vector_store %arg10[%swap3A_73], %broadcast_in_dim3A_5 {strides = array<i32>} : memref<1600xf32, #tpu.memory_space<vmem>>, vector<16xf32>,
    %swap3A_75 = arith.constant 560 : index
    %swap3A_76 = tpu.vector_load %arg10[%swap3A_75] {strides = array<i32>} : memref<1600xf32, #tpu.memory_space<vmem>>, vector<16xf32>,
    tpu.vector_store %arg10[%swap3A_75], %broadcast_in_dim3A_5 {strides = array<i32>} : memref<1600xf32, #tpu.memory_space<vmem>>, vector<16xf32>,
    %swap3A_77 = arith.constant 576 : index
    %swap3A_78 = tpu.vector_load %arg10[%swap3A_77] {strides = array<i32>} : memref<1600xf32, #tpu.memory_space<vmem>>, vector<16xf32>,
    tpu.vector_store %arg10[%swap3A_77], %broadcast_in_dim3A_5 {strides = array<i32>} : memref<1600xf32, #tpu.memory_space<vmem>>, vector<16xf32>,
    %swap3A_79 = arith.constant 592 : index
    %swap3A_80 = tpu.vector_load %arg10[%swap3A_79] {strides = array<i32>} : memref<1600xf32, #tpu.memory_space<vmem>>, vector<16xf32>,
    tpu.vector_store %arg10[%swap3A_79], %broadcast_in_dim3A_5 {strides = array<i32>} : memref<1600xf32, #tpu.memory_space<vmem>>, vector<16xf32>,
    %swap3A_81 = arith.constant 608 : index
    %swap3A_82 = tpu.vector_load %arg10[%swap3A_81] {strides = array<i32>} : memref<1600xf32, #tpu.memory_space<vmem>>, vector<16xf32>,
    tpu.vector_store %arg10[%swap3A_81], %broadcast_in_dim3A_5 {strides = array<i32>} : memref<1600xf32, #tpu.memory_space<vmem>>, vector<16xf32>,
    %swap3A_83 = arith.constant 624 : index
    %swap3A_84 = tpu.vector_load %arg10[%swap3A_83] {strides = array<i32>} : memref<1600xf32, #tpu.memory_space<vmem>>, vector<16xf32>,
    tpu.vector_store %arg10[%swap3A_83], %broadcast_in_dim3A_5 {strides = array<i32>} : memref<1600xf32, #tpu.memory_space<vmem>>, vector<16xf32>,
    %swap3A_85 = arith.constant 640 : index
    %swap3A_86 = tpu.vector_load %arg10[%swap3A_85] {strides = array<i32>} : memref<1600xf32, #tpu.memory_space<vmem>>, vector<16xf32>,
    tpu.vector_store %arg10[%swap3A_85], %broadcast_in_dim3A_5 {strides = array<i32>} : memref<1600xf32, #tpu.memory_space<vmem>>, vector<16xf32>,
    %swap3A_87 = arith.constant 656 : index
    %swap3A_88 = tpu.vector_load %arg10[%swap3A_87] {strides = array<i32>} : memref<1600xf32, #tpu.memory_space<vmem>>, vector<16xf32>,
    tpu.vector_store %arg10[%swap3A_87], %broadcast_in_dim3A_5 {strides = array<i32>} : memref<1600xf32, #tpu.memory_space<vmem>>, vector<16xf32>,
    %swap3A_89 = arith.constant 672 : index
    %swap3A_90 = tpu.vector_load %arg10[%swap3A_89] {strides = array<i32>} : memref<1600xf32, #tpu.memory_space<vmem>>, vector<16xf32>,
    tpu.vector_store %arg10[%swap3A_89], %broadcast_in_dim3A_5 {strides = array<i32>} : memref<1600xf32, #tpu.memory_space<vmem>>, vector<16xf32>,
    %swap3A_91 = arith.constant 688 : index
    %swap3A_92 = tpu.vector_load %arg10[%swap3A_91] {strides = array<i32>} : memref<1600xf32, #tpu.memory_space<vmem>>, vector<16xf32>,
    tpu.vector_store %arg10[%swap3A_91], %broadcast_in_dim3A_5 {strides = array<i32>} : memref<1600xf32, #tpu.memory_space<vmem>>, vector<16xf32>,
    %swap3A_93 = arith.constant 704 : index
    %swap3A_94 = tpu.vector_load %arg10[%swap3A_93] {strides = array<i32>} : memref<1600xf32, #tpu.memory_space<vmem>>, vector<16xf32>,
    tpu.vector_store %arg10[%swap3A_93], %broadcast_in_dim3A_5 {strides = array<i32>} : memref<1600xf32, #tpu.memory_space<vmem>>, vector<16xf32>,
    %swap3A_95 = arith.constant 720 : index
    %swap3A_96 = tpu.vector_load %arg10[%swap3A_95] {strides = array<i32>} : memref<1600xf32, #tpu.memory_space<vmem>>, vector<16xf32>,
    tpu.vector_store %arg10[%swap3A_95], %broadcast_in_dim3A_5 {strides = array<i32>} : memref<1600xf32, #tpu.memory_space<vmem>>, vector<16xf32>,
    %swap3A_97 = arith.constant 736 : index
    %swap3A_98 = tpu.vector_load %arg10[%swap3A_97] {strides = array<i32>} : memref<1600xf32, #tpu.memory_space<vmem>>, vector<16xf32>,
    tpu.vector_store %arg10[%swap3A_97], %broadcast_in_dim3A_5 {strides = array<i32>} : memref<1600xf32, #tpu.memory_space<vmem>>, vector<16xf32>,
    %swap3A_99 = arith.constant 752 : index
    %swap3A_100 = tpu.vector_load %arg10[%swap3A_99] {strides = array<i32>} : memref<1600xf32, #tpu.memory_space<vmem>>, vector<16xf32>,
    tpu.vector_store %arg10[%swap3A_99], %broadcast_in_dim3A_5 {strides = array<i32>} : memref<1600xf32, #tpu.memory_space<vmem>>, vector<16xf32>,
    %swap3A_101 = arith.constant 768 : index
    %swap3A_102 = tpu.vector_load %arg10[%swap3A_101] {strides = array<i32>} : memref<1600xf32, #tpu.memory_space<vmem>>, vector<16xf32>,
    tpu.vector_store %arg10[%swap3A_101], %broadcast_in_dim3A_5 {strides = array<i32>} : memref<1600xf32, #tpu.memory_space<vmem>>, vector<16xf32>,
    %swap3A_103 = arith.constant 784 : index
    %swap3A_104 = tpu.vector_load %arg10[%swap3A_103] {strides = array<i32>} : memref<1600xf32, #tpu.memory_space<vmem>>, vector<16xf32>,
    tpu.vector_store %arg10[%swap3A_103], %broadcast_in_dim3A_5 {strides = array<i32>} : memref<1600xf32, #tpu.memory_space<vmem>>, vector<16xf32>,
    %swap3A_105 = arith.constant 800 : index
    %swap3A_106 = tpu.vector_load %arg10[%swap3A_105] {strides = array<i32>} : memref<1600xf32, #tpu.memory_space<vmem>>, vector<16xf32>,
    tpu.vector_store %arg10[%swap3A_105], %broadcast_in_dim3A_5 {strides = array<i32>} : memref<1600xf32, #tpu.memory_space<vmem>>, vector<16xf32>,
    %swap3A_107 = arith.constant 816 : index
    %swap3A_108 = tpu.vector_load %arg10[%swap3A_107] {strides = array<i32>} : memref<1600xf32, #tpu.memory_space<vmem>>, vector<16xf32>,
    tpu.vector_store %arg10[%swap3A_107], %broadcast_in_dim3A_5 {strides = array<i32>} : memref<1600xf32, #tpu.memory_space<vmem>>, vector<16xf32>,
    %swap3A_109 = arith.constant 832 : index
    %swap3A_110 = tpu.vector_load %arg10[%swap3A_109] {strides = array<i32>} : memref<1600xf32, #tpu.memory_space<vmem>>, vector<16xf32>,
    tpu.vector_store %arg10[%swap3A_109], %broadcast_in_dim3A_5 {strides = array<i32>} : memref<1600xf32, #tpu.memory_space<vmem>>, vector<16xf32>,
    %swap3A_111 = arith.constant 848 : index
    %swap3A_112 = tpu.vector_load %arg10[%swap3A_111] {strides = array<i32>} : memref<1600xf32, #tpu.memory_space<vmem>>, vector<16xf32>,
    tpu.vector_store %arg10[%swap3A_111], %broadcast_in_dim3A_5 {strides = array<i32>} : memref<1600xf32, #tpu.memory_space<vmem>>, vector<16xf32>,
    %swap3A_113 = arith.constant 864 : index
    %swap3A_114 = tpu.vector_load %arg10[%swap3A_113] {strides = array<i32>} : memref<1600xf32, #tpu.memory_space<vmem>>, vector<16xf32>,
    tpu.vector_store %arg10[%swap3A_113], %broadcast_in_dim3A_5 {strides = array<i32>} : memref<1600xf32, #tpu.memory_space<vmem>>, vector<16xf32>,
    %swap3A_115 = arith.constant 880 : index
    %swap3A_116 = tpu.vector_load %arg10[%swap3A_115] {strides = array<i32>} : memref<1600xf32, #tpu.memory_space<vmem>>, vector<16xf32>,
    tpu.vector_store %arg10[%swap3A_115], %broadcast_in_dim3A_5 {strides = array<i32>} : memref<1600xf32, #tpu.memory_space<vmem>>, vector<16xf32>,
    %swap3A_117 = arith.constant 896 : index
    %swap3A_118 = tpu.vector_load %arg10[%swap3A_117] {strides = array<i32>} : memref<1600xf32, #tpu.memory_space<vmem>>, vector<16xf32>,
    tpu.vector_store %arg10[%swap3A_117], %broadcast_in_dim3A_5 {strides = array<i32>} : memref<1600xf32, #tpu.memory_space<vmem>>, vector<16xf32>,
    %swap3A_119 = arith.constant 912 : index
    %swap3A_120 = tpu.vector_load %arg10[%swap3A_119] {strides = array<i32>} : memref<1600xf32, #tpu.memory_space<vmem>>, vector<16xf32>,
    tpu.vector_store %arg10[%swap3A_119], %broadcast_in_dim3A_5 {strides = array<i32>} : memref<1600xf32, #tpu.memory_space<vmem>>, vector<16xf32>,
    %swap3A_121 = arith.constant 928 : index
    %swap3A_122 = tpu.vector_load %arg10[%swap3A_121] {strides = array<i32>} : memref<1600xf32, #tpu.memory_space<vmem>>, vector<16xf32>,
    tpu.vector_store %arg10[%swap3A_121], %broadcast_in_dim3A_5 {strides = array<i32>} : memref<1600xf32, #tpu.memory_space<vmem>>, vector<16xf32>,
    %swap3A_123 = arith.constant 944 : index
    %swap3A_124 = tpu.vector_load %arg10[%swap3A_123] {strides = array<i32>} : memref<1600xf32, #tpu.memory_space<vmem>>, vector<16xf32>,
    tpu.vector_store %arg10[%swap3A_123], %broadcast_in_dim3A_5 {strides = array<i32>} : memref<1600xf32, #tpu.memory_space<vmem>>, vector<16xf32>,
    %swap3A_125 = arith.constant 960 : index
    %swap3A_126 = tpu.vector_load %arg10[%swap3A_125] {strides = array<i32>} : memref<1600xf32, #tpu.memory_space<vmem>>, vector<16xf32>,
    tpu.vector_store %arg10[%swap3A_125], %broadcast_in_dim3A_5 {strides = array<i32>} : memref<1600xf32, #tpu.memory_space<vmem>>, vector<16xf32>,
    %swap3A_127 = arith.constant 976 : index
    %swap3A_128 = tpu.vector_load %arg10[%swap3A_127] {strides = array<i32>} : memref<1600xf32, #tpu.memory_space<vmem>>, vector<16xf32>,
    tpu.vector_store %arg10[%swap3A_127], %broadcast_in_dim3A_5 {strides = array<i32>} : memref<1600xf32, #tpu.memory_space<vmem>>, vector<16xf32>,
    %swap3A_129 = arith.constant 992 : index
    %swap3A_130 = tpu.vector_load %arg10[%swap3A_129] {strides = array<i32>} : memref<1600xf32, #tpu.memory_space<vmem>>, vector<16xf32>,
    tpu.vector_store %arg10[%swap3A_129], %broadcast_in_dim3A_5 {strides = array<i32>} : memref<1600xf32, #tpu.memory_space<vmem>>, vector<16xf32>,
    %swap3A_131 = arith.constant 1008 : index
    %swap3A_132 = tpu.vector_load %arg10[%swap3A_131] {strides = array<i32>} : memref<1600xf32, #tpu.memory_space<vmem>>, vector<16xf32>,
    tpu.vector_store %arg10[%swap3A_131], %broadcast_in_dim3A_5 {strides = array<i32>} : memref<1600xf32, #tpu.memory_space<vmem>>, vector<16xf32>,
    %swap3A_133 = arith.constant 1024 : index
    %swap3A_134 = tpu.vector_load %arg10[%swap3A_133] {strides = array<i32>} : memref<1600xf32, #tpu.memory_space<vmem>>, vector<16xf32>,
    tpu.vector_store %arg10[%swap3A_133], %broadcast_in_dim3A_5 {strides = array<i32>} : memref<1600xf32, #tpu.memory_space<vmem>>, vector<16xf32>,
    %swap3A_135 = arith.constant 1040 : index
    %swap3A_136 = tpu.vector_load %arg10[%swap3A_135] {strides = array<i32>} : memref<1600xf32, #tpu.memory_space<vmem>>, vector<16xf32>,
    tpu.vector_store %arg10[%swap3A_135], %broadcast_in_dim3A_5 {strides = array<i32>} : memref<1600xf32, #tpu.memory_space<vmem>>, vector<16xf32>,
    %swap3A_137 = arith.constant 1056 : index
    %swap3A_138 = tpu.vector_load %arg10[%swap3A_137] {strides = array<i32>} : memref<1600xf32, #tpu.memory_space<vmem>>, vector<16xf32>,
    tpu.vector_store %arg10[%swap3A_137], %broadcast_in_dim3A_5 {strides = array<i32>} : memref<1600xf32, #tpu.memory_space<vmem>>, vector<16xf32>,
    %swap3A_139 = arith.constant 1072 : index
    %swap3A_140 = tpu.vector_load %arg10[%swap3A_139] {strides = array<i32>} : memref<1600xf32, #tpu.memory_space<vmem>>, vector<16xf32>,
    tpu.vector_store %arg10[%swap3A_139], %broadcast_in_dim3A_5 {strides = array<i32>} : memref<1600xf32, #tpu.memory_space<vmem>>, vector<16xf32>,
    %swap3A_141 = arith.constant 1088 : index
    %swap3A_142 = tpu.vector_load %arg10[%swap3A_141] {strides = array<i32>} : memref<1600xf32, #tpu.memory_space<vmem>>, vector<16xf32>,
    tpu.vector_store %arg10[%swap3A_141], %broadcast_in_dim3A_5 {strides = array<i32>} : memref<1600xf32, #tpu.memory_space<vmem>>, vector<16xf32>,
    %swap3A_143 = arith.constant 1104 : index
    %swap3A_144 = tpu.vector_load %arg10[%swap3A_143] {strides = array<i32>} : memref<1600xf32, #tpu.memory_space<vmem>>, vector<16xf32>,
    tpu.vector_store %arg10[%swap3A_143], %broadcast_in_dim3A_5 {strides = array<i32>} : memref<1600xf32, #tpu.memory_space<vmem>>, vector<16xf32>,
    %swap3A_145 = arith.constant 1120 : index
    %swap3A_146 = tpu.vector_load %arg10[%swap3A_145] {strides = array<i32>} : memref<1600xf32, #tpu.memory_space<vmem>>, vector<16xf32>,
    tpu.vector_store %arg10[%swap3A_145], %broadcast_in_dim3A_5 {strides = array<i32>} : memref<1600xf32, #tpu.memory_space<vmem>>, vector<16xf32>,
    %swap3A_147 = arith.constant 1136 : index
    %swap3A_148 = tpu.vector_load %arg10[%swap3A_147] {strides = array<i32>} : memref<1600xf32, #tpu.memory_space<vmem>>, vector<16xf32>,
    tpu.vector_store %arg10[%swap3A_147], %broadcast_in_dim3A_5 {strides = array<i32>} : memref<1600xf32, #tpu.memory_space<vmem>>, vector<16xf32>,
    %swap3A_149 = arith.constant 1152 : index
    %swap3A_150 = tpu.vector_load %arg10[%swap3A_149] {strides = array<i32>} : memref<1600xf32, #tpu.memory_space<vmem>>, vector<16xf32>,
    tpu.vector_store %arg10[%swap3A_149], %broadcast_in_dim3A_5 {strides = array<i32>} : memref<1600xf32, #tpu.memory_space<vmem>>, vector<16xf32>,
    %swap3A_151 = arith.constant 1168 : index
    %swap3A_152 = tpu.vector_load %arg10[%swap3A_151] {strides = array<i32>} : memref<1600xf32, #tpu.memory_space<vmem>>, vector<16xf32>,
    tpu.vector_store %arg10[%swap3A_151], %broadcast_in_dim3A_5 {strides = array<i32>} : memref<1600xf32, #tpu.memory_space<vmem>>, vector<16xf32>,
    %swap3A_153 = arith.constant 1184 : index
    %swap3A_154 = tpu.vector_load %arg10[%swap3A_153] {strides = array<i32>} : memref<1600xf32, #tpu.memory_space<vmem>>, vector<16xf32>,
    tpu.vector_store %arg10[%swap3A_153], %broadcast_in_dim3A_5 {strides = array<i32>} : memref<1600xf32, #tpu.memory_space<vmem>>, vector<16xf32>,
    %swap3A_155 = arith.constant 1200 : index
    %swap3A_156 = tpu.vector_load %arg10[%swap3A_155] {strides = array<i32>} : memref<1600xf32, #tpu.memory_space<vmem>>, vector<16xf32>,
    tpu.vector_store %arg10[%swap3A_155], %broadcast_in_dim3A_5 {strides = array<i32>} : memref<1600xf32, #tpu.memory_space<vmem>>, vector<16xf32>,
    %swap3A_157 = arith.constant 1216 : index
    %swap3A_158 = tpu.vector_load %arg10[%swap3A_157] {strides = array<i32>} : memref<1600xf32, #tpu.memory_space<vmem>>, vector<16xf32>,
    tpu.vector_store %arg10[%swap3A_157], %broadcast_in_dim3A_5 {strides = array<i32>} : memref<1600xf32, #tpu.memory_space<vmem>>, vector<16xf32>,
    %swap3A_159 = arith.constant 1232 : index
    %swap3A_160 = tpu.vector_load %arg10[%swap3A_159] {strides = array<i32>} : memref<1600xf32, #tpu.memory_space<vmem>>, vector<16xf32>,
    tpu.vector_store %arg10[%swap3A_159], %broadcast_in_dim3A_5 {strides = array<i32>} : memref<1600xf32, #tpu.memory_space<vmem>>, vector<16xf32>,
    %swap3A_161 = arith.constant 1248 : index
    %swap3A_162 = tpu.vector_load %arg10[%swap3A_161] {strides = array<i32>} : memref<1600xf32, #tpu.memory_space<vmem>>, vector<16xf32>,
    tpu.vector_store %arg10[%swap3A_161], %broadcast_in_dim3A_5 {strides = array<i32>} : memref<1600xf32, #tpu.memory_space<vmem>>, vector<16xf32>,
    %swap3A_163 = arith.constant 1264 : index
    %swap3A_164 = tpu.vector_load %arg10[%swap3A_163] {strides = array<i32>} : memref<1600xf32, #tpu.memory_space<vmem>>, vector<16xf32>,
    tpu.vector_store %arg10[%swap3A_163], %broadcast_in_dim3A_5 {strides = array<i32>} : memref<1600xf32, #tpu.memory_space<vmem>>, vector<16xf32>,
    %swap3A_165 = arith.constant 1280 : index
    %swap3A_166 = tpu.vector_load %arg10[%swap3A_165] {strides = array<i32>} : memref<1600xf32, #tpu.memory_space<vmem>>, vector<16xf32>,
    tpu.vector_store %arg10[%swap3A_165], %broadcast_in_dim3A_5 {strides = array<i32>} : memref<1600xf32, #tpu.memory_space<vmem>>, vector<16xf32>,
    %swap3A_167 = arith.constant 1296 : index
    %swap3A_168 = tpu.vector_load %arg10[%swap3A_167] {strides = array<i32>} : memref<1600xf32, #tpu.memory_space<vmem>>, vector<16xf32>,
    tpu.vector_store %arg10[%swap3A_167], %broadcast_in_dim3A_5 {strides = array<i32>} : memref<1600xf32, #tpu.memory_space<vmem>>, vector<16xf32>,
    %swap3A_169 = arith.constant 1312 : index
    %swap3A_170 = tpu.vector_load %arg10[%swap3A_169] {strides = array<i32>} : memref<1600xf32, #tpu.memory_space<vmem>>, vector<16xf32>,
    tpu.vector_store %arg10[%swap3A_169], %broadcast_in_dim3A_5 {strides = array<i32>} : memref<1600xf32, #tpu.memory_space<vmem>>, vector<16xf32>,
    %swap3A_171 = arith.constant 1328 : index
    %swap3A_172 = tpu.vector_load %arg10[%swap3A_171] {strides = array<i32>} : memref<1600xf32, #tpu.memory_space<vmem>>, vector<16xf32>,
    tpu.vector_store %arg10[%swap3A_171], %broadcast_in_dim3A_5 {strides = array<i32>} : memref<1600xf32, #tpu.memory_space<vmem>>, vector<16xf32>,
    %swap3A_173 = arith.constant 1344 : index
    %swap3A_174 = tpu.vector_load %arg10[%swap3A_173] {strides = array<i32>} : memref<1600xf32, #tpu.memory_space<vmem>>, vector<16xf32>,
    tpu.vector_store %arg10[%swap3A_173], %broadcast_in_dim3A_5 {strides = array<i32>} : memref<1600xf32, #tpu.memory_space<vmem>>, vector<16xf32>,
    %swap3A_175 = arith.constant 1360 : index
    %swap3A_176 = tpu.vector_load %arg10[%swap3A_175] {strides = array<i32>} : memref<1600xf32, #tpu.memory_space<vmem>>, vector<16xf32>,
    tpu.vector_store %arg10[%swap3A_175], %broadcast_in_dim3A_5 {strides = array<i32>} : memref<1600xf32, #tpu.memory_space<vmem>>, vector<16xf32>,
    %swap3A_177 = arith.constant 1376 : index
    %swap3A_178 = tpu.vector_load %arg10[%swap3A_177] {strides = array<i32>} : memref<1600xf32, #tpu.memory_space<vmem>>, vector<16xf32>,
    tpu.vector_store %arg10[%swap3A_177], %broadcast_in_dim3A_5 {strides = array<i32>} : memref<1600xf32, #tpu.memory_space<vmem>>, vector<16xf32>,
    %swap3A_179 = arith.constant 1392 : index
    %swap3A_180 = tpu.vector_load %arg10[%swap3A_179] {strides = array<i32>} : memref<1600xf32, #tpu.memory_space<vmem>>, vector<16xf32>,
    tpu.vector_store %arg10[%swap3A_179], %broadcast_in_dim3A_5 {strides = array<i32>} : memref<1600xf32, #tpu.memory_space<vmem>>, vector<16xf32>,
    %swap3A_181 = arith.constant 1408 : index
    %swap3A_182 = tpu.vector_load %arg10[%swap3A_181] {strides = array<i32>} : memref<1600xf32, #tpu.memory_space<vmem>>, vector<16xf32>,
    tpu.vector_store %arg10[%swap3A_181], %broadcast_in_dim3A_5 {strides = array<i32>} : memref<1600xf32, #tpu.memory_space<vmem>>, vector<16xf32>,
    %swap3A_183 = arith.constant 1424 : index
    %swap3A_184 = tpu.vector_load %arg10[%swap3A_183] {strides = array<i32>} : memref<1600xf32, #tpu.memory_space<vmem>>, vector<16xf32>,
    tpu.vector_store %arg10[%swap3A_183], %broadcast_in_dim3A_5 {strides = array<i32>} : memref<1600xf32, #tpu.memory_space<vmem>>, vector<16xf32>,
    %swap3A_185 = arith.constant 1440 : index
    %swap3A_186 = tpu.vector_load %arg10[%swap3A_185] {strides = array<i32>} : memref<1600xf32, #tpu.memory_space<vmem>>, vector<16xf32>,
    tpu.vector_store %arg10[%swap3A_185], %broadcast_in_dim3A_5 {strides = array<i32>} : memref<1600xf32, #tpu.memory_space<vmem>>, vector<16xf32>,
    %swap3A_187 = arith.constant 1456 : index
    %swap3A_188 = tpu.vector_load %arg10[%swap3A_187] {strides = array<i32>} : memref<1600xf32, #tpu.memory_space<vmem>>, vector<16xf32>,
    tpu.vector_store %arg10[%swap3A_187], %broadcast_in_dim3A_5 {strides = array<i32>} : memref<1600xf32, #tpu.memory_space<vmem>>, vector<16xf32>,
    %swap3A_189 = arith.constant 1472 : index
    %swap3A_190 = tpu.vector_load %arg10[%swap3A_189] {strides = array<i32>} : memref<1600xf32, #tpu.memory_space<vmem>>, vector<16xf32>,
    tpu.vector_store %arg10[%swap3A_189], %broadcast_in_dim3A_5 {strides = array<i32>} : memref<1600xf32, #tpu.memory_space<vmem>>, vector<16xf32>,
    %swap3A_191 = arith.constant 1488 : index
    %swap3A_192 = tpu.vector_load %arg10[%swap3A_191] {strides = array<i32>} : memref<1600xf32, #tpu.memory_space<vmem>>, vector<16xf32>,
    tpu.vector_store %arg10[%swap3A_191], %broadcast_in_dim3A_5 {strides = array<i32>} : memref<1600xf32, #tpu.memory_space<vmem>>, vector<16xf32>,
    %swap3A_193 = arith.constant 1504 : index
    %swap3A_194 = tpu.vector_load %arg10[%swap3A_193] {strides = array<i32>} : memref<1600xf32, #tpu.memory_space<vmem>>, vector<16xf32>,
    tpu.vector_store %arg10[%swap3A_193], %broadcast_in_dim3A_5 {strides = array<i32>} : memref<1600xf32, #tpu.memory_space<vmem>>, vector<16xf32>,
    %swap3A_195 = arith.constant 1520 : index
    %swap3A_196 = tpu.vector_load %arg10[%swap3A_195] {strides = array<i32>} : memref<1600xf32, #tpu.memory_space<vmem>>, vector<16xf32>,
    tpu.vector_store %arg10[%swap3A_195], %broadcast_in_dim3A_5 {strides = array<i32>} : memref<1600xf32, #tpu.memory_space<vmem>>, vector<16xf32>,
    %swap3A_197 = arith.constant 1536 : index
    %swap3A_198 = tpu.vector_load %arg10[%swap3A_197] {strides = array<i32>} : memref<1600xf32, #tpu.memory_space<vmem>>, vector<16xf32>,
    tpu.vector_store %arg10[%swap3A_197], %broadcast_in_dim3A_5 {strides = array<i32>} : memref<1600xf32, #tpu.memory_space<vmem>>, vector<16xf32>,
    %swap3A_199 = arith.constant 1552 : index
    %swap3A_200 = tpu.vector_load %arg10[%swap3A_199] {strides = array<i32>} : memref<1600xf32, #tpu.memory_space<vmem>>, vector<16xf32>,
    tpu.vector_store %arg10[%swap3A_199], %broadcast_in_dim3A_5 {strides = array<i32>} : memref<1600xf32, #tpu.memory_space<vmem>>, vector<16xf32>,
    %swap3A_201 = arith.constant 1568 : index
    %swap3A_202 = tpu.vector_load %arg10[%swap3A_201] {strides = array<i32>} : memref<1600xf32, #tpu.memory_space<vmem>>, vector<16xf32>,
    tpu.vector_store %arg10[%swap3A_201], %broadcast_in_dim3A_5 {strides = array<i32>} : memref<1600xf32, #tpu.memory_space<vmem>>, vector<16xf32>,
    %swap3A_203 = arith.constant 1584 : index
    %swap3A_204 = tpu.vector_load %arg10[%swap3A_203] {strides = array<i32>} : memref<1600xf32, #tpu.memory_space<vmem>>, vector<16xf32>,
    tpu.vector_store %arg10[%swap3A_203], %broadcast_in_dim3A_5 {strides = array<i32>} : memref<1600xf32, #tpu.memory_space<vmem>>, vector<16xf32>,
    %barrier3A = arith.constant 0 : index
    tpu.barrier barrier_id(%barrier3A)
    %iota3A = tpu.iota {dimensions = array<i32: 0>} : vector<16xi32>
    %broadcast_in_dim3A_205 = arith.constant 1.000000e+00 : f32
    %broadcast_in_dim3A_206 = vector.broadcast %broadcast_in_dim3A_205 : f32 to vector<16xf32>
    %broadcast_in_dim3A_207 = arith.constant 0.000000e+00 : f32
    %broadcast_in_dim3A_208 = vector.broadcast %broadcast_in_dim3A_207 : f32 to vector<16xf32>
    %broadcast_in_dim3A_209 = arith.constant 0.000000e+00 : f32
    %broadcast_in_dim3A_210 = vector.broadcast %broadcast_in_dim3A_209 : f32 to vector<16xf32>
    %broadcast_in_dim3A_211 = arith.constant 0.000000e+00 : f32
    %broadcast_in_dim3A_212 = vector.broadcast %broadcast_in_dim3A_211 : f32 to vector<16xf32>
    %broadcast_in_dim3A_213 = arith.constant 0.000000e+00 : f32
    %broadcast_in_dim3A_214 = vector.broadcast %broadcast_in_dim3A_213 : f32 to vector<16xf32>
    %broadcast_in_dim3A_215 = arith.constant 0.000000e+00 : f32
    %broadcast_in_dim3A_216 = vector.broadcast %broadcast_in_dim3A_215 : f32 to vector<16xf32>
    %broadcast_in_dim3A_217 = arith.constant 0.000000e+00 : f32
    %broadcast_in_dim3A_218 = vector.broadcast %broadcast_in_dim3A_217 : f32 to vector<16xf32>
    %broadcast_in_dim3A_219 = arith.constant 0.000000e+00 : f32
    %broadcast_in_dim3A_220 = vector.broadcast %broadcast_in_dim3A_219 : f32 to vector<16xf32>
    %broadcast_in_dim3A_221 = arith.constant 0.000000e+00 : f32
    %broadcast_in_dim3A_222 = vector.broadcast %broadcast_in_dim3A_221 : f32 to vector<16xf32>
    %add3A_223 = arith.constant 0 : i32
    %add3A_224 = arith.addi %mul3A_2, %add3A_223 : i32
    %dma_start3A = tpu.memref_slice %arg2[%add3A_224] : memref<8388608xi32, #tpu.memory_space<hbm>> -> memref<32768xi32, #tpu.memory_space<hbm>>
    %dma_start3A_225 = tpu.memref_slice %arg2[%add3A_224] : memref<8388608xi32, #tpu.memory_space<hbm>> -> memref<32768xi32, #tpu.memory_space<hbm>>
    tpu.enqueue_dma source(%dma_start3A_225 : memref<32768xi32, #tpu.memory_space<hbm>>) target(%arg6 : memref<32768xi32, #tpu.memory_space<vmem>>) target_semaphore(%arg14 : memref<!tpu.dma_semaphore, #tpu.memory_space<semaphore_mem>>)
    %add3A_226 = arith.constant 32768 : i32
    %add3A_227 = arith.addi %mul3A_2, %add3A_226 : i32
    %dma_start3A_228 = tpu.memref_slice %arg2[%add3A_227] : memref<8388608xi32, #tpu.memory_space<hbm>> -> memref<32768xi32, #tpu.memory_space<hbm>>
    %dma_start3A_229 = tpu.memref_slice %arg2[%add3A_227] : memref<8388608xi32, #tpu.memory_space<hbm>> -> memref<32768xi32, #tpu.memory_space<hbm>>
    tpu.enqueue_dma source(%dma_start3A_229 : memref<32768xi32, #tpu.memory_space<hbm>>) target(%arg7 : memref<32768xi32, #tpu.memory_space<vmem>>) target_semaphore(%arg15 : memref<!tpu.dma_semaphore, #tpu.memory_space<semaphore_mem>>)
    %dma_wait3A = tpu.memref_slice %arg2[%add3A_224] : memref<8388608xi32, #tpu.memory_space<hbm>> -> memref<32768xi32, #tpu.memory_space<hbm>>
    %dma_wait3A_230 = tpu.memref_slice %arg2[%add3A_224] : memref<8388608xi32, #tpu.memory_space<hbm>> -> memref<32768xi32, #tpu.memory_space<hbm>>
    tpu.wait_dma2 semaphore(%arg14 : memref<!tpu.dma_semaphore, #tpu.memory_space<semaphore_mem>>) src(%dma_wait3A_230 : memref<32768xi32, #tpu.memory_space<hbm>>) dst(%arg6 : memref<32768xi32, #tpu.memory_space<vmem>>)
    %dma_start3A_231 = arith.constant 29696 : i32
    %dma_start3A_232 = tpu.memref_slice %arg6[%dma_start3A_231] : memref<32768xi32, #tpu.memory_space<vmem>> -> memref<3072xi32, #tpu.memory_space<vmem>>
    %dma_start3A_233 = arith.constant 0 : i32
    %dma_start3A_234 = tpu.memref_slice %arg12[%dma_start3A_233] : memref<112xf32, #tpu.memory_space<vmem_shared>> -> memref<112xf32, #tpu.memory_space<vmem_shared>>
    tpu.enqueue_indirect_dma source(%dma_start3A_234 : memref<112xf32, #tpu.memory_space<vmem_shared>>) target(%arg8 : memref<3072xf32, #tpu.memory_space<vmem>>) offsets(%dma_start3A_232 : memref<3072xi32, #tpu.memory_space<vmem>>) semaphore(%arg16 : memref<!tpu.dma_semaphore, #tpu.memory_space<semaphore_mem>>)
    %scan3A = arith.constant 0 : i32
    %scan3A_235 = arith.constant 0 : i32
    %scan3A_236 = arith.constant 116 : i32
    %scan3A_237 = arith.addi %scan3A_235, %scan3A_236 : i32
    %scan3A_238 = arith.constant 1 : i32
    scf.for %scan3A_1036 = %scan3A_235 to %scan3A_237 step %scan3A_238  : i32 {
      %mul3A_1037 = arith.constant 256 : i32
      %mul3A_1038 = arith.muli %scan3A_1036, %mul3A_1037 : i32
      %add3A_1039 = arith.constant 0 : i32
      %add3A_1040 = arith.addi %mul3A_1038, %add3A_1039 : i32
      %get3A_1041 = arith.index_cast %add3A_1040 : i32 to index
      %get3A_1042 = tpu.vector_load %arg6[%get3A_1041] {strides = array<i32>} : memref<32768xi32, #tpu.memory_space<vmem>>, vector<16xi32>,
      %add3A_1043 = arith.constant 16 : i32
      %add3A_1044 = arith.addi %mul3A_1038, %add3A_1043 : i32
      %get3A_1045 = arith.index_cast %add3A_1044 : i32 to index
      %get3A_1046 = tpu.vector_load %arg6[%get3A_1045] {strides = array<i32>} : memref<32768xi32, #tpu.memory_space<vmem>>, vector<16xi32>,
      %add3A_1047 = arith.constant 32 : i32
      %add3A_1048 = arith.addi %mul3A_1038, %add3A_1047 : i32
      %get3A_1049 = arith.index_cast %add3A_1048 : i32 to index
      %get3A_1050 = tpu.vector_load %arg6[%get3A_1049] {strides = array<i32>} : memref<32768xi32, #tpu.memory_space<vmem>>, vector<16xi32>,
      %add3A_1051 = arith.constant 48 : i32
      %add3A_1052 = arith.addi %mul3A_1038, %add3A_1051 : i32
      %get3A_1053 = arith.index_cast %add3A_1052 : i32 to index
      %get3A_1054 = tpu.vector_load %arg6[%get3A_1053] {strides = array<i32>} : memref<32768xi32, #tpu.memory_space<vmem>>, vector<16xi32>,
      %add3A_1055 = arith.constant 64 : i32
      %add3A_1056 = arith.addi %mul3A_1038, %add3A_1055 : i32
      %get3A_1057 = arith.index_cast %add3A_1056 : i32 to index
      %get3A_1058 = tpu.vector_load %arg6[%get3A_1057] {strides = array<i32>} : memref<32768xi32, #tpu.memory_space<vmem>>, vector<16xi32>,
      %add3A_1059 = arith.constant 80 : i32
      %add3A_1060 = arith.addi %mul3A_1038, %add3A_1059 : i32
      %get3A_1061 = arith.index_cast %add3A_1060 : i32 to index
      %get3A_1062 = tpu.vector_load %arg6[%get3A_1061] {strides = array<i32>} : memref<32768xi32, #tpu.memory_space<vmem>>, vector<16xi32>,
      %add3A_1063 = arith.constant 96 : i32
      %add3A_1064 = arith.addi %mul3A_1038, %add3A_1063 : i32
      %get3A_1065 = arith.index_cast %add3A_1064 : i32 to index
      %get3A_1066 = tpu.vector_load %arg6[%get3A_1065] {strides = array<i32>} : memref<32768xi32, #tpu.memory_space<vmem>>, vector<16xi32>,
      %add3A_1067 = arith.constant 112 : i32
      %add3A_1068 = arith.addi %mul3A_1038, %add3A_1067 : i32
      %get3A_1069 = arith.index_cast %add3A_1068 : i32 to index
      %get3A_1070 = tpu.vector_load %arg6[%get3A_1069] {strides = array<i32>} : memref<32768xi32, #tpu.memory_space<vmem>>, vector<16xi32>,
      %add3A_1071 = arith.constant 128 : i32
      %add3A_1072 = arith.addi %mul3A_1038, %add3A_1071 : i32
      %get3A_1073 = arith.index_cast %add3A_1072 : i32 to index
      %get3A_1074 = tpu.vector_load %arg6[%get3A_1073] {strides = array<i32>} : memref<32768xi32, #tpu.memory_space<vmem>>, vector<16xi32>,
      %add3A_1075 = arith.constant 144 : i32
      %add3A_1076 = arith.addi %mul3A_1038, %add3A_1075 : i32
      %get3A_1077 = arith.index_cast %add3A_1076 : i32 to index
      %get3A_1078 = tpu.vector_load %arg6[%get3A_1077] {strides = array<i32>} : memref<32768xi32, #tpu.memory_space<vmem>>, vector<16xi32>,
      %add3A_1079 = arith.constant 160 : i32
      %add3A_1080 = arith.addi %mul3A_1038, %add3A_1079 : i32
      %get3A_1081 = arith.index_cast %add3A_1080 : i32 to index
      %get3A_1082 = tpu.vector_load %arg6[%get3A_1081] {strides = array<i32>} : memref<32768xi32, #tpu.memory_space<vmem>>, vector<16xi32>,
      %add3A_1083 = arith.constant 176 : i32
      %add3A_1084 = arith.addi %mul3A_1038, %add3A_1083 : i32
      %get3A_1085 = arith.index_cast %add3A_1084 : i32 to index
      %get3A_1086 = tpu.vector_load %arg6[%get3A_1085] {strides = array<i32>} : memref<32768xi32, #tpu.memory_space<vmem>>, vector<16xi32>,
      %add3A_1087 = arith.constant 192 : i32
      %add3A_1088 = arith.addi %mul3A_1038, %add3A_1087 : i32
      %get3A_1089 = arith.index_cast %add3A_1088 : i32 to index
      %get3A_1090 = tpu.vector_load %arg6[%get3A_1089] {strides = array<i32>} : memref<32768xi32, #tpu.memory_space<vmem>>, vector<16xi32>,
      %add3A_1091 = arith.constant 208 : i32
      %add3A_1092 = arith.addi %mul3A_1038, %add3A_1091 : i32
      %get3A_1093 = arith.index_cast %add3A_1092 : i32 to index
      %get3A_1094 = tpu.vector_load %arg6[%get3A_1093] {strides = array<i32>} : memref<32768xi32, #tpu.memory_space<vmem>>, vector<16xi32>,
      %add3A_1095 = arith.constant 224 : i32
      %add3A_1096 = arith.addi %mul3A_1038, %add3A_1095 : i32
      %get3A_1097 = arith.index_cast %add3A_1096 : i32 to index
      %get3A_1098 = tpu.vector_load %arg6[%get3A_1097] {strides = array<i32>} : memref<32768xi32, #tpu.memory_space<vmem>>, vector<16xi32>,
      %add3A_1099 = arith.constant 240 : i32
      %add3A_1100 = arith.addi %mul3A_1038, %add3A_1099 : i32
      %get3A_1101 = arith.index_cast %add3A_1100 : i32 to index
      %get3A_1102 = tpu.vector_load %arg6[%get3A_1101] {strides = array<i32>} : memref<32768xi32, #tpu.memory_space<vmem>>, vector<16xi32>,
      %mul3A_1103 = arith.constant 16 : i32
      %mul3A_1104 = vector.broadcast %mul3A_1103 : i32 to vector<16xi32>
      %mul3A_1105 = arith.muli %get3A_1042, %mul3A_1104 : vector<16xi32>
      %add3A_1106 = arith.addi %mul3A_1105, %iota3A : vector<16xi32>
      %mul3A_1107 = arith.constant 16 : i32
      %mul3A_1108 = vector.broadcast %mul3A_1107 : i32 to vector<16xi32>
      %mul3A_1109 = arith.muli %get3A_1046, %mul3A_1108 : vector<16xi32>
      %add3A_1110 = arith.addi %mul3A_1109, %iota3A : vector<16xi32>
      %mul3A_1111 = arith.constant 16 : i32
      %mul3A_1112 = vector.broadcast %mul3A_1111 : i32 to vector<16xi32>
      %mul3A_1113 = arith.muli %get3A_1050, %mul3A_1112 : vector<16xi32>
      %add3A_1114 = arith.addi %mul3A_1113, %iota3A : vector<16xi32>
      %mul3A_1115 = arith.constant 16 : i32
      %mul3A_1116 = vector.broadcast %mul3A_1115 : i32 to vector<16xi32>
      %mul3A_1117 = arith.muli %get3A_1054, %mul3A_1116 : vector<16xi32>
      %add3A_1118 = arith.addi %mul3A_1117, %iota3A : vector<16xi32>
      %mul3A_1119 = arith.constant 16 : i32
      %mul3A_1120 = vector.broadcast %mul3A_1119 : i32 to vector<16xi32>
      %mul3A_1121 = arith.muli %get3A_1058, %mul3A_1120 : vector<16xi32>
      %add3A_1122 = arith.addi %mul3A_1121, %iota3A : vector<16xi32>
      %mul3A_1123 = arith.constant 16 : i32
      %mul3A_1124 = vector.broadcast %mul3A_1123 : i32 to vector<16xi32>
      %mul3A_1125 = arith.muli %get3A_1062, %mul3A_1124 : vector<16xi32>
      %add3A_1126 = arith.addi %mul3A_1125, %iota3A : vector<16xi32>
      %mul3A_1127 = arith.constant 16 : i32
      %mul3A_1128 = vector.broadcast %mul3A_1127 : i32 to vector<16xi32>
      %mul3A_1129 = arith.muli %get3A_1066, %mul3A_1128 : vector<16xi32>
      %add3A_1130 = arith.addi %mul3A_1129, %iota3A : vector<16xi32>
      %mul3A_1131 = arith.constant 16 : i32
      %mul3A_1132 = vector.broadcast %mul3A_1131 : i32 to vector<16xi32>
      %mul3A_1133 = arith.muli %get3A_1070, %mul3A_1132 : vector<16xi32>
      %add3A_1134 = arith.addi %mul3A_1133, %iota3A : vector<16xi32>
      %mul3A_1135 = arith.constant 16 : i32
      %mul3A_1136 = vector.broadcast %mul3A_1135 : i32 to vector<16xi32>
      %mul3A_1137 = arith.muli %get3A_1074, %mul3A_1136 : vector<16xi32>
      %add3A_1138 = arith.addi %mul3A_1137, %iota3A : vector<16xi32>
      %mul3A_1139 = arith.constant 16 : i32
      %mul3A_1140 = vector.broadcast %mul3A_1139 : i32 to vector<16xi32>
      %mul3A_1141 = arith.muli %get3A_1078, %mul3A_1140 : vector<16xi32>
      %add3A_1142 = arith.addi %mul3A_1141, %iota3A : vector<16xi32>
      %mul3A_1143 = arith.constant 16 : i32
      %mul3A_1144 = vector.broadcast %mul3A_1143 : i32 to vector<16xi32>
      %mul3A_1145 = arith.muli %get3A_1082, %mul3A_1144 : vector<16xi32>
      %add3A_1146 = arith.addi %mul3A_1145, %iota3A : vector<16xi32>
      %mul3A_1147 = arith.constant 16 : i32
      %mul3A_1148 = vector.broadcast %mul3A_1147 : i32 to vector<16xi32>
      %mul3A_1149 = arith.muli %get3A_1086, %mul3A_1148 : vector<16xi32>
      %add3A_1150 = arith.addi %mul3A_1149, %iota3A : vector<16xi32>
      %mul3A_1151 = arith.constant 16 : i32
      %mul3A_1152 = vector.broadcast %mul3A_1151 : i32 to vector<16xi32>
      %mul3A_1153 = arith.muli %get3A_1090, %mul3A_1152 : vector<16xi32>
      %add3A_1154 = arith.addi %mul3A_1153, %iota3A : vector<16xi32>
      %mul3A_1155 = arith.constant 16 : i32
      %mul3A_1156 = vector.broadcast %mul3A_1155 : i32 to vector<16xi32>
      %mul3A_1157 = arith.muli %get3A_1094, %mul3A_1156 : vector<16xi32>
      %add3A_1158 = arith.addi %mul3A_1157, %iota3A : vector<16xi32>
      %mul3A_1159 = arith.constant 16 : i32
      %mul3A_1160 = vector.broadcast %mul3A_1159 : i32 to vector<16xi32>
      %mul3A_1161 = arith.muli %get3A_1098, %mul3A_1160 : vector<16xi32>
      %add3A_1162 = arith.addi %mul3A_1161, %iota3A : vector<16xi32>
      %mul3A_1163 = arith.constant 16 : i32
      %mul3A_1164 = vector.broadcast %mul3A_1163 : i32 to vector<16xi32>
      %mul3A_1165 = arith.muli %get3A_1102, %mul3A_1164 : vector<16xi32>
      %add3A_1166 = arith.addi %mul3A_1165, %iota3A : vector<16xi32>
      tpu.vector_store_idx %arg10[%add3A_1106], %broadcast_in_dim3A_206 {add = true} : memref<1600xf32, #tpu.memory_space<vmem>>[vector<16xi32>], vector<16xf32>,
      tpu.vector_store_idx %arg10[%add3A_1110], %broadcast_in_dim3A_206 {add = true} : memref<1600xf32, #tpu.memory_space<vmem>>[vector<16xi32>], vector<16xf32>,
      tpu.vector_store_idx %arg10[%add3A_1114], %broadcast_in_dim3A_206 {add = true} : memref<1600xf32, #tpu.memory_space<vmem>>[vector<16xi32>], vector<16xf32>,
      tpu.vector_store_idx %arg10[%add3A_1118], %broadcast_in_dim3A_206 {add = true} : memref<1600xf32, #tpu.memory_space<vmem>>[vector<16xi32>], vector<16xf32>,
      tpu.vector_store_idx %arg10[%add3A_1122], %broadcast_in_dim3A_206 {add = true} : memref<1600xf32, #tpu.memory_space<vmem>>[vector<16xi32>], vector<16xf32>,
      tpu.vector_store_idx %arg10[%add3A_1126], %broadcast_in_dim3A_206 {add = true} : memref<1600xf32, #tpu.memory_space<vmem>>[vector<16xi32>], vector<16xf32>,
      tpu.vector_store_idx %arg10[%add3A_1130], %broadcast_in_dim3A_206 {add = true} : memref<1600xf32, #tpu.memory_space<vmem>>[vector<16xi32>], vector<16xf32>,
      tpu.vector_store_idx %arg10[%add3A_1134], %broadcast_in_dim3A_206 {add = true} : memref<1600xf32, #tpu.memory_space<vmem>>[vector<16xi32>], vector<16xf32>,
      tpu.vector_store_idx %arg10[%add3A_1138], %broadcast_in_dim3A_206 {add = true} : memref<1600xf32, #tpu.memory_space<vmem>>[vector<16xi32>], vector<16xf32>,
      tpu.vector_store_idx %arg10[%add3A_1142], %broadcast_in_dim3A_206 {add = true} : memref<1600xf32, #tpu.memory_space<vmem>>[vector<16xi32>], vector<16xf32>,
      tpu.vector_store_idx %arg10[%add3A_1146], %broadcast_in_dim3A_206 {add = true} : memref<1600xf32, #tpu.memory_space<vmem>>[vector<16xi32>], vector<16xf32>,
      tpu.vector_store_idx %arg10[%add3A_1150], %broadcast_in_dim3A_206 {add = true} : memref<1600xf32, #tpu.memory_space<vmem>>[vector<16xi32>], vector<16xf32>,
      tpu.vector_store_idx %arg10[%add3A_1154], %broadcast_in_dim3A_206 {add = true} : memref<1600xf32, #tpu.memory_space<vmem>>[vector<16xi32>], vector<16xf32>,
      tpu.vector_store_idx %arg10[%add3A_1158], %broadcast_in_dim3A_206 {add = true} : memref<1600xf32, #tpu.memory_space<vmem>>[vector<16xi32>], vector<16xf32>,
      tpu.vector_store_idx %arg10[%add3A_1162], %broadcast_in_dim3A_206 {add = true} : memref<1600xf32, #tpu.memory_space<vmem>>[vector<16xi32>], vector<16xf32>,
      tpu.vector_store_idx %arg10[%add3A_1166], %broadcast_in_dim3A_206 {add = true} : memref<1600xf32, #tpu.memory_space<vmem>>[vector<16xi32>], vector<16xf32>,
    }
    %scan3A_239 = arith.constant 116 : i32
    %dma_wait3A_240 = arith.constant 29696 : i32
    %dma_wait3A_241 = tpu.memref_slice %arg6[%dma_wait3A_240] : memref<32768xi32, #tpu.memory_space<vmem>> -> memref<3072xi32, #tpu.memory_space<vmem>>
    %dma_wait3A_242 = arith.constant 0 : i32
    %dma_wait3A_243 = tpu.memref_slice %arg12[%dma_wait3A_242] : memref<112xf32, #tpu.memory_space<vmem_shared>> -> memref<112xf32, #tpu.memory_space<vmem_shared>>
    tpu.wait_indirect_dma semaphore(%arg16 : memref<!tpu.dma_semaphore, #tpu.memory_space<semaphore_mem>>) src(%dma_wait3A_243 : memref<112xf32, #tpu.memory_space<vmem_shared>>) dst(%arg8 : memref<3072xf32, #tpu.memory_space<vmem>>)
    %scan3A_244 = arith.constant 0 : i32
    %scan3A_245 = arith.constant 24 : i32
    %scan3A_246 = arith.addi %scan3A_244, %scan3A_245 : i32
    %scan3A_247 = arith.constant 1 : i32
    %scan3A_248:8 = scf.for %scan3A_1036 = %scan3A_244 to %scan3A_246 step %scan3A_247 iter_args(%scan3A_1037 = %broadcast_in_dim3A_208, %scan3A_1038 = %broadcast_in_dim3A_210, %scan3A_1039 = %broadcast_in_dim3A_212, %scan3A_1040 = %broadcast_in_dim3A_214, %scan3A_1041 = %broadcast_in_dim3A_216, %scan3A_1042 = %broadcast_in_dim3A_218, %scan3A_1043 = %broadcast_in_dim3A_220, %scan3A_1044 = %broadcast_in_dim3A_222) -> (vector<16xf32>, vector<16xf32>, vector<16xf32>, vector<16xf32>, vector<16xf32>, vector<16xf32>, vector<16xf32>, vector<16xf32>)  : i32 {
      %mul3A_1045 = arith.constant 8 : i32
      %mul3A_1046 = arith.muli %scan3A_1036, %mul3A_1045 : i32
      %add3A_1047 = arith.constant 0 : i32
      %add3A_1048 = arith.addi %mul3A_1046, %add3A_1047 : i32
      %mul3A_1049 = arith.constant 16 : i32
      %mul3A_1050 = arith.muli %add3A_1048, %mul3A_1049 : i32
      %get3A_1051 = arith.index_cast %mul3A_1050 : i32 to index
      %get3A_1052 = tpu.vector_load %arg8[%get3A_1051] {strides = array<i32>} : memref<3072xf32, #tpu.memory_space<vmem>>, vector<16xf32>,
      %mul3A_1053 = arith.constant 8 : i32
      %mul3A_1054 = arith.muli %scan3A_1036, %mul3A_1053 : i32
      %add3A_1055 = arith.constant 1 : i32
      %add3A_1056 = arith.addi %mul3A_1054, %add3A_1055 : i32
      %mul3A_1057 = arith.constant 16 : i32
      %mul3A_1058 = arith.muli %add3A_1056, %mul3A_1057 : i32
      %get3A_1059 = arith.index_cast %mul3A_1058 : i32 to index
      %get3A_1060 = tpu.vector_load %arg8[%get3A_1059] {strides = array<i32>} : memref<3072xf32, #tpu.memory_space<vmem>>, vector<16xf32>,
      %mul3A_1061 = arith.constant 8 : i32
      %mul3A_1062 = arith.muli %scan3A_1036, %mul3A_1061 : i32
      %add3A_1063 = arith.constant 2 : i32
      %add3A_1064 = arith.addi %mul3A_1062, %add3A_1063 : i32
      %mul3A_1065 = arith.constant 16 : i32
      %mul3A_1066 = arith.muli %add3A_1064, %mul3A_1065 : i32
      %get3A_1067 = arith.index_cast %mul3A_1066 : i32 to index
      %get3A_1068 = tpu.vector_load %arg8[%get3A_1067] {strides = array<i32>} : memref<3072xf32, #tpu.memory_space<vmem>>, vector<16xf32>,
      %mul3A_1069 = arith.constant 8 : i32
      %mul3A_1070 = arith.muli %scan3A_1036, %mul3A_1069 : i32
      %add3A_1071 = arith.constant 3 : i32
      %add3A_1072 = arith.addi %mul3A_1070, %add3A_1071 : i32
      %mul3A_1073 = arith.constant 16 : i32
      %mul3A_1074 = arith.muli %add3A_1072, %mul3A_1073 : i32
      %get3A_1075 = arith.index_cast %mul3A_1074 : i32 to index
      %get3A_1076 = tpu.vector_load %arg8[%get3A_1075] {strides = array<i32>} : memref<3072xf32, #tpu.memory_space<vmem>>, vector<16xf32>,
      %mul3A_1077 = arith.constant 8 : i32
      %mul3A_1078 = arith.muli %scan3A_1036, %mul3A_1077 : i32
      %add3A_1079 = arith.constant 4 : i32
      %add3A_1080 = arith.addi %mul3A_1078, %add3A_1079 : i32
      %mul3A_1081 = arith.constant 16 : i32
      %mul3A_1082 = arith.muli %add3A_1080, %mul3A_1081 : i32
      %get3A_1083 = arith.index_cast %mul3A_1082 : i32 to index
      %get3A_1084 = tpu.vector_load %arg8[%get3A_1083] {strides = array<i32>} : memref<3072xf32, #tpu.memory_space<vmem>>, vector<16xf32>,
      %mul3A_1085 = arith.constant 8 : i32
      %mul3A_1086 = arith.muli %scan3A_1036, %mul3A_1085 : i32
      %add3A_1087 = arith.constant 5 : i32
      %add3A_1088 = arith.addi %mul3A_1086, %add3A_1087 : i32
      %mul3A_1089 = arith.constant 16 : i32
      %mul3A_1090 = arith.muli %add3A_1088, %mul3A_1089 : i32
      %get3A_1091 = arith.index_cast %mul3A_1090 : i32 to index
      %get3A_1092 = tpu.vector_load %arg8[%get3A_1091] {strides = array<i32>} : memref<3072xf32, #tpu.memory_space<vmem>>, vector<16xf32>,
      %mul3A_1093 = arith.constant 8 : i32
      %mul3A_1094 = arith.muli %scan3A_1036, %mul3A_1093 : i32
      %add3A_1095 = arith.constant 6 : i32
      %add3A_1096 = arith.addi %mul3A_1094, %add3A_1095 : i32
      %mul3A_1097 = arith.constant 16 : i32
      %mul3A_1098 = arith.muli %add3A_1096, %mul3A_1097 : i32
      %get3A_1099 = arith.index_cast %mul3A_1098 : i32 to index
      %get3A_1100 = tpu.vector_load %arg8[%get3A_1099] {strides = array<i32>} : memref<3072xf32, #tpu.memory_space<vmem>>, vector<16xf32>,
      %mul3A_1101 = arith.constant 8 : i32
      %mul3A_1102 = arith.muli %scan3A_1036, %mul3A_1101 : i32
      %add3A_1103 = arith.constant 7 : i32
      %add3A_1104 = arith.addi %mul3A_1102, %add3A_1103 : i32
      %mul3A_1105 = arith.constant 16 : i32
      %mul3A_1106 = arith.muli %add3A_1104, %mul3A_1105 : i32
      %get3A_1107 = arith.index_cast %mul3A_1106 : i32 to index
      %get3A_1108 = tpu.vector_load %arg8[%get3A_1107] {strides = array<i32>} : memref<3072xf32, #tpu.memory_space<vmem>>, vector<16xf32>,
      %add3A_1109 = arith.addf %scan3A_1037, %get3A_1052 : vector<16xf32>
      %add3A_1110 = arith.addf %scan3A_1038, %get3A_1060 : vector<16xf32>
      %add3A_1111 = arith.addf %scan3A_1039, %get3A_1068 : vector<16xf32>
      %add3A_1112 = arith.addf %scan3A_1040, %get3A_1076 : vector<16xf32>
      %add3A_1113 = arith.addf %scan3A_1041, %get3A_1084 : vector<16xf32>
      %add3A_1114 = arith.addf %scan3A_1042, %get3A_1092 : vector<16xf32>
      %add3A_1115 = arith.addf %scan3A_1043, %get3A_1100 : vector<16xf32>
      %add3A_1116 = arith.addf %scan3A_1044, %get3A_1108 : vector<16xf32>
      scf.yield %add3A_1109, %add3A_1110, %add3A_1111, %add3A_1112, %add3A_1113, %add3A_1114, %add3A_1115, %add3A_1116 : vector<16xf32>, vector<16xf32>, vector<16xf32>, vector<16xf32>, vector<16xf32>, vector<16xf32>, vector<16xf32>, vector<16xf32>
    }
    %scan3A_249 = arith.constant 24 : i32
    %add3A_250 = arith.constant 65536 : i32
    %add3A_251 = arith.addi %mul3A_2, %add3A_250 : i32
    %dma_start3A_252 = tpu.memref_slice %arg2[%add3A_251] : memref<8388608xi32, #tpu.memory_space<hbm>> -> memref<32768xi32, #tpu.memory_space<hbm>>
    %dma_start3A_253 = tpu.memref_slice %arg2[%add3A_251] : memref<8388608xi32, #tpu.memory_space<hbm>> -> memref<32768xi32, #tpu.memory_space<hbm>>
    tpu.enqueue_dma source(%dma_start3A_253 : memref<32768xi32, #tpu.memory_space<hbm>>) target(%arg6 : memref<32768xi32, #tpu.memory_space<vmem>>) target_semaphore(%arg14 : memref<!tpu.dma_semaphore, #tpu.memory_space<semaphore_mem>>)
    %dma_wait3A_254 = tpu.memref_slice %arg2[%add3A_227] : memref<8388608xi32, #tpu.memory_space<hbm>> -> memref<32768xi32, #tpu.memory_space<hbm>>
    %dma_wait3A_255 = tpu.memref_slice %arg2[%add3A_227] : memref<8388608xi32, #tpu.memory_space<hbm>> -> memref<32768xi32, #tpu.memory_space<hbm>>
    tpu.wait_dma2 semaphore(%arg15 : memref<!tpu.dma_semaphore, #tpu.memory_space<semaphore_mem>>) src(%dma_wait3A_255 : memref<32768xi32, #tpu.memory_space<hbm>>) dst(%arg7 : memref<32768xi32, #tpu.memory_space<vmem>>)
    %dma_start3A_256 = arith.constant 29696 : i32
    %dma_start3A_257 = tpu.memref_slice %arg7[%dma_start3A_256] : memref<32768xi32, #tpu.memory_space<vmem>> -> memref<3072xi32, #tpu.memory_space<vmem>>
    %dma_start3A_258 = arith.constant 0 : i32
    %dma_start3A_259 = tpu.memref_slice %arg12[%dma_start3A_258] : memref<112xf32, #tpu.memory_space<vmem_shared>> -> memref<112xf32, #tpu.memory_space<vmem_shared>>
    tpu.enqueue_indirect_dma source(%dma_start3A_259 : memref<112xf32, #tpu.memory_space<vmem_shared>>) target(%arg9 : memref<3072xf32, #tpu.memory_space<vmem>>) offsets(%dma_start3A_257 : memref<3072xi32, #tpu.memory_space<vmem>>) semaphore(%arg17 : memref<!tpu.dma_semaphore, #tpu.memory_space<semaphore_mem>>)
    %scan3A_260 = arith.constant 0 : i32
    %scan3A_261 = arith.constant 0 : i32
    %scan3A_262 = arith.constant 116 : i32
    %scan3A_263 = arith.addi %scan3A_261, %scan3A_262 : i32
    %scan3A_264 = arith.constant 1 : i32
    scf.for %scan3A_1036 = %scan3A_261 to %scan3A_263 step %scan3A_264  : i32 {
      %mul3A_1037 = arith.constant 256 : i32
      %mul3A_1038 = arith.muli %scan3A_1036, %mul3A_1037 : i32
      %add3A_1039 = arith.constant 0 : i32
      %add3A_1040 = arith.addi %mul3A_1038, %add3A_1039 : i32
      %get3A_1041 = arith.index_cast %add3A_1040 : i32 to index
      %get3A_1042 = tpu.vector_load %arg7[%get3A_1041] {strides = array<i32>} : memref<32768xi32, #tpu.memory_space<vmem>>, vector<16xi32>,
      %add3A_1043 = arith.constant 16 : i32
      %add3A_1044 = arith.addi %mul3A_1038, %add3A_1043 : i32
      %get3A_1045 = arith.index_cast %add3A_1044 : i32 to index
      %get3A_1046 = tpu.vector_load %arg7[%get3A_1045] {strides = array<i32>} : memref<32768xi32, #tpu.memory_space<vmem>>, vector<16xi32>,
      %add3A_1047 = arith.constant 32 : i32
      %add3A_1048 = arith.addi %mul3A_1038, %add3A_1047 : i32
      %get3A_1049 = arith.index_cast %add3A_1048 : i32 to index
      %get3A_1050 = tpu.vector_load %arg7[%get3A_1049] {strides = array<i32>} : memref<32768xi32, #tpu.memory_space<vmem>>, vector<16xi32>,
      %add3A_1051 = arith.constant 48 : i32
      %add3A_1052 = arith.addi %mul3A_1038, %add3A_1051 : i32
      %get3A_1053 = arith.index_cast %add3A_1052 : i32 to index
      %get3A_1054 = tpu.vector_load %arg7[%get3A_1053] {strides = array<i32>} : memref<32768xi32, #tpu.memory_space<vmem>>, vector<16xi32>,
      %add3A_1055 = arith.constant 64 : i32
      %add3A_1056 = arith.addi %mul3A_1038, %add3A_1055 : i32
      %get3A_1057 = arith.index_cast %add3A_1056 : i32 to index
      %get3A_1058 = tpu.vector_load %arg7[%get3A_1057] {strides = array<i32>} : memref<32768xi32, #tpu.memory_space<vmem>>, vector<16xi32>,
      %add3A_1059 = arith.constant 80 : i32
      %add3A_1060 = arith.addi %mul3A_1038, %add3A_1059 : i32
      %get3A_1061 = arith.index_cast %add3A_1060 : i32 to index
      %get3A_1062 = tpu.vector_load %arg7[%get3A_1061] {strides = array<i32>} : memref<32768xi32, #tpu.memory_space<vmem>>, vector<16xi32>,
      %add3A_1063 = arith.constant 96 : i32
      %add3A_1064 = arith.addi %mul3A_1038, %add3A_1063 : i32
      %get3A_1065 = arith.index_cast %add3A_1064 : i32 to index
      %get3A_1066 = tpu.vector_load %arg7[%get3A_1065] {strides = array<i32>} : memref<32768xi32, #tpu.memory_space<vmem>>, vector<16xi32>,
      %add3A_1067 = arith.constant 112 : i32
      %add3A_1068 = arith.addi %mul3A_1038, %add3A_1067 : i32
      %get3A_1069 = arith.index_cast %add3A_1068 : i32 to index
      %get3A_1070 = tpu.vector_load %arg7[%get3A_1069] {strides = array<i32>} : memref<32768xi32, #tpu.memory_space<vmem>>, vector<16xi32>,
      %add3A_1071 = arith.constant 128 : i32
      %add3A_1072 = arith.addi %mul3A_1038, %add3A_1071 : i32
      %get3A_1073 = arith.index_cast %add3A_1072 : i32 to index
      %get3A_1074 = tpu.vector_load %arg7[%get3A_1073] {strides = array<i32>} : memref<32768xi32, #tpu.memory_space<vmem>>, vector<16xi32>,
      %add3A_1075 = arith.constant 144 : i32
      %add3A_1076 = arith.addi %mul3A_1038, %add3A_1075 : i32
      %get3A_1077 = arith.index_cast %add3A_1076 : i32 to index
      %get3A_1078 = tpu.vector_load %arg7[%get3A_1077] {strides = array<i32>} : memref<32768xi32, #tpu.memory_space<vmem>>, vector<16xi32>,
      %add3A_1079 = arith.constant 160 : i32
      %add3A_1080 = arith.addi %mul3A_1038, %add3A_1079 : i32
      %get3A_1081 = arith.index_cast %add3A_1080 : i32 to index
      %get3A_1082 = tpu.vector_load %arg7[%get3A_1081] {strides = array<i32>} : memref<32768xi32, #tpu.memory_space<vmem>>, vector<16xi32>,
      %add3A_1083 = arith.constant 176 : i32
      %add3A_1084 = arith.addi %mul3A_1038, %add3A_1083 : i32
      %get3A_1085 = arith.index_cast %add3A_1084 : i32 to index
      %get3A_1086 = tpu.vector_load %arg7[%get3A_1085] {strides = array<i32>} : memref<32768xi32, #tpu.memory_space<vmem>>, vector<16xi32>,
      %add3A_1087 = arith.constant 192 : i32
      %add3A_1088 = arith.addi %mul3A_1038, %add3A_1087 : i32
      %get3A_1089 = arith.index_cast %add3A_1088 : i32 to index
      %get3A_1090 = tpu.vector_load %arg7[%get3A_1089] {strides = array<i32>} : memref<32768xi32, #tpu.memory_space<vmem>>, vector<16xi32>,
      %add3A_1091 = arith.constant 208 : i32
      %add3A_1092 = arith.addi %mul3A_1038, %add3A_1091 : i32
      %get3A_1093 = arith.index_cast %add3A_1092 : i32 to index
      %get3A_1094 = tpu.vector_load %arg7[%get3A_1093] {strides = array<i32>} : memref<32768xi32, #tpu.memory_space<vmem>>, vector<16xi32>,
      %add3A_1095 = arith.constant 224 : i32
      %add3A_1096 = arith.addi %mul3A_1038, %add3A_1095 : i32
      %get3A_1097 = arith.index_cast %add3A_1096 : i32 to index
      %get3A_1098 = tpu.vector_load %arg7[%get3A_1097] {strides = array<i32>} : memref<32768xi32, #tpu.memory_space<vmem>>, vector<16xi32>,
      %add3A_1099 = arith.constant 240 : i32
      %add3A_1100 = arith.addi %mul3A_1038, %add3A_1099 : i32
      %get3A_1101 = arith.index_cast %add3A_1100 : i32 to index
      %get3A_1102 = tpu.vector_load %arg7[%get3A_1101] {strides = array<i32>} : memref<32768xi32, #tpu.memory_space<vmem>>, vector<16xi32>,
      %mul3A_1103 = arith.constant 16 : i32
      %mul3A_1104 = vector.broadcast %mul3A_1103 : i32 to vector<16xi32>
      %mul3A_1105 = arith.muli %get3A_1042, %mul3A_1104 : vector<16xi32>
      %add3A_1106 = arith.addi %mul3A_1105, %iota3A : vector<16xi32>
      %mul3A_1107 = arith.constant 16 : i32
      %mul3A_1108 = vector.broadcast %mul3A_1107 : i32 to vector<16xi32>
      %mul3A_1109 = arith.muli %get3A_1046, %mul3A_1108 : vector<16xi32>
      %add3A_1110 = arith.addi %mul3A_1109, %iota3A : vector<16xi32>
      %mul3A_1111 = arith.constant 16 : i32
      %mul3A_1112 = vector.broadcast %mul3A_1111 : i32 to vector<16xi32>
      %mul3A_1113 = arith.muli %get3A_1050, %mul3A_1112 : vector<16xi32>
      %add3A_1114 = arith.addi %mul3A_1113, %iota3A : vector<16xi32>
      %mul3A_1115 = arith.constant 16 : i32
      %mul3A_1116 = vector.broadcast %mul3A_1115 : i32 to vector<16xi32>
      %mul3A_1117 = arith.muli %get3A_1054, %mul3A_1116 : vector<16xi32>
      %add3A_1118 = arith.addi %mul3A_1117, %iota3A : vector<16xi32>
      %mul3A_1119 = arith.constant 16 : i32
      %mul3A_1120 = vector.broadcast %mul3A_1119 : i32 to vector<16xi32>
      %mul3A_1121 = arith.muli %get3A_1058, %mul3A_1120 : vector<16xi32>
      %add3A_1122 = arith.addi %mul3A_1121, %iota3A : vector<16xi32>
      %mul3A_1123 = arith.constant 16 : i32
      %mul3A_1124 = vector.broadcast %mul3A_1123 : i32 to vector<16xi32>
      %mul3A_1125 = arith.muli %get3A_1062, %mul3A_1124 : vector<16xi32>
      %add3A_1126 = arith.addi %mul3A_1125, %iota3A : vector<16xi32>
      %mul3A_1127 = arith.constant 16 : i32
      %mul3A_1128 = vector.broadcast %mul3A_1127 : i32 to vector<16xi32>
      %mul3A_1129 = arith.muli %get3A_1066, %mul3A_1128 : vector<16xi32>
      %add3A_1130 = arith.addi %mul3A_1129, %iota3A : vector<16xi32>
      %mul3A_1131 = arith.constant 16 : i32
      %mul3A_1132 = vector.broadcast %mul3A_1131 : i32 to vector<16xi32>
      %mul3A_1133 = arith.muli %get3A_1070, %mul3A_1132 : vector<16xi32>
      %add3A_1134 = arith.addi %mul3A_1133, %iota3A : vector<16xi32>
      %mul3A_1135 = arith.constant 16 : i32
      %mul3A_1136 = vector.broadcast %mul3A_1135 : i32 to vector<16xi32>
      %mul3A_1137 = arith.muli %get3A_1074, %mul3A_1136 : vector<16xi32>
      %add3A_1138 = arith.addi %mul3A_1137, %iota3A : vector<16xi32>
      %mul3A_1139 = arith.constant 16 : i32
      %mul3A_1140 = vector.broadcast %mul3A_1139 : i32 to vector<16xi32>
      %mul3A_1141 = arith.muli %get3A_1078, %mul3A_1140 : vector<16xi32>
      %add3A_1142 = arith.addi %mul3A_1141, %iota3A : vector<16xi32>
      %mul3A_1143 = arith.constant 16 : i32
      %mul3A_1144 = vector.broadcast %mul3A_1143 : i32 to vector<16xi32>
      %mul3A_1145 = arith.muli %get3A_1082, %mul3A_1144 : vector<16xi32>
      %add3A_1146 = arith.addi %mul3A_1145, %iota3A : vector<16xi32>
      %mul3A_1147 = arith.constant 16 : i32
      %mul3A_1148 = vector.broadcast %mul3A_1147 : i32 to vector<16xi32>
      %mul3A_1149 = arith.muli %get3A_1086, %mul3A_1148 : vector<16xi32>
      %add3A_1150 = arith.addi %mul3A_1149, %iota3A : vector<16xi32>
      %mul3A_1151 = arith.constant 16 : i32
      %mul3A_1152 = vector.broadcast %mul3A_1151 : i32 to vector<16xi32>
      %mul3A_1153 = arith.muli %get3A_1090, %mul3A_1152 : vector<16xi32>
      %add3A_1154 = arith.addi %mul3A_1153, %iota3A : vector<16xi32>
      %mul3A_1155 = arith.constant 16 : i32
      %mul3A_1156 = vector.broadcast %mul3A_1155 : i32 to vector<16xi32>
      %mul3A_1157 = arith.muli %get3A_1094, %mul3A_1156 : vector<16xi32>
      %add3A_1158 = arith.addi %mul3A_1157, %iota3A : vector<16xi32>
      %mul3A_1159 = arith.constant 16 : i32
      %mul3A_1160 = vector.broadcast %mul3A_1159 : i32 to vector<16xi32>
      %mul3A_1161 = arith.muli %get3A_1098, %mul3A_1160 : vector<16xi32>
      %add3A_1162 = arith.addi %mul3A_1161, %iota3A : vector<16xi32>
      %mul3A_1163 = arith.constant 16 : i32
      %mul3A_1164 = vector.broadcast %mul3A_1163 : i32 to vector<16xi32>
      %mul3A_1165 = arith.muli %get3A_1102, %mul3A_1164 : vector<16xi32>
      %add3A_1166 = arith.addi %mul3A_1165, %iota3A : vector<16xi32>
      tpu.vector_store_idx %arg10[%add3A_1106], %broadcast_in_dim3A_206 {add = true} : memref<1600xf32, #tpu.memory_space<vmem>>[vector<16xi32>], vector<16xf32>,
      tpu.vector_store_idx %arg10[%add3A_1110], %broadcast_in_dim3A_206 {add = true} : memref<1600xf32, #tpu.memory_space<vmem>>[vector<16xi32>], vector<16xf32>,
      tpu.vector_store_idx %arg10[%add3A_1114], %broadcast_in_dim3A_206 {add = true} : memref<1600xf32, #tpu.memory_space<vmem>>[vector<16xi32>], vector<16xf32>,
      tpu.vector_store_idx %arg10[%add3A_1118], %broadcast_in_dim3A_206 {add = true} : memref<1600xf32, #tpu.memory_space<vmem>>[vector<16xi32>], vector<16xf32>,
      tpu.vector_store_idx %arg10[%add3A_1122], %broadcast_in_dim3A_206 {add = true} : memref<1600xf32, #tpu.memory_space<vmem>>[vector<16xi32>], vector<16xf32>,
      tpu.vector_store_idx %arg10[%add3A_1126], %broadcast_in_dim3A_206 {add = true} : memref<1600xf32, #tpu.memory_space<vmem>>[vector<16xi32>], vector<16xf32>,
      tpu.vector_store_idx %arg10[%add3A_1130], %broadcast_in_dim3A_206 {add = true} : memref<1600xf32, #tpu.memory_space<vmem>>[vector<16xi32>], vector<16xf32>,
      tpu.vector_store_idx %arg10[%add3A_1134], %broadcast_in_dim3A_206 {add = true} : memref<1600xf32, #tpu.memory_space<vmem>>[vector<16xi32>], vector<16xf32>,
      tpu.vector_store_idx %arg10[%add3A_1138], %broadcast_in_dim3A_206 {add = true} : memref<1600xf32, #tpu.memory_space<vmem>>[vector<16xi32>], vector<16xf32>,
      tpu.vector_store_idx %arg10[%add3A_1142], %broadcast_in_dim3A_206 {add = true} : memref<1600xf32, #tpu.memory_space<vmem>>[vector<16xi32>], vector<16xf32>,
      tpu.vector_store_idx %arg10[%add3A_1146], %broadcast_in_dim3A_206 {add = true} : memref<1600xf32, #tpu.memory_space<vmem>>[vector<16xi32>], vector<16xf32>,
      tpu.vector_store_idx %arg10[%add3A_1150], %broadcast_in_dim3A_206 {add = true} : memref<1600xf32, #tpu.memory_space<vmem>>[vector<16xi32>], vector<16xf32>,
      tpu.vector_store_idx %arg10[%add3A_1154], %broadcast_in_dim3A_206 {add = true} : memref<1600xf32, #tpu.memory_space<vmem>>[vector<16xi32>], vector<16xf32>,
      tpu.vector_store_idx %arg10[%add3A_1158], %broadcast_in_dim3A_206 {add = true} : memref<1600xf32, #tpu.memory_space<vmem>>[vector<16xi32>], vector<16xf32>,
      tpu.vector_store_idx %arg10[%add3A_1162], %broadcast_in_dim3A_206 {add = true} : memref<1600xf32, #tpu.memory_space<vmem>>[vector<16xi32>], vector<16xf32>,
      tpu.vector_store_idx %arg10[%add3A_1166], %broadcast_in_dim3A_206 {add = true} : memref<1600xf32, #tpu.memory_space<vmem>>[vector<16xi32>], vector<16xf32>,
    }
    %scan3A_265 = arith.constant 116 : i32
    %dma_wait3A_266 = arith.constant 29696 : i32
    %dma_wait3A_267 = tpu.memref_slice %arg7[%dma_wait3A_266] : memref<32768xi32, #tpu.memory_space<vmem>> -> memref<3072xi32, #tpu.memory_space<vmem>>
    %dma_wait3A_268 = arith.constant 0 : i32
    %dma_wait3A_269 = tpu.memref_slice %arg12[%dma_wait3A_268] : memref<112xf32, #tpu.memory_space<vmem_shared>> -> memref<112xf32, #tpu.memory_space<vmem_shared>>
    tpu.wait_indirect_dma semaphore(%arg17 : memref<!tpu.dma_semaphore, #tpu.memory_space<semaphore_mem>>) src(%dma_wait3A_269 : memref<112xf32, #tpu.memory_space<vmem_shared>>) dst(%arg9 : memref<3072xf32, #tpu.memory_space<vmem>>)
    %scan3A_270 = arith.constant 0 : i32
    %scan3A_271 = arith.constant 24 : i32
    %scan3A_272 = arith.addi %scan3A_270, %scan3A_271 : i32
    %scan3A_273 = arith.constant 1 : i32
    %scan3A_274:8 = scf.for %scan3A_1036 = %scan3A_270 to %scan3A_272 step %scan3A_273 iter_args(%scan3A_1037 = %scan3A_248#0, %scan3A_1038 = %scan3A_248#1, %scan3A_1039 = %scan3A_248#2, %scan3A_1040 = %scan3A_248#3, %scan3A_1041 = %scan3A_248#4, %scan3A_1042 = %scan3A_248#5, %scan3A_1043 = %scan3A_248#6, %scan3A_1044 = %scan3A_248#7) -> (vector<16xf32>, vector<16xf32>, vector<16xf32>, vector<16xf32>, vector<16xf32>, vector<16xf32>, vector<16xf32>, vector<16xf32>)  : i32 {
      %mul3A_1045 = arith.constant 8 : i32
      %mul3A_1046 = arith.muli %scan3A_1036, %mul3A_1045 : i32
      %add3A_1047 = arith.constant 0 : i32
      %add3A_1048 = arith.addi %mul3A_1046, %add3A_1047 : i32
      %mul3A_1049 = arith.constant 16 : i32
      %mul3A_1050 = arith.muli %add3A_1048, %mul3A_1049 : i32
      %get3A_1051 = arith.index_cast %mul3A_1050 : i32 to index
      %get3A_1052 = tpu.vector_load %arg9[%get3A_1051] {strides = array<i32>} : memref<3072xf32, #tpu.memory_space<vmem>>, vector<16xf32>,
      %mul3A_1053 = arith.constant 8 : i32
      %mul3A_1054 = arith.muli %scan3A_1036, %mul3A_1053 : i32
      %add3A_1055 = arith.constant 1 : i32
      %add3A_1056 = arith.addi %mul3A_1054, %add3A_1055 : i32
      %mul3A_1057 = arith.constant 16 : i32
      %mul3A_1058 = arith.muli %add3A_1056, %mul3A_1057 : i32
      %get3A_1059 = arith.index_cast %mul3A_1058 : i32 to index
      %get3A_1060 = tpu.vector_load %arg9[%get3A_1059] {strides = array<i32>} : memref<3072xf32, #tpu.memory_space<vmem>>, vector<16xf32>,
      %mul3A_1061 = arith.constant 8 : i32
      %mul3A_1062 = arith.muli %scan3A_1036, %mul3A_1061 : i32
      %add3A_1063 = arith.constant 2 : i32
      %add3A_1064 = arith.addi %mul3A_1062, %add3A_1063 : i32
      %mul3A_1065 = arith.constant 16 : i32
      %mul3A_1066 = arith.muli %add3A_1064, %mul3A_1065 : i32
      %get3A_1067 = arith.index_cast %mul3A_1066 : i32 to index
      %get3A_1068 = tpu.vector_load %arg9[%get3A_1067] {strides = array<i32>} : memref<3072xf32, #tpu.memory_space<vmem>>, vector<16xf32>,
      %mul3A_1069 = arith.constant 8 : i32
      %mul3A_1070 = arith.muli %scan3A_1036, %mul3A_1069 : i32
      %add3A_1071 = arith.constant 3 : i32
      %add3A_1072 = arith.addi %mul3A_1070, %add3A_1071 : i32
      %mul3A_1073 = arith.constant 16 : i32
      %mul3A_1074 = arith.muli %add3A_1072, %mul3A_1073 : i32
      %get3A_1075 = arith.index_cast %mul3A_1074 : i32 to index
      %get3A_1076 = tpu.vector_load %arg9[%get3A_1075] {strides = array<i32>} : memref<3072xf32, #tpu.memory_space<vmem>>, vector<16xf32>,
      %mul3A_1077 = arith.constant 8 : i32
      %mul3A_1078 = arith.muli %scan3A_1036, %mul3A_1077 : i32
      %add3A_1079 = arith.constant 4 : i32
      %add3A_1080 = arith.addi %mul3A_1078, %add3A_1079 : i32
      %mul3A_1081 = arith.constant 16 : i32
      %mul3A_1082 = arith.muli %add3A_1080, %mul3A_1081 : i32
      %get3A_1083 = arith.index_cast %mul3A_1082 : i32 to index
      %get3A_1084 = tpu.vector_load %arg9[%get3A_1083] {strides = array<i32>} : memref<3072xf32, #tpu.memory_space<vmem>>, vector<16xf32>,
      %mul3A_1085 = arith.constant 8 : i32
      %mul3A_1086 = arith.muli %scan3A_1036, %mul3A_1085 : i32
      %add3A_1087 = arith.constant 5 : i32
      %add3A_1088 = arith.addi %mul3A_1086, %add3A_1087 : i32
      %mul3A_1089 = arith.constant 16 : i32
      %mul3A_1090 = arith.muli %add3A_1088, %mul3A_1089 : i32
      %get3A_1091 = arith.index_cast %mul3A_1090 : i32 to index
      %get3A_1092 = tpu.vector_load %arg9[%get3A_1091] {strides = array<i32>} : memref<3072xf32, #tpu.memory_space<vmem>>, vector<16xf32>,
      %mul3A_1093 = arith.constant 8 : i32
      %mul3A_1094 = arith.muli %scan3A_1036, %mul3A_1093 : i32
      %add3A_1095 = arith.constant 6 : i32
      %add3A_1096 = arith.addi %mul3A_1094, %add3A_1095 : i32
      %mul3A_1097 = arith.constant 16 : i32
      %mul3A_1098 = arith.muli %add3A_1096, %mul3A_1097 : i32
      %get3A_1099 = arith.index_cast %mul3A_1098 : i32 to index
      %get3A_1100 = tpu.vector_load %arg9[%get3A_1099] {strides = array<i32>} : memref<3072xf32, #tpu.memory_space<vmem>>, vector<16xf32>,
      %mul3A_1101 = arith.constant 8 : i32
      %mul3A_1102 = arith.muli %scan3A_1036, %mul3A_1101 : i32
      %add3A_1103 = arith.constant 7 : i32
      %add3A_1104 = arith.addi %mul3A_1102, %add3A_1103 : i32
      %mul3A_1105 = arith.constant 16 : i32
      %mul3A_1106 = arith.muli %add3A_1104, %mul3A_1105 : i32
      %get3A_1107 = arith.index_cast %mul3A_1106 : i32 to index
      %get3A_1108 = tpu.vector_load %arg9[%get3A_1107] {strides = array<i32>} : memref<3072xf32, #tpu.memory_space<vmem>>, vector<16xf32>,
      %add3A_1109 = arith.addf %scan3A_1037, %get3A_1052 : vector<16xf32>
      %add3A_1110 = arith.addf %scan3A_1038, %get3A_1060 : vector<16xf32>
      %add3A_1111 = arith.addf %scan3A_1039, %get3A_1068 : vector<16xf32>
      %add3A_1112 = arith.addf %scan3A_1040, %get3A_1076 : vector<16xf32>
      %add3A_1113 = arith.addf %scan3A_1041, %get3A_1084 : vector<16xf32>
      %add3A_1114 = arith.addf %scan3A_1042, %get3A_1092 : vector<16xf32>
      %add3A_1115 = arith.addf %scan3A_1043, %get3A_1100 : vector<16xf32>
      %add3A_1116 = arith.addf %scan3A_1044, %get3A_1108 : vector<16xf32>
      scf.yield %add3A_1109, %add3A_1110, %add3A_1111, %add3A_1112, %add3A_1113, %add3A_1114, %add3A_1115, %add3A_1116 : vector<16xf32>, vector<16xf32>, vector<16xf32>, vector<16xf32>, vector<16xf32>, vector<16xf32>, vector<16xf32>, vector<16xf32>
    }
    %scan3A_275 = arith.constant 24 : i32
    %add3A_276 = arith.constant 98304 : i32
    %add3A_277 = arith.addi %mul3A_2, %add3A_276 : i32
    %dma_start3A_278 = tpu.memref_slice %arg2[%add3A_277] : memref<8388608xi32, #tpu.memory_space<hbm>> -> memref<32768xi32, #tpu.memory_space<hbm>>
    %dma_start3A_279 = tpu.memref_slice %arg2[%add3A_277] : memref<8388608xi32, #tpu.memory_space<hbm>> -> memref<32768xi32, #tpu.memory_space<hbm>>
    tpu.enqueue_dma source(%dma_start3A_279 : memref<32768xi32, #tpu.memory_space<hbm>>) target(%arg7 : memref<32768xi32, #tpu.memory_space<vmem>>) target_semaphore(%arg15 : memref<!tpu.dma_semaphore, #tpu.memory_space<semaphore_mem>>)
    %dma_wait3A_280 = tpu.memref_slice %arg2[%add3A_251] : memref<8388608xi32, #tpu.memory_space<hbm>> -> memref<32768xi32, #tpu.memory_space<hbm>>
    %dma_wait3A_281 = tpu.memref_slice %arg2[%add3A_251] : memref<8388608xi32, #tpu.memory_space<hbm>> -> memref<32768xi32, #tpu.memory_space<hbm>>
    tpu.wait_dma2 semaphore(%arg14 : memref<!tpu.dma_semaphore, #tpu.memory_space<semaphore_mem>>) src(%dma_wait3A_281 : memref<32768xi32, #tpu.memory_space<hbm>>) dst(%arg6 : memref<32768xi32, #tpu.memory_space<vmem>>)
    %dma_start3A_282 = arith.constant 29696 : i32
    %dma_start3A_283 = tpu.memref_slice %arg6[%dma_start3A_282] : memref<32768xi32, #tpu.memory_space<vmem>> -> memref<3072xi32, #tpu.memory_space<vmem>>
    %dma_start3A_284 = arith.constant 0 : i32
    %dma_start3A_285 = tpu.memref_slice %arg12[%dma_start3A_284] : memref<112xf32, #tpu.memory_space<vmem_shared>> -> memref<112xf32, #tpu.memory_space<vmem_shared>>
    tpu.enqueue_indirect_dma source(%dma_start3A_285 : memref<112xf32, #tpu.memory_space<vmem_shared>>) target(%arg8 : memref<3072xf32, #tpu.memory_space<vmem>>) offsets(%dma_start3A_283 : memref<3072xi32, #tpu.memory_space<vmem>>) semaphore(%arg16 : memref<!tpu.dma_semaphore, #tpu.memory_space<semaphore_mem>>)
    %scan3A_286 = arith.constant 0 : i32
    %scan3A_287 = arith.constant 0 : i32
    %scan3A_288 = arith.constant 116 : i32
    %scan3A_289 = arith.addi %scan3A_287, %scan3A_288 : i32
    %scan3A_290 = arith.constant 1 : i32
    scf.for %scan3A_1036 = %scan3A_287 to %scan3A_289 step %scan3A_290  : i32 {
      %mul3A_1037 = arith.constant 256 : i32
      %mul3A_1038 = arith.muli %scan3A_1036, %mul3A_1037 : i32
      %add3A_1039 = arith.constant 0 : i32
      %add3A_1040 = arith.addi %mul3A_1038, %add3A_1039 : i32
      %get3A_1041 = arith.index_cast %add3A_1040 : i32 to index
      %get3A_1042 = tpu.vector_load %arg6[%get3A_1041] {strides = array<i32>} : memref<32768xi32, #tpu.memory_space<vmem>>, vector<16xi32>,
      %add3A_1043 = arith.constant 16 : i32
      %add3A_1044 = arith.addi %mul3A_1038, %add3A_1043 : i32
      %get3A_1045 = arith.index_cast %add3A_1044 : i32 to index
      %get3A_1046 = tpu.vector_load %arg6[%get3A_1045] {strides = array<i32>} : memref<32768xi32, #tpu.memory_space<vmem>>, vector<16xi32>,
      %add3A_1047 = arith.constant 32 : i32
      %add3A_1048 = arith.addi %mul3A_1038, %add3A_1047 : i32
      %get3A_1049 = arith.index_cast %add3A_1048 : i32 to index
      %get3A_1050 = tpu.vector_load %arg6[%get3A_1049] {strides = array<i32>} : memref<32768xi32, #tpu.memory_space<vmem>>, vector<16xi32>,
      %add3A_1051 = arith.constant 48 : i32
      %add3A_1052 = arith.addi %mul3A_1038, %add3A_1051 : i32
      %get3A_1053 = arith.index_cast %add3A_1052 : i32 to index
      %get3A_1054 = tpu.vector_load %arg6[%get3A_1053] {strides = array<i32>} : memref<32768xi32, #tpu.memory_space<vmem>>, vector<16xi32>,
      %add3A_1055 = arith.constant 64 : i32
      %add3A_1056 = arith.addi %mul3A_1038, %add3A_1055 : i32
      %get3A_1057 = arith.index_cast %add3A_1056 : i32 to index
      %get3A_1058 = tpu.vector_load %arg6[%get3A_1057] {strides = array<i32>} : memref<32768xi32, #tpu.memory_space<vmem>>, vector<16xi32>,
      %add3A_1059 = arith.constant 80 : i32
      %add3A_1060 = arith.addi %mul3A_1038, %add3A_1059 : i32
      %get3A_1061 = arith.index_cast %add3A_1060 : i32 to index
      %get3A_1062 = tpu.vector_load %arg6[%get3A_1061] {strides = array<i32>} : memref<32768xi32, #tpu.memory_space<vmem>>, vector<16xi32>,
      %add3A_1063 = arith.constant 96 : i32
      %add3A_1064 = arith.addi %mul3A_1038, %add3A_1063 : i32
      %get3A_1065 = arith.index_cast %add3A_1064 : i32 to index
      %get3A_1066 = tpu.vector_load %arg6[%get3A_1065] {strides = array<i32>} : memref<32768xi32, #tpu.memory_space<vmem>>, vector<16xi32>,
      %add3A_1067 = arith.constant 112 : i32
      %add3A_1068 = arith.addi %mul3A_1038, %add3A_1067 : i32
      %get3A_1069 = arith.index_cast %add3A_1068 : i32 to index
      %get3A_1070 = tpu.vector_load %arg6[%get3A_1069] {strides = array<i32>} : memref<32768xi32, #tpu.memory_space<vmem>>, vector<16xi32>,
      %add3A_1071 = arith.constant 128 : i32
      %add3A_1072 = arith.addi %mul3A_1038, %add3A_1071 : i32
      %get3A_1073 = arith.index_cast %add3A_1072 : i32 to index
      %get3A_1074 = tpu.vector_load %arg6[%get3A_1073] {strides = array<i32>} : memref<32768xi32, #tpu.memory_space<vmem>>, vector<16xi32>,
      %add3A_1075 = arith.constant 144 : i32
      %add3A_1076 = arith.addi %mul3A_1038, %add3A_1075 : i32
      %get3A_1077 = arith.index_cast %add3A_1076 : i32 to index
      %get3A_1078 = tpu.vector_load %arg6[%get3A_1077] {strides = array<i32>} : memref<32768xi32, #tpu.memory_space<vmem>>, vector<16xi32>,
      %add3A_1079 = arith.constant 160 : i32
      %add3A_1080 = arith.addi %mul3A_1038, %add3A_1079 : i32
      %get3A_1081 = arith.index_cast %add3A_1080 : i32 to index
      %get3A_1082 = tpu.vector_load %arg6[%get3A_1081] {strides = array<i32>} : memref<32768xi32, #tpu.memory_space<vmem>>, vector<16xi32>,
      %add3A_1083 = arith.constant 176 : i32
      %add3A_1084 = arith.addi %mul3A_1038, %add3A_1083 : i32
      %get3A_1085 = arith.index_cast %add3A_1084 : i32 to index
      %get3A_1086 = tpu.vector_load %arg6[%get3A_1085] {strides = array<i32>} : memref<32768xi32, #tpu.memory_space<vmem>>, vector<16xi32>,
      %add3A_1087 = arith.constant 192 : i32
      %add3A_1088 = arith.addi %mul3A_1038, %add3A_1087 : i32
      %get3A_1089 = arith.index_cast %add3A_1088 : i32 to index
      %get3A_1090 = tpu.vector_load %arg6[%get3A_1089] {strides = array<i32>} : memref<32768xi32, #tpu.memory_space<vmem>>, vector<16xi32>,
      %add3A_1091 = arith.constant 208 : i32
      %add3A_1092 = arith.addi %mul3A_1038, %add3A_1091 : i32
      %get3A_1093 = arith.index_cast %add3A_1092 : i32 to index
      %get3A_1094 = tpu.vector_load %arg6[%get3A_1093] {strides = array<i32>} : memref<32768xi32, #tpu.memory_space<vmem>>, vector<16xi32>,
      %add3A_1095 = arith.constant 224 : i32
      %add3A_1096 = arith.addi %mul3A_1038, %add3A_1095 : i32
      %get3A_1097 = arith.index_cast %add3A_1096 : i32 to index
      %get3A_1098 = tpu.vector_load %arg6[%get3A_1097] {strides = array<i32>} : memref<32768xi32, #tpu.memory_space<vmem>>, vector<16xi32>,
      %add3A_1099 = arith.constant 240 : i32
      %add3A_1100 = arith.addi %mul3A_1038, %add3A_1099 : i32
      %get3A_1101 = arith.index_cast %add3A_1100 : i32 to index
      %get3A_1102 = tpu.vector_load %arg6[%get3A_1101] {strides = array<i32>} : memref<32768xi32, #tpu.memory_space<vmem>>, vector<16xi32>,
      %mul3A_1103 = arith.constant 16 : i32
      %mul3A_1104 = vector.broadcast %mul3A_1103 : i32 to vector<16xi32>
      %mul3A_1105 = arith.muli %get3A_1042, %mul3A_1104 : vector<16xi32>
      %add3A_1106 = arith.addi %mul3A_1105, %iota3A : vector<16xi32>
      %mul3A_1107 = arith.constant 16 : i32
      %mul3A_1108 = vector.broadcast %mul3A_1107 : i32 to vector<16xi32>
      %mul3A_1109 = arith.muli %get3A_1046, %mul3A_1108 : vector<16xi32>
      %add3A_1110 = arith.addi %mul3A_1109, %iota3A : vector<16xi32>
      %mul3A_1111 = arith.constant 16 : i32
      %mul3A_1112 = vector.broadcast %mul3A_1111 : i32 to vector<16xi32>
      %mul3A_1113 = arith.muli %get3A_1050, %mul3A_1112 : vector<16xi32>
      %add3A_1114 = arith.addi %mul3A_1113, %iota3A : vector<16xi32>
      %mul3A_1115 = arith.constant 16 : i32
      %mul3A_1116 = vector.broadcast %mul3A_1115 : i32 to vector<16xi32>
      %mul3A_1117 = arith.muli %get3A_1054, %mul3A_1116 : vector<16xi32>
      %add3A_1118 = arith.addi %mul3A_1117, %iota3A : vector<16xi32>
      %mul3A_1119 = arith.constant 16 : i32
      %mul3A_1120 = vector.broadcast %mul3A_1119 : i32 to vector<16xi32>
      %mul3A_1121 = arith.muli %get3A_1058, %mul3A_1120 : vector<16xi32>
      %add3A_1122 = arith.addi %mul3A_1121, %iota3A : vector<16xi32>
      %mul3A_1123 = arith.constant 16 : i32
      %mul3A_1124 = vector.broadcast %mul3A_1123 : i32 to vector<16xi32>
      %mul3A_1125 = arith.muli %get3A_1062, %mul3A_1124 : vector<16xi32>
      %add3A_1126 = arith.addi %mul3A_1125, %iota3A : vector<16xi32>
      %mul3A_1127 = arith.constant 16 : i32
      %mul3A_1128 = vector.broadcast %mul3A_1127 : i32 to vector<16xi32>
      %mul3A_1129 = arith.muli %get3A_1066, %mul3A_1128 : vector<16xi32>
      %add3A_1130 = arith.addi %mul3A_1129, %iota3A : vector<16xi32>
      %mul3A_1131 = arith.constant 16 : i32
      %mul3A_1132 = vector.broadcast %mul3A_1131 : i32 to vector<16xi32>
      %mul3A_1133 = arith.muli %get3A_1070, %mul3A_1132 : vector<16xi32>
      %add3A_1134 = arith.addi %mul3A_1133, %iota3A : vector<16xi32>
      %mul3A_1135 = arith.constant 16 : i32
      %mul3A_1136 = vector.broadcast %mul3A_1135 : i32 to vector<16xi32>
      %mul3A_1137 = arith.muli %get3A_1074, %mul3A_1136 : vector<16xi32>
      %add3A_1138 = arith.addi %mul3A_1137, %iota3A : vector<16xi32>
      %mul3A_1139 = arith.constant 16 : i32
      %mul3A_1140 = vector.broadcast %mul3A_1139 : i32 to vector<16xi32>
      %mul3A_1141 = arith.muli %get3A_1078, %mul3A_1140 : vector<16xi32>
      %add3A_1142 = arith.addi %mul3A_1141, %iota3A : vector<16xi32>
      %mul3A_1143 = arith.constant 16 : i32
      %mul3A_1144 = vector.broadcast %mul3A_1143 : i32 to vector<16xi32>
      %mul3A_1145 = arith.muli %get3A_1082, %mul3A_1144 : vector<16xi32>
      %add3A_1146 = arith.addi %mul3A_1145, %iota3A : vector<16xi32>
      %mul3A_1147 = arith.constant 16 : i32
      %mul3A_1148 = vector.broadcast %mul3A_1147 : i32 to vector<16xi32>
      %mul3A_1149 = arith.muli %get3A_1086, %mul3A_1148 : vector<16xi32>
      %add3A_1150 = arith.addi %mul3A_1149, %iota3A : vector<16xi32>
      %mul3A_1151 = arith.constant 16 : i32
      %mul3A_1152 = vector.broadcast %mul3A_1151 : i32 to vector<16xi32>
      %mul3A_1153 = arith.muli %get3A_1090, %mul3A_1152 : vector<16xi32>
      %add3A_1154 = arith.addi %mul3A_1153, %iota3A : vector<16xi32>
      %mul3A_1155 = arith.constant 16 : i32
      %mul3A_1156 = vector.broadcast %mul3A_1155 : i32 to vector<16xi32>
      %mul3A_1157 = arith.muli %get3A_1094, %mul3A_1156 : vector<16xi32>
      %add3A_1158 = arith.addi %mul3A_1157, %iota3A : vector<16xi32>
      %mul3A_1159 = arith.constant 16 : i32
      %mul3A_1160 = vector.broadcast %mul3A_1159 : i32 to vector<16xi32>
      %mul3A_1161 = arith.muli %get3A_1098, %mul3A_1160 : vector<16xi32>
      %add3A_1162 = arith.addi %mul3A_1161, %iota3A : vector<16xi32>
      %mul3A_1163 = arith.constant 16 : i32
      %mul3A_1164 = vector.broadcast %mul3A_1163 : i32 to vector<16xi32>
      %mul3A_1165 = arith.muli %get3A_1102, %mul3A_1164 : vector<16xi32>
      %add3A_1166 = arith.addi %mul3A_1165, %iota3A : vector<16xi32>
      tpu.vector_store_idx %arg10[%add3A_1106], %broadcast_in_dim3A_206 {add = true} : memref<1600xf32, #tpu.memory_space<vmem>>[vector<16xi32>], vector<16xf32>,
      tpu.vector_store_idx %arg10[%add3A_1110], %broadcast_in_dim3A_206 {add = true} : memref<1600xf32, #tpu.memory_space<vmem>>[vector<16xi32>], vector<16xf32>,
      tpu.vector_store_idx %arg10[%add3A_1114], %broadcast_in_dim3A_206 {add = true} : memref<1600xf32, #tpu.memory_space<vmem>>[vector<16xi32>], vector<16xf32>,
      tpu.vector_store_idx %arg10[%add3A_1118], %broadcast_in_dim3A_206 {add = true} : memref<1600xf32, #tpu.memory_space<vmem>>[vector<16xi32>], vector<16xf32>,
      tpu.vector_store_idx %arg10[%add3A_1122], %broadcast_in_dim3A_206 {add = true} : memref<1600xf32, #tpu.memory_space<vmem>>[vector<16xi32>], vector<16xf32>,
      tpu.vector_store_idx %arg10[%add3A_1126], %broadcast_in_dim3A_206 {add = true} : memref<1600xf32, #tpu.memory_space<vmem>>[vector<16xi32>], vector<16xf32>,
      tpu.vector_store_idx %arg10[%add3A_1130], %broadcast_in_dim3A_206 {add = true} : memref<1600xf32, #tpu.memory_space<vmem>>[vector<16xi32>], vector<16xf32>,
      tpu.vector_store_idx %arg10[%add3A_1134], %broadcast_in_dim3A_206 {add = true} : memref<1600xf32, #tpu.memory_space<vmem>>[vector<16xi32>], vector<16xf32>,
      tpu.vector_store_idx %arg10[%add3A_1138], %broadcast_in_dim3A_206 {add = true} : memref<1600xf32, #tpu.memory_space<vmem>>[vector<16xi32>], vector<16xf32>,
      tpu.vector_store_idx %arg10[%add3A_1142], %broadcast_in_dim3A_206 {add = true} : memref<1600xf32, #tpu.memory_space<vmem>>[vector<16xi32>], vector<16xf32>,
      tpu.vector_store_idx %arg10[%add3A_1146], %broadcast_in_dim3A_206 {add = true} : memref<1600xf32, #tpu.memory_space<vmem>>[vector<16xi32>], vector<16xf32>,
      tpu.vector_store_idx %arg10[%add3A_1150], %broadcast_in_dim3A_206 {add = true} : memref<1600xf32, #tpu.memory_space<vmem>>[vector<16xi32>], vector<16xf32>,
      tpu.vector_store_idx %arg10[%add3A_1154], %broadcast_in_dim3A_206 {add = true} : memref<1600xf32, #tpu.memory_space<vmem>>[vector<16xi32>], vector<16xf32>,
      tpu.vector_store_idx %arg10[%add3A_1158], %broadcast_in_dim3A_206 {add = true} : memref<1600xf32, #tpu.memory_space<vmem>>[vector<16xi32>], vector<16xf32>,
      tpu.vector_store_idx %arg10[%add3A_1162], %broadcast_in_dim3A_206 {add = true} : memref<1600xf32, #tpu.memory_space<vmem>>[vector<16xi32>], vector<16xf32>,
      tpu.vector_store_idx %arg10[%add3A_1166], %broadcast_in_dim3A_206 {add = true} : memref<1600xf32, #tpu.memory_space<vmem>>[vector<16xi32>], vector<16xf32>,
    }
    %scan3A_291 = arith.constant 116 : i32
    %dma_wait3A_292 = arith.constant 29696 : i32
    %dma_wait3A_293 = tpu.memref_slice %arg6[%dma_wait3A_292] : memref<32768xi32, #tpu.memory_space<vmem>> -> memref<3072xi32, #tpu.memory_space<vmem>>
    %dma_wait3A_294 = arith.constant 0 : i32
    %dma_wait3A_295 = tpu.memref_slice %arg12[%dma_wait3A_294] : memref<112xf32, #tpu.memory_space<vmem_shared>> -> memref<112xf32, #tpu.memory_space<vmem_shared>>
    tpu.wait_indirect_dma semaphore(%arg16 : memref<!tpu.dma_semaphore, #tpu.memory_space<semaphore_mem>>) src(%dma_wait3A_295 : memref<112xf32, #tpu.memory_space<vmem_shared>>) dst(%arg8 : memref<3072xf32, #tpu.memory_space<vmem>>)
    %scan3A_296 = arith.constant 0 : i32
    %scan3A_297 = arith.constant 24 : i32
    %scan3A_298 = arith.addi %scan3A_296, %scan3A_297 : i32
    %scan3A_299 = arith.constant 1 : i32
    %scan3A_300:8 = scf.for %scan3A_1036 = %scan3A_296 to %scan3A_298 step %scan3A_299 iter_args(%scan3A_1037 = %scan3A_274#0, %scan3A_1038 = %scan3A_274#1, %scan3A_1039 = %scan3A_274#2, %scan3A_1040 = %scan3A_274#3, %scan3A_1041 = %scan3A_274#4, %scan3A_1042 = %scan3A_274#5, %scan3A_1043 = %scan3A_274#6, %scan3A_1044 = %scan3A_274#7) -> (vector<16xf32>, vector<16xf32>, vector<16xf32>, vector<16xf32>, vector<16xf32>, vector<16xf32>, vector<16xf32>, vector<16xf32>)  : i32 {
      %mul3A_1045 = arith.constant 8 : i32
      %mul3A_1046 = arith.muli %scan3A_1036, %mul3A_1045 : i32
      %add3A_1047 = arith.constant 0 : i32
      %add3A_1048 = arith.addi %mul3A_1046, %add3A_1047 : i32
      %mul3A_1049 = arith.constant 16 : i32
      %mul3A_1050 = arith.muli %add3A_1048, %mul3A_1049 : i32
      %get3A_1051 = arith.index_cast %mul3A_1050 : i32 to index
      %get3A_1052 = tpu.vector_load %arg8[%get3A_1051] {strides = array<i32>} : memref<3072xf32, #tpu.memory_space<vmem>>, vector<16xf32>,
      %mul3A_1053 = arith.constant 8 : i32
      %mul3A_1054 = arith.muli %scan3A_1036, %mul3A_1053 : i32
      %add3A_1055 = arith.constant 1 : i32
      %add3A_1056 = arith.addi %mul3A_1054, %add3A_1055 : i32
      %mul3A_1057 = arith.constant 16 : i32
      %mul3A_1058 = arith.muli %add3A_1056, %mul3A_1057 : i32
      %get3A_1059 = arith.index_cast %mul3A_1058 : i32 to index
      %get3A_1060 = tpu.vector_load %arg8[%get3A_1059] {strides = array<i32>} : memref<3072xf32, #tpu.memory_space<vmem>>, vector<16xf32>,
      %mul3A_1061 = arith.constant 8 : i32
      %mul3A_1062 = arith.muli %scan3A_1036, %mul3A_1061 : i32
      %add3A_1063 = arith.constant 2 : i32
      %add3A_1064 = arith.addi %mul3A_1062, %add3A_1063 : i32
      %mul3A_1065 = arith.constant 16 : i32
      %mul3A_1066 = arith.muli %add3A_1064, %mul3A_1065 : i32
      %get3A_1067 = arith.index_cast %mul3A_1066 : i32 to index
      %get3A_1068 = tpu.vector_load %arg8[%get3A_1067] {strides = array<i32>} : memref<3072xf32, #tpu.memory_space<vmem>>, vector<16xf32>,
      %mul3A_1069 = arith.constant 8 : i32
      %mul3A_1070 = arith.muli %scan3A_1036, %mul3A_1069 : i32
      %add3A_1071 = arith.constant 3 : i32
      %add3A_1072 = arith.addi %mul3A_1070, %add3A_1071 : i32
      %mul3A_1073 = arith.constant 16 : i32
      %mul3A_1074 = arith.muli %add3A_1072, %mul3A_1073 : i32
      %get3A_1075 = arith.index_cast %mul3A_1074 : i32 to index
      %get3A_1076 = tpu.vector_load %arg8[%get3A_1075] {strides = array<i32>} : memref<3072xf32, #tpu.memory_space<vmem>>, vector<16xf32>,
      %mul3A_1077 = arith.constant 8 : i32
      %mul3A_1078 = arith.muli %scan3A_1036, %mul3A_1077 : i32
      %add3A_1079 = arith.constant 4 : i32
      %add3A_1080 = arith.addi %mul3A_1078, %add3A_1079 : i32
      %mul3A_1081 = arith.constant 16 : i32
      %mul3A_1082 = arith.muli %add3A_1080, %mul3A_1081 : i32
      %get3A_1083 = arith.index_cast %mul3A_1082 : i32 to index
      %get3A_1084 = tpu.vector_load %arg8[%get3A_1083] {strides = array<i32>} : memref<3072xf32, #tpu.memory_space<vmem>>, vector<16xf32>,
      %mul3A_1085 = arith.constant 8 : i32
      %mul3A_1086 = arith.muli %scan3A_1036, %mul3A_1085 : i32
      %add3A_1087 = arith.constant 5 : i32
      %add3A_1088 = arith.addi %mul3A_1086, %add3A_1087 : i32
      %mul3A_1089 = arith.constant 16 : i32
      %mul3A_1090 = arith.muli %add3A_1088, %mul3A_1089 : i32
      %get3A_1091 = arith.index_cast %mul3A_1090 : i32 to index
      %get3A_1092 = tpu.vector_load %arg8[%get3A_1091] {strides = array<i32>} : memref<3072xf32, #tpu.memory_space<vmem>>, vector<16xf32>,
      %mul3A_1093 = arith.constant 8 : i32
      %mul3A_1094 = arith.muli %scan3A_1036, %mul3A_1093 : i32
      %add3A_1095 = arith.constant 6 : i32
      %add3A_1096 = arith.addi %mul3A_1094, %add3A_1095 : i32
      %mul3A_1097 = arith.constant 16 : i32
      %mul3A_1098 = arith.muli %add3A_1096, %mul3A_1097 : i32
      %get3A_1099 = arith.index_cast %mul3A_1098 : i32 to index
      %get3A_1100 = tpu.vector_load %arg8[%get3A_1099] {strides = array<i32>} : memref<3072xf32, #tpu.memory_space<vmem>>, vector<16xf32>,
      %mul3A_1101 = arith.constant 8 : i32
      %mul3A_1102 = arith.muli %scan3A_1036, %mul3A_1101 : i32
      %add3A_1103 = arith.constant 7 : i32
      %add3A_1104 = arith.addi %mul3A_1102, %add3A_1103 : i32
      %mul3A_1105 = arith.constant 16 : i32
      %mul3A_1106 = arith.muli %add3A_1104, %mul3A_1105 : i32
      %get3A_1107 = arith.index_cast %mul3A_1106 : i32 to index
      %get3A_1108 = tpu.vector_load %arg8[%get3A_1107] {strides = array<i32>} : memref<3072xf32, #tpu.memory_space<vmem>>, vector<16xf32>,
      %add3A_1109 = arith.addf %scan3A_1037, %get3A_1052 : vector<16xf32>
      %add3A_1110 = arith.addf %scan3A_1038, %get3A_1060 : vector<16xf32>
      %add3A_1111 = arith.addf %scan3A_1039, %get3A_1068 : vector<16xf32>
      %add3A_1112 = arith.addf %scan3A_1040, %get3A_1076 : vector<16xf32>
      %add3A_1113 = arith.addf %scan3A_1041, %get3A_1084 : vector<16xf32>
      %add3A_1114 = arith.addf %scan3A_1042, %get3A_1092 : vector<16xf32>
      %add3A_1115 = arith.addf %scan3A_1043, %get3A_1100 : vector<16xf32>
      %add3A_1116 = arith.addf %scan3A_1044, %get3A_1108 : vector<16xf32>
      scf.yield %add3A_1109, %add3A_1110, %add3A_1111, %add3A_1112, %add3A_1113, %add3A_1114, %add3A_1115, %add3A_1116 : vector<16xf32>, vector<16xf32>, vector<16xf32>, vector<16xf32>, vector<16xf32>, vector<16xf32>, vector<16xf32>, vector<16xf32>
    }
    %scan3A_301 = arith.constant 24 : i32
    %add3A_302 = arith.constant 131072 : i32
    %add3A_303 = arith.addi %mul3A_2, %add3A_302 : i32
    %dma_start3A_304 = tpu.memref_slice %arg2[%add3A_303] : memref<8388608xi32, #tpu.memory_space<hbm>> -> memref<32768xi32, #tpu.memory_space<hbm>>
    %dma_start3A_305 = tpu.memref_slice %arg2[%add3A_303] : memref<8388608xi32, #tpu.memory_space<hbm>> -> memref<32768xi32, #tpu.memory_space<hbm>>
    tpu.enqueue_dma source(%dma_start3A_305 : memref<32768xi32, #tpu.memory_space<hbm>>) target(%arg6 : memref<32768xi32, #tpu.memory_space<vmem>>) target_semaphore(%arg14 : memref<!tpu.dma_semaphore, #tpu.memory_space<semaphore_mem>>)
    %dma_wait3A_306 = tpu.memref_slice %arg2[%add3A_277] : memref<8388608xi32, #tpu.memory_space<hbm>> -> memref<32768xi32, #tpu.memory_space<hbm>>
    %dma_wait3A_307 = tpu.memref_slice %arg2[%add3A_277] : memref<8388608xi32, #tpu.memory_space<hbm>> -> memref<32768xi32, #tpu.memory_space<hbm>>
    tpu.wait_dma2 semaphore(%arg15 : memref<!tpu.dma_semaphore, #tpu.memory_space<semaphore_mem>>) src(%dma_wait3A_307 : memref<32768xi32, #tpu.memory_space<hbm>>) dst(%arg7 : memref<32768xi32, #tpu.memory_space<vmem>>)
    %dma_start3A_308 = arith.constant 29696 : i32
    %dma_start3A_309 = tpu.memref_slice %arg7[%dma_start3A_308] : memref<32768xi32, #tpu.memory_space<vmem>> -> memref<3072xi32, #tpu.memory_space<vmem>>
    %dma_start3A_310 = arith.constant 0 : i32
    %dma_start3A_311 = tpu.memref_slice %arg12[%dma_start3A_310] : memref<112xf32, #tpu.memory_space<vmem_shared>> -> memref<112xf32, #tpu.memory_space<vmem_shared>>
    tpu.enqueue_indirect_dma source(%dma_start3A_311 : memref<112xf32, #tpu.memory_space<vmem_shared>>) target(%arg9 : memref<3072xf32, #tpu.memory_space<vmem>>) offsets(%dma_start3A_309 : memref<3072xi32, #tpu.memory_space<vmem>>) semaphore(%arg17 : memref<!tpu.dma_semaphore, #tpu.memory_space<semaphore_mem>>)
    %scan3A_312 = arith.constant 0 : i32
    %scan3A_313 = arith.constant 0 : i32
    %scan3A_314 = arith.constant 116 : i32
    %scan3A_315 = arith.addi %scan3A_313, %scan3A_314 : i32
    %scan3A_316 = arith.constant 1 : i32
    scf.for %scan3A_1036 = %scan3A_313 to %scan3A_315 step %scan3A_316  : i32 {
      %mul3A_1037 = arith.constant 256 : i32
      %mul3A_1038 = arith.muli %scan3A_1036, %mul3A_1037 : i32
      %add3A_1039 = arith.constant 0 : i32
      %add3A_1040 = arith.addi %mul3A_1038, %add3A_1039 : i32
      %get3A_1041 = arith.index_cast %add3A_1040 : i32 to index
      %get3A_1042 = tpu.vector_load %arg7[%get3A_1041] {strides = array<i32>} : memref<32768xi32, #tpu.memory_space<vmem>>, vector<16xi32>,
      %add3A_1043 = arith.constant 16 : i32
      %add3A_1044 = arith.addi %mul3A_1038, %add3A_1043 : i32
      %get3A_1045 = arith.index_cast %add3A_1044 : i32 to index
      %get3A_1046 = tpu.vector_load %arg7[%get3A_1045] {strides = array<i32>} : memref<32768xi32, #tpu.memory_space<vmem>>, vector<16xi32>,
      %add3A_1047 = arith.constant 32 : i32
      %add3A_1048 = arith.addi %mul3A_1038, %add3A_1047 : i32
      %get3A_1049 = arith.index_cast %add3A_1048 : i32 to index
      %get3A_1050 = tpu.vector_load %arg7[%get3A_1049] {strides = array<i32>} : memref<32768xi32, #tpu.memory_space<vmem>>, vector<16xi32>,
      %add3A_1051 = arith.constant 48 : i32
      %add3A_1052 = arith.addi %mul3A_1038, %add3A_1051 : i32
      %get3A_1053 = arith.index_cast %add3A_1052 : i32 to index
      %get3A_1054 = tpu.vector_load %arg7[%get3A_1053] {strides = array<i32>} : memref<32768xi32, #tpu.memory_space<vmem>>, vector<16xi32>,
      %add3A_1055 = arith.constant 64 : i32
      %add3A_1056 = arith.addi %mul3A_1038, %add3A_1055 : i32
      %get3A_1057 = arith.index_cast %add3A_1056 : i32 to index
      %get3A_1058 = tpu.vector_load %arg7[%get3A_1057] {strides = array<i32>} : memref<32768xi32, #tpu.memory_space<vmem>>, vector<16xi32>,
      %add3A_1059 = arith.constant 80 : i32
      %add3A_1060 = arith.addi %mul3A_1038, %add3A_1059 : i32
      %get3A_1061 = arith.index_cast %add3A_1060 : i32 to index
      %get3A_1062 = tpu.vector_load %arg7[%get3A_1061] {strides = array<i32>} : memref<32768xi32, #tpu.memory_space<vmem>>, vector<16xi32>,
      %add3A_1063 = arith.constant 96 : i32
      %add3A_1064 = arith.addi %mul3A_1038, %add3A_1063 : i32
      %get3A_1065 = arith.index_cast %add3A_1064 : i32 to index
      %get3A_1066 = tpu.vector_load %arg7[%get3A_1065] {strides = array<i32>} : memref<32768xi32, #tpu.memory_space<vmem>>, vector<16xi32>,
      %add3A_1067 = arith.constant 112 : i32
      %add3A_1068 = arith.addi %mul3A_1038, %add3A_1067 : i32
      %get3A_1069 = arith.index_cast %add3A_1068 : i32 to index
      %get3A_1070 = tpu.vector_load %arg7[%get3A_1069] {strides = array<i32>} : memref<32768xi32, #tpu.memory_space<vmem>>, vector<16xi32>,
      %add3A_1071 = arith.constant 128 : i32
      %add3A_1072 = arith.addi %mul3A_1038, %add3A_1071 : i32
      %get3A_1073 = arith.index_cast %add3A_1072 : i32 to index
      %get3A_1074 = tpu.vector_load %arg7[%get3A_1073] {strides = array<i32>} : memref<32768xi32, #tpu.memory_space<vmem>>, vector<16xi32>,
      %add3A_1075 = arith.constant 144 : i32
      %add3A_1076 = arith.addi %mul3A_1038, %add3A_1075 : i32
      %get3A_1077 = arith.index_cast %add3A_1076 : i32 to index
      %get3A_1078 = tpu.vector_load %arg7[%get3A_1077] {strides = array<i32>} : memref<32768xi32, #tpu.memory_space<vmem>>, vector<16xi32>,
      %add3A_1079 = arith.constant 160 : i32
      %add3A_1080 = arith.addi %mul3A_1038, %add3A_1079 : i32
      %get3A_1081 = arith.index_cast %add3A_1080 : i32 to index
      %get3A_1082 = tpu.vector_load %arg7[%get3A_1081] {strides = array<i32>} : memref<32768xi32, #tpu.memory_space<vmem>>, vector<16xi32>,
      %add3A_1083 = arith.constant 176 : i32
      %add3A_1084 = arith.addi %mul3A_1038, %add3A_1083 : i32
      %get3A_1085 = arith.index_cast %add3A_1084 : i32 to index
      %get3A_1086 = tpu.vector_load %arg7[%get3A_1085] {strides = array<i32>} : memref<32768xi32, #tpu.memory_space<vmem>>, vector<16xi32>,
      %add3A_1087 = arith.constant 192 : i32
      %add3A_1088 = arith.addi %mul3A_1038, %add3A_1087 : i32
      %get3A_1089 = arith.index_cast %add3A_1088 : i32 to index
      %get3A_1090 = tpu.vector_load %arg7[%get3A_1089] {strides = array<i32>} : memref<32768xi32, #tpu.memory_space<vmem>>, vector<16xi32>,
      %add3A_1091 = arith.constant 208 : i32
      %add3A_1092 = arith.addi %mul3A_1038, %add3A_1091 : i32
      %get3A_1093 = arith.index_cast %add3A_1092 : i32 to index
      %get3A_1094 = tpu.vector_load %arg7[%get3A_1093] {strides = array<i32>} : memref<32768xi32, #tpu.memory_space<vmem>>, vector<16xi32>,
      %add3A_1095 = arith.constant 224 : i32
      %add3A_1096 = arith.addi %mul3A_1038, %add3A_1095 : i32
      %get3A_1097 = arith.index_cast %add3A_1096 : i32 to index
      %get3A_1098 = tpu.vector_load %arg7[%get3A_1097] {strides = array<i32>} : memref<32768xi32, #tpu.memory_space<vmem>>, vector<16xi32>,
      %add3A_1099 = arith.constant 240 : i32
      %add3A_1100 = arith.addi %mul3A_1038, %add3A_1099 : i32
      %get3A_1101 = arith.index_cast %add3A_1100 : i32 to index
      %get3A_1102 = tpu.vector_load %arg7[%get3A_1101] {strides = array<i32>} : memref<32768xi32, #tpu.memory_space<vmem>>, vector<16xi32>,
      %mul3A_1103 = arith.constant 16 : i32
      %mul3A_1104 = vector.broadcast %mul3A_1103 : i32 to vector<16xi32>
      %mul3A_1105 = arith.muli %get3A_1042, %mul3A_1104 : vector<16xi32>
      %add3A_1106 = arith.addi %mul3A_1105, %iota3A : vector<16xi32>
      %mul3A_1107 = arith.constant 16 : i32
      %mul3A_1108 = vector.broadcast %mul3A_1107 : i32 to vector<16xi32>
      %mul3A_1109 = arith.muli %get3A_1046, %mul3A_1108 : vector<16xi32>
      %add3A_1110 = arith.addi %mul3A_1109, %iota3A : vector<16xi32>
      %mul3A_1111 = arith.constant 16 : i32
      %mul3A_1112 = vector.broadcast %mul3A_1111 : i32 to vector<16xi32>
      %mul3A_1113 = arith.muli %get3A_1050, %mul3A_1112 : vector<16xi32>
      %add3A_1114 = arith.addi %mul3A_1113, %iota3A : vector<16xi32>
      %mul3A_1115 = arith.constant 16 : i32
      %mul3A_1116 = vector.broadcast %mul3A_1115 : i32 to vector<16xi32>
      %mul3A_1117 = arith.muli %get3A_1054, %mul3A_1116 : vector<16xi32>
      %add3A_1118 = arith.addi %mul3A_1117, %iota3A : vector<16xi32>
      %mul3A_1119 = arith.constant 16 : i32
      %mul3A_1120 = vector.broadcast %mul3A_1119 : i32 to vector<16xi32>
      %mul3A_1121 = arith.muli %get3A_1058, %mul3A_1120 : vector<16xi32>
      %add3A_1122 = arith.addi %mul3A_1121, %iota3A : vector<16xi32>
      %mul3A_1123 = arith.constant 16 : i32
      %mul3A_1124 = vector.broadcast %mul3A_1123 : i32 to vector<16xi32>
      %mul3A_1125 = arith.muli %get3A_1062, %mul3A_1124 : vector<16xi32>
      %add3A_1126 = arith.addi %mul3A_1125, %iota3A : vector<16xi32>
      %mul3A_1127 = arith.constant 16 : i32
      %mul3A_1128 = vector.broadcast %mul3A_1127 : i32 to vector<16xi32>
      %mul3A_1129 = arith.muli %get3A_1066, %mul3A_1128 : vector<16xi32>
      %add3A_1130 = arith.addi %mul3A_1129, %iota3A : vector<16xi32>
      %mul3A_1131 = arith.constant 16 : i32
      %mul3A_1132 = vector.broadcast %mul3A_1131 : i32 to vector<16xi32>
      %mul3A_1133 = arith.muli %get3A_1070, %mul3A_1132 : vector<16xi32>
      %add3A_1134 = arith.addi %mul3A_1133, %iota3A : vector<16xi32>
      %mul3A_1135 = arith.constant 16 : i32
      %mul3A_1136 = vector.broadcast %mul3A_1135 : i32 to vector<16xi32>
      %mul3A_1137 = arith.muli %get3A_1074, %mul3A_1136 : vector<16xi32>
      %add3A_1138 = arith.addi %mul3A_1137, %iota3A : vector<16xi32>
      %mul3A_1139 = arith.constant 16 : i32
      %mul3A_1140 = vector.broadcast %mul3A_1139 : i32 to vector<16xi32>
      %mul3A_1141 = arith.muli %get3A_1078, %mul3A_1140 : vector<16xi32>
      %add3A_1142 = arith.addi %mul3A_1141, %iota3A : vector<16xi32>
      %mul3A_1143 = arith.constant 16 : i32
      %mul3A_1144 = vector.broadcast %mul3A_1143 : i32 to vector<16xi32>
      %mul3A_1145 = arith.muli %get3A_1082, %mul3A_1144 : vector<16xi32>
      %add3A_1146 = arith.addi %mul3A_1145, %iota3A : vector<16xi32>
      %mul3A_1147 = arith.constant 16 : i32
      %mul3A_1148 = vector.broadcast %mul3A_1147 : i32 to vector<16xi32>
      %mul3A_1149 = arith.muli %get3A_1086, %mul3A_1148 : vector<16xi32>
      %add3A_1150 = arith.addi %mul3A_1149, %iota3A : vector<16xi32>
      %mul3A_1151 = arith.constant 16 : i32
      %mul3A_1152 = vector.broadcast %mul3A_1151 : i32 to vector<16xi32>
      %mul3A_1153 = arith.muli %get3A_1090, %mul3A_1152 : vector<16xi32>
      %add3A_1154 = arith.addi %mul3A_1153, %iota3A : vector<16xi32>
      %mul3A_1155 = arith.constant 16 : i32
      %mul3A_1156 = vector.broadcast %mul3A_1155 : i32 to vector<16xi32>
      %mul3A_1157 = arith.muli %get3A_1094, %mul3A_1156 : vector<16xi32>
      %add3A_1158 = arith.addi %mul3A_1157, %iota3A : vector<16xi32>
      %mul3A_1159 = arith.constant 16 : i32
      %mul3A_1160 = vector.broadcast %mul3A_1159 : i32 to vector<16xi32>
      %mul3A_1161 = arith.muli %get3A_1098, %mul3A_1160 : vector<16xi32>
      %add3A_1162 = arith.addi %mul3A_1161, %iota3A : vector<16xi32>
      %mul3A_1163 = arith.constant 16 : i32
      %mul3A_1164 = vector.broadcast %mul3A_1163 : i32 to vector<16xi32>
      %mul3A_1165 = arith.muli %get3A_1102, %mul3A_1164 : vector<16xi32>
      %add3A_1166 = arith.addi %mul3A_1165, %iota3A : vector<16xi32>
      tpu.vector_store_idx %arg10[%add3A_1106], %broadcast_in_dim3A_206 {add = true} : memref<1600xf32, #tpu.memory_space<vmem>>[vector<16xi32>], vector<16xf32>,
      tpu.vector_store_idx %arg10[%add3A_1110], %broadcast_in_dim3A_206 {add = true} : memref<1600xf32, #tpu.memory_space<vmem>>[vector<16xi32>], vector<16xf32>,
      tpu.vector_store_idx %arg10[%add3A_1114], %broadcast_in_dim3A_206 {add = true} : memref<1600xf32, #tpu.memory_space<vmem>>[vector<16xi32>], vector<16xf32>,
      tpu.vector_store_idx %arg10[%add3A_1118], %broadcast_in_dim3A_206 {add = true} : memref<1600xf32, #tpu.memory_space<vmem>>[vector<16xi32>], vector<16xf32>,
      tpu.vector_store_idx %arg10[%add3A_1122], %broadcast_in_dim3A_206 {add = true} : memref<1600xf32, #tpu.memory_space<vmem>>[vector<16xi32>], vector<16xf32>,
      tpu.vector_store_idx %arg10[%add3A_1126], %broadcast_in_dim3A_206 {add = true} : memref<1600xf32, #tpu.memory_space<vmem>>[vector<16xi32>], vector<16xf32>,
      tpu.vector_store_idx %arg10[%add3A_1130], %broadcast_in_dim3A_206 {add = true} : memref<1600xf32, #tpu.memory_space<vmem>>[vector<16xi32>], vector<16xf32>,
      tpu.vector_store_idx %arg10[%add3A_1134], %broadcast_in_dim3A_206 {add = true} : memref<1600xf32, #tpu.memory_space<vmem>>[vector<16xi32>], vector<16xf32>,
      tpu.vector_store_idx %arg10[%add3A_1138], %broadcast_in_dim3A_206 {add = true} : memref<1600xf32, #tpu.memory_space<vmem>>[vector<16xi32>], vector<16xf32>,
      tpu.vector_store_idx %arg10[%add3A_1142], %broadcast_in_dim3A_206 {add = true} : memref<1600xf32, #tpu.memory_space<vmem>>[vector<16xi32>], vector<16xf32>,
      tpu.vector_store_idx %arg10[%add3A_1146], %broadcast_in_dim3A_206 {add = true} : memref<1600xf32, #tpu.memory_space<vmem>>[vector<16xi32>], vector<16xf32>,
      tpu.vector_store_idx %arg10[%add3A_1150], %broadcast_in_dim3A_206 {add = true} : memref<1600xf32, #tpu.memory_space<vmem>>[vector<16xi32>], vector<16xf32>,
      tpu.vector_store_idx %arg10[%add3A_1154], %broadcast_in_dim3A_206 {add = true} : memref<1600xf32, #tpu.memory_space<vmem>>[vector<16xi32>], vector<16xf32>,
      tpu.vector_store_idx %arg10[%add3A_1158], %broadcast_in_dim3A_206 {add = true} : memref<1600xf32, #tpu.memory_space<vmem>>[vector<16xi32>], vector<16xf32>,
      tpu.vector_store_idx %arg10[%add3A_1162], %broadcast_in_dim3A_206 {add = true} : memref<1600xf32, #tpu.memory_space<vmem>>[vector<16xi32>], vector<16xf32>,
      tpu.vector_store_idx %arg10[%add3A_1166], %broadcast_in_dim3A_206 {add = true} : memref<1600xf32, #tpu.memory_space<vmem>>[vector<16xi32>], vector<16xf32>,
    }
    %scan3A_317 = arith.constant 116 : i32
    %dma_wait3A_318 = arith.constant 29696 : i32
    %dma_wait3A_319 = tpu.memref_slice %arg7[%dma_wait3A_318] : memref<32768xi32, #tpu.memory_space<vmem>> -> memref<3072xi32, #tpu.memory_space<vmem>>
    %dma_wait3A_320 = arith.constant 0 : i32
    %dma_wait3A_321 = tpu.memref_slice %arg12[%dma_wait3A_320] : memref<112xf32, #tpu.memory_space<vmem_shared>> -> memref<112xf32, #tpu.memory_space<vmem_shared>>
    tpu.wait_indirect_dma semaphore(%arg17 : memref<!tpu.dma_semaphore, #tpu.memory_space<semaphore_mem>>) src(%dma_wait3A_321 : memref<112xf32, #tpu.memory_space<vmem_shared>>) dst(%arg9 : memref<3072xf32, #tpu.memory_space<vmem>>)
    %scan3A_322 = arith.constant 0 : i32
    %scan3A_323 = arith.constant 24 : i32
    %scan3A_324 = arith.addi %scan3A_322, %scan3A_323 : i32
    %scan3A_325 = arith.constant 1 : i32
    %scan3A_326:8 = scf.for %scan3A_1036 = %scan3A_322 to %scan3A_324 step %scan3A_325 iter_args(%scan3A_1037 = %scan3A_300#0, %scan3A_1038 = %scan3A_300#1, %scan3A_1039 = %scan3A_300#2, %scan3A_1040 = %scan3A_300#3, %scan3A_1041 = %scan3A_300#4, %scan3A_1042 = %scan3A_300#5, %scan3A_1043 = %scan3A_300#6, %scan3A_1044 = %scan3A_300#7) -> (vector<16xf32>, vector<16xf32>, vector<16xf32>, vector<16xf32>, vector<16xf32>, vector<16xf32>, vector<16xf32>, vector<16xf32>)  : i32 {
      %mul3A_1045 = arith.constant 8 : i32
      %mul3A_1046 = arith.muli %scan3A_1036, %mul3A_1045 : i32
      %add3A_1047 = arith.constant 0 : i32
      %add3A_1048 = arith.addi %mul3A_1046, %add3A_1047 : i32
      %mul3A_1049 = arith.constant 16 : i32
      %mul3A_1050 = arith.muli %add3A_1048, %mul3A_1049 : i32
      %get3A_1051 = arith.index_cast %mul3A_1050 : i32 to index
      %get3A_1052 = tpu.vector_load %arg9[%get3A_1051] {strides = array<i32>} : memref<3072xf32, #tpu.memory_space<vmem>>, vector<16xf32>,
      %mul3A_1053 = arith.constant 8 : i32
      %mul3A_1054 = arith.muli %scan3A_1036, %mul3A_1053 : i32
      %add3A_1055 = arith.constant 1 : i32
      %add3A_1056 = arith.addi %mul3A_1054, %add3A_1055 : i32
      %mul3A_1057 = arith.constant 16 : i32
      %mul3A_1058 = arith.muli %add3A_1056, %mul3A_1057 : i32
      %get3A_1059 = arith.index_cast %mul3A_1058 : i32 to index
      %get3A_1060 = tpu.vector_load %arg9[%get3A_1059] {strides = array<i32>} : memref<3072xf32, #tpu.memory_space<vmem>>, vector<16xf32>,
      %mul3A_1061 = arith.constant 8 : i32
      %mul3A_1062 = arith.muli %scan3A_1036, %mul3A_1061 : i32
      %add3A_1063 = arith.constant 2 : i32
      %add3A_1064 = arith.addi %mul3A_1062, %add3A_1063 : i32
      %mul3A_1065 = arith.constant 16 : i32
      %mul3A_1066 = arith.muli %add3A_1064, %mul3A_1065 : i32
      %get3A_1067 = arith.index_cast %mul3A_1066 : i32 to index
      %get3A_1068 = tpu.vector_load %arg9[%get3A_1067] {strides = array<i32>} : memref<3072xf32, #tpu.memory_space<vmem>>, vector<16xf32>,
      %mul3A_1069 = arith.constant 8 : i32
      %mul3A_1070 = arith.muli %scan3A_1036, %mul3A_1069 : i32
      %add3A_1071 = arith.constant 3 : i32
      %add3A_1072 = arith.addi %mul3A_1070, %add3A_1071 : i32
      %mul3A_1073 = arith.constant 16 : i32
      %mul3A_1074 = arith.muli %add3A_1072, %mul3A_1073 : i32
      %get3A_1075 = arith.index_cast %mul3A_1074 : i32 to index
      %get3A_1076 = tpu.vector_load %arg9[%get3A_1075] {strides = array<i32>} : memref<3072xf32, #tpu.memory_space<vmem>>, vector<16xf32>,
      %mul3A_1077 = arith.constant 8 : i32
      %mul3A_1078 = arith.muli %scan3A_1036, %mul3A_1077 : i32
      %add3A_1079 = arith.constant 4 : i32
      %add3A_1080 = arith.addi %mul3A_1078, %add3A_1079 : i32
      %mul3A_1081 = arith.constant 16 : i32
      %mul3A_1082 = arith.muli %add3A_1080, %mul3A_1081 : i32
      %get3A_1083 = arith.index_cast %mul3A_1082 : i32 to index
      %get3A_1084 = tpu.vector_load %arg9[%get3A_1083] {strides = array<i32>} : memref<3072xf32, #tpu.memory_space<vmem>>, vector<16xf32>,
      %mul3A_1085 = arith.constant 8 : i32
      %mul3A_1086 = arith.muli %scan3A_1036, %mul3A_1085 : i32
      %add3A_1087 = arith.constant 5 : i32
      %add3A_1088 = arith.addi %mul3A_1086, %add3A_1087 : i32
      %mul3A_1089 = arith.constant 16 : i32
      %mul3A_1090 = arith.muli %add3A_1088, %mul3A_1089 : i32
      %get3A_1091 = arith.index_cast %mul3A_1090 : i32 to index
      %get3A_1092 = tpu.vector_load %arg9[%get3A_1091] {strides = array<i32>} : memref<3072xf32, #tpu.memory_space<vmem>>, vector<16xf32>,
      %mul3A_1093 = arith.constant 8 : i32
      %mul3A_1094 = arith.muli %scan3A_1036, %mul3A_1093 : i32
      %add3A_1095 = arith.constant 6 : i32
      %add3A_1096 = arith.addi %mul3A_1094, %add3A_1095 : i32
      %mul3A_1097 = arith.constant 16 : i32
      %mul3A_1098 = arith.muli %add3A_1096, %mul3A_1097 : i32
      %get3A_1099 = arith.index_cast %mul3A_1098 : i32 to index
      %get3A_1100 = tpu.vector_load %arg9[%get3A_1099] {strides = array<i32>} : memref<3072xf32, #tpu.memory_space<vmem>>, vector<16xf32>,
      %mul3A_1101 = arith.constant 8 : i32
      %mul3A_1102 = arith.muli %scan3A_1036, %mul3A_1101 : i32
      %add3A_1103 = arith.constant 7 : i32
      %add3A_1104 = arith.addi %mul3A_1102, %add3A_1103 : i32
      %mul3A_1105 = arith.constant 16 : i32
      %mul3A_1106 = arith.muli %add3A_1104, %mul3A_1105 : i32
      %get3A_1107 = arith.index_cast %mul3A_1106 : i32 to index
      %get3A_1108 = tpu.vector_load %arg9[%get3A_1107] {strides = array<i32>} : memref<3072xf32, #tpu.memory_space<vmem>>, vector<16xf32>,
      %add3A_1109 = arith.addf %scan3A_1037, %get3A_1052 : vector<16xf32>
      %add3A_1110 = arith.addf %scan3A_1038, %get3A_1060 : vector<16xf32>
      %add3A_1111 = arith.addf %scan3A_1039, %get3A_1068 : vector<16xf32>
      %add3A_1112 = arith.addf %scan3A_1040, %get3A_1076 : vector<16xf32>
      %add3A_1113 = arith.addf %scan3A_1041, %get3A_1084 : vector<16xf32>
      %add3A_1114 = arith.addf %scan3A_1042, %get3A_1092 : vector<16xf32>
      %add3A_1115 = arith.addf %scan3A_1043, %get3A_1100 : vector<16xf32>
      %add3A_1116 = arith.addf %scan3A_1044, %get3A_1108 : vector<16xf32>
      scf.yield %add3A_1109, %add3A_1110, %add3A_1111, %add3A_1112, %add3A_1113, %add3A_1114, %add3A_1115, %add3A_1116 : vector<16xf32>, vector<16xf32>, vector<16xf32>, vector<16xf32>, vector<16xf32>, vector<16xf32>, vector<16xf32>, vector<16xf32>
    }
    %scan3A_327 = arith.constant 24 : i32
    %add3A_328 = arith.constant 163840 : i32
    %add3A_329 = arith.addi %mul3A_2, %add3A_328 : i32
    %dma_start3A_330 = tpu.memref_slice %arg2[%add3A_329] : memref<8388608xi32, #tpu.memory_space<hbm>> -> memref<32768xi32, #tpu.memory_space<hbm>>
    %dma_start3A_331 = tpu.memref_slice %arg2[%add3A_329] : memref<8388608xi32, #tpu.memory_space<hbm>> -> memref<32768xi32, #tpu.memory_space<hbm>>
    tpu.enqueue_dma source(%dma_start3A_331 : memref<32768xi32, #tpu.memory_space<hbm>>) target(%arg7 : memref<32768xi32, #tpu.memory_space<vmem>>) target_semaphore(%arg15 : memref<!tpu.dma_semaphore, #tpu.memory_space<semaphore_mem>>)
    %dma_wait3A_332 = tpu.memref_slice %arg2[%add3A_303] : memref<8388608xi32, #tpu.memory_space<hbm>> -> memref<32768xi32, #tpu.memory_space<hbm>>
    %dma_wait3A_333 = tpu.memref_slice %arg2[%add3A_303] : memref<8388608xi32, #tpu.memory_space<hbm>> -> memref<32768xi32, #tpu.memory_space<hbm>>
    tpu.wait_dma2 semaphore(%arg14 : memref<!tpu.dma_semaphore, #tpu.memory_space<semaphore_mem>>) src(%dma_wait3A_333 : memref<32768xi32, #tpu.memory_space<hbm>>) dst(%arg6 : memref<32768xi32, #tpu.memory_space<vmem>>)
    %dma_start3A_334 = arith.constant 29696 : i32
    %dma_start3A_335 = tpu.memref_slice %arg6[%dma_start3A_334] : memref<32768xi32, #tpu.memory_space<vmem>> -> memref<3072xi32, #tpu.memory_space<vmem>>
    %dma_start3A_336 = arith.constant 0 : i32
    %dma_start3A_337 = tpu.memref_slice %arg12[%dma_start3A_336] : memref<112xf32, #tpu.memory_space<vmem_shared>> -> memref<112xf32, #tpu.memory_space<vmem_shared>>
    tpu.enqueue_indirect_dma source(%dma_start3A_337 : memref<112xf32, #tpu.memory_space<vmem_shared>>) target(%arg8 : memref<3072xf32, #tpu.memory_space<vmem>>) offsets(%dma_start3A_335 : memref<3072xi32, #tpu.memory_space<vmem>>) semaphore(%arg16 : memref<!tpu.dma_semaphore, #tpu.memory_space<semaphore_mem>>)
    %scan3A_338 = arith.constant 0 : i32
    %scan3A_339 = arith.constant 0 : i32
    %scan3A_340 = arith.constant 116 : i32
    %scan3A_341 = arith.addi %scan3A_339, %scan3A_340 : i32
    %scan3A_342 = arith.constant 1 : i32
    scf.for %scan3A_1036 = %scan3A_339 to %scan3A_341 step %scan3A_342  : i32 {
      %mul3A_1037 = arith.constant 256 : i32
      %mul3A_1038 = arith.muli %scan3A_1036, %mul3A_1037 : i32
      %add3A_1039 = arith.constant 0 : i32
      %add3A_1040 = arith.addi %mul3A_1038, %add3A_1039 : i32
      %get3A_1041 = arith.index_cast %add3A_1040 : i32 to index
      %get3A_1042 = tpu.vector_load %arg6[%get3A_1041] {strides = array<i32>} : memref<32768xi32, #tpu.memory_space<vmem>>, vector<16xi32>,
      %add3A_1043 = arith.constant 16 : i32
      %add3A_1044 = arith.addi %mul3A_1038, %add3A_1043 : i32
      %get3A_1045 = arith.index_cast %add3A_1044 : i32 to index
      %get3A_1046 = tpu.vector_load %arg6[%get3A_1045] {strides = array<i32>} : memref<32768xi32, #tpu.memory_space<vmem>>, vector<16xi32>,
      %add3A_1047 = arith.constant 32 : i32
      %add3A_1048 = arith.addi %mul3A_1038, %add3A_1047 : i32
      %get3A_1049 = arith.index_cast %add3A_1048 : i32 to index
      %get3A_1050 = tpu.vector_load %arg6[%get3A_1049] {strides = array<i32>} : memref<32768xi32, #tpu.memory_space<vmem>>, vector<16xi32>,
      %add3A_1051 = arith.constant 48 : i32
      %add3A_1052 = arith.addi %mul3A_1038, %add3A_1051 : i32
      %get3A_1053 = arith.index_cast %add3A_1052 : i32 to index
      %get3A_1054 = tpu.vector_load %arg6[%get3A_1053] {strides = array<i32>} : memref<32768xi32, #tpu.memory_space<vmem>>, vector<16xi32>,
      %add3A_1055 = arith.constant 64 : i32
      %add3A_1056 = arith.addi %mul3A_1038, %add3A_1055 : i32
      %get3A_1057 = arith.index_cast %add3A_1056 : i32 to index
      %get3A_1058 = tpu.vector_load %arg6[%get3A_1057] {strides = array<i32>} : memref<32768xi32, #tpu.memory_space<vmem>>, vector<16xi32>,
      %add3A_1059 = arith.constant 80 : i32
      %add3A_1060 = arith.addi %mul3A_1038, %add3A_1059 : i32
      %get3A_1061 = arith.index_cast %add3A_1060 : i32 to index
      %get3A_1062 = tpu.vector_load %arg6[%get3A_1061] {strides = array<i32>} : memref<32768xi32, #tpu.memory_space<vmem>>, vector<16xi32>,
      %add3A_1063 = arith.constant 96 : i32
      %add3A_1064 = arith.addi %mul3A_1038, %add3A_1063 : i32
      %get3A_1065 = arith.index_cast %add3A_1064 : i32 to index
      %get3A_1066 = tpu.vector_load %arg6[%get3A_1065] {strides = array<i32>} : memref<32768xi32, #tpu.memory_space<vmem>>, vector<16xi32>,
      %add3A_1067 = arith.constant 112 : i32
      %add3A_1068 = arith.addi %mul3A_1038, %add3A_1067 : i32
      %get3A_1069 = arith.index_cast %add3A_1068 : i32 to index
      %get3A_1070 = tpu.vector_load %arg6[%get3A_1069] {strides = array<i32>} : memref<32768xi32, #tpu.memory_space<vmem>>, vector<16xi32>,
      %add3A_1071 = arith.constant 128 : i32
      %add3A_1072 = arith.addi %mul3A_1038, %add3A_1071 : i32
      %get3A_1073 = arith.index_cast %add3A_1072 : i32 to index
      %get3A_1074 = tpu.vector_load %arg6[%get3A_1073] {strides = array<i32>} : memref<32768xi32, #tpu.memory_space<vmem>>, vector<16xi32>,
      %add3A_1075 = arith.constant 144 : i32
      %add3A_1076 = arith.addi %mul3A_1038, %add3A_1075 : i32
      %get3A_1077 = arith.index_cast %add3A_1076 : i32 to index
      %get3A_1078 = tpu.vector_load %arg6[%get3A_1077] {strides = array<i32>} : memref<32768xi32, #tpu.memory_space<vmem>>, vector<16xi32>,
      %add3A_1079 = arith.constant 160 : i32
      %add3A_1080 = arith.addi %mul3A_1038, %add3A_1079 : i32
      %get3A_1081 = arith.index_cast %add3A_1080 : i32 to index
      %get3A_1082 = tpu.vector_load %arg6[%get3A_1081] {strides = array<i32>} : memref<32768xi32, #tpu.memory_space<vmem>>, vector<16xi32>,
      %add3A_1083 = arith.constant 176 : i32
      %add3A_1084 = arith.addi %mul3A_1038, %add3A_1083 : i32
      %get3A_1085 = arith.index_cast %add3A_1084 : i32 to index
      %get3A_1086 = tpu.vector_load %arg6[%get3A_1085] {strides = array<i32>} : memref<32768xi32, #tpu.memory_space<vmem>>, vector<16xi32>,
      %add3A_1087 = arith.constant 192 : i32
      %add3A_1088 = arith.addi %mul3A_1038, %add3A_1087 : i32
      %get3A_1089 = arith.index_cast %add3A_1088 : i32 to index
      %get3A_1090 = tpu.vector_load %arg6[%get3A_1089] {strides = array<i32>} : memref<32768xi32, #tpu.memory_space<vmem>>, vector<16xi32>,
      %add3A_1091 = arith.constant 208 : i32
      %add3A_1092 = arith.addi %mul3A_1038, %add3A_1091 : i32
      %get3A_1093 = arith.index_cast %add3A_1092 : i32 to index
      %get3A_1094 = tpu.vector_load %arg6[%get3A_1093] {strides = array<i32>} : memref<32768xi32, #tpu.memory_space<vmem>>, vector<16xi32>,
      %add3A_1095 = arith.constant 224 : i32
      %add3A_1096 = arith.addi %mul3A_1038, %add3A_1095 : i32
      %get3A_1097 = arith.index_cast %add3A_1096 : i32 to index
      %get3A_1098 = tpu.vector_load %arg6[%get3A_1097] {strides = array<i32>} : memref<32768xi32, #tpu.memory_space<vmem>>, vector<16xi32>,
      %add3A_1099 = arith.constant 240 : i32
      %add3A_1100 = arith.addi %mul3A_1038, %add3A_1099 : i32
      %get3A_1101 = arith.index_cast %add3A_1100 : i32 to index
      %get3A_1102 = tpu.vector_load %arg6[%get3A_1101] {strides = array<i32>} : memref<32768xi32, #tpu.memory_space<vmem>>, vector<16xi32>,
      %mul3A_1103 = arith.constant 16 : i32
      %mul3A_1104 = vector.broadcast %mul3A_1103 : i32 to vector<16xi32>
      %mul3A_1105 = arith.muli %get3A_1042, %mul3A_1104 : vector<16xi32>
      %add3A_1106 = arith.addi %mul3A_1105, %iota3A : vector<16xi32>
      %mul3A_1107 = arith.constant 16 : i32
      %mul3A_1108 = vector.broadcast %mul3A_1107 : i32 to vector<16xi32>
      %mul3A_1109 = arith.muli %get3A_1046, %mul3A_1108 : vector<16xi32>
      %add3A_1110 = arith.addi %mul3A_1109, %iota3A : vector<16xi32>
      %mul3A_1111 = arith.constant 16 : i32
      %mul3A_1112 = vector.broadcast %mul3A_1111 : i32 to vector<16xi32>
      %mul3A_1113 = arith.muli %get3A_1050, %mul3A_1112 : vector<16xi32>
      %add3A_1114 = arith.addi %mul3A_1113, %iota3A : vector<16xi32>
      %mul3A_1115 = arith.constant 16 : i32
      %mul3A_1116 = vector.broadcast %mul3A_1115 : i32 to vector<16xi32>
      %mul3A_1117 = arith.muli %get3A_1054, %mul3A_1116 : vector<16xi32>
      %add3A_1118 = arith.addi %mul3A_1117, %iota3A : vector<16xi32>
      %mul3A_1119 = arith.constant 16 : i32
      %mul3A_1120 = vector.broadcast %mul3A_1119 : i32 to vector<16xi32>
      %mul3A_1121 = arith.muli %get3A_1058, %mul3A_1120 : vector<16xi32>
      %add3A_1122 = arith.addi %mul3A_1121, %iota3A : vector<16xi32>
      %mul3A_1123 = arith.constant 16 : i32
      %mul3A_1124 = vector.broadcast %mul3A_1123 : i32 to vector<16xi32>
      %mul3A_1125 = arith.muli %get3A_1062, %mul3A_1124 : vector<16xi32>
      %add3A_1126 = arith.addi %mul3A_1125, %iota3A : vector<16xi32>
      %mul3A_1127 = arith.constant 16 : i32
      %mul3A_1128 = vector.broadcast %mul3A_1127 : i32 to vector<16xi32>
      %mul3A_1129 = arith.muli %get3A_1066, %mul3A_1128 : vector<16xi32>
      %add3A_1130 = arith.addi %mul3A_1129, %iota3A : vector<16xi32>
      %mul3A_1131 = arith.constant 16 : i32
      %mul3A_1132 = vector.broadcast %mul3A_1131 : i32 to vector<16xi32>
      %mul3A_1133 = arith.muli %get3A_1070, %mul3A_1132 : vector<16xi32>
      %add3A_1134 = arith.addi %mul3A_1133, %iota3A : vector<16xi32>
      %mul3A_1135 = arith.constant 16 : i32
      %mul3A_1136 = vector.broadcast %mul3A_1135 : i32 to vector<16xi32>
      %mul3A_1137 = arith.muli %get3A_1074, %mul3A_1136 : vector<16xi32>
      %add3A_1138 = arith.addi %mul3A_1137, %iota3A : vector<16xi32>
      %mul3A_1139 = arith.constant 16 : i32
      %mul3A_1140 = vector.broadcast %mul3A_1139 : i32 to vector<16xi32>
      %mul3A_1141 = arith.muli %get3A_1078, %mul3A_1140 : vector<16xi32>
      %add3A_1142 = arith.addi %mul3A_1141, %iota3A : vector<16xi32>
      %mul3A_1143 = arith.constant 16 : i32
      %mul3A_1144 = vector.broadcast %mul3A_1143 : i32 to vector<16xi32>
      %mul3A_1145 = arith.muli %get3A_1082, %mul3A_1144 : vector<16xi32>
      %add3A_1146 = arith.addi %mul3A_1145, %iota3A : vector<16xi32>
      %mul3A_1147 = arith.constant 16 : i32
      %mul3A_1148 = vector.broadcast %mul3A_1147 : i32 to vector<16xi32>
      %mul3A_1149 = arith.muli %get3A_1086, %mul3A_1148 : vector<16xi32>
      %add3A_1150 = arith.addi %mul3A_1149, %iota3A : vector<16xi32>
      %mul3A_1151 = arith.constant 16 : i32
      %mul3A_1152 = vector.broadcast %mul3A_1151 : i32 to vector<16xi32>
      %mul3A_1153 = arith.muli %get3A_1090, %mul3A_1152 : vector<16xi32>
      %add3A_1154 = arith.addi %mul3A_1153, %iota3A : vector<16xi32>
      %mul3A_1155 = arith.constant 16 : i32
      %mul3A_1156 = vector.broadcast %mul3A_1155 : i32 to vector<16xi32>
      %mul3A_1157 = arith.muli %get3A_1094, %mul3A_1156 : vector<16xi32>
      %add3A_1158 = arith.addi %mul3A_1157, %iota3A : vector<16xi32>
      %mul3A_1159 = arith.constant 16 : i32
      %mul3A_1160 = vector.broadcast %mul3A_1159 : i32 to vector<16xi32>
      %mul3A_1161 = arith.muli %get3A_1098, %mul3A_1160 : vector<16xi32>
      %add3A_1162 = arith.addi %mul3A_1161, %iota3A : vector<16xi32>
      %mul3A_1163 = arith.constant 16 : i32
      %mul3A_1164 = vector.broadcast %mul3A_1163 : i32 to vector<16xi32>
      %mul3A_1165 = arith.muli %get3A_1102, %mul3A_1164 : vector<16xi32>
      %add3A_1166 = arith.addi %mul3A_1165, %iota3A : vector<16xi32>
      tpu.vector_store_idx %arg10[%add3A_1106], %broadcast_in_dim3A_206 {add = true} : memref<1600xf32, #tpu.memory_space<vmem>>[vector<16xi32>], vector<16xf32>,
      tpu.vector_store_idx %arg10[%add3A_1110], %broadcast_in_dim3A_206 {add = true} : memref<1600xf32, #tpu.memory_space<vmem>>[vector<16xi32>], vector<16xf32>,
      tpu.vector_store_idx %arg10[%add3A_1114], %broadcast_in_dim3A_206 {add = true} : memref<1600xf32, #tpu.memory_space<vmem>>[vector<16xi32>], vector<16xf32>,
      tpu.vector_store_idx %arg10[%add3A_1118], %broadcast_in_dim3A_206 {add = true} : memref<1600xf32, #tpu.memory_space<vmem>>[vector<16xi32>], vector<16xf32>,
      tpu.vector_store_idx %arg10[%add3A_1122], %broadcast_in_dim3A_206 {add = true} : memref<1600xf32, #tpu.memory_space<vmem>>[vector<16xi32>], vector<16xf32>,
      tpu.vector_store_idx %arg10[%add3A_1126], %broadcast_in_dim3A_206 {add = true} : memref<1600xf32, #tpu.memory_space<vmem>>[vector<16xi32>], vector<16xf32>,
      tpu.vector_store_idx %arg10[%add3A_1130], %broadcast_in_dim3A_206 {add = true} : memref<1600xf32, #tpu.memory_space<vmem>>[vector<16xi32>], vector<16xf32>,
      tpu.vector_store_idx %arg10[%add3A_1134], %broadcast_in_dim3A_206 {add = true} : memref<1600xf32, #tpu.memory_space<vmem>>[vector<16xi32>], vector<16xf32>,
      tpu.vector_store_idx %arg10[%add3A_1138], %broadcast_in_dim3A_206 {add = true} : memref<1600xf32, #tpu.memory_space<vmem>>[vector<16xi32>], vector<16xf32>,
      tpu.vector_store_idx %arg10[%add3A_1142], %broadcast_in_dim3A_206 {add = true} : memref<1600xf32, #tpu.memory_space<vmem>>[vector<16xi32>], vector<16xf32>,
      tpu.vector_store_idx %arg10[%add3A_1146], %broadcast_in_dim3A_206 {add = true} : memref<1600xf32, #tpu.memory_space<vmem>>[vector<16xi32>], vector<16xf32>,
      tpu.vector_store_idx %arg10[%add3A_1150], %broadcast_in_dim3A_206 {add = true} : memref<1600xf32, #tpu.memory_space<vmem>>[vector<16xi32>], vector<16xf32>,
      tpu.vector_store_idx %arg10[%add3A_1154], %broadcast_in_dim3A_206 {add = true} : memref<1600xf32, #tpu.memory_space<vmem>>[vector<16xi32>], vector<16xf32>,
      tpu.vector_store_idx %arg10[%add3A_1158], %broadcast_in_dim3A_206 {add = true} : memref<1600xf32, #tpu.memory_space<vmem>>[vector<16xi32>], vector<16xf32>,
      tpu.vector_store_idx %arg10[%add3A_1162], %broadcast_in_dim3A_206 {add = true} : memref<1600xf32, #tpu.memory_space<vmem>>[vector<16xi32>], vector<16xf32>,
      tpu.vector_store_idx %arg10[%add3A_1166], %broadcast_in_dim3A_206 {add = true} : memref<1600xf32, #tpu.memory_space<vmem>>[vector<16xi32>], vector<16xf32>,
    }
    %scan3A_343 = arith.constant 116 : i32
    %dma_wait3A_344 = arith.constant 29696 : i32
    %dma_wait3A_345 = tpu.memref_slice %arg6[%dma_wait3A_344] : memref<32768xi32, #tpu.memory_space<vmem>> -> memref<3072xi32, #tpu.memory_space<vmem>>
    %dma_wait3A_346 = arith.constant 0 : i32
    %dma_wait3A_347 = tpu.memref_slice %arg12[%dma_wait3A_346] : memref<112xf32, #tpu.memory_space<vmem_shared>> -> memref<112xf32, #tpu.memory_space<vmem_shared>>
    tpu.wait_indirect_dma semaphore(%arg16 : memref<!tpu.dma_semaphore, #tpu.memory_space<semaphore_mem>>) src(%dma_wait3A_347 : memref<112xf32, #tpu.memory_space<vmem_shared>>) dst(%arg8 : memref<3072xf32, #tpu.memory_space<vmem>>)
    %scan3A_348 = arith.constant 0 : i32
    %scan3A_349 = arith.constant 24 : i32
    %scan3A_350 = arith.addi %scan3A_348, %scan3A_349 : i32
    %scan3A_351 = arith.constant 1 : i32
    %scan3A_352:8 = scf.for %scan3A_1036 = %scan3A_348 to %scan3A_350 step %scan3A_351 iter_args(%scan3A_1037 = %scan3A_326#0, %scan3A_1038 = %scan3A_326#1, %scan3A_1039 = %scan3A_326#2, %scan3A_1040 = %scan3A_326#3, %scan3A_1041 = %scan3A_326#4, %scan3A_1042 = %scan3A_326#5, %scan3A_1043 = %scan3A_326#6, %scan3A_1044 = %scan3A_326#7) -> (vector<16xf32>, vector<16xf32>, vector<16xf32>, vector<16xf32>, vector<16xf32>, vector<16xf32>, vector<16xf32>, vector<16xf32>)  : i32 {
      %mul3A_1045 = arith.constant 8 : i32
      %mul3A_1046 = arith.muli %scan3A_1036, %mul3A_1045 : i32
      %add3A_1047 = arith.constant 0 : i32
      %add3A_1048 = arith.addi %mul3A_1046, %add3A_1047 : i32
      %mul3A_1049 = arith.constant 16 : i32
      %mul3A_1050 = arith.muli %add3A_1048, %mul3A_1049 : i32
      %get3A_1051 = arith.index_cast %mul3A_1050 : i32 to index
      %get3A_1052 = tpu.vector_load %arg8[%get3A_1051] {strides = array<i32>} : memref<3072xf32, #tpu.memory_space<vmem>>, vector<16xf32>,
      %mul3A_1053 = arith.constant 8 : i32
      %mul3A_1054 = arith.muli %scan3A_1036, %mul3A_1053 : i32
      %add3A_1055 = arith.constant 1 : i32
      %add3A_1056 = arith.addi %mul3A_1054, %add3A_1055 : i32
      %mul3A_1057 = arith.constant 16 : i32
      %mul3A_1058 = arith.muli %add3A_1056, %mul3A_1057 : i32
      %get3A_1059 = arith.index_cast %mul3A_1058 : i32 to index
      %get3A_1060 = tpu.vector_load %arg8[%get3A_1059] {strides = array<i32>} : memref<3072xf32, #tpu.memory_space<vmem>>, vector<16xf32>,
      %mul3A_1061 = arith.constant 8 : i32
      %mul3A_1062 = arith.muli %scan3A_1036, %mul3A_1061 : i32
      %add3A_1063 = arith.constant 2 : i32
      %add3A_1064 = arith.addi %mul3A_1062, %add3A_1063 : i32
      %mul3A_1065 = arith.constant 16 : i32
      %mul3A_1066 = arith.muli %add3A_1064, %mul3A_1065 : i32
      %get3A_1067 = arith.index_cast %mul3A_1066 : i32 to index
      %get3A_1068 = tpu.vector_load %arg8[%get3A_1067] {strides = array<i32>} : memref<3072xf32, #tpu.memory_space<vmem>>, vector<16xf32>,
      %mul3A_1069 = arith.constant 8 : i32
      %mul3A_1070 = arith.muli %scan3A_1036, %mul3A_1069 : i32
      %add3A_1071 = arith.constant 3 : i32
      %add3A_1072 = arith.addi %mul3A_1070, %add3A_1071 : i32
      %mul3A_1073 = arith.constant 16 : i32
      %mul3A_1074 = arith.muli %add3A_1072, %mul3A_1073 : i32
      %get3A_1075 = arith.index_cast %mul3A_1074 : i32 to index
      %get3A_1076 = tpu.vector_load %arg8[%get3A_1075] {strides = array<i32>} : memref<3072xf32, #tpu.memory_space<vmem>>, vector<16xf32>,
      %mul3A_1077 = arith.constant 8 : i32
      %mul3A_1078 = arith.muli %scan3A_1036, %mul3A_1077 : i32
      %add3A_1079 = arith.constant 4 : i32
      %add3A_1080 = arith.addi %mul3A_1078, %add3A_1079 : i32
      %mul3A_1081 = arith.constant 16 : i32
      %mul3A_1082 = arith.muli %add3A_1080, %mul3A_1081 : i32
      %get3A_1083 = arith.index_cast %mul3A_1082 : i32 to index
      %get3A_1084 = tpu.vector_load %arg8[%get3A_1083] {strides = array<i32>} : memref<3072xf32, #tpu.memory_space<vmem>>, vector<16xf32>,
      %mul3A_1085 = arith.constant 8 : i32
      %mul3A_1086 = arith.muli %scan3A_1036, %mul3A_1085 : i32
      %add3A_1087 = arith.constant 5 : i32
      %add3A_1088 = arith.addi %mul3A_1086, %add3A_1087 : i32
      %mul3A_1089 = arith.constant 16 : i32
      %mul3A_1090 = arith.muli %add3A_1088, %mul3A_1089 : i32
      %get3A_1091 = arith.index_cast %mul3A_1090 : i32 to index
      %get3A_1092 = tpu.vector_load %arg8[%get3A_1091] {strides = array<i32>} : memref<3072xf32, #tpu.memory_space<vmem>>, vector<16xf32>,
      %mul3A_1093 = arith.constant 8 : i32
      %mul3A_1094 = arith.muli %scan3A_1036, %mul3A_1093 : i32
      %add3A_1095 = arith.constant 6 : i32
      %add3A_1096 = arith.addi %mul3A_1094, %add3A_1095 : i32
      %mul3A_1097 = arith.constant 16 : i32
      %mul3A_1098 = arith.muli %add3A_1096, %mul3A_1097 : i32
      %get3A_1099 = arith.index_cast %mul3A_1098 : i32 to index
      %get3A_1100 = tpu.vector_load %arg8[%get3A_1099] {strides = array<i32>} : memref<3072xf32, #tpu.memory_space<vmem>>, vector<16xf32>,
      %mul3A_1101 = arith.constant 8 : i32
      %mul3A_1102 = arith.muli %scan3A_1036, %mul3A_1101 : i32
      %add3A_1103 = arith.constant 7 : i32
      %add3A_1104 = arith.addi %mul3A_1102, %add3A_1103 : i32
      %mul3A_1105 = arith.constant 16 : i32
      %mul3A_1106 = arith.muli %add3A_1104, %mul3A_1105 : i32
      %get3A_1107 = arith.index_cast %mul3A_1106 : i32 to index
      %get3A_1108 = tpu.vector_load %arg8[%get3A_1107] {strides = array<i32>} : memref<3072xf32, #tpu.memory_space<vmem>>, vector<16xf32>,
      %add3A_1109 = arith.addf %scan3A_1037, %get3A_1052 : vector<16xf32>
      %add3A_1110 = arith.addf %scan3A_1038, %get3A_1060 : vector<16xf32>
      %add3A_1111 = arith.addf %scan3A_1039, %get3A_1068 : vector<16xf32>
      %add3A_1112 = arith.addf %scan3A_1040, %get3A_1076 : vector<16xf32>
      %add3A_1113 = arith.addf %scan3A_1041, %get3A_1084 : vector<16xf32>
      %add3A_1114 = arith.addf %scan3A_1042, %get3A_1092 : vector<16xf32>
      %add3A_1115 = arith.addf %scan3A_1043, %get3A_1100 : vector<16xf32>
      %add3A_1116 = arith.addf %scan3A_1044, %get3A_1108 : vector<16xf32>
      scf.yield %add3A_1109, %add3A_1110, %add3A_1111, %add3A_1112, %add3A_1113, %add3A_1114, %add3A_1115, %add3A_1116 : vector<16xf32>, vector<16xf32>, vector<16xf32>, vector<16xf32>, vector<16xf32>, vector<16xf32>, vector<16xf32>, vector<16xf32>
    }
    %scan3A_353 = arith.constant 24 : i32
    %add3A_354 = arith.constant 196608 : i32
    %add3A_355 = arith.addi %mul3A_2, %add3A_354 : i32
    %dma_start3A_356 = tpu.memref_slice %arg2[%add3A_355] : memref<8388608xi32, #tpu.memory_space<hbm>> -> memref<32768xi32, #tpu.memory_space<hbm>>
    %dma_start3A_357 = tpu.memref_slice %arg2[%add3A_355] : memref<8388608xi32, #tpu.memory_space<hbm>> -> memref<32768xi32, #tpu.memory_space<hbm>>
    tpu.enqueue_dma source(%dma_start3A_357 : memref<32768xi32, #tpu.memory_space<hbm>>) target(%arg6 : memref<32768xi32, #tpu.memory_space<vmem>>) target_semaphore(%arg14 : memref<!tpu.dma_semaphore, #tpu.memory_space<semaphore_mem>>)
    %dma_wait3A_358 = tpu.memref_slice %arg2[%add3A_329] : memref<8388608xi32, #tpu.memory_space<hbm>> -> memref<32768xi32, #tpu.memory_space<hbm>>
    %dma_wait3A_359 = tpu.memref_slice %arg2[%add3A_329] : memref<8388608xi32, #tpu.memory_space<hbm>> -> memref<32768xi32, #tpu.memory_space<hbm>>
    tpu.wait_dma2 semaphore(%arg15 : memref<!tpu.dma_semaphore, #tpu.memory_space<semaphore_mem>>) src(%dma_wait3A_359 : memref<32768xi32, #tpu.memory_space<hbm>>) dst(%arg7 : memref<32768xi32, #tpu.memory_space<vmem>>)
    %dma_start3A_360 = arith.constant 29696 : i32
    %dma_start3A_361 = tpu.memref_slice %arg7[%dma_start3A_360] : memref<32768xi32, #tpu.memory_space<vmem>> -> memref<3072xi32, #tpu.memory_space<vmem>>
    %dma_start3A_362 = arith.constant 0 : i32
    %dma_start3A_363 = tpu.memref_slice %arg12[%dma_start3A_362] : memref<112xf32, #tpu.memory_space<vmem_shared>> -> memref<112xf32, #tpu.memory_space<vmem_shared>>
    tpu.enqueue_indirect_dma source(%dma_start3A_363 : memref<112xf32, #tpu.memory_space<vmem_shared>>) target(%arg9 : memref<3072xf32, #tpu.memory_space<vmem>>) offsets(%dma_start3A_361 : memref<3072xi32, #tpu.memory_space<vmem>>) semaphore(%arg17 : memref<!tpu.dma_semaphore, #tpu.memory_space<semaphore_mem>>)
    %scan3A_364 = arith.constant 0 : i32
    %scan3A_365 = arith.constant 0 : i32
    %scan3A_366 = arith.constant 116 : i32
    %scan3A_367 = arith.addi %scan3A_365, %scan3A_366 : i32
    %scan3A_368 = arith.constant 1 : i32
    scf.for %scan3A_1036 = %scan3A_365 to %scan3A_367 step %scan3A_368  : i32 {
      %mul3A_1037 = arith.constant 256 : i32
      %mul3A_1038 = arith.muli %scan3A_1036, %mul3A_1037 : i32
      %add3A_1039 = arith.constant 0 : i32
      %add3A_1040 = arith.addi %mul3A_1038, %add3A_1039 : i32
      %get3A_1041 = arith.index_cast %add3A_1040 : i32 to index
      %get3A_1042 = tpu.vector_load %arg7[%get3A_1041] {strides = array<i32>} : memref<32768xi32, #tpu.memory_space<vmem>>, vector<16xi32>,
      %add3A_1043 = arith.constant 16 : i32
      %add3A_1044 = arith.addi %mul3A_1038, %add3A_1043 : i32
      %get3A_1045 = arith.index_cast %add3A_1044 : i32 to index
      %get3A_1046 = tpu.vector_load %arg7[%get3A_1045] {strides = array<i32>} : memref<32768xi32, #tpu.memory_space<vmem>>, vector<16xi32>,
      %add3A_1047 = arith.constant 32 : i32
      %add3A_1048 = arith.addi %mul3A_1038, %add3A_1047 : i32
      %get3A_1049 = arith.index_cast %add3A_1048 : i32 to index
      %get3A_1050 = tpu.vector_load %arg7[%get3A_1049] {strides = array<i32>} : memref<32768xi32, #tpu.memory_space<vmem>>, vector<16xi32>,
      %add3A_1051 = arith.constant 48 : i32
      %add3A_1052 = arith.addi %mul3A_1038, %add3A_1051 : i32
      %get3A_1053 = arith.index_cast %add3A_1052 : i32 to index
      %get3A_1054 = tpu.vector_load %arg7[%get3A_1053] {strides = array<i32>} : memref<32768xi32, #tpu.memory_space<vmem>>, vector<16xi32>,
      %add3A_1055 = arith.constant 64 : i32
      %add3A_1056 = arith.addi %mul3A_1038, %add3A_1055 : i32
      %get3A_1057 = arith.index_cast %add3A_1056 : i32 to index
      %get3A_1058 = tpu.vector_load %arg7[%get3A_1057] {strides = array<i32>} : memref<32768xi32, #tpu.memory_space<vmem>>, vector<16xi32>,
      %add3A_1059 = arith.constant 80 : i32
      %add3A_1060 = arith.addi %mul3A_1038, %add3A_1059 : i32
      %get3A_1061 = arith.index_cast %add3A_1060 : i32 to index
      %get3A_1062 = tpu.vector_load %arg7[%get3A_1061] {strides = array<i32>} : memref<32768xi32, #tpu.memory_space<vmem>>, vector<16xi32>,
      %add3A_1063 = arith.constant 96 : i32
      %add3A_1064 = arith.addi %mul3A_1038, %add3A_1063 : i32
      %get3A_1065 = arith.index_cast %add3A_1064 : i32 to index
      %get3A_1066 = tpu.vector_load %arg7[%get3A_1065] {strides = array<i32>} : memref<32768xi32, #tpu.memory_space<vmem>>, vector<16xi32>,
      %add3A_1067 = arith.constant 112 : i32
      %add3A_1068 = arith.addi %mul3A_1038, %add3A_1067 : i32
      %get3A_1069 = arith.index_cast %add3A_1068 : i32 to index
      %get3A_1070 = tpu.vector_load %arg7[%get3A_1069] {strides = array<i32>} : memref<32768xi32, #tpu.memory_space<vmem>>, vector<16xi32>,
      %add3A_1071 = arith.constant 128 : i32
      %add3A_1072 = arith.addi %mul3A_1038, %add3A_1071 : i32
      %get3A_1073 = arith.index_cast %add3A_1072 : i32 to index
      %get3A_1074 = tpu.vector_load %arg7[%get3A_1073] {strides = array<i32>} : memref<32768xi32, #tpu.memory_space<vmem>>, vector<16xi32>,
      %add3A_1075 = arith.constant 144 : i32
      %add3A_1076 = arith.addi %mul3A_1038, %add3A_1075 : i32
      %get3A_1077 = arith.index_cast %add3A_1076 : i32 to index
      %get3A_1078 = tpu.vector_load %arg7[%get3A_1077] {strides = array<i32>} : memref<32768xi32, #tpu.memory_space<vmem>>, vector<16xi32>,
      %add3A_1079 = arith.constant 160 : i32
      %add3A_1080 = arith.addi %mul3A_1038, %add3A_1079 : i32
      %get3A_1081 = arith.index_cast %add3A_1080 : i32 to index
      %get3A_1082 = tpu.vector_load %arg7[%get3A_1081] {strides = array<i32>} : memref<32768xi32, #tpu.memory_space<vmem>>, vector<16xi32>,
      %add3A_1083 = arith.constant 176 : i32
      %add3A_1084 = arith.addi %mul3A_1038, %add3A_1083 : i32
      %get3A_1085 = arith.index_cast %add3A_1084 : i32 to index
      %get3A_1086 = tpu.vector_load %arg7[%get3A_1085] {strides = array<i32>} : memref<32768xi32, #tpu.memory_space<vmem>>, vector<16xi32>,
      %add3A_1087 = arith.constant 192 : i32
      %add3A_1088 = arith.addi %mul3A_1038, %add3A_1087 : i32
      %get3A_1089 = arith.index_cast %add3A_1088 : i32 to index
      %get3A_1090 = tpu.vector_load %arg7[%get3A_1089] {strides = array<i32>} : memref<32768xi32, #tpu.memory_space<vmem>>, vector<16xi32>,
      %add3A_1091 = arith.constant 208 : i32
      %add3A_1092 = arith.addi %mul3A_1038, %add3A_1091 : i32
      %get3A_1093 = arith.index_cast %add3A_1092 : i32 to index
      %get3A_1094 = tpu.vector_load %arg7[%get3A_1093] {strides = array<i32>} : memref<32768xi32, #tpu.memory_space<vmem>>, vector<16xi32>,
      %add3A_1095 = arith.constant 224 : i32
      %add3A_1096 = arith.addi %mul3A_1038, %add3A_1095 : i32
      %get3A_1097 = arith.index_cast %add3A_1096 : i32 to index
      %get3A_1098 = tpu.vector_load %arg7[%get3A_1097] {strides = array<i32>} : memref<32768xi32, #tpu.memory_space<vmem>>, vector<16xi32>,
      %add3A_1099 = arith.constant 240 : i32
      %add3A_1100 = arith.addi %mul3A_1038, %add3A_1099 : i32
      %get3A_1101 = arith.index_cast %add3A_1100 : i32 to index
      %get3A_1102 = tpu.vector_load %arg7[%get3A_1101] {strides = array<i32>} : memref<32768xi32, #tpu.memory_space<vmem>>, vector<16xi32>,
      %mul3A_1103 = arith.constant 16 : i32
      %mul3A_1104 = vector.broadcast %mul3A_1103 : i32 to vector<16xi32>
      %mul3A_1105 = arith.muli %get3A_1042, %mul3A_1104 : vector<16xi32>
      %add3A_1106 = arith.addi %mul3A_1105, %iota3A : vector<16xi32>
      %mul3A_1107 = arith.constant 16 : i32
      %mul3A_1108 = vector.broadcast %mul3A_1107 : i32 to vector<16xi32>
      %mul3A_1109 = arith.muli %get3A_1046, %mul3A_1108 : vector<16xi32>
      %add3A_1110 = arith.addi %mul3A_1109, %iota3A : vector<16xi32>
      %mul3A_1111 = arith.constant 16 : i32
      %mul3A_1112 = vector.broadcast %mul3A_1111 : i32 to vector<16xi32>
      %mul3A_1113 = arith.muli %get3A_1050, %mul3A_1112 : vector<16xi32>
      %add3A_1114 = arith.addi %mul3A_1113, %iota3A : vector<16xi32>
      %mul3A_1115 = arith.constant 16 : i32
      %mul3A_1116 = vector.broadcast %mul3A_1115 : i32 to vector<16xi32>
      %mul3A_1117 = arith.muli %get3A_1054, %mul3A_1116 : vector<16xi32>
      %add3A_1118 = arith.addi %mul3A_1117, %iota3A : vector<16xi32>
      %mul3A_1119 = arith.constant 16 : i32
      %mul3A_1120 = vector.broadcast %mul3A_1119 : i32 to vector<16xi32>
      %mul3A_1121 = arith.muli %get3A_1058, %mul3A_1120 : vector<16xi32>
      %add3A_1122 = arith.addi %mul3A_1121, %iota3A : vector<16xi32>
      %mul3A_1123 = arith.constant 16 : i32
      %mul3A_1124 = vector.broadcast %mul3A_1123 : i32 to vector<16xi32>
      %mul3A_1125 = arith.muli %get3A_1062, %mul3A_1124 : vector<16xi32>
      %add3A_1126 = arith.addi %mul3A_1125, %iota3A : vector<16xi32>
      %mul3A_1127 = arith.constant 16 : i32
      %mul3A_1128 = vector.broadcast %mul3A_1127 : i32 to vector<16xi32>
      %mul3A_1129 = arith.muli %get3A_1066, %mul3A_1128 : vector<16xi32>
      %add3A_1130 = arith.addi %mul3A_1129, %iota3A : vector<16xi32>
      %mul3A_1131 = arith.constant 16 : i32
      %mul3A_1132 = vector.broadcast %mul3A_1131 : i32 to vector<16xi32>
      %mul3A_1133 = arith.muli %get3A_1070, %mul3A_1132 : vector<16xi32>
      %add3A_1134 = arith.addi %mul3A_1133, %iota3A : vector<16xi32>
      %mul3A_1135 = arith.constant 16 : i32
      %mul3A_1136 = vector.broadcast %mul3A_1135 : i32 to vector<16xi32>
      %mul3A_1137 = arith.muli %get3A_1074, %mul3A_1136 : vector<16xi32>
      %add3A_1138 = arith.addi %mul3A_1137, %iota3A : vector<16xi32>
      %mul3A_1139 = arith.constant 16 : i32
      %mul3A_1140 = vector.broadcast %mul3A_1139 : i32 to vector<16xi32>
      %mul3A_1141 = arith.muli %get3A_1078, %mul3A_1140 : vector<16xi32>
      %add3A_1142 = arith.addi %mul3A_1141, %iota3A : vector<16xi32>
      %mul3A_1143 = arith.constant 16 : i32
      %mul3A_1144 = vector.broadcast %mul3A_1143 : i32 to vector<16xi32>
      %mul3A_1145 = arith.muli %get3A_1082, %mul3A_1144 : vector<16xi32>
      %add3A_1146 = arith.addi %mul3A_1145, %iota3A : vector<16xi32>
      %mul3A_1147 = arith.constant 16 : i32
      %mul3A_1148 = vector.broadcast %mul3A_1147 : i32 to vector<16xi32>
      %mul3A_1149 = arith.muli %get3A_1086, %mul3A_1148 : vector<16xi32>
      %add3A_1150 = arith.addi %mul3A_1149, %iota3A : vector<16xi32>
      %mul3A_1151 = arith.constant 16 : i32
      %mul3A_1152 = vector.broadcast %mul3A_1151 : i32 to vector<16xi32>
      %mul3A_1153 = arith.muli %get3A_1090, %mul3A_1152 : vector<16xi32>
      %add3A_1154 = arith.addi %mul3A_1153, %iota3A : vector<16xi32>
      %mul3A_1155 = arith.constant 16 : i32
      %mul3A_1156 = vector.broadcast %mul3A_1155 : i32 to vector<16xi32>
      %mul3A_1157 = arith.muli %get3A_1094, %mul3A_1156 : vector<16xi32>
      %add3A_1158 = arith.addi %mul3A_1157, %iota3A : vector<16xi32>
      %mul3A_1159 = arith.constant 16 : i32
      %mul3A_1160 = vector.broadcast %mul3A_1159 : i32 to vector<16xi32>
      %mul3A_1161 = arith.muli %get3A_1098, %mul3A_1160 : vector<16xi32>
      %add3A_1162 = arith.addi %mul3A_1161, %iota3A : vector<16xi32>
      %mul3A_1163 = arith.constant 16 : i32
      %mul3A_1164 = vector.broadcast %mul3A_1163 : i32 to vector<16xi32>
      %mul3A_1165 = arith.muli %get3A_1102, %mul3A_1164 : vector<16xi32>
      %add3A_1166 = arith.addi %mul3A_1165, %iota3A : vector<16xi32>
      tpu.vector_store_idx %arg10[%add3A_1106], %broadcast_in_dim3A_206 {add = true} : memref<1600xf32, #tpu.memory_space<vmem>>[vector<16xi32>], vector<16xf32>,
      tpu.vector_store_idx %arg10[%add3A_1110], %broadcast_in_dim3A_206 {add = true} : memref<1600xf32, #tpu.memory_space<vmem>>[vector<16xi32>], vector<16xf32>,
      tpu.vector_store_idx %arg10[%add3A_1114], %broadcast_in_dim3A_206 {add = true} : memref<1600xf32, #tpu.memory_space<vmem>>[vector<16xi32>], vector<16xf32>,
      tpu.vector_store_idx %arg10[%add3A_1118], %broadcast_in_dim3A_206 {add = true} : memref<1600xf32, #tpu.memory_space<vmem>>[vector<16xi32>], vector<16xf32>,
      tpu.vector_store_idx %arg10[%add3A_1122], %broadcast_in_dim3A_206 {add = true} : memref<1600xf32, #tpu.memory_space<vmem>>[vector<16xi32>], vector<16xf32>,
      tpu.vector_store_idx %arg10[%add3A_1126], %broadcast_in_dim3A_206 {add = true} : memref<1600xf32, #tpu.memory_space<vmem>>[vector<16xi32>], vector<16xf32>,
      tpu.vector_store_idx %arg10[%add3A_1130], %broadcast_in_dim3A_206 {add = true} : memref<1600xf32, #tpu.memory_space<vmem>>[vector<16xi32>], vector<16xf32>,
      tpu.vector_store_idx %arg10[%add3A_1134], %broadcast_in_dim3A_206 {add = true} : memref<1600xf32, #tpu.memory_space<vmem>>[vector<16xi32>], vector<16xf32>,
      tpu.vector_store_idx %arg10[%add3A_1138], %broadcast_in_dim3A_206 {add = true} : memref<1600xf32, #tpu.memory_space<vmem>>[vector<16xi32>], vector<16xf32>,
      tpu.vector_store_idx %arg10[%add3A_1142], %broadcast_in_dim3A_206 {add = true} : memref<1600xf32, #tpu.memory_space<vmem>>[vector<16xi32>], vector<16xf32>,
      tpu.vector_store_idx %arg10[%add3A_1146], %broadcast_in_dim3A_206 {add = true} : memref<1600xf32, #tpu.memory_space<vmem>>[vector<16xi32>], vector<16xf32>,
      tpu.vector_store_idx %arg10[%add3A_1150], %broadcast_in_dim3A_206 {add = true} : memref<1600xf32, #tpu.memory_space<vmem>>[vector<16xi32>], vector<16xf32>,
      tpu.vector_store_idx %arg10[%add3A_1154], %broadcast_in_dim3A_206 {add = true} : memref<1600xf32, #tpu.memory_space<vmem>>[vector<16xi32>], vector<16xf32>,
      tpu.vector_store_idx %arg10[%add3A_1158], %broadcast_in_dim3A_206 {add = true} : memref<1600xf32, #tpu.memory_space<vmem>>[vector<16xi32>], vector<16xf32>,
      tpu.vector_store_idx %arg10[%add3A_1162], %broadcast_in_dim3A_206 {add = true} : memref<1600xf32, #tpu.memory_space<vmem>>[vector<16xi32>], vector<16xf32>,
      tpu.vector_store_idx %arg10[%add3A_1166], %broadcast_in_dim3A_206 {add = true} : memref<1600xf32, #tpu.memory_space<vmem>>[vector<16xi32>], vector<16xf32>,
    }
    %scan3A_369 = arith.constant 116 : i32
    %dma_wait3A_370 = arith.constant 29696 : i32
    %dma_wait3A_371 = tpu.memref_slice %arg7[%dma_wait3A_370] : memref<32768xi32, #tpu.memory_space<vmem>> -> memref<3072xi32, #tpu.memory_space<vmem>>
    %dma_wait3A_372 = arith.constant 0 : i32
    %dma_wait3A_373 = tpu.memref_slice %arg12[%dma_wait3A_372] : memref<112xf32, #tpu.memory_space<vmem_shared>> -> memref<112xf32, #tpu.memory_space<vmem_shared>>
    tpu.wait_indirect_dma semaphore(%arg17 : memref<!tpu.dma_semaphore, #tpu.memory_space<semaphore_mem>>) src(%dma_wait3A_373 : memref<112xf32, #tpu.memory_space<vmem_shared>>) dst(%arg9 : memref<3072xf32, #tpu.memory_space<vmem>>)
    %scan3A_374 = arith.constant 0 : i32
    %scan3A_375 = arith.constant 24 : i32
    %scan3A_376 = arith.addi %scan3A_374, %scan3A_375 : i32
    %scan3A_377 = arith.constant 1 : i32
    %scan3A_378:8 = scf.for %scan3A_1036 = %scan3A_374 to %scan3A_376 step %scan3A_377 iter_args(%scan3A_1037 = %scan3A_352#0, %scan3A_1038 = %scan3A_352#1, %scan3A_1039 = %scan3A_352#2, %scan3A_1040 = %scan3A_352#3, %scan3A_1041 = %scan3A_352#4, %scan3A_1042 = %scan3A_352#5, %scan3A_1043 = %scan3A_352#6, %scan3A_1044 = %scan3A_352#7) -> (vector<16xf32>, vector<16xf32>, vector<16xf32>, vector<16xf32>, vector<16xf32>, vector<16xf32>, vector<16xf32>, vector<16xf32>)  : i32 {
      %mul3A_1045 = arith.constant 8 : i32
      %mul3A_1046 = arith.muli %scan3A_1036, %mul3A_1045 : i32
      %add3A_1047 = arith.constant 0 : i32
      %add3A_1048 = arith.addi %mul3A_1046, %add3A_1047 : i32
      %mul3A_1049 = arith.constant 16 : i32
      %mul3A_1050 = arith.muli %add3A_1048, %mul3A_1049 : i32
      %get3A_1051 = arith.index_cast %mul3A_1050 : i32 to index
      %get3A_1052 = tpu.vector_load %arg9[%get3A_1051] {strides = array<i32>} : memref<3072xf32, #tpu.memory_space<vmem>>, vector<16xf32>,
      %mul3A_1053 = arith.constant 8 : i32
      %mul3A_1054 = arith.muli %scan3A_1036, %mul3A_1053 : i32
      %add3A_1055 = arith.constant 1 : i32
      %add3A_1056 = arith.addi %mul3A_1054, %add3A_1055 : i32
      %mul3A_1057 = arith.constant 16 : i32
      %mul3A_1058 = arith.muli %add3A_1056, %mul3A_1057 : i32
      %get3A_1059 = arith.index_cast %mul3A_1058 : i32 to index
      %get3A_1060 = tpu.vector_load %arg9[%get3A_1059] {strides = array<i32>} : memref<3072xf32, #tpu.memory_space<vmem>>, vector<16xf32>,
      %mul3A_1061 = arith.constant 8 : i32
      %mul3A_1062 = arith.muli %scan3A_1036, %mul3A_1061 : i32
      %add3A_1063 = arith.constant 2 : i32
      %add3A_1064 = arith.addi %mul3A_1062, %add3A_1063 : i32
      %mul3A_1065 = arith.constant 16 : i32
      %mul3A_1066 = arith.muli %add3A_1064, %mul3A_1065 : i32
      %get3A_1067 = arith.index_cast %mul3A_1066 : i32 to index
      %get3A_1068 = tpu.vector_load %arg9[%get3A_1067] {strides = array<i32>} : memref<3072xf32, #tpu.memory_space<vmem>>, vector<16xf32>,
      %mul3A_1069 = arith.constant 8 : i32
      %mul3A_1070 = arith.muli %scan3A_1036, %mul3A_1069 : i32
      %add3A_1071 = arith.constant 3 : i32
      %add3A_1072 = arith.addi %mul3A_1070, %add3A_1071 : i32
      %mul3A_1073 = arith.constant 16 : i32
      %mul3A_1074 = arith.muli %add3A_1072, %mul3A_1073 : i32
      %get3A_1075 = arith.index_cast %mul3A_1074 : i32 to index
      %get3A_1076 = tpu.vector_load %arg9[%get3A_1075] {strides = array<i32>} : memref<3072xf32, #tpu.memory_space<vmem>>, vector<16xf32>,
      %mul3A_1077 = arith.constant 8 : i32
      %mul3A_1078 = arith.muli %scan3A_1036, %mul3A_1077 : i32
      %add3A_1079 = arith.constant 4 : i32
      %add3A_1080 = arith.addi %mul3A_1078, %add3A_1079 : i32
      %mul3A_1081 = arith.constant 16 : i32
      %mul3A_1082 = arith.muli %add3A_1080, %mul3A_1081 : i32
      %get3A_1083 = arith.index_cast %mul3A_1082 : i32 to index
      %get3A_1084 = tpu.vector_load %arg9[%get3A_1083] {strides = array<i32>} : memref<3072xf32, #tpu.memory_space<vmem>>, vector<16xf32>,
      %mul3A_1085 = arith.constant 8 : i32
      %mul3A_1086 = arith.muli %scan3A_1036, %mul3A_1085 : i32
      %add3A_1087 = arith.constant 5 : i32
      %add3A_1088 = arith.addi %mul3A_1086, %add3A_1087 : i32
      %mul3A_1089 = arith.constant 16 : i32
      %mul3A_1090 = arith.muli %add3A_1088, %mul3A_1089 : i32
      %get3A_1091 = arith.index_cast %mul3A_1090 : i32 to index
      %get3A_1092 = tpu.vector_load %arg9[%get3A_1091] {strides = array<i32>} : memref<3072xf32, #tpu.memory_space<vmem>>, vector<16xf32>,
      %mul3A_1093 = arith.constant 8 : i32
      %mul3A_1094 = arith.muli %scan3A_1036, %mul3A_1093 : i32
      %add3A_1095 = arith.constant 6 : i32
      %add3A_1096 = arith.addi %mul3A_1094, %add3A_1095 : i32
      %mul3A_1097 = arith.constant 16 : i32
      %mul3A_1098 = arith.muli %add3A_1096, %mul3A_1097 : i32
      %get3A_1099 = arith.index_cast %mul3A_1098 : i32 to index
      %get3A_1100 = tpu.vector_load %arg9[%get3A_1099] {strides = array<i32>} : memref<3072xf32, #tpu.memory_space<vmem>>, vector<16xf32>,
      %mul3A_1101 = arith.constant 8 : i32
      %mul3A_1102 = arith.muli %scan3A_1036, %mul3A_1101 : i32
      %add3A_1103 = arith.constant 7 : i32
      %add3A_1104 = arith.addi %mul3A_1102, %add3A_1103 : i32
      %mul3A_1105 = arith.constant 16 : i32
      %mul3A_1106 = arith.muli %add3A_1104, %mul3A_1105 : i32
      %get3A_1107 = arith.index_cast %mul3A_1106 : i32 to index
      %get3A_1108 = tpu.vector_load %arg9[%get3A_1107] {strides = array<i32>} : memref<3072xf32, #tpu.memory_space<vmem>>, vector<16xf32>,
      %add3A_1109 = arith.addf %scan3A_1037, %get3A_1052 : vector<16xf32>
      %add3A_1110 = arith.addf %scan3A_1038, %get3A_1060 : vector<16xf32>
      %add3A_1111 = arith.addf %scan3A_1039, %get3A_1068 : vector<16xf32>
      %add3A_1112 = arith.addf %scan3A_1040, %get3A_1076 : vector<16xf32>
      %add3A_1113 = arith.addf %scan3A_1041, %get3A_1084 : vector<16xf32>
      %add3A_1114 = arith.addf %scan3A_1042, %get3A_1092 : vector<16xf32>
      %add3A_1115 = arith.addf %scan3A_1043, %get3A_1100 : vector<16xf32>
      %add3A_1116 = arith.addf %scan3A_1044, %get3A_1108 : vector<16xf32>
      scf.yield %add3A_1109, %add3A_1110, %add3A_1111, %add3A_1112, %add3A_1113, %add3A_1114, %add3A_1115, %add3A_1116 : vector<16xf32>, vector<16xf32>, vector<16xf32>, vector<16xf32>, vector<16xf32>, vector<16xf32>, vector<16xf32>, vector<16xf32>
    }
    %scan3A_379 = arith.constant 24 : i32
    %add3A_380 = arith.constant 229376 : i32
    %add3A_381 = arith.addi %mul3A_2, %add3A_380 : i32
    %dma_start3A_382 = tpu.memref_slice %arg2[%add3A_381] : memref<8388608xi32, #tpu.memory_space<hbm>> -> memref<32768xi32, #tpu.memory_space<hbm>>
    %dma_start3A_383 = tpu.memref_slice %arg2[%add3A_381] : memref<8388608xi32, #tpu.memory_space<hbm>> -> memref<32768xi32, #tpu.memory_space<hbm>>
    tpu.enqueue_dma source(%dma_start3A_383 : memref<32768xi32, #tpu.memory_space<hbm>>) target(%arg7 : memref<32768xi32, #tpu.memory_space<vmem>>) target_semaphore(%arg15 : memref<!tpu.dma_semaphore, #tpu.memory_space<semaphore_mem>>)
    %dma_wait3A_384 = tpu.memref_slice %arg2[%add3A_355] : memref<8388608xi32, #tpu.memory_space<hbm>> -> memref<32768xi32, #tpu.memory_space<hbm>>
    %dma_wait3A_385 = tpu.memref_slice %arg2[%add3A_355] : memref<8388608xi32, #tpu.memory_space<hbm>> -> memref<32768xi32, #tpu.memory_space<hbm>>
    tpu.wait_dma2 semaphore(%arg14 : memref<!tpu.dma_semaphore, #tpu.memory_space<semaphore_mem>>) src(%dma_wait3A_385 : memref<32768xi32, #tpu.memory_space<hbm>>) dst(%arg6 : memref<32768xi32, #tpu.memory_space<vmem>>)
    %dma_start3A_386 = arith.constant 29696 : i32
    %dma_start3A_387 = tpu.memref_slice %arg6[%dma_start3A_386] : memref<32768xi32, #tpu.memory_space<vmem>> -> memref<3072xi32, #tpu.memory_space<vmem>>
    %dma_start3A_388 = arith.constant 0 : i32
    %dma_start3A_389 = tpu.memref_slice %arg12[%dma_start3A_388] : memref<112xf32, #tpu.memory_space<vmem_shared>> -> memref<112xf32, #tpu.memory_space<vmem_shared>>
    tpu.enqueue_indirect_dma source(%dma_start3A_389 : memref<112xf32, #tpu.memory_space<vmem_shared>>) target(%arg8 : memref<3072xf32, #tpu.memory_space<vmem>>) offsets(%dma_start3A_387 : memref<3072xi32, #tpu.memory_space<vmem>>) semaphore(%arg16 : memref<!tpu.dma_semaphore, #tpu.memory_space<semaphore_mem>>)
    %scan3A_390 = arith.constant 0 : i32
    %scan3A_391 = arith.constant 0 : i32
    %scan3A_392 = arith.constant 116 : i32
    %scan3A_393 = arith.addi %scan3A_391, %scan3A_392 : i32
    %scan3A_394 = arith.constant 1 : i32
    scf.for %scan3A_1036 = %scan3A_391 to %scan3A_393 step %scan3A_394  : i32 {
      %mul3A_1037 = arith.constant 256 : i32
      %mul3A_1038 = arith.muli %scan3A_1036, %mul3A_1037 : i32
      %add3A_1039 = arith.constant 0 : i32
      %add3A_1040 = arith.addi %mul3A_1038, %add3A_1039 : i32
      %get3A_1041 = arith.index_cast %add3A_1040 : i32 to index
      %get3A_1042 = tpu.vector_load %arg6[%get3A_1041] {strides = array<i32>} : memref<32768xi32, #tpu.memory_space<vmem>>, vector<16xi32>,
      %add3A_1043 = arith.constant 16 : i32
      %add3A_1044 = arith.addi %mul3A_1038, %add3A_1043 : i32
      %get3A_1045 = arith.index_cast %add3A_1044 : i32 to index
      %get3A_1046 = tpu.vector_load %arg6[%get3A_1045] {strides = array<i32>} : memref<32768xi32, #tpu.memory_space<vmem>>, vector<16xi32>,
      %add3A_1047 = arith.constant 32 : i32
      %add3A_1048 = arith.addi %mul3A_1038, %add3A_1047 : i32
      %get3A_1049 = arith.index_cast %add3A_1048 : i32 to index
      %get3A_1050 = tpu.vector_load %arg6[%get3A_1049] {strides = array<i32>} : memref<32768xi32, #tpu.memory_space<vmem>>, vector<16xi32>,
      %add3A_1051 = arith.constant 48 : i32
      %add3A_1052 = arith.addi %mul3A_1038, %add3A_1051 : i32
      %get3A_1053 = arith.index_cast %add3A_1052 : i32 to index
      %get3A_1054 = tpu.vector_load %arg6[%get3A_1053] {strides = array<i32>} : memref<32768xi32, #tpu.memory_space<vmem>>, vector<16xi32>,
      %add3A_1055 = arith.constant 64 : i32
      %add3A_1056 = arith.addi %mul3A_1038, %add3A_1055 : i32
      %get3A_1057 = arith.index_cast %add3A_1056 : i32 to index
      %get3A_1058 = tpu.vector_load %arg6[%get3A_1057] {strides = array<i32>} : memref<32768xi32, #tpu.memory_space<vmem>>, vector<16xi32>,
      %add3A_1059 = arith.constant 80 : i32
      %add3A_1060 = arith.addi %mul3A_1038, %add3A_1059 : i32
      %get3A_1061 = arith.index_cast %add3A_1060 : i32 to index
      %get3A_1062 = tpu.vector_load %arg6[%get3A_1061] {strides = array<i32>} : memref<32768xi32, #tpu.memory_space<vmem>>, vector<16xi32>,
      %add3A_1063 = arith.constant 96 : i32
      %add3A_1064 = arith.addi %mul3A_1038, %add3A_1063 : i32
      %get3A_1065 = arith.index_cast %add3A_1064 : i32 to index
      %get3A_1066 = tpu.vector_load %arg6[%get3A_1065] {strides = array<i32>} : memref<32768xi32, #tpu.memory_space<vmem>>, vector<16xi32>,
      %add3A_1067 = arith.constant 112 : i32
      %add3A_1068 = arith.addi %mul3A_1038, %add3A_1067 : i32
      %get3A_1069 = arith.index_cast %add3A_1068 : i32 to index
      %get3A_1070 = tpu.vector_load %arg6[%get3A_1069] {strides = array<i32>} : memref<32768xi32, #tpu.memory_space<vmem>>, vector<16xi32>,
      %add3A_1071 = arith.constant 128 : i32
      %add3A_1072 = arith.addi %mul3A_1038, %add3A_1071 : i32
      %get3A_1073 = arith.index_cast %add3A_1072 : i32 to index
      %get3A_1074 = tpu.vector_load %arg6[%get3A_1073] {strides = array<i32>} : memref<32768xi32, #tpu.memory_space<vmem>>, vector<16xi32>,
      %add3A_1075 = arith.constant 144 : i32
      %add3A_1076 = arith.addi %mul3A_1038, %add3A_1075 : i32
      %get3A_1077 = arith.index_cast %add3A_1076 : i32 to index
      %get3A_1078 = tpu.vector_load %arg6[%get3A_1077] {strides = array<i32>} : memref<32768xi32, #tpu.memory_space<vmem>>, vector<16xi32>,
      %add3A_1079 = arith.constant 160 : i32
      %add3A_1080 = arith.addi %mul3A_1038, %add3A_1079 : i32
      %get3A_1081 = arith.index_cast %add3A_1080 : i32 to index
      %get3A_1082 = tpu.vector_load %arg6[%get3A_1081] {strides = array<i32>} : memref<32768xi32, #tpu.memory_space<vmem>>, vector<16xi32>,
      %add3A_1083 = arith.constant 176 : i32
      %add3A_1084 = arith.addi %mul3A_1038, %add3A_1083 : i32
      %get3A_1085 = arith.index_cast %add3A_1084 : i32 to index
      %get3A_1086 = tpu.vector_load %arg6[%get3A_1085] {strides = array<i32>} : memref<32768xi32, #tpu.memory_space<vmem>>, vector<16xi32>,
      %add3A_1087 = arith.constant 192 : i32
      %add3A_1088 = arith.addi %mul3A_1038, %add3A_1087 : i32
      %get3A_1089 = arith.index_cast %add3A_1088 : i32 to index
      %get3A_1090 = tpu.vector_load %arg6[%get3A_1089] {strides = array<i32>} : memref<32768xi32, #tpu.memory_space<vmem>>, vector<16xi32>,
      %add3A_1091 = arith.constant 208 : i32
      %add3A_1092 = arith.addi %mul3A_1038, %add3A_1091 : i32
      %get3A_1093 = arith.index_cast %add3A_1092 : i32 to index
      %get3A_1094 = tpu.vector_load %arg6[%get3A_1093] {strides = array<i32>} : memref<32768xi32, #tpu.memory_space<vmem>>, vector<16xi32>,
      %add3A_1095 = arith.constant 224 : i32
      %add3A_1096 = arith.addi %mul3A_1038, %add3A_1095 : i32
      %get3A_1097 = arith.index_cast %add3A_1096 : i32 to index
      %get3A_1098 = tpu.vector_load %arg6[%get3A_1097] {strides = array<i32>} : memref<32768xi32, #tpu.memory_space<vmem>>, vector<16xi32>,
      %add3A_1099 = arith.constant 240 : i32
      %add3A_1100 = arith.addi %mul3A_1038, %add3A_1099 : i32
      %get3A_1101 = arith.index_cast %add3A_1100 : i32 to index
      %get3A_1102 = tpu.vector_load %arg6[%get3A_1101] {strides = array<i32>} : memref<32768xi32, #tpu.memory_space<vmem>>, vector<16xi32>,
      %mul3A_1103 = arith.constant 16 : i32
      %mul3A_1104 = vector.broadcast %mul3A_1103 : i32 to vector<16xi32>
      %mul3A_1105 = arith.muli %get3A_1042, %mul3A_1104 : vector<16xi32>
      %add3A_1106 = arith.addi %mul3A_1105, %iota3A : vector<16xi32>
      %mul3A_1107 = arith.constant 16 : i32
      %mul3A_1108 = vector.broadcast %mul3A_1107 : i32 to vector<16xi32>
      %mul3A_1109 = arith.muli %get3A_1046, %mul3A_1108 : vector<16xi32>
      %add3A_1110 = arith.addi %mul3A_1109, %iota3A : vector<16xi32>
      %mul3A_1111 = arith.constant 16 : i32
      %mul3A_1112 = vector.broadcast %mul3A_1111 : i32 to vector<16xi32>
      %mul3A_1113 = arith.muli %get3A_1050, %mul3A_1112 : vector<16xi32>
      %add3A_1114 = arith.addi %mul3A_1113, %iota3A : vector<16xi32>
      %mul3A_1115 = arith.constant 16 : i32
      %mul3A_1116 = vector.broadcast %mul3A_1115 : i32 to vector<16xi32>
      %mul3A_1117 = arith.muli %get3A_1054, %mul3A_1116 : vector<16xi32>
      %add3A_1118 = arith.addi %mul3A_1117, %iota3A : vector<16xi32>
      %mul3A_1119 = arith.constant 16 : i32
      %mul3A_1120 = vector.broadcast %mul3A_1119 : i32 to vector<16xi32>
      %mul3A_1121 = arith.muli %get3A_1058, %mul3A_1120 : vector<16xi32>
      %add3A_1122 = arith.addi %mul3A_1121, %iota3A : vector<16xi32>
      %mul3A_1123 = arith.constant 16 : i32
      %mul3A_1124 = vector.broadcast %mul3A_1123 : i32 to vector<16xi32>
      %mul3A_1125 = arith.muli %get3A_1062, %mul3A_1124 : vector<16xi32>
      %add3A_1126 = arith.addi %mul3A_1125, %iota3A : vector<16xi32>
      %mul3A_1127 = arith.constant 16 : i32
      %mul3A_1128 = vector.broadcast %mul3A_1127 : i32 to vector<16xi32>
      %mul3A_1129 = arith.muli %get3A_1066, %mul3A_1128 : vector<16xi32>
      %add3A_1130 = arith.addi %mul3A_1129, %iota3A : vector<16xi32>
      %mul3A_1131 = arith.constant 16 : i32
      %mul3A_1132 = vector.broadcast %mul3A_1131 : i32 to vector<16xi32>
      %mul3A_1133 = arith.muli %get3A_1070, %mul3A_1132 : vector<16xi32>
      %add3A_1134 = arith.addi %mul3A_1133, %iota3A : vector<16xi32>
      %mul3A_1135 = arith.constant 16 : i32
      %mul3A_1136 = vector.broadcast %mul3A_1135 : i32 to vector<16xi32>
      %mul3A_1137 = arith.muli %get3A_1074, %mul3A_1136 : vector<16xi32>
      %add3A_1138 = arith.addi %mul3A_1137, %iota3A : vector<16xi32>
      %mul3A_1139 = arith.constant 16 : i32
      %mul3A_1140 = vector.broadcast %mul3A_1139 : i32 to vector<16xi32>
      %mul3A_1141 = arith.muli %get3A_1078, %mul3A_1140 : vector<16xi32>
      %add3A_1142 = arith.addi %mul3A_1141, %iota3A : vector<16xi32>
      %mul3A_1143 = arith.constant 16 : i32
      %mul3A_1144 = vector.broadcast %mul3A_1143 : i32 to vector<16xi32>
      %mul3A_1145 = arith.muli %get3A_1082, %mul3A_1144 : vector<16xi32>
      %add3A_1146 = arith.addi %mul3A_1145, %iota3A : vector<16xi32>
      %mul3A_1147 = arith.constant 16 : i32
      %mul3A_1148 = vector.broadcast %mul3A_1147 : i32 to vector<16xi32>
      %mul3A_1149 = arith.muli %get3A_1086, %mul3A_1148 : vector<16xi32>
      %add3A_1150 = arith.addi %mul3A_1149, %iota3A : vector<16xi32>
      %mul3A_1151 = arith.constant 16 : i32
      %mul3A_1152 = vector.broadcast %mul3A_1151 : i32 to vector<16xi32>
      %mul3A_1153 = arith.muli %get3A_1090, %mul3A_1152 : vector<16xi32>
      %add3A_1154 = arith.addi %mul3A_1153, %iota3A : vector<16xi32>
      %mul3A_1155 = arith.constant 16 : i32
      %mul3A_1156 = vector.broadcast %mul3A_1155 : i32 to vector<16xi32>
      %mul3A_1157 = arith.muli %get3A_1094, %mul3A_1156 : vector<16xi32>
      %add3A_1158 = arith.addi %mul3A_1157, %iota3A : vector<16xi32>
      %mul3A_1159 = arith.constant 16 : i32
      %mul3A_1160 = vector.broadcast %mul3A_1159 : i32 to vector<16xi32>
      %mul3A_1161 = arith.muli %get3A_1098, %mul3A_1160 : vector<16xi32>
      %add3A_1162 = arith.addi %mul3A_1161, %iota3A : vector<16xi32>
      %mul3A_1163 = arith.constant 16 : i32
      %mul3A_1164 = vector.broadcast %mul3A_1163 : i32 to vector<16xi32>
      %mul3A_1165 = arith.muli %get3A_1102, %mul3A_1164 : vector<16xi32>
      %add3A_1166 = arith.addi %mul3A_1165, %iota3A : vector<16xi32>
      tpu.vector_store_idx %arg10[%add3A_1106], %broadcast_in_dim3A_206 {add = true} : memref<1600xf32, #tpu.memory_space<vmem>>[vector<16xi32>], vector<16xf32>,
      tpu.vector_store_idx %arg10[%add3A_1110], %broadcast_in_dim3A_206 {add = true} : memref<1600xf32, #tpu.memory_space<vmem>>[vector<16xi32>], vector<16xf32>,
      tpu.vector_store_idx %arg10[%add3A_1114], %broadcast_in_dim3A_206 {add = true} : memref<1600xf32, #tpu.memory_space<vmem>>[vector<16xi32>], vector<16xf32>,
      tpu.vector_store_idx %arg10[%add3A_1118], %broadcast_in_dim3A_206 {add = true} : memref<1600xf32, #tpu.memory_space<vmem>>[vector<16xi32>], vector<16xf32>,
      tpu.vector_store_idx %arg10[%add3A_1122], %broadcast_in_dim3A_206 {add = true} : memref<1600xf32, #tpu.memory_space<vmem>>[vector<16xi32>], vector<16xf32>,
      tpu.vector_store_idx %arg10[%add3A_1126], %broadcast_in_dim3A_206 {add = true} : memref<1600xf32, #tpu.memory_space<vmem>>[vector<16xi32>], vector<16xf32>,
      tpu.vector_store_idx %arg10[%add3A_1130], %broadcast_in_dim3A_206 {add = true} : memref<1600xf32, #tpu.memory_space<vmem>>[vector<16xi32>], vector<16xf32>,
      tpu.vector_store_idx %arg10[%add3A_1134], %broadcast_in_dim3A_206 {add = true} : memref<1600xf32, #tpu.memory_space<vmem>>[vector<16xi32>], vector<16xf32>,
      tpu.vector_store_idx %arg10[%add3A_1138], %broadcast_in_dim3A_206 {add = true} : memref<1600xf32, #tpu.memory_space<vmem>>[vector<16xi32>], vector<16xf32>,
      tpu.vector_store_idx %arg10[%add3A_1142], %broadcast_in_dim3A_206 {add = true} : memref<1600xf32, #tpu.memory_space<vmem>>[vector<16xi32>], vector<16xf32>,
      tpu.vector_store_idx %arg10[%add3A_1146], %broadcast_in_dim3A_206 {add = true} : memref<1600xf32, #tpu.memory_space<vmem>>[vector<16xi32>], vector<16xf32>,
      tpu.vector_store_idx %arg10[%add3A_1150], %broadcast_in_dim3A_206 {add = true} : memref<1600xf32, #tpu.memory_space<vmem>>[vector<16xi32>], vector<16xf32>,
      tpu.vector_store_idx %arg10[%add3A_1154], %broadcast_in_dim3A_206 {add = true} : memref<1600xf32, #tpu.memory_space<vmem>>[vector<16xi32>], vector<16xf32>,
      tpu.vector_store_idx %arg10[%add3A_1158], %broadcast_in_dim3A_206 {add = true} : memref<1600xf32, #tpu.memory_space<vmem>>[vector<16xi32>], vector<16xf32>,
      tpu.vector_store_idx %arg10[%add3A_1162], %broadcast_in_dim3A_206 {add = true} : memref<1600xf32, #tpu.memory_space<vmem>>[vector<16xi32>], vector<16xf32>,
      tpu.vector_store_idx %arg10[%add3A_1166], %broadcast_in_dim3A_206 {add = true} : memref<1600xf32, #tpu.memory_space<vmem>>[vector<16xi32>], vector<16xf32>,
    }
    %scan3A_395 = arith.constant 116 : i32
    %dma_wait3A_396 = arith.constant 29696 : i32
    %dma_wait3A_397 = tpu.memref_slice %arg6[%dma_wait3A_396] : memref<32768xi32, #tpu.memory_space<vmem>> -> memref<3072xi32, #tpu.memory_space<vmem>>
    %dma_wait3A_398 = arith.constant 0 : i32
    %dma_wait3A_399 = tpu.memref_slice %arg12[%dma_wait3A_398] : memref<112xf32, #tpu.memory_space<vmem_shared>> -> memref<112xf32, #tpu.memory_space<vmem_shared>>
    tpu.wait_indirect_dma semaphore(%arg16 : memref<!tpu.dma_semaphore, #tpu.memory_space<semaphore_mem>>) src(%dma_wait3A_399 : memref<112xf32, #tpu.memory_space<vmem_shared>>) dst(%arg8 : memref<3072xf32, #tpu.memory_space<vmem>>)
    %scan3A_400 = arith.constant 0 : i32
    %scan3A_401 = arith.constant 24 : i32
    %scan3A_402 = arith.addi %scan3A_400, %scan3A_401 : i32
    %scan3A_403 = arith.constant 1 : i32
    %scan3A_404:8 = scf.for %scan3A_1036 = %scan3A_400 to %scan3A_402 step %scan3A_403 iter_args(%scan3A_1037 = %scan3A_378#0, %scan3A_1038 = %scan3A_378#1, %scan3A_1039 = %scan3A_378#2, %scan3A_1040 = %scan3A_378#3, %scan3A_1041 = %scan3A_378#4, %scan3A_1042 = %scan3A_378#5, %scan3A_1043 = %scan3A_378#6, %scan3A_1044 = %scan3A_378#7) -> (vector<16xf32>, vector<16xf32>, vector<16xf32>, vector<16xf32>, vector<16xf32>, vector<16xf32>, vector<16xf32>, vector<16xf32>)  : i32 {
      %mul3A_1045 = arith.constant 8 : i32
      %mul3A_1046 = arith.muli %scan3A_1036, %mul3A_1045 : i32
      %add3A_1047 = arith.constant 0 : i32
      %add3A_1048 = arith.addi %mul3A_1046, %add3A_1047 : i32
      %mul3A_1049 = arith.constant 16 : i32
      %mul3A_1050 = arith.muli %add3A_1048, %mul3A_1049 : i32
      %get3A_1051 = arith.index_cast %mul3A_1050 : i32 to index
      %get3A_1052 = tpu.vector_load %arg8[%get3A_1051] {strides = array<i32>} : memref<3072xf32, #tpu.memory_space<vmem>>, vector<16xf32>,
      %mul3A_1053 = arith.constant 8 : i32
      %mul3A_1054 = arith.muli %scan3A_1036, %mul3A_1053 : i32
      %add3A_1055 = arith.constant 1 : i32
      %add3A_1056 = arith.addi %mul3A_1054, %add3A_1055 : i32
      %mul3A_1057 = arith.constant 16 : i32
      %mul3A_1058 = arith.muli %add3A_1056, %mul3A_1057 : i32
      %get3A_1059 = arith.index_cast %mul3A_1058 : i32 to index
      %get3A_1060 = tpu.vector_load %arg8[%get3A_1059] {strides = array<i32>} : memref<3072xf32, #tpu.memory_space<vmem>>, vector<16xf32>,
      %mul3A_1061 = arith.constant 8 : i32
      %mul3A_1062 = arith.muli %scan3A_1036, %mul3A_1061 : i32
      %add3A_1063 = arith.constant 2 : i32
      %add3A_1064 = arith.addi %mul3A_1062, %add3A_1063 : i32
      %mul3A_1065 = arith.constant 16 : i32
      %mul3A_1066 = arith.muli %add3A_1064, %mul3A_1065 : i32
      %get3A_1067 = arith.index_cast %mul3A_1066 : i32 to index
      %get3A_1068 = tpu.vector_load %arg8[%get3A_1067] {strides = array<i32>} : memref<3072xf32, #tpu.memory_space<vmem>>, vector<16xf32>,
      %mul3A_1069 = arith.constant 8 : i32
      %mul3A_1070 = arith.muli %scan3A_1036, %mul3A_1069 : i32
      %add3A_1071 = arith.constant 3 : i32
      %add3A_1072 = arith.addi %mul3A_1070, %add3A_1071 : i32
      %mul3A_1073 = arith.constant 16 : i32
      %mul3A_1074 = arith.muli %add3A_1072, %mul3A_1073 : i32
      %get3A_1075 = arith.index_cast %mul3A_1074 : i32 to index
      %get3A_1076 = tpu.vector_load %arg8[%get3A_1075] {strides = array<i32>} : memref<3072xf32, #tpu.memory_space<vmem>>, vector<16xf32>,
      %mul3A_1077 = arith.constant 8 : i32
      %mul3A_1078 = arith.muli %scan3A_1036, %mul3A_1077 : i32
      %add3A_1079 = arith.constant 4 : i32
      %add3A_1080 = arith.addi %mul3A_1078, %add3A_1079 : i32
      %mul3A_1081 = arith.constant 16 : i32
      %mul3A_1082 = arith.muli %add3A_1080, %mul3A_1081 : i32
      %get3A_1083 = arith.index_cast %mul3A_1082 : i32 to index
      %get3A_1084 = tpu.vector_load %arg8[%get3A_1083] {strides = array<i32>} : memref<3072xf32, #tpu.memory_space<vmem>>, vector<16xf32>,
      %mul3A_1085 = arith.constant 8 : i32
      %mul3A_1086 = arith.muli %scan3A_1036, %mul3A_1085 : i32
      %add3A_1087 = arith.constant 5 : i32
      %add3A_1088 = arith.addi %mul3A_1086, %add3A_1087 : i32
      %mul3A_1089 = arith.constant 16 : i32
      %mul3A_1090 = arith.muli %add3A_1088, %mul3A_1089 : i32
      %get3A_1091 = arith.index_cast %mul3A_1090 : i32 to index
      %get3A_1092 = tpu.vector_load %arg8[%get3A_1091] {strides = array<i32>} : memref<3072xf32, #tpu.memory_space<vmem>>, vector<16xf32>,
      %mul3A_1093 = arith.constant 8 : i32
      %mul3A_1094 = arith.muli %scan3A_1036, %mul3A_1093 : i32
      %add3A_1095 = arith.constant 6 : i32
      %add3A_1096 = arith.addi %mul3A_1094, %add3A_1095 : i32
      %mul3A_1097 = arith.constant 16 : i32
      %mul3A_1098 = arith.muli %add3A_1096, %mul3A_1097 : i32
      %get3A_1099 = arith.index_cast %mul3A_1098 : i32 to index
      %get3A_1100 = tpu.vector_load %arg8[%get3A_1099] {strides = array<i32>} : memref<3072xf32, #tpu.memory_space<vmem>>, vector<16xf32>,
      %mul3A_1101 = arith.constant 8 : i32
      %mul3A_1102 = arith.muli %scan3A_1036, %mul3A_1101 : i32
      %add3A_1103 = arith.constant 7 : i32
      %add3A_1104 = arith.addi %mul3A_1102, %add3A_1103 : i32
      %mul3A_1105 = arith.constant 16 : i32
      %mul3A_1106 = arith.muli %add3A_1104, %mul3A_1105 : i32
      %get3A_1107 = arith.index_cast %mul3A_1106 : i32 to index
      %get3A_1108 = tpu.vector_load %arg8[%get3A_1107] {strides = array<i32>} : memref<3072xf32, #tpu.memory_space<vmem>>, vector<16xf32>,
      %add3A_1109 = arith.addf %scan3A_1037, %get3A_1052 : vector<16xf32>
      %add3A_1110 = arith.addf %scan3A_1038, %get3A_1060 : vector<16xf32>
      %add3A_1111 = arith.addf %scan3A_1039, %get3A_1068 : vector<16xf32>
      %add3A_1112 = arith.addf %scan3A_1040, %get3A_1076 : vector<16xf32>
      %add3A_1113 = arith.addf %scan3A_1041, %get3A_1084 : vector<16xf32>
      %add3A_1114 = arith.addf %scan3A_1042, %get3A_1092 : vector<16xf32>
      %add3A_1115 = arith.addf %scan3A_1043, %get3A_1100 : vector<16xf32>
      %add3A_1116 = arith.addf %scan3A_1044, %get3A_1108 : vector<16xf32>
      scf.yield %add3A_1109, %add3A_1110, %add3A_1111, %add3A_1112, %add3A_1113, %add3A_1114, %add3A_1115, %add3A_1116 : vector<16xf32>, vector<16xf32>, vector<16xf32>, vector<16xf32>, vector<16xf32>, vector<16xf32>, vector<16xf32>, vector<16xf32>
    }
    %scan3A_405 = arith.constant 24 : i32
    %dma_wait3A_406 = tpu.memref_slice %arg2[%add3A_381] : memref<8388608xi32, #tpu.memory_space<hbm>> -> memref<32768xi32, #tpu.memory_space<hbm>>
    %dma_wait3A_407 = tpu.memref_slice %arg2[%add3A_381] : memref<8388608xi32, #tpu.memory_space<hbm>> -> memref<32768xi32, #tpu.memory_space<hbm>>
    tpu.wait_dma2 semaphore(%arg15 : memref<!tpu.dma_semaphore, #tpu.memory_space<semaphore_mem>>) src(%dma_wait3A_407 : memref<32768xi32, #tpu.memory_space<hbm>>) dst(%arg7 : memref<32768xi32, #tpu.memory_space<vmem>>)
    %dma_start3A_408 = arith.constant 29696 : i32
    %dma_start3A_409 = tpu.memref_slice %arg7[%dma_start3A_408] : memref<32768xi32, #tpu.memory_space<vmem>> -> memref<3072xi32, #tpu.memory_space<vmem>>
    %dma_start3A_410 = arith.constant 0 : i32
    %dma_start3A_411 = tpu.memref_slice %arg12[%dma_start3A_410] : memref<112xf32, #tpu.memory_space<vmem_shared>> -> memref<112xf32, #tpu.memory_space<vmem_shared>>
    tpu.enqueue_indirect_dma source(%dma_start3A_411 : memref<112xf32, #tpu.memory_space<vmem_shared>>) target(%arg9 : memref<3072xf32, #tpu.memory_space<vmem>>) offsets(%dma_start3A_409 : memref<3072xi32, #tpu.memory_space<vmem>>) semaphore(%arg17 : memref<!tpu.dma_semaphore, #tpu.memory_space<semaphore_mem>>)
    %scan3A_412 = arith.constant 0 : i32
    %scan3A_413 = arith.constant 0 : i32
    %scan3A_414 = arith.constant 116 : i32
    %scan3A_415 = arith.addi %scan3A_413, %scan3A_414 : i32
    %scan3A_416 = arith.constant 1 : i32
    scf.for %scan3A_1036 = %scan3A_413 to %scan3A_415 step %scan3A_416  : i32 {
      %mul3A_1037 = arith.constant 256 : i32
      %mul3A_1038 = arith.muli %scan3A_1036, %mul3A_1037 : i32
      %add3A_1039 = arith.constant 0 : i32
      %add3A_1040 = arith.addi %mul3A_1038, %add3A_1039 : i32
      %get3A_1041 = arith.index_cast %add3A_1040 : i32 to index
      %get3A_1042 = tpu.vector_load %arg7[%get3A_1041] {strides = array<i32>} : memref<32768xi32, #tpu.memory_space<vmem>>, vector<16xi32>,
      %add3A_1043 = arith.constant 16 : i32
      %add3A_1044 = arith.addi %mul3A_1038, %add3A_1043 : i32
      %get3A_1045 = arith.index_cast %add3A_1044 : i32 to index
      %get3A_1046 = tpu.vector_load %arg7[%get3A_1045] {strides = array<i32>} : memref<32768xi32, #tpu.memory_space<vmem>>, vector<16xi32>,
      %add3A_1047 = arith.constant 32 : i32
      %add3A_1048 = arith.addi %mul3A_1038, %add3A_1047 : i32
      %get3A_1049 = arith.index_cast %add3A_1048 : i32 to index
      %get3A_1050 = tpu.vector_load %arg7[%get3A_1049] {strides = array<i32>} : memref<32768xi32, #tpu.memory_space<vmem>>, vector<16xi32>,
      %add3A_1051 = arith.constant 48 : i32
      %add3A_1052 = arith.addi %mul3A_1038, %add3A_1051 : i32
      %get3A_1053 = arith.index_cast %add3A_1052 : i32 to index
      %get3A_1054 = tpu.vector_load %arg7[%get3A_1053] {strides = array<i32>} : memref<32768xi32, #tpu.memory_space<vmem>>, vector<16xi32>,
      %add3A_1055 = arith.constant 64 : i32
      %add3A_1056 = arith.addi %mul3A_1038, %add3A_1055 : i32
      %get3A_1057 = arith.index_cast %add3A_1056 : i32 to index
      %get3A_1058 = tpu.vector_load %arg7[%get3A_1057] {strides = array<i32>} : memref<32768xi32, #tpu.memory_space<vmem>>, vector<16xi32>,
      %add3A_1059 = arith.constant 80 : i32
      %add3A_1060 = arith.addi %mul3A_1038, %add3A_1059 : i32
      %get3A_1061 = arith.index_cast %add3A_1060 : i32 to index
      %get3A_1062 = tpu.vector_load %arg7[%get3A_1061] {strides = array<i32>} : memref<32768xi32, #tpu.memory_space<vmem>>, vector<16xi32>,
      %add3A_1063 = arith.constant 96 : i32
      %add3A_1064 = arith.addi %mul3A_1038, %add3A_1063 : i32
      %get3A_1065 = arith.index_cast %add3A_1064 : i32 to index
      %get3A_1066 = tpu.vector_load %arg7[%get3A_1065] {strides = array<i32>} : memref<32768xi32, #tpu.memory_space<vmem>>, vector<16xi32>,
      %add3A_1067 = arith.constant 112 : i32
      %add3A_1068 = arith.addi %mul3A_1038, %add3A_1067 : i32
      %get3A_1069 = arith.index_cast %add3A_1068 : i32 to index
      %get3A_1070 = tpu.vector_load %arg7[%get3A_1069] {strides = array<i32>} : memref<32768xi32, #tpu.memory_space<vmem>>, vector<16xi32>,
      %add3A_1071 = arith.constant 128 : i32
      %add3A_1072 = arith.addi %mul3A_1038, %add3A_1071 : i32
      %get3A_1073 = arith.index_cast %add3A_1072 : i32 to index
      %get3A_1074 = tpu.vector_load %arg7[%get3A_1073] {strides = array<i32>} : memref<32768xi32, #tpu.memory_space<vmem>>, vector<16xi32>,
      %add3A_1075 = arith.constant 144 : i32
      %add3A_1076 = arith.addi %mul3A_1038, %add3A_1075 : i32
      %get3A_1077 = arith.index_cast %add3A_1076 : i32 to index
      %get3A_1078 = tpu.vector_load %arg7[%get3A_1077] {strides = array<i32>} : memref<32768xi32, #tpu.memory_space<vmem>>, vector<16xi32>,
      %add3A_1079 = arith.constant 160 : i32
      %add3A_1080 = arith.addi %mul3A_1038, %add3A_1079 : i32
      %get3A_1081 = arith.index_cast %add3A_1080 : i32 to index
      %get3A_1082 = tpu.vector_load %arg7[%get3A_1081] {strides = array<i32>} : memref<32768xi32, #tpu.memory_space<vmem>>, vector<16xi32>,
      %add3A_1083 = arith.constant 176 : i32
      %add3A_1084 = arith.addi %mul3A_1038, %add3A_1083 : i32
      %get3A_1085 = arith.index_cast %add3A_1084 : i32 to index
      %get3A_1086 = tpu.vector_load %arg7[%get3A_1085] {strides = array<i32>} : memref<32768xi32, #tpu.memory_space<vmem>>, vector<16xi32>,
      %add3A_1087 = arith.constant 192 : i32
      %add3A_1088 = arith.addi %mul3A_1038, %add3A_1087 : i32
      %get3A_1089 = arith.index_cast %add3A_1088 : i32 to index
      %get3A_1090 = tpu.vector_load %arg7[%get3A_1089] {strides = array<i32>} : memref<32768xi32, #tpu.memory_space<vmem>>, vector<16xi32>,
      %add3A_1091 = arith.constant 208 : i32
      %add3A_1092 = arith.addi %mul3A_1038, %add3A_1091 : i32
      %get3A_1093 = arith.index_cast %add3A_1092 : i32 to index
      %get3A_1094 = tpu.vector_load %arg7[%get3A_1093] {strides = array<i32>} : memref<32768xi32, #tpu.memory_space<vmem>>, vector<16xi32>,
      %add3A_1095 = arith.constant 224 : i32
      %add3A_1096 = arith.addi %mul3A_1038, %add3A_1095 : i32
      %get3A_1097 = arith.index_cast %add3A_1096 : i32 to index
      %get3A_1098 = tpu.vector_load %arg7[%get3A_1097] {strides = array<i32>} : memref<32768xi32, #tpu.memory_space<vmem>>, vector<16xi32>,
      %add3A_1099 = arith.constant 240 : i32
      %add3A_1100 = arith.addi %mul3A_1038, %add3A_1099 : i32
      %get3A_1101 = arith.index_cast %add3A_1100 : i32 to index
      %get3A_1102 = tpu.vector_load %arg7[%get3A_1101] {strides = array<i32>} : memref<32768xi32, #tpu.memory_space<vmem>>, vector<16xi32>,
      %mul3A_1103 = arith.constant 16 : i32
      %mul3A_1104 = vector.broadcast %mul3A_1103 : i32 to vector<16xi32>
      %mul3A_1105 = arith.muli %get3A_1042, %mul3A_1104 : vector<16xi32>
      %add3A_1106 = arith.addi %mul3A_1105, %iota3A : vector<16xi32>
      %mul3A_1107 = arith.constant 16 : i32
      %mul3A_1108 = vector.broadcast %mul3A_1107 : i32 to vector<16xi32>
      %mul3A_1109 = arith.muli %get3A_1046, %mul3A_1108 : vector<16xi32>
      %add3A_1110 = arith.addi %mul3A_1109, %iota3A : vector<16xi32>
      %mul3A_1111 = arith.constant 16 : i32
      %mul3A_1112 = vector.broadcast %mul3A_1111 : i32 to vector<16xi32>
      %mul3A_1113 = arith.muli %get3A_1050, %mul3A_1112 : vector<16xi32>
      %add3A_1114 = arith.addi %mul3A_1113, %iota3A : vector<16xi32>
      %mul3A_1115 = arith.constant 16 : i32
      %mul3A_1116 = vector.broadcast %mul3A_1115 : i32 to vector<16xi32>
      %mul3A_1117 = arith.muli %get3A_1054, %mul3A_1116 : vector<16xi32>
      %add3A_1118 = arith.addi %mul3A_1117, %iota3A : vector<16xi32>
      %mul3A_1119 = arith.constant 16 : i32
      %mul3A_1120 = vector.broadcast %mul3A_1119 : i32 to vector<16xi32>
      %mul3A_1121 = arith.muli %get3A_1058, %mul3A_1120 : vector<16xi32>
      %add3A_1122 = arith.addi %mul3A_1121, %iota3A : vector<16xi32>
      %mul3A_1123 = arith.constant 16 : i32
      %mul3A_1124 = vector.broadcast %mul3A_1123 : i32 to vector<16xi32>
      %mul3A_1125 = arith.muli %get3A_1062, %mul3A_1124 : vector<16xi32>
      %add3A_1126 = arith.addi %mul3A_1125, %iota3A : vector<16xi32>
      %mul3A_1127 = arith.constant 16 : i32
      %mul3A_1128 = vector.broadcast %mul3A_1127 : i32 to vector<16xi32>
      %mul3A_1129 = arith.muli %get3A_1066, %mul3A_1128 : vector<16xi32>
      %add3A_1130 = arith.addi %mul3A_1129, %iota3A : vector<16xi32>
      %mul3A_1131 = arith.constant 16 : i32
      %mul3A_1132 = vector.broadcast %mul3A_1131 : i32 to vector<16xi32>
      %mul3A_1133 = arith.muli %get3A_1070, %mul3A_1132 : vector<16xi32>
      %add3A_1134 = arith.addi %mul3A_1133, %iota3A : vector<16xi32>
      %mul3A_1135 = arith.constant 16 : i32
      %mul3A_1136 = vector.broadcast %mul3A_1135 : i32 to vector<16xi32>
      %mul3A_1137 = arith.muli %get3A_1074, %mul3A_1136 : vector<16xi32>
      %add3A_1138 = arith.addi %mul3A_1137, %iota3A : vector<16xi32>
      %mul3A_1139 = arith.constant 16 : i32
      %mul3A_1140 = vector.broadcast %mul3A_1139 : i32 to vector<16xi32>
      %mul3A_1141 = arith.muli %get3A_1078, %mul3A_1140 : vector<16xi32>
      %add3A_1142 = arith.addi %mul3A_1141, %iota3A : vector<16xi32>
      %mul3A_1143 = arith.constant 16 : i32
      %mul3A_1144 = vector.broadcast %mul3A_1143 : i32 to vector<16xi32>
      %mul3A_1145 = arith.muli %get3A_1082, %mul3A_1144 : vector<16xi32>
      %add3A_1146 = arith.addi %mul3A_1145, %iota3A : vector<16xi32>
      %mul3A_1147 = arith.constant 16 : i32
      %mul3A_1148 = vector.broadcast %mul3A_1147 : i32 to vector<16xi32>
      %mul3A_1149 = arith.muli %get3A_1086, %mul3A_1148 : vector<16xi32>
      %add3A_1150 = arith.addi %mul3A_1149, %iota3A : vector<16xi32>
      %mul3A_1151 = arith.constant 16 : i32
      %mul3A_1152 = vector.broadcast %mul3A_1151 : i32 to vector<16xi32>
      %mul3A_1153 = arith.muli %get3A_1090, %mul3A_1152 : vector<16xi32>
      %add3A_1154 = arith.addi %mul3A_1153, %iota3A : vector<16xi32>
      %mul3A_1155 = arith.constant 16 : i32
      %mul3A_1156 = vector.broadcast %mul3A_1155 : i32 to vector<16xi32>
      %mul3A_1157 = arith.muli %get3A_1094, %mul3A_1156 : vector<16xi32>
      %add3A_1158 = arith.addi %mul3A_1157, %iota3A : vector<16xi32>
      %mul3A_1159 = arith.constant 16 : i32
      %mul3A_1160 = vector.broadcast %mul3A_1159 : i32 to vector<16xi32>
      %mul3A_1161 = arith.muli %get3A_1098, %mul3A_1160 : vector<16xi32>
      %add3A_1162 = arith.addi %mul3A_1161, %iota3A : vector<16xi32>
      %mul3A_1163 = arith.constant 16 : i32
      %mul3A_1164 = vector.broadcast %mul3A_1163 : i32 to vector<16xi32>
      %mul3A_1165 = arith.muli %get3A_1102, %mul3A_1164 : vector<16xi32>
      %add3A_1166 = arith.addi %mul3A_1165, %iota3A : vector<16xi32>
      tpu.vector_store_idx %arg10[%add3A_1106], %broadcast_in_dim3A_206 {add = true} : memref<1600xf32, #tpu.memory_space<vmem>>[vector<16xi32>], vector<16xf32>,
      tpu.vector_store_idx %arg10[%add3A_1110], %broadcast_in_dim3A_206 {add = true} : memref<1600xf32, #tpu.memory_space<vmem>>[vector<16xi32>], vector<16xf32>,
      tpu.vector_store_idx %arg10[%add3A_1114], %broadcast_in_dim3A_206 {add = true} : memref<1600xf32, #tpu.memory_space<vmem>>[vector<16xi32>], vector<16xf32>,
      tpu.vector_store_idx %arg10[%add3A_1118], %broadcast_in_dim3A_206 {add = true} : memref<1600xf32, #tpu.memory_space<vmem>>[vector<16xi32>], vector<16xf32>,
      tpu.vector_store_idx %arg10[%add3A_1122], %broadcast_in_dim3A_206 {add = true} : memref<1600xf32, #tpu.memory_space<vmem>>[vector<16xi32>], vector<16xf32>,
      tpu.vector_store_idx %arg10[%add3A_1126], %broadcast_in_dim3A_206 {add = true} : memref<1600xf32, #tpu.memory_space<vmem>>[vector<16xi32>], vector<16xf32>,
      tpu.vector_store_idx %arg10[%add3A_1130], %broadcast_in_dim3A_206 {add = true} : memref<1600xf32, #tpu.memory_space<vmem>>[vector<16xi32>], vector<16xf32>,
      tpu.vector_store_idx %arg10[%add3A_1134], %broadcast_in_dim3A_206 {add = true} : memref<1600xf32, #tpu.memory_space<vmem>>[vector<16xi32>], vector<16xf32>,
      tpu.vector_store_idx %arg10[%add3A_1138], %broadcast_in_dim3A_206 {add = true} : memref<1600xf32, #tpu.memory_space<vmem>>[vector<16xi32>], vector<16xf32>,
      tpu.vector_store_idx %arg10[%add3A_1142], %broadcast_in_dim3A_206 {add = true} : memref<1600xf32, #tpu.memory_space<vmem>>[vector<16xi32>], vector<16xf32>,
      tpu.vector_store_idx %arg10[%add3A_1146], %broadcast_in_dim3A_206 {add = true} : memref<1600xf32, #tpu.memory_space<vmem>>[vector<16xi32>], vector<16xf32>,
      tpu.vector_store_idx %arg10[%add3A_1150], %broadcast_in_dim3A_206 {add = true} : memref<1600xf32, #tpu.memory_space<vmem>>[vector<16xi32>], vector<16xf32>,
      tpu.vector_store_idx %arg10[%add3A_1154], %broadcast_in_dim3A_206 {add = true} : memref<1600xf32, #tpu.memory_space<vmem>>[vector<16xi32>], vector<16xf32>,
      tpu.vector_store_idx %arg10[%add3A_1158], %broadcast_in_dim3A_206 {add = true} : memref<1600xf32, #tpu.memory_space<vmem>>[vector<16xi32>], vector<16xf32>,
      tpu.vector_store_idx %arg10[%add3A_1162], %broadcast_in_dim3A_206 {add = true} : memref<1600xf32, #tpu.memory_space<vmem>>[vector<16xi32>], vector<16xf32>,
      tpu.vector_store_idx %arg10[%add3A_1166], %broadcast_in_dim3A_206 {add = true} : memref<1600xf32, #tpu.memory_space<vmem>>[vector<16xi32>], vector<16xf32>,
    }
    %scan3A_417 = arith.constant 116 : i32
    %dma_wait3A_418 = arith.constant 29696 : i32
    %dma_wait3A_419 = tpu.memref_slice %arg7[%dma_wait3A_418] : memref<32768xi32, #tpu.memory_space<vmem>> -> memref<3072xi32, #tpu.memory_space<vmem>>
    %dma_wait3A_420 = arith.constant 0 : i32
    %dma_wait3A_421 = tpu.memref_slice %arg12[%dma_wait3A_420] : memref<112xf32, #tpu.memory_space<vmem_shared>> -> memref<112xf32, #tpu.memory_space<vmem_shared>>
    tpu.wait_indirect_dma semaphore(%arg17 : memref<!tpu.dma_semaphore, #tpu.memory_space<semaphore_mem>>) src(%dma_wait3A_421 : memref<112xf32, #tpu.memory_space<vmem_shared>>) dst(%arg9 : memref<3072xf32, #tpu.memory_space<vmem>>)
    %scan3A_422 = arith.constant 0 : i32
    %scan3A_423 = arith.constant 24 : i32
    %scan3A_424 = arith.addi %scan3A_422, %scan3A_423 : i32
    %scan3A_425 = arith.constant 1 : i32
    %scan3A_426:8 = scf.for %scan3A_1036 = %scan3A_422 to %scan3A_424 step %scan3A_425 iter_args(%scan3A_1037 = %scan3A_404#0, %scan3A_1038 = %scan3A_404#1, %scan3A_1039 = %scan3A_404#2, %scan3A_1040 = %scan3A_404#3, %scan3A_1041 = %scan3A_404#4, %scan3A_1042 = %scan3A_404#5, %scan3A_1043 = %scan3A_404#6, %scan3A_1044 = %scan3A_404#7) -> (vector<16xf32>, vector<16xf32>, vector<16xf32>, vector<16xf32>, vector<16xf32>, vector<16xf32>, vector<16xf32>, vector<16xf32>)  : i32 {
      %mul3A_1045 = arith.constant 8 : i32
      %mul3A_1046 = arith.muli %scan3A_1036, %mul3A_1045 : i32
      %add3A_1047 = arith.constant 0 : i32
      %add3A_1048 = arith.addi %mul3A_1046, %add3A_1047 : i32
      %mul3A_1049 = arith.constant 16 : i32
      %mul3A_1050 = arith.muli %add3A_1048, %mul3A_1049 : i32
      %get3A_1051 = arith.index_cast %mul3A_1050 : i32 to index
      %get3A_1052 = tpu.vector_load %arg9[%get3A_1051] {strides = array<i32>} : memref<3072xf32, #tpu.memory_space<vmem>>, vector<16xf32>,
      %mul3A_1053 = arith.constant 8 : i32
      %mul3A_1054 = arith.muli %scan3A_1036, %mul3A_1053 : i32
      %add3A_1055 = arith.constant 1 : i32
      %add3A_1056 = arith.addi %mul3A_1054, %add3A_1055 : i32
      %mul3A_1057 = arith.constant 16 : i32
      %mul3A_1058 = arith.muli %add3A_1056, %mul3A_1057 : i32
      %get3A_1059 = arith.index_cast %mul3A_1058 : i32 to index
      %get3A_1060 = tpu.vector_load %arg9[%get3A_1059] {strides = array<i32>} : memref<3072xf32, #tpu.memory_space<vmem>>, vector<16xf32>,
      %mul3A_1061 = arith.constant 8 : i32
      %mul3A_1062 = arith.muli %scan3A_1036, %mul3A_1061 : i32
      %add3A_1063 = arith.constant 2 : i32
      %add3A_1064 = arith.addi %mul3A_1062, %add3A_1063 : i32
      %mul3A_1065 = arith.constant 16 : i32
      %mul3A_1066 = arith.muli %add3A_1064, %mul3A_1065 : i32
      %get3A_1067 = arith.index_cast %mul3A_1066 : i32 to index
      %get3A_1068 = tpu.vector_load %arg9[%get3A_1067] {strides = array<i32>} : memref<3072xf32, #tpu.memory_space<vmem>>, vector<16xf32>,
      %mul3A_1069 = arith.constant 8 : i32
      %mul3A_1070 = arith.muli %scan3A_1036, %mul3A_1069 : i32
      %add3A_1071 = arith.constant 3 : i32
      %add3A_1072 = arith.addi %mul3A_1070, %add3A_1071 : i32
      %mul3A_1073 = arith.constant 16 : i32
      %mul3A_1074 = arith.muli %add3A_1072, %mul3A_1073 : i32
      %get3A_1075 = arith.index_cast %mul3A_1074 : i32 to index
      %get3A_1076 = tpu.vector_load %arg9[%get3A_1075] {strides = array<i32>} : memref<3072xf32, #tpu.memory_space<vmem>>, vector<16xf32>,
      %mul3A_1077 = arith.constant 8 : i32
      %mul3A_1078 = arith.muli %scan3A_1036, %mul3A_1077 : i32
      %add3A_1079 = arith.constant 4 : i32
      %add3A_1080 = arith.addi %mul3A_1078, %add3A_1079 : i32
      %mul3A_1081 = arith.constant 16 : i32
      %mul3A_1082 = arith.muli %add3A_1080, %mul3A_1081 : i32
      %get3A_1083 = arith.index_cast %mul3A_1082 : i32 to index
      %get3A_1084 = tpu.vector_load %arg9[%get3A_1083] {strides = array<i32>} : memref<3072xf32, #tpu.memory_space<vmem>>, vector<16xf32>,
      %mul3A_1085 = arith.constant 8 : i32
      %mul3A_1086 = arith.muli %scan3A_1036, %mul3A_1085 : i32
      %add3A_1087 = arith.constant 5 : i32
      %add3A_1088 = arith.addi %mul3A_1086, %add3A_1087 : i32
      %mul3A_1089 = arith.constant 16 : i32
      %mul3A_1090 = arith.muli %add3A_1088, %mul3A_1089 : i32
      %get3A_1091 = arith.index_cast %mul3A_1090 : i32 to index
      %get3A_1092 = tpu.vector_load %arg9[%get3A_1091] {strides = array<i32>} : memref<3072xf32, #tpu.memory_space<vmem>>, vector<16xf32>,
      %mul3A_1093 = arith.constant 8 : i32
      %mul3A_1094 = arith.muli %scan3A_1036, %mul3A_1093 : i32
      %add3A_1095 = arith.constant 6 : i32
      %add3A_1096 = arith.addi %mul3A_1094, %add3A_1095 : i32
      %mul3A_1097 = arith.constant 16 : i32
      %mul3A_1098 = arith.muli %add3A_1096, %mul3A_1097 : i32
      %get3A_1099 = arith.index_cast %mul3A_1098 : i32 to index
      %get3A_1100 = tpu.vector_load %arg9[%get3A_1099] {strides = array<i32>} : memref<3072xf32, #tpu.memory_space<vmem>>, vector<16xf32>,
      %mul3A_1101 = arith.constant 8 : i32
      %mul3A_1102 = arith.muli %scan3A_1036, %mul3A_1101 : i32
      %add3A_1103 = arith.constant 7 : i32
      %add3A_1104 = arith.addi %mul3A_1102, %add3A_1103 : i32
      %mul3A_1105 = arith.constant 16 : i32
      %mul3A_1106 = arith.muli %add3A_1104, %mul3A_1105 : i32
      %get3A_1107 = arith.index_cast %mul3A_1106 : i32 to index
      %get3A_1108 = tpu.vector_load %arg9[%get3A_1107] {strides = array<i32>} : memref<3072xf32, #tpu.memory_space<vmem>>, vector<16xf32>,
      %add3A_1109 = arith.addf %scan3A_1037, %get3A_1052 : vector<16xf32>
      %add3A_1110 = arith.addf %scan3A_1038, %get3A_1060 : vector<16xf32>
      %add3A_1111 = arith.addf %scan3A_1039, %get3A_1068 : vector<16xf32>
      %add3A_1112 = arith.addf %scan3A_1040, %get3A_1076 : vector<16xf32>
      %add3A_1113 = arith.addf %scan3A_1041, %get3A_1084 : vector<16xf32>
      %add3A_1114 = arith.addf %scan3A_1042, %get3A_1092 : vector<16xf32>
      %add3A_1115 = arith.addf %scan3A_1043, %get3A_1100 : vector<16xf32>
      %add3A_1116 = arith.addf %scan3A_1044, %get3A_1108 : vector<16xf32>
      scf.yield %add3A_1109, %add3A_1110, %add3A_1111, %add3A_1112, %add3A_1113, %add3A_1114, %add3A_1115, %add3A_1116 : vector<16xf32>, vector<16xf32>, vector<16xf32>, vector<16xf32>, vector<16xf32>, vector<16xf32>, vector<16xf32>, vector<16xf32>
    }
    %scan3A_427 = arith.constant 24 : i32
    %add3A_428 = arith.addf %scan3A_426#0, %scan3A_426#1 : vector<16xf32>
    %add3A_429 = arith.addf %add3A_428, %scan3A_426#2 : vector<16xf32>
    %add3A_430 = arith.addf %add3A_429, %scan3A_426#3 : vector<16xf32>
    %add3A_431 = arith.addf %add3A_430, %scan3A_426#4 : vector<16xf32>
    %add3A_432 = arith.addf %add3A_431, %scan3A_426#5 : vector<16xf32>
    %add3A_433 = arith.addf %add3A_432, %scan3A_426#6 : vector<16xf32>
    %add3A_434 = arith.addf %add3A_433, %scan3A_426#7 : vector<16xf32>
    %get3A = arith.constant 0 : index
    %get3A_435 = tpu.vector_load %arg10[%get3A] {strides = array<i32>} : memref<1600xf32, #tpu.memory_space<vmem>>, vector<16xf32>,
    %get3A_436 = arith.constant 0 : index
    %get3A_437 = tpu.vector_load %arg11[%get3A_436] {strides = array<i32>} : memref<1600xf32, #tpu.memory_space<vmem>>, vector<16xf32>,
    %mul3A_438 = arith.mulf %get3A_435, %get3A_437 : vector<16xf32>
    %add3A_439 = arith.addf %add3A_434, %mul3A_438 : vector<16xf32>
    %get3A_440 = arith.constant 16 : index
    %get3A_441 = tpu.vector_load %arg10[%get3A_440] {strides = array<i32>} : memref<1600xf32, #tpu.memory_space<vmem>>, vector<16xf32>,
    %get3A_442 = arith.constant 16 : index
    %get3A_443 = tpu.vector_load %arg11[%get3A_442] {strides = array<i32>} : memref<1600xf32, #tpu.memory_space<vmem>>, vector<16xf32>,
    %mul3A_444 = arith.mulf %get3A_441, %get3A_443 : vector<16xf32>
    %add3A_445 = arith.addf %add3A_439, %mul3A_444 : vector<16xf32>
    %get3A_446 = arith.constant 32 : index
    %get3A_447 = tpu.vector_load %arg10[%get3A_446] {strides = array<i32>} : memref<1600xf32, #tpu.memory_space<vmem>>, vector<16xf32>,
    %get3A_448 = arith.constant 32 : index
    %get3A_449 = tpu.vector_load %arg11[%get3A_448] {strides = array<i32>} : memref<1600xf32, #tpu.memory_space<vmem>>, vector<16xf32>,
    %mul3A_450 = arith.mulf %get3A_447, %get3A_449 : vector<16xf32>
    %add3A_451 = arith.addf %add3A_445, %mul3A_450 : vector<16xf32>
    %get3A_452 = arith.constant 48 : index
    %get3A_453 = tpu.vector_load %arg10[%get3A_452] {strides = array<i32>} : memref<1600xf32, #tpu.memory_space<vmem>>, vector<16xf32>,
    %get3A_454 = arith.constant 48 : index
    %get3A_455 = tpu.vector_load %arg11[%get3A_454] {strides = array<i32>} : memref<1600xf32, #tpu.memory_space<vmem>>, vector<16xf32>,
    %mul3A_456 = arith.mulf %get3A_453, %get3A_455 : vector<16xf32>
    %add3A_457 = arith.addf %add3A_451, %mul3A_456 : vector<16xf32>
    %get3A_458 = arith.constant 64 : index
    %get3A_459 = tpu.vector_load %arg10[%get3A_458] {strides = array<i32>} : memref<1600xf32, #tpu.memory_space<vmem>>, vector<16xf32>,
    %get3A_460 = arith.constant 64 : index
    %get3A_461 = tpu.vector_load %arg11[%get3A_460] {strides = array<i32>} : memref<1600xf32, #tpu.memory_space<vmem>>, vector<16xf32>,
    %mul3A_462 = arith.mulf %get3A_459, %get3A_461 : vector<16xf32>
    %add3A_463 = arith.addf %add3A_457, %mul3A_462 : vector<16xf32>
    %get3A_464 = arith.constant 80 : index
    %get3A_465 = tpu.vector_load %arg10[%get3A_464] {strides = array<i32>} : memref<1600xf32, #tpu.memory_space<vmem>>, vector<16xf32>,
    %get3A_466 = arith.constant 80 : index
    %get3A_467 = tpu.vector_load %arg11[%get3A_466] {strides = array<i32>} : memref<1600xf32, #tpu.memory_space<vmem>>, vector<16xf32>,
    %mul3A_468 = arith.mulf %get3A_465, %get3A_467 : vector<16xf32>
    %add3A_469 = arith.addf %add3A_463, %mul3A_468 : vector<16xf32>
    %get3A_470 = arith.constant 96 : index
    %get3A_471 = tpu.vector_load %arg10[%get3A_470] {strides = array<i32>} : memref<1600xf32, #tpu.memory_space<vmem>>, vector<16xf32>,
    %get3A_472 = arith.constant 96 : index
    %get3A_473 = tpu.vector_load %arg11[%get3A_472] {strides = array<i32>} : memref<1600xf32, #tpu.memory_space<vmem>>, vector<16xf32>,
    %mul3A_474 = arith.mulf %get3A_471, %get3A_473 : vector<16xf32>
    %add3A_475 = arith.addf %add3A_469, %mul3A_474 : vector<16xf32>
    %get3A_476 = arith.constant 112 : index
    %get3A_477 = tpu.vector_load %arg10[%get3A_476] {strides = array<i32>} : memref<1600xf32, #tpu.memory_space<vmem>>, vector<16xf32>,
    %get3A_478 = arith.constant 112 : index
    %get3A_479 = tpu.vector_load %arg11[%get3A_478] {strides = array<i32>} : memref<1600xf32, #tpu.memory_space<vmem>>, vector<16xf32>,
    %mul3A_480 = arith.mulf %get3A_477, %get3A_479 : vector<16xf32>
    %add3A_481 = arith.addf %add3A_475, %mul3A_480 : vector<16xf32>
    %get3A_482 = arith.constant 128 : index
    %get3A_483 = tpu.vector_load %arg10[%get3A_482] {strides = array<i32>} : memref<1600xf32, #tpu.memory_space<vmem>>, vector<16xf32>,
    %get3A_484 = arith.constant 128 : index
    %get3A_485 = tpu.vector_load %arg11[%get3A_484] {strides = array<i32>} : memref<1600xf32, #tpu.memory_space<vmem>>, vector<16xf32>,
    %mul3A_486 = arith.mulf %get3A_483, %get3A_485 : vector<16xf32>
    %add3A_487 = arith.addf %add3A_481, %mul3A_486 : vector<16xf32>
    %get3A_488 = arith.constant 144 : index
    %get3A_489 = tpu.vector_load %arg10[%get3A_488] {strides = array<i32>} : memref<1600xf32, #tpu.memory_space<vmem>>, vector<16xf32>,
    %get3A_490 = arith.constant 144 : index
    %get3A_491 = tpu.vector_load %arg11[%get3A_490] {strides = array<i32>} : memref<1600xf32, #tpu.memory_space<vmem>>, vector<16xf32>,
    %mul3A_492 = arith.mulf %get3A_489, %get3A_491 : vector<16xf32>
    %add3A_493 = arith.addf %add3A_487, %mul3A_492 : vector<16xf32>
    %get3A_494 = arith.constant 160 : index
    %get3A_495 = tpu.vector_load %arg10[%get3A_494] {strides = array<i32>} : memref<1600xf32, #tpu.memory_space<vmem>>, vector<16xf32>,
    %get3A_496 = arith.constant 160 : index
    %get3A_497 = tpu.vector_load %arg11[%get3A_496] {strides = array<i32>} : memref<1600xf32, #tpu.memory_space<vmem>>, vector<16xf32>,
    %mul3A_498 = arith.mulf %get3A_495, %get3A_497 : vector<16xf32>
    %add3A_499 = arith.addf %add3A_493, %mul3A_498 : vector<16xf32>
    %get3A_500 = arith.constant 176 : index
    %get3A_501 = tpu.vector_load %arg10[%get3A_500] {strides = array<i32>} : memref<1600xf32, #tpu.memory_space<vmem>>, vector<16xf32>,
    %get3A_502 = arith.constant 176 : index
    %get3A_503 = tpu.vector_load %arg11[%get3A_502] {strides = array<i32>} : memref<1600xf32, #tpu.memory_space<vmem>>, vector<16xf32>,
    %mul3A_504 = arith.mulf %get3A_501, %get3A_503 : vector<16xf32>
    %add3A_505 = arith.addf %add3A_499, %mul3A_504 : vector<16xf32>
    %get3A_506 = arith.constant 192 : index
    %get3A_507 = tpu.vector_load %arg10[%get3A_506] {strides = array<i32>} : memref<1600xf32, #tpu.memory_space<vmem>>, vector<16xf32>,
    %get3A_508 = arith.constant 192 : index
    %get3A_509 = tpu.vector_load %arg11[%get3A_508] {strides = array<i32>} : memref<1600xf32, #tpu.memory_space<vmem>>, vector<16xf32>,
    %mul3A_510 = arith.mulf %get3A_507, %get3A_509 : vector<16xf32>
    %add3A_511 = arith.addf %add3A_505, %mul3A_510 : vector<16xf32>
    %get3A_512 = arith.constant 208 : index
    %get3A_513 = tpu.vector_load %arg10[%get3A_512] {strides = array<i32>} : memref<1600xf32, #tpu.memory_space<vmem>>, vector<16xf32>,
    %get3A_514 = arith.constant 208 : index
    %get3A_515 = tpu.vector_load %arg11[%get3A_514] {strides = array<i32>} : memref<1600xf32, #tpu.memory_space<vmem>>, vector<16xf32>,
    %mul3A_516 = arith.mulf %get3A_513, %get3A_515 : vector<16xf32>
    %add3A_517 = arith.addf %add3A_511, %mul3A_516 : vector<16xf32>
    %get3A_518 = arith.constant 224 : index
    %get3A_519 = tpu.vector_load %arg10[%get3A_518] {strides = array<i32>} : memref<1600xf32, #tpu.memory_space<vmem>>, vector<16xf32>,
    %get3A_520 = arith.constant 224 : index
    %get3A_521 = tpu.vector_load %arg11[%get3A_520] {strides = array<i32>} : memref<1600xf32, #tpu.memory_space<vmem>>, vector<16xf32>,
    %mul3A_522 = arith.mulf %get3A_519, %get3A_521 : vector<16xf32>
    %add3A_523 = arith.addf %add3A_517, %mul3A_522 : vector<16xf32>
    %get3A_524 = arith.constant 240 : index
    %get3A_525 = tpu.vector_load %arg10[%get3A_524] {strides = array<i32>} : memref<1600xf32, #tpu.memory_space<vmem>>, vector<16xf32>,
    %get3A_526 = arith.constant 240 : index
    %get3A_527 = tpu.vector_load %arg11[%get3A_526] {strides = array<i32>} : memref<1600xf32, #tpu.memory_space<vmem>>, vector<16xf32>,
    %mul3A_528 = arith.mulf %get3A_525, %get3A_527 : vector<16xf32>
    %add3A_529 = arith.addf %add3A_523, %mul3A_528 : vector<16xf32>
    %get3A_530 = arith.constant 256 : index
    %get3A_531 = tpu.vector_load %arg10[%get3A_530] {strides = array<i32>} : memref<1600xf32, #tpu.memory_space<vmem>>, vector<16xf32>,
    %get3A_532 = arith.constant 256 : index
    %get3A_533 = tpu.vector_load %arg11[%get3A_532] {strides = array<i32>} : memref<1600xf32, #tpu.memory_space<vmem>>, vector<16xf32>,
    %mul3A_534 = arith.mulf %get3A_531, %get3A_533 : vector<16xf32>
    %add3A_535 = arith.addf %add3A_529, %mul3A_534 : vector<16xf32>
    %get3A_536 = arith.constant 272 : index
    %get3A_537 = tpu.vector_load %arg10[%get3A_536] {strides = array<i32>} : memref<1600xf32, #tpu.memory_space<vmem>>, vector<16xf32>,
    %get3A_538 = arith.constant 272 : index
    %get3A_539 = tpu.vector_load %arg11[%get3A_538] {strides = array<i32>} : memref<1600xf32, #tpu.memory_space<vmem>>, vector<16xf32>,
    %mul3A_540 = arith.mulf %get3A_537, %get3A_539 : vector<16xf32>
    %add3A_541 = arith.addf %add3A_535, %mul3A_540 : vector<16xf32>
    %get3A_542 = arith.constant 288 : index
    %get3A_543 = tpu.vector_load %arg10[%get3A_542] {strides = array<i32>} : memref<1600xf32, #tpu.memory_space<vmem>>, vector<16xf32>,
    %get3A_544 = arith.constant 288 : index
    %get3A_545 = tpu.vector_load %arg11[%get3A_544] {strides = array<i32>} : memref<1600xf32, #tpu.memory_space<vmem>>, vector<16xf32>,
    %mul3A_546 = arith.mulf %get3A_543, %get3A_545 : vector<16xf32>
    %add3A_547 = arith.addf %add3A_541, %mul3A_546 : vector<16xf32>
    %get3A_548 = arith.constant 304 : index
    %get3A_549 = tpu.vector_load %arg10[%get3A_548] {strides = array<i32>} : memref<1600xf32, #tpu.memory_space<vmem>>, vector<16xf32>,
    %get3A_550 = arith.constant 304 : index
    %get3A_551 = tpu.vector_load %arg11[%get3A_550] {strides = array<i32>} : memref<1600xf32, #tpu.memory_space<vmem>>, vector<16xf32>,
    %mul3A_552 = arith.mulf %get3A_549, %get3A_551 : vector<16xf32>
    %add3A_553 = arith.addf %add3A_547, %mul3A_552 : vector<16xf32>
    %get3A_554 = arith.constant 320 : index
    %get3A_555 = tpu.vector_load %arg10[%get3A_554] {strides = array<i32>} : memref<1600xf32, #tpu.memory_space<vmem>>, vector<16xf32>,
    %get3A_556 = arith.constant 320 : index
    %get3A_557 = tpu.vector_load %arg11[%get3A_556] {strides = array<i32>} : memref<1600xf32, #tpu.memory_space<vmem>>, vector<16xf32>,
    %mul3A_558 = arith.mulf %get3A_555, %get3A_557 : vector<16xf32>
    %add3A_559 = arith.addf %add3A_553, %mul3A_558 : vector<16xf32>
    %get3A_560 = arith.constant 336 : index
    %get3A_561 = tpu.vector_load %arg10[%get3A_560] {strides = array<i32>} : memref<1600xf32, #tpu.memory_space<vmem>>, vector<16xf32>,
    %get3A_562 = arith.constant 336 : index
    %get3A_563 = tpu.vector_load %arg11[%get3A_562] {strides = array<i32>} : memref<1600xf32, #tpu.memory_space<vmem>>, vector<16xf32>,
    %mul3A_564 = arith.mulf %get3A_561, %get3A_563 : vector<16xf32>
    %add3A_565 = arith.addf %add3A_559, %mul3A_564 : vector<16xf32>
    %get3A_566 = arith.constant 352 : index
    %get3A_567 = tpu.vector_load %arg10[%get3A_566] {strides = array<i32>} : memref<1600xf32, #tpu.memory_space<vmem>>, vector<16xf32>,
    %get3A_568 = arith.constant 352 : index
    %get3A_569 = tpu.vector_load %arg11[%get3A_568] {strides = array<i32>} : memref<1600xf32, #tpu.memory_space<vmem>>, vector<16xf32>,
    %mul3A_570 = arith.mulf %get3A_567, %get3A_569 : vector<16xf32>
    %add3A_571 = arith.addf %add3A_565, %mul3A_570 : vector<16xf32>
    %get3A_572 = arith.constant 368 : index
    %get3A_573 = tpu.vector_load %arg10[%get3A_572] {strides = array<i32>} : memref<1600xf32, #tpu.memory_space<vmem>>, vector<16xf32>,
    %get3A_574 = arith.constant 368 : index
    %get3A_575 = tpu.vector_load %arg11[%get3A_574] {strides = array<i32>} : memref<1600xf32, #tpu.memory_space<vmem>>, vector<16xf32>,
    %mul3A_576 = arith.mulf %get3A_573, %get3A_575 : vector<16xf32>
    %add3A_577 = arith.addf %add3A_571, %mul3A_576 : vector<16xf32>
    %get3A_578 = arith.constant 384 : index
    %get3A_579 = tpu.vector_load %arg10[%get3A_578] {strides = array<i32>} : memref<1600xf32, #tpu.memory_space<vmem>>, vector<16xf32>,
    %get3A_580 = arith.constant 384 : index
    %get3A_581 = tpu.vector_load %arg11[%get3A_580] {strides = array<i32>} : memref<1600xf32, #tpu.memory_space<vmem>>, vector<16xf32>,
    %mul3A_582 = arith.mulf %get3A_579, %get3A_581 : vector<16xf32>
    %add3A_583 = arith.addf %add3A_577, %mul3A_582 : vector<16xf32>
    %get3A_584 = arith.constant 400 : index
    %get3A_585 = tpu.vector_load %arg10[%get3A_584] {strides = array<i32>} : memref<1600xf32, #tpu.memory_space<vmem>>, vector<16xf32>,
    %get3A_586 = arith.constant 400 : index
    %get3A_587 = tpu.vector_load %arg11[%get3A_586] {strides = array<i32>} : memref<1600xf32, #tpu.memory_space<vmem>>, vector<16xf32>,
    %mul3A_588 = arith.mulf %get3A_585, %get3A_587 : vector<16xf32>
    %add3A_589 = arith.addf %add3A_583, %mul3A_588 : vector<16xf32>
    %get3A_590 = arith.constant 416 : index
    %get3A_591 = tpu.vector_load %arg10[%get3A_590] {strides = array<i32>} : memref<1600xf32, #tpu.memory_space<vmem>>, vector<16xf32>,
    %get3A_592 = arith.constant 416 : index
    %get3A_593 = tpu.vector_load %arg11[%get3A_592] {strides = array<i32>} : memref<1600xf32, #tpu.memory_space<vmem>>, vector<16xf32>,
    %mul3A_594 = arith.mulf %get3A_591, %get3A_593 : vector<16xf32>
    %add3A_595 = arith.addf %add3A_589, %mul3A_594 : vector<16xf32>
    %get3A_596 = arith.constant 432 : index
    %get3A_597 = tpu.vector_load %arg10[%get3A_596] {strides = array<i32>} : memref<1600xf32, #tpu.memory_space<vmem>>, vector<16xf32>,
    %get3A_598 = arith.constant 432 : index
    %get3A_599 = tpu.vector_load %arg11[%get3A_598] {strides = array<i32>} : memref<1600xf32, #tpu.memory_space<vmem>>, vector<16xf32>,
    %mul3A_600 = arith.mulf %get3A_597, %get3A_599 : vector<16xf32>
    %add3A_601 = arith.addf %add3A_595, %mul3A_600 : vector<16xf32>
    %get3A_602 = arith.constant 448 : index
    %get3A_603 = tpu.vector_load %arg10[%get3A_602] {strides = array<i32>} : memref<1600xf32, #tpu.memory_space<vmem>>, vector<16xf32>,
    %get3A_604 = arith.constant 448 : index
    %get3A_605 = tpu.vector_load %arg11[%get3A_604] {strides = array<i32>} : memref<1600xf32, #tpu.memory_space<vmem>>, vector<16xf32>,
    %mul3A_606 = arith.mulf %get3A_603, %get3A_605 : vector<16xf32>
    %add3A_607 = arith.addf %add3A_601, %mul3A_606 : vector<16xf32>
    %get3A_608 = arith.constant 464 : index
    %get3A_609 = tpu.vector_load %arg10[%get3A_608] {strides = array<i32>} : memref<1600xf32, #tpu.memory_space<vmem>>, vector<16xf32>,
    %get3A_610 = arith.constant 464 : index
    %get3A_611 = tpu.vector_load %arg11[%get3A_610] {strides = array<i32>} : memref<1600xf32, #tpu.memory_space<vmem>>, vector<16xf32>,
    %mul3A_612 = arith.mulf %get3A_609, %get3A_611 : vector<16xf32>
    %add3A_613 = arith.addf %add3A_607, %mul3A_612 : vector<16xf32>
    %get3A_614 = arith.constant 480 : index
    %get3A_615 = tpu.vector_load %arg10[%get3A_614] {strides = array<i32>} : memref<1600xf32, #tpu.memory_space<vmem>>, vector<16xf32>,
    %get3A_616 = arith.constant 480 : index
    %get3A_617 = tpu.vector_load %arg11[%get3A_616] {strides = array<i32>} : memref<1600xf32, #tpu.memory_space<vmem>>, vector<16xf32>,
    %mul3A_618 = arith.mulf %get3A_615, %get3A_617 : vector<16xf32>
    %add3A_619 = arith.addf %add3A_613, %mul3A_618 : vector<16xf32>
    %get3A_620 = arith.constant 496 : index
    %get3A_621 = tpu.vector_load %arg10[%get3A_620] {strides = array<i32>} : memref<1600xf32, #tpu.memory_space<vmem>>, vector<16xf32>,
    %get3A_622 = arith.constant 496 : index
    %get3A_623 = tpu.vector_load %arg11[%get3A_622] {strides = array<i32>} : memref<1600xf32, #tpu.memory_space<vmem>>, vector<16xf32>,
    %mul3A_624 = arith.mulf %get3A_621, %get3A_623 : vector<16xf32>
    %add3A_625 = arith.addf %add3A_619, %mul3A_624 : vector<16xf32>
    %get3A_626 = arith.constant 512 : index
    %get3A_627 = tpu.vector_load %arg10[%get3A_626] {strides = array<i32>} : memref<1600xf32, #tpu.memory_space<vmem>>, vector<16xf32>,
    %get3A_628 = arith.constant 512 : index
    %get3A_629 = tpu.vector_load %arg11[%get3A_628] {strides = array<i32>} : memref<1600xf32, #tpu.memory_space<vmem>>, vector<16xf32>,
    %mul3A_630 = arith.mulf %get3A_627, %get3A_629 : vector<16xf32>
    %add3A_631 = arith.addf %add3A_625, %mul3A_630 : vector<16xf32>
    %get3A_632 = arith.constant 528 : index
    %get3A_633 = tpu.vector_load %arg10[%get3A_632] {strides = array<i32>} : memref<1600xf32, #tpu.memory_space<vmem>>, vector<16xf32>,
    %get3A_634 = arith.constant 528 : index
    %get3A_635 = tpu.vector_load %arg11[%get3A_634] {strides = array<i32>} : memref<1600xf32, #tpu.memory_space<vmem>>, vector<16xf32>,
    %mul3A_636 = arith.mulf %get3A_633, %get3A_635 : vector<16xf32>
    %add3A_637 = arith.addf %add3A_631, %mul3A_636 : vector<16xf32>
    %get3A_638 = arith.constant 544 : index
    %get3A_639 = tpu.vector_load %arg10[%get3A_638] {strides = array<i32>} : memref<1600xf32, #tpu.memory_space<vmem>>, vector<16xf32>,
    %get3A_640 = arith.constant 544 : index
    %get3A_641 = tpu.vector_load %arg11[%get3A_640] {strides = array<i32>} : memref<1600xf32, #tpu.memory_space<vmem>>, vector<16xf32>,
    %mul3A_642 = arith.mulf %get3A_639, %get3A_641 : vector<16xf32>
    %add3A_643 = arith.addf %add3A_637, %mul3A_642 : vector<16xf32>
    %get3A_644 = arith.constant 560 : index
    %get3A_645 = tpu.vector_load %arg10[%get3A_644] {strides = array<i32>} : memref<1600xf32, #tpu.memory_space<vmem>>, vector<16xf32>,
    %get3A_646 = arith.constant 560 : index
    %get3A_647 = tpu.vector_load %arg11[%get3A_646] {strides = array<i32>} : memref<1600xf32, #tpu.memory_space<vmem>>, vector<16xf32>,
    %mul3A_648 = arith.mulf %get3A_645, %get3A_647 : vector<16xf32>
    %add3A_649 = arith.addf %add3A_643, %mul3A_648 : vector<16xf32>
    %get3A_650 = arith.constant 576 : index
    %get3A_651 = tpu.vector_load %arg10[%get3A_650] {strides = array<i32>} : memref<1600xf32, #tpu.memory_space<vmem>>, vector<16xf32>,
    %get3A_652 = arith.constant 576 : index
    %get3A_653 = tpu.vector_load %arg11[%get3A_652] {strides = array<i32>} : memref<1600xf32, #tpu.memory_space<vmem>>, vector<16xf32>,
    %mul3A_654 = arith.mulf %get3A_651, %get3A_653 : vector<16xf32>
    %add3A_655 = arith.addf %add3A_649, %mul3A_654 : vector<16xf32>
    %get3A_656 = arith.constant 592 : index
    %get3A_657 = tpu.vector_load %arg10[%get3A_656] {strides = array<i32>} : memref<1600xf32, #tpu.memory_space<vmem>>, vector<16xf32>,
    %get3A_658 = arith.constant 592 : index
    %get3A_659 = tpu.vector_load %arg11[%get3A_658] {strides = array<i32>} : memref<1600xf32, #tpu.memory_space<vmem>>, vector<16xf32>,
    %mul3A_660 = arith.mulf %get3A_657, %get3A_659 : vector<16xf32>
    %add3A_661 = arith.addf %add3A_655, %mul3A_660 : vector<16xf32>
    %get3A_662 = arith.constant 608 : index
    %get3A_663 = tpu.vector_load %arg10[%get3A_662] {strides = array<i32>} : memref<1600xf32, #tpu.memory_space<vmem>>, vector<16xf32>,
    %get3A_664 = arith.constant 608 : index
    %get3A_665 = tpu.vector_load %arg11[%get3A_664] {strides = array<i32>} : memref<1600xf32, #tpu.memory_space<vmem>>, vector<16xf32>,
    %mul3A_666 = arith.mulf %get3A_663, %get3A_665 : vector<16xf32>
    %add3A_667 = arith.addf %add3A_661, %mul3A_666 : vector<16xf32>
    %get3A_668 = arith.constant 624 : index
    %get3A_669 = tpu.vector_load %arg10[%get3A_668] {strides = array<i32>} : memref<1600xf32, #tpu.memory_space<vmem>>, vector<16xf32>,
    %get3A_670 = arith.constant 624 : index
    %get3A_671 = tpu.vector_load %arg11[%get3A_670] {strides = array<i32>} : memref<1600xf32, #tpu.memory_space<vmem>>, vector<16xf32>,
    %mul3A_672 = arith.mulf %get3A_669, %get3A_671 : vector<16xf32>
    %add3A_673 = arith.addf %add3A_667, %mul3A_672 : vector<16xf32>
    %get3A_674 = arith.constant 640 : index
    %get3A_675 = tpu.vector_load %arg10[%get3A_674] {strides = array<i32>} : memref<1600xf32, #tpu.memory_space<vmem>>, vector<16xf32>,
    %get3A_676 = arith.constant 640 : index
    %get3A_677 = tpu.vector_load %arg11[%get3A_676] {strides = array<i32>} : memref<1600xf32, #tpu.memory_space<vmem>>, vector<16xf32>,
    %mul3A_678 = arith.mulf %get3A_675, %get3A_677 : vector<16xf32>
    %add3A_679 = arith.addf %add3A_673, %mul3A_678 : vector<16xf32>
    %get3A_680 = arith.constant 656 : index
    %get3A_681 = tpu.vector_load %arg10[%get3A_680] {strides = array<i32>} : memref<1600xf32, #tpu.memory_space<vmem>>, vector<16xf32>,
    %get3A_682 = arith.constant 656 : index
    %get3A_683 = tpu.vector_load %arg11[%get3A_682] {strides = array<i32>} : memref<1600xf32, #tpu.memory_space<vmem>>, vector<16xf32>,
    %mul3A_684 = arith.mulf %get3A_681, %get3A_683 : vector<16xf32>
    %add3A_685 = arith.addf %add3A_679, %mul3A_684 : vector<16xf32>
    %get3A_686 = arith.constant 672 : index
    %get3A_687 = tpu.vector_load %arg10[%get3A_686] {strides = array<i32>} : memref<1600xf32, #tpu.memory_space<vmem>>, vector<16xf32>,
    %get3A_688 = arith.constant 672 : index
    %get3A_689 = tpu.vector_load %arg11[%get3A_688] {strides = array<i32>} : memref<1600xf32, #tpu.memory_space<vmem>>, vector<16xf32>,
    %mul3A_690 = arith.mulf %get3A_687, %get3A_689 : vector<16xf32>
    %add3A_691 = arith.addf %add3A_685, %mul3A_690 : vector<16xf32>
    %get3A_692 = arith.constant 688 : index
    %get3A_693 = tpu.vector_load %arg10[%get3A_692] {strides = array<i32>} : memref<1600xf32, #tpu.memory_space<vmem>>, vector<16xf32>,
    %get3A_694 = arith.constant 688 : index
    %get3A_695 = tpu.vector_load %arg11[%get3A_694] {strides = array<i32>} : memref<1600xf32, #tpu.memory_space<vmem>>, vector<16xf32>,
    %mul3A_696 = arith.mulf %get3A_693, %get3A_695 : vector<16xf32>
    %add3A_697 = arith.addf %add3A_691, %mul3A_696 : vector<16xf32>
    %get3A_698 = arith.constant 704 : index
    %get3A_699 = tpu.vector_load %arg10[%get3A_698] {strides = array<i32>} : memref<1600xf32, #tpu.memory_space<vmem>>, vector<16xf32>,
    %get3A_700 = arith.constant 704 : index
    %get3A_701 = tpu.vector_load %arg11[%get3A_700] {strides = array<i32>} : memref<1600xf32, #tpu.memory_space<vmem>>, vector<16xf32>,
    %mul3A_702 = arith.mulf %get3A_699, %get3A_701 : vector<16xf32>
    %add3A_703 = arith.addf %add3A_697, %mul3A_702 : vector<16xf32>
    %get3A_704 = arith.constant 720 : index
    %get3A_705 = tpu.vector_load %arg10[%get3A_704] {strides = array<i32>} : memref<1600xf32, #tpu.memory_space<vmem>>, vector<16xf32>,
    %get3A_706 = arith.constant 720 : index
    %get3A_707 = tpu.vector_load %arg11[%get3A_706] {strides = array<i32>} : memref<1600xf32, #tpu.memory_space<vmem>>, vector<16xf32>,
    %mul3A_708 = arith.mulf %get3A_705, %get3A_707 : vector<16xf32>
    %add3A_709 = arith.addf %add3A_703, %mul3A_708 : vector<16xf32>
    %get3A_710 = arith.constant 736 : index
    %get3A_711 = tpu.vector_load %arg10[%get3A_710] {strides = array<i32>} : memref<1600xf32, #tpu.memory_space<vmem>>, vector<16xf32>,
    %get3A_712 = arith.constant 736 : index
    %get3A_713 = tpu.vector_load %arg11[%get3A_712] {strides = array<i32>} : memref<1600xf32, #tpu.memory_space<vmem>>, vector<16xf32>,
    %mul3A_714 = arith.mulf %get3A_711, %get3A_713 : vector<16xf32>
    %add3A_715 = arith.addf %add3A_709, %mul3A_714 : vector<16xf32>
    %get3A_716 = arith.constant 752 : index
    %get3A_717 = tpu.vector_load %arg10[%get3A_716] {strides = array<i32>} : memref<1600xf32, #tpu.memory_space<vmem>>, vector<16xf32>,
    %get3A_718 = arith.constant 752 : index
    %get3A_719 = tpu.vector_load %arg11[%get3A_718] {strides = array<i32>} : memref<1600xf32, #tpu.memory_space<vmem>>, vector<16xf32>,
    %mul3A_720 = arith.mulf %get3A_717, %get3A_719 : vector<16xf32>
    %add3A_721 = arith.addf %add3A_715, %mul3A_720 : vector<16xf32>
    %get3A_722 = arith.constant 768 : index
    %get3A_723 = tpu.vector_load %arg10[%get3A_722] {strides = array<i32>} : memref<1600xf32, #tpu.memory_space<vmem>>, vector<16xf32>,
    %get3A_724 = arith.constant 768 : index
    %get3A_725 = tpu.vector_load %arg11[%get3A_724] {strides = array<i32>} : memref<1600xf32, #tpu.memory_space<vmem>>, vector<16xf32>,
    %mul3A_726 = arith.mulf %get3A_723, %get3A_725 : vector<16xf32>
    %add3A_727 = arith.addf %add3A_721, %mul3A_726 : vector<16xf32>
    %get3A_728 = arith.constant 784 : index
    %get3A_729 = tpu.vector_load %arg10[%get3A_728] {strides = array<i32>} : memref<1600xf32, #tpu.memory_space<vmem>>, vector<16xf32>,
    %get3A_730 = arith.constant 784 : index
    %get3A_731 = tpu.vector_load %arg11[%get3A_730] {strides = array<i32>} : memref<1600xf32, #tpu.memory_space<vmem>>, vector<16xf32>,
    %mul3A_732 = arith.mulf %get3A_729, %get3A_731 : vector<16xf32>
    %add3A_733 = arith.addf %add3A_727, %mul3A_732 : vector<16xf32>
    %get3A_734 = arith.constant 800 : index
    %get3A_735 = tpu.vector_load %arg10[%get3A_734] {strides = array<i32>} : memref<1600xf32, #tpu.memory_space<vmem>>, vector<16xf32>,
    %get3A_736 = arith.constant 800 : index
    %get3A_737 = tpu.vector_load %arg11[%get3A_736] {strides = array<i32>} : memref<1600xf32, #tpu.memory_space<vmem>>, vector<16xf32>,
    %mul3A_738 = arith.mulf %get3A_735, %get3A_737 : vector<16xf32>
    %add3A_739 = arith.addf %add3A_733, %mul3A_738 : vector<16xf32>
    %get3A_740 = arith.constant 816 : index
    %get3A_741 = tpu.vector_load %arg10[%get3A_740] {strides = array<i32>} : memref<1600xf32, #tpu.memory_space<vmem>>, vector<16xf32>,
    %get3A_742 = arith.constant 816 : index
    %get3A_743 = tpu.vector_load %arg11[%get3A_742] {strides = array<i32>} : memref<1600xf32, #tpu.memory_space<vmem>>, vector<16xf32>,
    %mul3A_744 = arith.mulf %get3A_741, %get3A_743 : vector<16xf32>
    %add3A_745 = arith.addf %add3A_739, %mul3A_744 : vector<16xf32>
    %get3A_746 = arith.constant 832 : index
    %get3A_747 = tpu.vector_load %arg10[%get3A_746] {strides = array<i32>} : memref<1600xf32, #tpu.memory_space<vmem>>, vector<16xf32>,
    %get3A_748 = arith.constant 832 : index
    %get3A_749 = tpu.vector_load %arg11[%get3A_748] {strides = array<i32>} : memref<1600xf32, #tpu.memory_space<vmem>>, vector<16xf32>,
    %mul3A_750 = arith.mulf %get3A_747, %get3A_749 : vector<16xf32>
    %add3A_751 = arith.addf %add3A_745, %mul3A_750 : vector<16xf32>
    %get3A_752 = arith.constant 848 : index
    %get3A_753 = tpu.vector_load %arg10[%get3A_752] {strides = array<i32>} : memref<1600xf32, #tpu.memory_space<vmem>>, vector<16xf32>,
    %get3A_754 = arith.constant 848 : index
    %get3A_755 = tpu.vector_load %arg11[%get3A_754] {strides = array<i32>} : memref<1600xf32, #tpu.memory_space<vmem>>, vector<16xf32>,
    %mul3A_756 = arith.mulf %get3A_753, %get3A_755 : vector<16xf32>
    %add3A_757 = arith.addf %add3A_751, %mul3A_756 : vector<16xf32>
    %get3A_758 = arith.constant 864 : index
    %get3A_759 = tpu.vector_load %arg10[%get3A_758] {strides = array<i32>} : memref<1600xf32, #tpu.memory_space<vmem>>, vector<16xf32>,
    %get3A_760 = arith.constant 864 : index
    %get3A_761 = tpu.vector_load %arg11[%get3A_760] {strides = array<i32>} : memref<1600xf32, #tpu.memory_space<vmem>>, vector<16xf32>,
    %mul3A_762 = arith.mulf %get3A_759, %get3A_761 : vector<16xf32>
    %add3A_763 = arith.addf %add3A_757, %mul3A_762 : vector<16xf32>
    %get3A_764 = arith.constant 880 : index
    %get3A_765 = tpu.vector_load %arg10[%get3A_764] {strides = array<i32>} : memref<1600xf32, #tpu.memory_space<vmem>>, vector<16xf32>,
    %get3A_766 = arith.constant 880 : index
    %get3A_767 = tpu.vector_load %arg11[%get3A_766] {strides = array<i32>} : memref<1600xf32, #tpu.memory_space<vmem>>, vector<16xf32>,
    %mul3A_768 = arith.mulf %get3A_765, %get3A_767 : vector<16xf32>
    %add3A_769 = arith.addf %add3A_763, %mul3A_768 : vector<16xf32>
    %get3A_770 = arith.constant 896 : index
    %get3A_771 = tpu.vector_load %arg10[%get3A_770] {strides = array<i32>} : memref<1600xf32, #tpu.memory_space<vmem>>, vector<16xf32>,
    %get3A_772 = arith.constant 896 : index
    %get3A_773 = tpu.vector_load %arg11[%get3A_772] {strides = array<i32>} : memref<1600xf32, #tpu.memory_space<vmem>>, vector<16xf32>,
    %mul3A_774 = arith.mulf %get3A_771, %get3A_773 : vector<16xf32>
    %add3A_775 = arith.addf %add3A_769, %mul3A_774 : vector<16xf32>
    %get3A_776 = arith.constant 912 : index
    %get3A_777 = tpu.vector_load %arg10[%get3A_776] {strides = array<i32>} : memref<1600xf32, #tpu.memory_space<vmem>>, vector<16xf32>,
    %get3A_778 = arith.constant 912 : index
    %get3A_779 = tpu.vector_load %arg11[%get3A_778] {strides = array<i32>} : memref<1600xf32, #tpu.memory_space<vmem>>, vector<16xf32>,
    %mul3A_780 = arith.mulf %get3A_777, %get3A_779 : vector<16xf32>
    %add3A_781 = arith.addf %add3A_775, %mul3A_780 : vector<16xf32>
    %get3A_782 = arith.constant 928 : index
    %get3A_783 = tpu.vector_load %arg10[%get3A_782] {strides = array<i32>} : memref<1600xf32, #tpu.memory_space<vmem>>, vector<16xf32>,
    %get3A_784 = arith.constant 928 : index
    %get3A_785 = tpu.vector_load %arg11[%get3A_784] {strides = array<i32>} : memref<1600xf32, #tpu.memory_space<vmem>>, vector<16xf32>,
    %mul3A_786 = arith.mulf %get3A_783, %get3A_785 : vector<16xf32>
    %add3A_787 = arith.addf %add3A_781, %mul3A_786 : vector<16xf32>
    %get3A_788 = arith.constant 944 : index
    %get3A_789 = tpu.vector_load %arg10[%get3A_788] {strides = array<i32>} : memref<1600xf32, #tpu.memory_space<vmem>>, vector<16xf32>,
    %get3A_790 = arith.constant 944 : index
    %get3A_791 = tpu.vector_load %arg11[%get3A_790] {strides = array<i32>} : memref<1600xf32, #tpu.memory_space<vmem>>, vector<16xf32>,
    %mul3A_792 = arith.mulf %get3A_789, %get3A_791 : vector<16xf32>
    %add3A_793 = arith.addf %add3A_787, %mul3A_792 : vector<16xf32>
    %get3A_794 = arith.constant 960 : index
    %get3A_795 = tpu.vector_load %arg10[%get3A_794] {strides = array<i32>} : memref<1600xf32, #tpu.memory_space<vmem>>, vector<16xf32>,
    %get3A_796 = arith.constant 960 : index
    %get3A_797 = tpu.vector_load %arg11[%get3A_796] {strides = array<i32>} : memref<1600xf32, #tpu.memory_space<vmem>>, vector<16xf32>,
    %mul3A_798 = arith.mulf %get3A_795, %get3A_797 : vector<16xf32>
    %add3A_799 = arith.addf %add3A_793, %mul3A_798 : vector<16xf32>
    %get3A_800 = arith.constant 976 : index
    %get3A_801 = tpu.vector_load %arg10[%get3A_800] {strides = array<i32>} : memref<1600xf32, #tpu.memory_space<vmem>>, vector<16xf32>,
    %get3A_802 = arith.constant 976 : index
    %get3A_803 = tpu.vector_load %arg11[%get3A_802] {strides = array<i32>} : memref<1600xf32, #tpu.memory_space<vmem>>, vector<16xf32>,
    %mul3A_804 = arith.mulf %get3A_801, %get3A_803 : vector<16xf32>
    %add3A_805 = arith.addf %add3A_799, %mul3A_804 : vector<16xf32>
    %get3A_806 = arith.constant 992 : index
    %get3A_807 = tpu.vector_load %arg10[%get3A_806] {strides = array<i32>} : memref<1600xf32, #tpu.memory_space<vmem>>, vector<16xf32>,
    %get3A_808 = arith.constant 992 : index
    %get3A_809 = tpu.vector_load %arg11[%get3A_808] {strides = array<i32>} : memref<1600xf32, #tpu.memory_space<vmem>>, vector<16xf32>,
    %mul3A_810 = arith.mulf %get3A_807, %get3A_809 : vector<16xf32>
    %add3A_811 = arith.addf %add3A_805, %mul3A_810 : vector<16xf32>
    %get3A_812 = arith.constant 1008 : index
    %get3A_813 = tpu.vector_load %arg10[%get3A_812] {strides = array<i32>} : memref<1600xf32, #tpu.memory_space<vmem>>, vector<16xf32>,
    %get3A_814 = arith.constant 1008 : index
    %get3A_815 = tpu.vector_load %arg11[%get3A_814] {strides = array<i32>} : memref<1600xf32, #tpu.memory_space<vmem>>, vector<16xf32>,
    %mul3A_816 = arith.mulf %get3A_813, %get3A_815 : vector<16xf32>
    %add3A_817 = arith.addf %add3A_811, %mul3A_816 : vector<16xf32>
    %get3A_818 = arith.constant 1024 : index
    %get3A_819 = tpu.vector_load %arg10[%get3A_818] {strides = array<i32>} : memref<1600xf32, #tpu.memory_space<vmem>>, vector<16xf32>,
    %get3A_820 = arith.constant 1024 : index
    %get3A_821 = tpu.vector_load %arg11[%get3A_820] {strides = array<i32>} : memref<1600xf32, #tpu.memory_space<vmem>>, vector<16xf32>,
    %mul3A_822 = arith.mulf %get3A_819, %get3A_821 : vector<16xf32>
    %add3A_823 = arith.addf %add3A_817, %mul3A_822 : vector<16xf32>
    %get3A_824 = arith.constant 1040 : index
    %get3A_825 = tpu.vector_load %arg10[%get3A_824] {strides = array<i32>} : memref<1600xf32, #tpu.memory_space<vmem>>, vector<16xf32>,
    %get3A_826 = arith.constant 1040 : index
    %get3A_827 = tpu.vector_load %arg11[%get3A_826] {strides = array<i32>} : memref<1600xf32, #tpu.memory_space<vmem>>, vector<16xf32>,
    %mul3A_828 = arith.mulf %get3A_825, %get3A_827 : vector<16xf32>
    %add3A_829 = arith.addf %add3A_823, %mul3A_828 : vector<16xf32>
    %get3A_830 = arith.constant 1056 : index
    %get3A_831 = tpu.vector_load %arg10[%get3A_830] {strides = array<i32>} : memref<1600xf32, #tpu.memory_space<vmem>>, vector<16xf32>,
    %get3A_832 = arith.constant 1056 : index
    %get3A_833 = tpu.vector_load %arg11[%get3A_832] {strides = array<i32>} : memref<1600xf32, #tpu.memory_space<vmem>>, vector<16xf32>,
    %mul3A_834 = arith.mulf %get3A_831, %get3A_833 : vector<16xf32>
    %add3A_835 = arith.addf %add3A_829, %mul3A_834 : vector<16xf32>
    %get3A_836 = arith.constant 1072 : index
    %get3A_837 = tpu.vector_load %arg10[%get3A_836] {strides = array<i32>} : memref<1600xf32, #tpu.memory_space<vmem>>, vector<16xf32>,
    %get3A_838 = arith.constant 1072 : index
    %get3A_839 = tpu.vector_load %arg11[%get3A_838] {strides = array<i32>} : memref<1600xf32, #tpu.memory_space<vmem>>, vector<16xf32>,
    %mul3A_840 = arith.mulf %get3A_837, %get3A_839 : vector<16xf32>
    %add3A_841 = arith.addf %add3A_835, %mul3A_840 : vector<16xf32>
    %get3A_842 = arith.constant 1088 : index
    %get3A_843 = tpu.vector_load %arg10[%get3A_842] {strides = array<i32>} : memref<1600xf32, #tpu.memory_space<vmem>>, vector<16xf32>,
    %get3A_844 = arith.constant 1088 : index
    %get3A_845 = tpu.vector_load %arg11[%get3A_844] {strides = array<i32>} : memref<1600xf32, #tpu.memory_space<vmem>>, vector<16xf32>,
    %mul3A_846 = arith.mulf %get3A_843, %get3A_845 : vector<16xf32>
    %add3A_847 = arith.addf %add3A_841, %mul3A_846 : vector<16xf32>
    %get3A_848 = arith.constant 1104 : index
    %get3A_849 = tpu.vector_load %arg10[%get3A_848] {strides = array<i32>} : memref<1600xf32, #tpu.memory_space<vmem>>, vector<16xf32>,
    %get3A_850 = arith.constant 1104 : index
    %get3A_851 = tpu.vector_load %arg11[%get3A_850] {strides = array<i32>} : memref<1600xf32, #tpu.memory_space<vmem>>, vector<16xf32>,
    %mul3A_852 = arith.mulf %get3A_849, %get3A_851 : vector<16xf32>
    %add3A_853 = arith.addf %add3A_847, %mul3A_852 : vector<16xf32>
    %get3A_854 = arith.constant 1120 : index
    %get3A_855 = tpu.vector_load %arg10[%get3A_854] {strides = array<i32>} : memref<1600xf32, #tpu.memory_space<vmem>>, vector<16xf32>,
    %get3A_856 = arith.constant 1120 : index
    %get3A_857 = tpu.vector_load %arg11[%get3A_856] {strides = array<i32>} : memref<1600xf32, #tpu.memory_space<vmem>>, vector<16xf32>,
    %mul3A_858 = arith.mulf %get3A_855, %get3A_857 : vector<16xf32>
    %add3A_859 = arith.addf %add3A_853, %mul3A_858 : vector<16xf32>
    %get3A_860 = arith.constant 1136 : index
    %get3A_861 = tpu.vector_load %arg10[%get3A_860] {strides = array<i32>} : memref<1600xf32, #tpu.memory_space<vmem>>, vector<16xf32>,
    %get3A_862 = arith.constant 1136 : index
    %get3A_863 = tpu.vector_load %arg11[%get3A_862] {strides = array<i32>} : memref<1600xf32, #tpu.memory_space<vmem>>, vector<16xf32>,
    %mul3A_864 = arith.mulf %get3A_861, %get3A_863 : vector<16xf32>
    %add3A_865 = arith.addf %add3A_859, %mul3A_864 : vector<16xf32>
    %get3A_866 = arith.constant 1152 : index
    %get3A_867 = tpu.vector_load %arg10[%get3A_866] {strides = array<i32>} : memref<1600xf32, #tpu.memory_space<vmem>>, vector<16xf32>,
    %get3A_868 = arith.constant 1152 : index
    %get3A_869 = tpu.vector_load %arg11[%get3A_868] {strides = array<i32>} : memref<1600xf32, #tpu.memory_space<vmem>>, vector<16xf32>,
    %mul3A_870 = arith.mulf %get3A_867, %get3A_869 : vector<16xf32>
    %add3A_871 = arith.addf %add3A_865, %mul3A_870 : vector<16xf32>
    %get3A_872 = arith.constant 1168 : index
    %get3A_873 = tpu.vector_load %arg10[%get3A_872] {strides = array<i32>} : memref<1600xf32, #tpu.memory_space<vmem>>, vector<16xf32>,
    %get3A_874 = arith.constant 1168 : index
    %get3A_875 = tpu.vector_load %arg11[%get3A_874] {strides = array<i32>} : memref<1600xf32, #tpu.memory_space<vmem>>, vector<16xf32>,
    %mul3A_876 = arith.mulf %get3A_873, %get3A_875 : vector<16xf32>
    %add3A_877 = arith.addf %add3A_871, %mul3A_876 : vector<16xf32>
    %get3A_878 = arith.constant 1184 : index
    %get3A_879 = tpu.vector_load %arg10[%get3A_878] {strides = array<i32>} : memref<1600xf32, #tpu.memory_space<vmem>>, vector<16xf32>,
    %get3A_880 = arith.constant 1184 : index
    %get3A_881 = tpu.vector_load %arg11[%get3A_880] {strides = array<i32>} : memref<1600xf32, #tpu.memory_space<vmem>>, vector<16xf32>,
    %mul3A_882 = arith.mulf %get3A_879, %get3A_881 : vector<16xf32>
    %add3A_883 = arith.addf %add3A_877, %mul3A_882 : vector<16xf32>
    %get3A_884 = arith.constant 1200 : index
    %get3A_885 = tpu.vector_load %arg10[%get3A_884] {strides = array<i32>} : memref<1600xf32, #tpu.memory_space<vmem>>, vector<16xf32>,
    %get3A_886 = arith.constant 1200 : index
    %get3A_887 = tpu.vector_load %arg11[%get3A_886] {strides = array<i32>} : memref<1600xf32, #tpu.memory_space<vmem>>, vector<16xf32>,
    %mul3A_888 = arith.mulf %get3A_885, %get3A_887 : vector<16xf32>
    %add3A_889 = arith.addf %add3A_883, %mul3A_888 : vector<16xf32>
    %get3A_890 = arith.constant 1216 : index
    %get3A_891 = tpu.vector_load %arg10[%get3A_890] {strides = array<i32>} : memref<1600xf32, #tpu.memory_space<vmem>>, vector<16xf32>,
    %get3A_892 = arith.constant 1216 : index
    %get3A_893 = tpu.vector_load %arg11[%get3A_892] {strides = array<i32>} : memref<1600xf32, #tpu.memory_space<vmem>>, vector<16xf32>,
    %mul3A_894 = arith.mulf %get3A_891, %get3A_893 : vector<16xf32>
    %add3A_895 = arith.addf %add3A_889, %mul3A_894 : vector<16xf32>
    %get3A_896 = arith.constant 1232 : index
    %get3A_897 = tpu.vector_load %arg10[%get3A_896] {strides = array<i32>} : memref<1600xf32, #tpu.memory_space<vmem>>, vector<16xf32>,
    %get3A_898 = arith.constant 1232 : index
    %get3A_899 = tpu.vector_load %arg11[%get3A_898] {strides = array<i32>} : memref<1600xf32, #tpu.memory_space<vmem>>, vector<16xf32>,
    %mul3A_900 = arith.mulf %get3A_897, %get3A_899 : vector<16xf32>
    %add3A_901 = arith.addf %add3A_895, %mul3A_900 : vector<16xf32>
    %get3A_902 = arith.constant 1248 : index
    %get3A_903 = tpu.vector_load %arg10[%get3A_902] {strides = array<i32>} : memref<1600xf32, #tpu.memory_space<vmem>>, vector<16xf32>,
    %get3A_904 = arith.constant 1248 : index
    %get3A_905 = tpu.vector_load %arg11[%get3A_904] {strides = array<i32>} : memref<1600xf32, #tpu.memory_space<vmem>>, vector<16xf32>,
    %mul3A_906 = arith.mulf %get3A_903, %get3A_905 : vector<16xf32>
    %add3A_907 = arith.addf %add3A_901, %mul3A_906 : vector<16xf32>
    %get3A_908 = arith.constant 1264 : index
    %get3A_909 = tpu.vector_load %arg10[%get3A_908] {strides = array<i32>} : memref<1600xf32, #tpu.memory_space<vmem>>, vector<16xf32>,
    %get3A_910 = arith.constant 1264 : index
    %get3A_911 = tpu.vector_load %arg11[%get3A_910] {strides = array<i32>} : memref<1600xf32, #tpu.memory_space<vmem>>, vector<16xf32>,
    %mul3A_912 = arith.mulf %get3A_909, %get3A_911 : vector<16xf32>
    %add3A_913 = arith.addf %add3A_907, %mul3A_912 : vector<16xf32>
    %get3A_914 = arith.constant 1280 : index
    %get3A_915 = tpu.vector_load %arg10[%get3A_914] {strides = array<i32>} : memref<1600xf32, #tpu.memory_space<vmem>>, vector<16xf32>,
    %get3A_916 = arith.constant 1280 : index
    %get3A_917 = tpu.vector_load %arg11[%get3A_916] {strides = array<i32>} : memref<1600xf32, #tpu.memory_space<vmem>>, vector<16xf32>,
    %mul3A_918 = arith.mulf %get3A_915, %get3A_917 : vector<16xf32>
    %add3A_919 = arith.addf %add3A_913, %mul3A_918 : vector<16xf32>
    %get3A_920 = arith.constant 1296 : index
    %get3A_921 = tpu.vector_load %arg10[%get3A_920] {strides = array<i32>} : memref<1600xf32, #tpu.memory_space<vmem>>, vector<16xf32>,
    %get3A_922 = arith.constant 1296 : index
    %get3A_923 = tpu.vector_load %arg11[%get3A_922] {strides = array<i32>} : memref<1600xf32, #tpu.memory_space<vmem>>, vector<16xf32>,
    %mul3A_924 = arith.mulf %get3A_921, %get3A_923 : vector<16xf32>
    %add3A_925 = arith.addf %add3A_919, %mul3A_924 : vector<16xf32>
    %get3A_926 = arith.constant 1312 : index
    %get3A_927 = tpu.vector_load %arg10[%get3A_926] {strides = array<i32>} : memref<1600xf32, #tpu.memory_space<vmem>>, vector<16xf32>,
    %get3A_928 = arith.constant 1312 : index
    %get3A_929 = tpu.vector_load %arg11[%get3A_928] {strides = array<i32>} : memref<1600xf32, #tpu.memory_space<vmem>>, vector<16xf32>,
    %mul3A_930 = arith.mulf %get3A_927, %get3A_929 : vector<16xf32>
    %add3A_931 = arith.addf %add3A_925, %mul3A_930 : vector<16xf32>
    %get3A_932 = arith.constant 1328 : index
    %get3A_933 = tpu.vector_load %arg10[%get3A_932] {strides = array<i32>} : memref<1600xf32, #tpu.memory_space<vmem>>, vector<16xf32>,
    %get3A_934 = arith.constant 1328 : index
    %get3A_935 = tpu.vector_load %arg11[%get3A_934] {strides = array<i32>} : memref<1600xf32, #tpu.memory_space<vmem>>, vector<16xf32>,
    %mul3A_936 = arith.mulf %get3A_933, %get3A_935 : vector<16xf32>
    %add3A_937 = arith.addf %add3A_931, %mul3A_936 : vector<16xf32>
    %get3A_938 = arith.constant 1344 : index
    %get3A_939 = tpu.vector_load %arg10[%get3A_938] {strides = array<i32>} : memref<1600xf32, #tpu.memory_space<vmem>>, vector<16xf32>,
    %get3A_940 = arith.constant 1344 : index
    %get3A_941 = tpu.vector_load %arg11[%get3A_940] {strides = array<i32>} : memref<1600xf32, #tpu.memory_space<vmem>>, vector<16xf32>,
    %mul3A_942 = arith.mulf %get3A_939, %get3A_941 : vector<16xf32>
    %add3A_943 = arith.addf %add3A_937, %mul3A_942 : vector<16xf32>
    %get3A_944 = arith.constant 1360 : index
    %get3A_945 = tpu.vector_load %arg10[%get3A_944] {strides = array<i32>} : memref<1600xf32, #tpu.memory_space<vmem>>, vector<16xf32>,
    %get3A_946 = arith.constant 1360 : index
    %get3A_947 = tpu.vector_load %arg11[%get3A_946] {strides = array<i32>} : memref<1600xf32, #tpu.memory_space<vmem>>, vector<16xf32>,
    %mul3A_948 = arith.mulf %get3A_945, %get3A_947 : vector<16xf32>
    %add3A_949 = arith.addf %add3A_943, %mul3A_948 : vector<16xf32>
    %get3A_950 = arith.constant 1376 : index
    %get3A_951 = tpu.vector_load %arg10[%get3A_950] {strides = array<i32>} : memref<1600xf32, #tpu.memory_space<vmem>>, vector<16xf32>,
    %get3A_952 = arith.constant 1376 : index
    %get3A_953 = tpu.vector_load %arg11[%get3A_952] {strides = array<i32>} : memref<1600xf32, #tpu.memory_space<vmem>>, vector<16xf32>,
    %mul3A_954 = arith.mulf %get3A_951, %get3A_953 : vector<16xf32>
    %add3A_955 = arith.addf %add3A_949, %mul3A_954 : vector<16xf32>
    %get3A_956 = arith.constant 1392 : index
    %get3A_957 = tpu.vector_load %arg10[%get3A_956] {strides = array<i32>} : memref<1600xf32, #tpu.memory_space<vmem>>, vector<16xf32>,
    %get3A_958 = arith.constant 1392 : index
    %get3A_959 = tpu.vector_load %arg11[%get3A_958] {strides = array<i32>} : memref<1600xf32, #tpu.memory_space<vmem>>, vector<16xf32>,
    %mul3A_960 = arith.mulf %get3A_957, %get3A_959 : vector<16xf32>
    %add3A_961 = arith.addf %add3A_955, %mul3A_960 : vector<16xf32>
    %get3A_962 = arith.constant 1408 : index
    %get3A_963 = tpu.vector_load %arg10[%get3A_962] {strides = array<i32>} : memref<1600xf32, #tpu.memory_space<vmem>>, vector<16xf32>,
    %get3A_964 = arith.constant 1408 : index
    %get3A_965 = tpu.vector_load %arg11[%get3A_964] {strides = array<i32>} : memref<1600xf32, #tpu.memory_space<vmem>>, vector<16xf32>,
    %mul3A_966 = arith.mulf %get3A_963, %get3A_965 : vector<16xf32>
    %add3A_967 = arith.addf %add3A_961, %mul3A_966 : vector<16xf32>
    %get3A_968 = arith.constant 1424 : index
    %get3A_969 = tpu.vector_load %arg10[%get3A_968] {strides = array<i32>} : memref<1600xf32, #tpu.memory_space<vmem>>, vector<16xf32>,
    %get3A_970 = arith.constant 1424 : index
    %get3A_971 = tpu.vector_load %arg11[%get3A_970] {strides = array<i32>} : memref<1600xf32, #tpu.memory_space<vmem>>, vector<16xf32>,
    %mul3A_972 = arith.mulf %get3A_969, %get3A_971 : vector<16xf32>
    %add3A_973 = arith.addf %add3A_967, %mul3A_972 : vector<16xf32>
    %get3A_974 = arith.constant 1440 : index
    %get3A_975 = tpu.vector_load %arg10[%get3A_974] {strides = array<i32>} : memref<1600xf32, #tpu.memory_space<vmem>>, vector<16xf32>,
    %get3A_976 = arith.constant 1440 : index
    %get3A_977 = tpu.vector_load %arg11[%get3A_976] {strides = array<i32>} : memref<1600xf32, #tpu.memory_space<vmem>>, vector<16xf32>,
    %mul3A_978 = arith.mulf %get3A_975, %get3A_977 : vector<16xf32>
    %add3A_979 = arith.addf %add3A_973, %mul3A_978 : vector<16xf32>
    %get3A_980 = arith.constant 1456 : index
    %get3A_981 = tpu.vector_load %arg10[%get3A_980] {strides = array<i32>} : memref<1600xf32, #tpu.memory_space<vmem>>, vector<16xf32>,
    %get3A_982 = arith.constant 1456 : index
    %get3A_983 = tpu.vector_load %arg11[%get3A_982] {strides = array<i32>} : memref<1600xf32, #tpu.memory_space<vmem>>, vector<16xf32>,
    %mul3A_984 = arith.mulf %get3A_981, %get3A_983 : vector<16xf32>
    %add3A_985 = arith.addf %add3A_979, %mul3A_984 : vector<16xf32>
    %get3A_986 = arith.constant 1472 : index
    %get3A_987 = tpu.vector_load %arg10[%get3A_986] {strides = array<i32>} : memref<1600xf32, #tpu.memory_space<vmem>>, vector<16xf32>,
    %get3A_988 = arith.constant 1472 : index
    %get3A_989 = tpu.vector_load %arg11[%get3A_988] {strides = array<i32>} : memref<1600xf32, #tpu.memory_space<vmem>>, vector<16xf32>,
    %mul3A_990 = arith.mulf %get3A_987, %get3A_989 : vector<16xf32>
    %add3A_991 = arith.addf %add3A_985, %mul3A_990 : vector<16xf32>
    %get3A_992 = arith.constant 1488 : index
    %get3A_993 = tpu.vector_load %arg10[%get3A_992] {strides = array<i32>} : memref<1600xf32, #tpu.memory_space<vmem>>, vector<16xf32>,
    %get3A_994 = arith.constant 1488 : index
    %get3A_995 = tpu.vector_load %arg11[%get3A_994] {strides = array<i32>} : memref<1600xf32, #tpu.memory_space<vmem>>, vector<16xf32>,
    %mul3A_996 = arith.mulf %get3A_993, %get3A_995 : vector<16xf32>
    %add3A_997 = arith.addf %add3A_991, %mul3A_996 : vector<16xf32>
    %get3A_998 = arith.constant 1504 : index
    %get3A_999 = tpu.vector_load %arg10[%get3A_998] {strides = array<i32>} : memref<1600xf32, #tpu.memory_space<vmem>>, vector<16xf32>,
    %get3A_1000 = arith.constant 1504 : index
    %get3A_1001 = tpu.vector_load %arg11[%get3A_1000] {strides = array<i32>} : memref<1600xf32, #tpu.memory_space<vmem>>, vector<16xf32>,
    %mul3A_1002 = arith.mulf %get3A_999, %get3A_1001 : vector<16xf32>
    %add3A_1003 = arith.addf %add3A_997, %mul3A_1002 : vector<16xf32>
    %get3A_1004 = arith.constant 1520 : index
    %get3A_1005 = tpu.vector_load %arg10[%get3A_1004] {strides = array<i32>} : memref<1600xf32, #tpu.memory_space<vmem>>, vector<16xf32>,
    %get3A_1006 = arith.constant 1520 : index
    %get3A_1007 = tpu.vector_load %arg11[%get3A_1006] {strides = array<i32>} : memref<1600xf32, #tpu.memory_space<vmem>>, vector<16xf32>,
    %mul3A_1008 = arith.mulf %get3A_1005, %get3A_1007 : vector<16xf32>
    %add3A_1009 = arith.addf %add3A_1003, %mul3A_1008 : vector<16xf32>
    %get3A_1010 = arith.constant 1536 : index
    %get3A_1011 = tpu.vector_load %arg10[%get3A_1010] {strides = array<i32>} : memref<1600xf32, #tpu.memory_space<vmem>>, vector<16xf32>,
    %get3A_1012 = arith.constant 1536 : index
    %get3A_1013 = tpu.vector_load %arg11[%get3A_1012] {strides = array<i32>} : memref<1600xf32, #tpu.memory_space<vmem>>, vector<16xf32>,
    %mul3A_1014 = arith.mulf %get3A_1011, %get3A_1013 : vector<16xf32>
    %add3A_1015 = arith.addf %add3A_1009, %mul3A_1014 : vector<16xf32>
    %get3A_1016 = arith.constant 1552 : index
    %get3A_1017 = tpu.vector_load %arg10[%get3A_1016] {strides = array<i32>} : memref<1600xf32, #tpu.memory_space<vmem>>, vector<16xf32>,
    %get3A_1018 = arith.constant 1552 : index
    %get3A_1019 = tpu.vector_load %arg11[%get3A_1018] {strides = array<i32>} : memref<1600xf32, #tpu.memory_space<vmem>>, vector<16xf32>,
    %mul3A_1020 = arith.mulf %get3A_1017, %get3A_1019 : vector<16xf32>
    %add3A_1021 = arith.addf %add3A_1015, %mul3A_1020 : vector<16xf32>
    %get3A_1022 = arith.constant 1568 : index
    %get3A_1023 = tpu.vector_load %arg10[%get3A_1022] {strides = array<i32>} : memref<1600xf32, #tpu.memory_space<vmem>>, vector<16xf32>,
    %get3A_1024 = arith.constant 1568 : index
    %get3A_1025 = tpu.vector_load %arg11[%get3A_1024] {strides = array<i32>} : memref<1600xf32, #tpu.memory_space<vmem>>, vector<16xf32>,
    %mul3A_1026 = arith.mulf %get3A_1023, %get3A_1025 : vector<16xf32>
    %add3A_1027 = arith.addf %add3A_1021, %mul3A_1026 : vector<16xf32>
    %get3A_1028 = arith.constant 1584 : index
    %get3A_1029 = tpu.vector_load %arg10[%get3A_1028] {strides = array<i32>} : memref<1600xf32, #tpu.memory_space<vmem>>, vector<16xf32>,
    %get3A_1030 = arith.constant 1584 : index
    %get3A_1031 = tpu.vector_load %arg11[%get3A_1030] {strides = array<i32>} : memref<1600xf32, #tpu.memory_space<vmem>>, vector<16xf32>,
    %mul3A_1032 = arith.mulf %get3A_1029, %get3A_1031 : vector<16xf32>
    %add3A_1033 = arith.addf %add3A_1027, %mul3A_1032 : vector<16xf32>
    %swap3A_1034 = arith.constant 0 : index
    %swap3A_1035 = tpu.vector_load %arg13[%swap3A_1034] {strides = array<i32>} : memref<16xf32, #tpu.memory_space<vmem>>, vector<16xf32>,
    tpu.vector_store %arg13[%swap3A_1034], %add3A_1033 {strides = array<i32>} : memref<16xf32, #tpu.memory_space<vmem>>, vector<16xf32>,
    "tpu.region"() ({
      %run_scoped3A = tpu.sem_alloc : memref<!tpu.dma_semaphore, #tpu.memory_space<semaphore_mem>>
      %dma_start3A_1036 = arith.constant 0 : i32
      %dma_start3A_1037 = tpu.memref_slice %arg5[%add3A, %dma_start3A_1036] : memref<32x16xf32, #tpu.memory_space<hbm>> -> memref<1x16xf32, #tpu.memory_space<hbm>>
      %dma_start3A_1038 = tpu.memref_squeeze %dma_start3A_1037 : memref<1x16xf32, #tpu.memory_space<hbm>> -> memref<16xf32, #tpu.memory_space<hbm>>
      %dma_start3A_1039 = arith.constant 0 : i32
      %dma_start3A_1040 = tpu.memref_slice %arg5[%add3A, %dma_start3A_1039] : memref<32x16xf32, #tpu.memory_space<hbm>> -> memref<1x16xf32, #tpu.memory_space<hbm>>
      %dma_start3A_1041 = tpu.memref_squeeze %dma_start3A_1040 : memref<1x16xf32, #tpu.memory_space<hbm>> -> memref<16xf32, #tpu.memory_space<hbm>>
      tpu.enqueue_dma source(%arg13 : memref<16xf32, #tpu.memory_space<vmem>>) target(%dma_start3A_1041 : memref<16xf32, #tpu.memory_space<hbm>>) target_semaphore(%run_scoped3A : memref<!tpu.dma_semaphore, #tpu.memory_space<semaphore_mem>>)
      %dma_wait3A_1042 = arith.constant 0 : i32
      %dma_wait3A_1043 = tpu.memref_slice %arg5[%add3A, %dma_wait3A_1042] : memref<32x16xf32, #tpu.memory_space<hbm>> -> memref<1x16xf32, #tpu.memory_space<hbm>>
      %dma_wait3A_1044 = tpu.memref_squeeze %dma_wait3A_1043 : memref<1x16xf32, #tpu.memory_space<hbm>> -> memref<16xf32, #tpu.memory_space<hbm>>
      %dma_wait3A_1045 = arith.constant 0 : i32
      %dma_wait3A_1046 = tpu.memref_slice %arg5[%add3A, %dma_wait3A_1045] : memref<32x16xf32, #tpu.memory_space<hbm>> -> memref<1x16xf32, #tpu.memory_space<hbm>>
      %dma_wait3A_1047 = tpu.memref_squeeze %dma_wait3A_1046 : memref<1x16xf32, #tpu.memory_space<hbm>> -> memref<16xf32, #tpu.memory_space<hbm>>
      tpu.wait_dma2 semaphore(%run_scoped3A : memref<!tpu.dma_semaphore, #tpu.memory_space<semaphore_mem>>) src(%arg13 : memref<16xf32, #tpu.memory_space<vmem>>) dst(%dma_wait3A_1047 : memref<16xf32, #tpu.memory_space<hbm>>)
      tpu.yield
    }) : () -> ()
    return
  }
}

module attributes {stable_mosaic.version = 14 : i64} {
  func.func @_tc_combine(%arg0: memref<32x16xf32, #tpu.memory_space<vmem>>, %arg1: memref<16384xf32, #tpu.memory_space<vmem>>, %arg2: memref<16384xf32, #tpu.memory_space<vmem>>) attributes {dimension_semantics = [], scalar_prefetch = 0 : i64, scratch_operands = 0 : i64, tpu.core_type = #tpu.core_type<tc>} {
    %get3A = arith.constant 0 : index
    %get3A_0 = vector.load %arg1[%get3A] : memref<16384xf32, #tpu.memory_space<vmem>>, vector<16384xf32>
    %get3A_1 = arith.constant 0 : index
    %get3A_2 = arith.constant 0 : index
    %get3A_3 = vector.load %arg0[%get3A_1, %get3A_2] : memref<32x16xf32, #tpu.memory_space<vmem>>, vector<32x16xf32>
    %reduce_sum3A = vector.shape_cast %get3A_3 : vector<32x16xf32> to vector<1x32x16xf32>
    %reduce_sum3A_4 = arith.constant dense<0.000000e+00> : vector<1xf32>
    %reduce_sum3A_5 = vector.multi_reduction <add>, %reduce_sum3A, %reduce_sum3A_4 [1, 2] : vector<1x32x16xf32> to vector<1xf32>
    %reduce_sum3A_6 = vector.shape_cast %reduce_sum3A_5 : vector<1xf32> to vector<1x1x1xf32>
    %reduce_sum3A_7 = vector.extract %reduce_sum3A_6[0, 0, 0] : f32 from vector<1x1x1xf32>
    %sub3A = vector.broadcast %reduce_sum3A_7 : f32 to vector<16384xf32>
    %sub3A_8 = arith.subf %get3A_0, %sub3A : vector<16384xf32>
    %swap3A = arith.constant 0 : index
    %swap3A_9 = vector.load %arg2[%swap3A] : memref<16384xf32, #tpu.memory_space<vmem>>, vector<16384xf32>
    tpu.vector_store %arg2[%swap3A], %sub3A_8 {strides = array<i32>} : memref<16384xf32, #tpu.memory_space<vmem>>, vector<16384xf32>,
    return
  }
}

</mosaic_0001>

<sc_bundles>
// kernel: kernel.4.cloned.1.call-start
scs
__scs_entry_jumppad:
0x0: {  	(pc) =	sbr.rel $0x88, $3  }
0x1: {  	(tag) =	ssettag $0x0;
	lr =	simm.s32 $0x1  }
0x2: {  	[smem:$0x3F9E] =	sst lr;
	_ =	strace $0xD0000000  }
0x3: {  	_ = 	snop  }
0x4: {  	_ = 	snop  }
0x5: {  	_ = 	snop  }
0x6: {  	_ = 	snop  }
0x7: {  	_ = 	snop  }
__scs_overlays_trampoline_lowered:
0x8: {  	[smem:$0x3FAD] =	sst s0  }
0x9: {  	[smem:$0x3FAE] =	sst s1  }
0xa: {  	[smem:$0x3FAF] =	sst s2  }
0xb: {  	[smem:$0x3FB0] =	sst s3  }
0xc: {  	[smem:$0x3FB1] =	sst s4  }
0xd: {  	[smem:$0x3FB2] =	sst s5  }
0xe: {  	[smem:$0x3FB3] =	sst s6  }
0xf: {  	[smem:$0x3FB4] =	sst s7  }
0x10: {  	[smem:$0x3FB5] =	sst s8  }
0x11: {  	[smem:$0x3FB6] =	sst s9;
	s0 =	simm.s32 @!p0 $0x0  }
0x12: {  	s1 =	sld [smem:$0x3F9C];
	s0 =	simm.s32 @p0 $0x1  }
0x13: {  	[smem:$0x3FB7] =	sst s0;
	s0 =	simm.s32 @!p1 $0x0  }
0x14: {  	s2 =	sld [smem:$0x3F9B];
	s0 =	simm.s32 @p1 $0x1  }
0x15: {  	[smem:$0x3FB8] =	sst s0;
	s0 =	simm.s32 @!p2 $0x0  }
0x16: {  	s3 =	sld [smem:$0x3FDB];
	s0 =	simm.s32 @p2 $0x1  }
0x17: {  	s4 =	simm.s32 $0x1BF5;
	[smem:$0x3FBA] =	sst s0  }
0x18: {  	s0 =	sld [smem:$0x3F9D];
	_ =	swait.ge [sflag:s4], $0x0  }
0x19: {  	s7 =	sld [smem:$0x3F9E]  }
0x1a: {  	s8 =	sadd.s32 $0xFFFFE003, lr  }
0x1b: {  	s9 =	sadd.s32 $0xFFFFFEF7, lr;
	s5 =	simm.s32 $0xFFFFFFFF;
	p2 =	slt.u32 s8, $0xFFFFF086  }
0x1c: {  	p1 =	slt.u32 s9, $0xF7A;
	s5 =	simm.s32 @!p2 $0x0  }
0x1d: {  	s5 =	simm.s32 @p1 $0x1;
	p0 =	seq.s32 s7, s2  }
0x1e: {  	s7 =	smul.u32 @!p0 $0xF7A, s2;
	p2 =	seq.s32 @!p0 s5, $0x0  }
0x1f: {  	s9 =	smul.u32 $0xF7A, s1;
	s8 =	simm.s32 @!p0 $0x1BF5;
	p2 =	por !p2, p0  }
0x20: {  	[sflag:s8] =	ssyncset.s32 @!p0 $0xFFFFF086;
	s6 =	sadd.s32 @!p0 s3, s7;
	s7 =	simm.s32 @!p0 $0x108  }
0x21: {  	s3 =	sadd.s32 s3, s9;
	s6 =	sadd.s32 @!p0 $0x88, s6;
	s7 =	simm.s32 @p2 $0x1082  }
0x22: {  	[simem:s7], [sflag:s8] =	dma.local @!p0 [hbm:s6], $0xF7A  }
0x23: {  	s9 =	sor.u32 $0xD0000000, s2;
	s6 =	simm.s32 $0x108;
	_ =	swait.ge @!p0 [sflag:s8], $0x0  }
0x24: {  	s3 =	sadd.s32 $0x88, s3;
	s6 =	simm.s32 @!p1 $0x1082;
	[sflag:s4] =	ssyncset.s32 $0xFFFFF086  }
0x25: {  	[simem:s6], [sflag:s4] =	dma.local [hbm:s3], $0xF7A  }
0x26: {  	[smem:$0x3F9E] =	sst s1;
	(tag) =	ssettag s2;
	_ =	strace s9  }
0x27: {  	s1 =	sld [smem:$0x3FAE]  }
0x28: {  	s2 =	sld [smem:$0x3FAF]  }
0x29: {  	s4 =	sld [smem:$0x3FB1]  }
0x2a: {  	p0 =	seq.s32 s5, $0x0;
	s5 =	sld [smem:$0x3FB2]  }
0x2b: {  	s6 =	sld [smem:$0x3FB3]  }
0x2c: {  	s7 =	sld [smem:$0x3FB4]  }
0x2d: {  	s3 =	simm.s32 $0x108;
	s8 =	sld [smem:$0x3FB5]  }
0x2e: {  	s3 =	simm.s32 @!p0 $0x1082;
	s9 =	sld [smem:$0x3FB6]  }
0x2f: {  	lr =	sadd.s32 s0, s3;
	s0 =	sld [smem:$0x3FAD]  }
0x30: {  	s3 =	sld [smem:$0x3FB0]  }
0x31: {  	[smem:$0x3FB9] =	sst s10  }
0x32: {  	s10 =	sld [smem:$0x3FB7];
	_ =	sdelay $0x3  }
0x33: {  	p0 =	seq.s32 s10, $0x1;
	s10 =	sld [smem:$0x3FB9];
	_ =	sdelay $0x3  }
0x34: {  	[smem:$0x3FB9] =	sst s10  }
0x35: {  	s10 =	sld [smem:$0x3FB8];
	_ =	sdelay $0x3  }
0x36: {  	p1 =	seq.s32 s10, $0x1;
	s10 =	sld [smem:$0x3FB9];
	_ =	sdelay $0x3  }
0x37: {  	[smem:$0x3FB9] =	sst s10  }
0x38: {  	s10 =	sld [smem:$0x3FBA]  }
0x39: {  	_ = 	snop;
	(pc) =	sbr.ind lr, $3  }
0x3a: {  	_ = 	snop  }
0x3b: {  	_ = 	snop  }
0x3c: {  	p2 =	seq.s32 s10, $0x1;
	s10 =	sld [smem:$0x3FB9]  }
0x3d: {  	_ =	shalt  }
0x3e: {  	_ =	shalt  }
0x3f: {  	_ =	shalt  }
0x40: {  	_ =	shalt  }
0x41: {  	_ =	shalt  }
0x42: {  	_ =	shalt  }
0x43: {  	_ =	shalt  }
0x44: {  	_ =	shalt  }
0x45: {  	_ =	shalt  }
0x46: {  	_ =	shalt  }
0x47: {  	_ =	shalt  }
0x48: {  	_ =	shalt  }
0x49: {  	_ =	shalt  }
0x4a: {  	_ =	shalt  }
0x4b: {  	_ =	shalt  }
0x4c: {  	_ =	shalt  }
0x4d: {  	_ =	shalt  }
0x4e: {  	_ =	shalt  }
0x4f: {  	_ =	shalt  }
0x50: {  	_ =	shalt  }
0x51: {  	_ =	shalt  }
0x52: {  	_ =	shalt  }
0x53: {  	_ =	shalt  }
0x54: {  	_ =	shalt  }
0x55: {  	_ =	shalt  }
0x56: {  	_ =	shalt  }
0x57: {  	_ =	shalt  }
0x58: {  	_ =	shalt  }
0x59: {  	_ =	shalt  }
0x5a: {  	_ =	shalt  }
0x5b: {  	_ =	shalt  }
0x5c: {  	_ =	shalt  }
0x5d: {  	_ =	shalt  }
0x5e: {  	_ =	shalt  }
0x5f: {  	_ =	shalt  }
0x60: {  	_ =	shalt  }
0x61: {  	_ =	shalt  }
0x62: {  	_ =	shalt  }
0x63: {  	_ =	shalt  }
0x64: {  	_ =	shalt  }
0x65: {  	_ =	shalt  }
0x66: {  	_ =	shalt  }
0x67: {  	_ =	shalt  }
0x68: {  	_ =	shalt  }
0x69: {  	_ =	shalt  }
0x6a: {  	_ =	shalt  }
0x6b: {  	_ =	shalt  }
0x6c: {  	_ =	shalt  }
0x6d: {  	_ =	shalt  }
0x6e: {  	_ =	shalt  }
0x6f: {  	_ =	shalt  }
0x70: {  	_ =	shalt  }
0x71: {  	_ =	shalt  }
0x72: {  	_ =	shalt  }
0x73: {  	_ =	shalt  }
0x74: {  	_ =	shalt  }
0x75: {  	_ =	shalt  }
0x76: {  	_ =	shalt  }
0x77: {  	_ =	shalt  }
0x78: {  	_ =	shalt  }
0x79: {  	_ =	shalt  }
0x7a: {  	_ =	shalt  }
0x7b: {  	_ =	shalt  }
0x7c: {  	_ =	shalt  }
0x7d: {  	_ =	shalt  }
0x7e: {  	_ =	shalt  }
0x7f: {  	_ =	shalt  }
0x80: {  	_ =	shalt  }
0x81: {  	_ =	shalt  }
0x82: {  	_ =	shalt  }
0x83: {  	_ =	shalt  }
0x84: {  	_ =	shalt  }
0x85: {  	_ =	shalt  }
0x86: {  	_ =	shalt  }
0x87: {  	_ =	shalt  }
.Lfunc_end0:
.L_simem_size_0:
called_computation_lowered:
.L_overlay_start_0:
0x88: {  	s2 =	sld [smem:$0x3FD9]  }
0x89: {  	s3 =	sld [smem:$0x3FFE];
	_ =	sdelay $0x1  }
0x8a: {  	s1 =	srdreg.scid  }
0x8b: {  	s0 =	sand.u32 $0x1, s1  }
0x8c: {  	s17 =	sshll.u32 s0, $0xA;
	s2 =	sadd.s32 s3, s2  }
0x8d: {  	s2 =	sadd.s32 s2, s17  }
0x8e: {  	[smem:$0x3FC5] =	sst s2  }
0x8f: {  	_ = 	snop  }
0x90: {  	s2 =	sld [smem:$0x3FC8]  }
0x91: {  	s18 =	sld [smem:$0x3FD0];
	(tm) =	ssettm $0x1  }
0x92: {  	s4 =	sld [smem:$0x3FFB];
	_ =	sdelay $0x3  }
0x93: {  	_ =	strace s4  }
0x94: {  	s4 =	sld [smem:$0x3FFC];
	_ =	sdelay $0x3  }
0x95: {  	_ =	strace s4  }
0x96: {  	s4 =	sld [smem:$0x3FFD];
	_ =	sdelay $0x3  }
0x97: {  	_ =	strace s4  }
0x98: {  	_ =	strace $0x8FFFFFFF  }
0x99: {  	s19 =	sld [smem:$0x3FDB];
	_ =	sdelay $0x1  }
0x9a: {  	s5 =	simm.s32 $_scs_section_size  }
0x9b: {  	s6 =	simm.s32 $_size__tile_overlayer_lowered;
	s7 =	simm.s32 $_tile_overlayer_lowered  }
0x9c: {  	s22 =	simm.s32 $0x1BFF;
	s21 =	sshll.u32 s7, $0x1;
	s4 =	sadd.s32 s5, s19  }
0x9d: {  	s8 =	simm.s32 $0x0;
	s20 =	sshll.u32 s6, $0x1;
	s6 =	sadd.s32 s21, s4  }
0x9e: {  	[timem:s8], [sflag:s22] =	dma.local [hbm:s6], s20  }
0x9f: {  	_ =	swait.ge [sflag:s22], s20  }
0xa0: {  	s5 =	ssub.s32 $0x0, s20;
	[sflag:s22] =	ssyncset.done $0x0  }
0xa1: {  	[sflag:s22] =	ssyncadd.s32 s5;
	_ =	sdelay $0x1  }
0xa2: {  	s23 =	simm.s32 $0x1B8B  }
0xa3: {  	_ =	swait.ge [sflag:s23], $0x1  }
0xa4: {  	[sflag:s23] =	ssyncset.done $0x0  }
0xa5: {  	s25 =	simm.s32 $0x1B8E;
	s24 =	sld [smem:$0x3FFE];
	[sflag:s23] =	ssyncadd.s32 $0xFFFFFFFF  }
0xa6: {  	s26 =	simm.s32 $execute0_lowered;
	[smem:$0x3FD2] =	sst s25  }
0xa7: {  	s6 =	sshll.u32 s26, $0x1;
	_ =	strace $0x80000046;
	[dreg:$0x1] =	wrdreg $0xFFFFFFFF  }
0xa8: {  	s28 =	simm.s32 $_size_execute0_lowered;
	s4 =	sadd.s32 s4, s6;
	[dreg:$0x0] =	wrdreg $0x0  }
0xa9: {  	s6 =	sshll.u32 s28, $0x1;
	[dreg:$0x2] =	wrdreg s4  }
0xaa: {  	[dreg:$0x3] =	wrdreg s6  }
0xab: {  	[dreg:$0x4] =	wrdreg $0xC0  }
0xac: {  	_ =	task [dreg:s8], $0x5FFFF  }
0xad: {  	[dreg:$0x1] =	wrdreg $0xFFFFFFFF  }
0xae: {  	[dreg:$0x0] =	wrdreg $0x60  }
0xaf: {  	[dreg:$0x2] =	wrdreg s2  }
0xb0: {  	[dreg:$0x3] =	wrdreg s18  }
0xb1: {  	[dreg:$0x4] =	wrdreg s24  }
0xb2: {  	[dreg:$0x5] =	wrdreg $0x124800  }
0xb3: {  	[dreg:$0x6] =	wrdreg $0x9  }
0xb4: {  	_ =	task.clear_ibuf [dreg:s8], $0x7FFFF;
	_ =	strace $0x90000046  }
0xb5: {  	s29 =	simm.s32 $0x9;
	_ =	strace $0x80000048  }
0xb6: {  	_ =	swait.ge [sflag:s29], $0x1  }
0xb7: {  	[sflag:s29] =	ssyncadd.s32 $0xFFFFFFFF  }
0xb8: {  	_ =	strace $0x90000048  }
0xb9: {  	_ =	sfence  }
0xba: {  	s30 =	sld [smem:$0x0];
	_ =	sdelay $0x2  }
0xbb: {  	s31 =	sshll.u32 s1, $0xD;
	s1 =	sshrl.u32 s1, $0x2  }
0xbc: {  	s3 =	sand.u32 $0x4000, s31;
	s1 =	sadd.s32 s1, s30  }
0xbd: {  	s0 =	sor.u32 s3, s0;
	s1 =	sshll.u32 s1, $0x11  }
0xbe: {  	s0 =	sor.u32 s1, s0  }
0xbf: {  	s0 =	sadd.s32 $0x8F2B, s0  }
0xc0: {  	[sflag:s0] =	ssyncadd.remote.s32 $0x1  }
0xc1: {  	_ =	sfence.sel $0xFFFF  }
0xc2: {  	[dreg:$0x0] =	wrdreg $0xFFFFFFFF;
	(pc) =	sbr.abs _section_cstart, $3  }
0xc3: {  	[dreg:$0x1] =	wrdreg $0xFFFFFFFF  }
0xc4: {  	_ =	task.clear_ibuf [dreg:s8], $0x2FFFF;
	_ =	strace $0x9FFFFFFF  }
0xc5: {  	(tm) =	ssettm $0x7FFFFFFF  }
tec
execute0_lowered:
.L_overlay_start_1:
0x0: {  	(tag) =	ssettag $0x1  }
0x1: {  	s0 =	rddreg [dreg:$0x0]  }
0x2: {  	s1 =	rddreg [dreg:$0x2]  }
0x3: {  	s2 =	rddreg [dreg:$0x3];
	s3 =	simm.s32 $0x0;
	s4 =	srdreg.scid  }
0x4: {  	s13 =	stileid.u32;
	s17 =	simm.s32 $0x5;
	s18 =	simm.s32 $0x8000  }
0x5: {  	s19 =	simm.s32 $0x1;
	s20 =	simm.s32 $0xC00;
	s21 =	simm.s32 $0x7400  }
0x6: {  	s22 =	simm.s32 $0x10000;
	s23 =	simm.s32 $0x11800;
	s28 =	simm.s32 $0x10C00  }
0x7: {  	s29 =	simm.s32 $0x4;
	s30 =	simm.s32 $0x12488;
	s31 =	simm.s32 $0x0  }
0x8: {  	[smem:$0x7FF] =	sst s3;
	s5 =	sand.u32 $0x1, s4;
	s6 =	sshll.u32 s13, $0x1  }
0x9: {  	s4 =	sadd.s32 $0x600, s1;
	p0 =	sne.s32 s13, $0x0;
	_ =	strace $0x80000047  }
0xa: {  	s6 =	sor.u32 s5, s6;
	s8 =	ssub.s32 $0x2, s5;
	s15 =	sshrl.u32 @!p0 s2, $0x3  }
0xb: {  	s7 =	sshll.u32 s6, $0x1;
	s24 =	sshll.u32 s6, $0xF;
	s25 =	sshrl.u32 s8, $0x1  }
0xc: {  	s1 =	sadd.s32 s7, s1;
	s5 =	sadd.s32 s0, s24;
	s26 =	ssub.s32 s8, s25  }
0xd: {  	s24 =	simm.s32 $0x3;
	s25 =	simm.s32 $0x2;
	s6 =	sadd.s32 $0x1000, s5  }
0xe: {  	s7 =	sadd.s32 $0x2000, s5;
	s8 =	sadd.s32 $0x3000, s5;
	s9 =	sadd.s32 $0x4000, s5  }
0xf: {  	s10 =	sadd.s32 $0x5000, s5;
	s11 =	sadd.s32 $0x6000, s5;
	s12 =	sadd.s32 $0x7000, s5  }
0x10: {  	v0 =	vimm.f32 $0.0e+00;
	v1 =	vlaneseq.u32;
	v2 =	vimm.f32 $1.000000000e+00;
	s13 =	sadd.s32 $0x800, s1;
	s14 =	smax.u32 s26, $0x1;
	s26 =	simm.s32 $0xF400  }
.LBB2_1:
0x11: {  	s0 =	simm.s32 @!p0 $0x1C05  }
0x12: {  	[spmem:s15], [sflag:s0] =	dma.local @!p0 [hbm:s4], $0xE  }
0x13: {  	s0 =	simm.s32 @!p0 $0x5  }
0x14: {  	_ =	swait.ge @!p0 [sflag:s0], $0xE  }
0x15: {  	[sflag:s0] =	ssyncset.done @!p0 $0x0  }
0x16: {  	[sflag:s0] =	ssyncadd.s32 @!p0 $0xFFFFFFF2  }
0x17: {  	s1 =	simm.s32 $0x11E40;
	s0 =	rddreg [dreg:$0x1]  }
0x18: {  	[tilespmem:s1], [sflag:$0x5] =	stream.linear.gather [hbm4b:s0+s3], $0x640, $0x38;
	[tilespmem:$0x12498] =	vst v63  }
0x19: {  	_ =	swait.ge [sflag:s17], $0x640  }
0x1a: {  	[sflag:s17] =	ssyncset.done $0x0  }
0x1b: {  	[sflag:s17] =	ssyncadd.s32 $0xFFFFF9C0  }
0x1c: {  	[tilespmem:$0x11800] =	vst v0  }
0x1d: {  	[tilespmem:$0x11810] =	vst v0  }
0x1e: {  	[tilespmem:$0x11820] =	vst v0  }
0x1f: {  	[tilespmem:$0x11830] =	vst v0  }
0x20: {  	[tilespmem:$0x11840] =	vst v0  }
0x21: {  	[tilespmem:$0x11850] =	vst v0  }
0x22: {  	[tilespmem:$0x11860] =	vst v0  }
0x23: {  	[tilespmem:$0x11870] =	vst v0  }
0x24: {  	[tilespmem:$0x11880] =	vst v0  }
0x25: {  	[tilespmem:$0x11890] =	vst v0  }
0x26: {  	[tilespmem:$0x118A0] =	vst v0  }
0x27: {  	[tilespmem:$0x118B0] =	vst v0  }
0x28: {  	[tilespmem:$0x118C0] =	vst v0  }
0x29: {  	[tilespmem:$0x118D0] =	vst v0  }
0x2a: {  	[tilespmem:$0x118E0] =	vst v0  }
0x2b: {  	[tilespmem:$0x118F0] =	vst v0  }
0x2c: {  	[tilespmem:$0x11900] =	vst v0  }
0x2d: {  	[tilespmem:$0x11910] =	vst v0  }
0x2e: {  	[tilespmem:$0x11920] =	vst v0  }
0x2f: {  	[tilespmem:$0x11930] =	vst v0  }
0x30: {  	[tilespmem:$0x11940] =	vst v0  }
0x31: {  	[tilespmem:$0x11950] =	vst v0  }
0x32: {  	[tilespmem:$0x11960] =	vst v0  }
0x33: {  	[tilespmem:$0x11970] =	vst v0  }
0x34: {  	[tilespmem:$0x11980] =	vst v0  }
0x35: {  	[tilespmem:$0x11990] =	vst v0  }
0x36: {  	[tilespmem:$0x119A0] =	vst v0  }
0x37: {  	[tilespmem:$0x119B0] =	vst v0  }
0x38: {  	[tilespmem:$0x119C0] =	vst v0  }
0x39: {  	[tilespmem:$0x119D0] =	vst v0  }
0x3a: {  	[tilespmem:$0x119E0] =	vst v0  }
0x3b: {  	[tilespmem:$0x119F0] =	vst v0  }
0x3c: {  	[tilespmem:$0x11A00] =	vst v0  }
0x3d: {  	[tilespmem:$0x11A10] =	vst v0  }
0x3e: {  	[tilespmem:$0x11A20] =	vst v0  }
0x3f: {  	[tilespmem:$0x11A30] =	vst v0  }
0x40: {  	[tilespmem:$0x11A40] =	vst v0  }
0x41: {  	[tilespmem:$0x11A50] =	vst v0  }
0x42: {  	[tilespmem:$0x11A60] =	vst v0  }
0x43: {  	[tilespmem:$0x11A70] =	vst v0  }
0x44: {  	[tilespmem:$0x11A80] =	vst v0  }
0x45: {  	[tilespmem:$0x11A90] =	vst v0  }
0x46: {  	[tilespmem:$0x11AA0] =	vst v0  }
0x47: {  	[tilespmem:$0x11AB0] =	vst v0  }
0x48: {  	[tilespmem:$0x11AC0] =	vst v0  }
0x49: {  	[tilespmem:$0x11AD0] =	vst v0  }
0x4a: {  	[tilespmem:$0x11AE0] =	vst v0  }
0x4b: {  	[tilespmem:$0x11AF0] =	vst v0  }
0x4c: {  	[tilespmem:$0x11B00] =	vst v0  }
0x4d: {  	[tilespmem:$0x11B10] =	vst v0  }
0x4e: {  	[tilespmem:$0x11B20] =	vst v0  }
0x4f: {  	[tilespmem:$0x11B30] =	vst v0  }
0x50: {  	[tilespmem:$0x11B40] =	vst v0  }
0x51: {  	[tilespmem:$0x11B50] =	vst v0  }
0x52: {  	[tilespmem:$0x11B60] =	vst v0  }
0x53: {  	[tilespmem:$0x11B70] =	vst v0  }
0x54: {  	[tilespmem:$0x11B80] =	vst v0  }
0x55: {  	[tilespmem:$0x11B90] =	vst v0  }
0x56: {  	[tilespmem:$0x11BA0] =	vst v0  }
0x57: {  	[tilespmem:$0x11BB0] =	vst v0  }
0x58: {  	[tilespmem:$0x11BC0] =	vst v0  }
0x59: {  	[tilespmem:$0x11BD0] =	vst v0  }
0x5a: {  	[tilespmem:$0x11BE0] =	vst v0  }
0x5b: {  	[tilespmem:$0x11BF0] =	vst v0  }
0x5c: {  	[tilespmem:$0x11C00] =	vst v0  }
0x5d: {  	[tilespmem:$0x11C10] =	vst v0  }
0x5e: {  	[tilespmem:$0x11C20] =	vst v0  }
0x5f: {  	[tilespmem:$0x11C30] =	vst v0  }
0x60: {  	[tilespmem:$0x11C40] =	vst v0  }
0x61: {  	[tilespmem:$0x11C50] =	vst v0  }
0x62: {  	[tilespmem:$0x11C60] =	vst v0  }
0x63: {  	[tilespmem:$0x11C70] =	vst v0  }
0x64: {  	[tilespmem:$0x11C80] =	vst v0  }
0x65: {  	[tilespmem:$0x11C90] =	vst v0  }
0x66: {  	[tilespmem:$0x11CA0] =	vst v0  }
0x67: {  	[tilespmem:$0x11CB0] =	vst v0  }
0x68: {  	[tilespmem:$0x11CC0] =	vst v0  }
0x69: {  	[tilespmem:$0x11CD0] =	vst v0  }
0x6a: {  	[tilespmem:$0x11CE0] =	vst v0  }
0x6b: {  	[tilespmem:$0x11CF0] =	vst v0  }
0x6c: {  	[tilespmem:$0x11D00] =	vst v0  }
0x6d: {  	[tilespmem:$0x11D10] =	vst v0  }
0x6e: {  	[tilespmem:$0x11D20] =	vst v0  }
0x6f: {  	[tilespmem:$0x11D30] =	vst v0  }
0x70: {  	[tilespmem:$0x11D40] =	vst v0  }
0x71: {  	[tilespmem:$0x11D50] =	vst v0  }
0x72: {  	[tilespmem:$0x11D60] =	vst v0  }
0x73: {  	[tilespmem:$0x11D70] =	vst v0  }
0x74: {  	[tilespmem:$0x11D80] =	vst v0  }
0x75: {  	[tilespmem:$0x11D90] =	vst v0  }
0x76: {  	[tilespmem:$0x11DA0] =	vst v0  }
0x77: {  	[tilespmem:$0x11DB0] =	vst v0  }
0x78: {  	[tilespmem:$0x11DC0] =	vst v0  }
0x79: {  	[tilespmem:$0x11DD0] =	vst v0  }
0x7a: {  	[tilespmem:$0x11DE0] =	vst v0  }
0x7b: {  	[tilespmem:$0x11DF0] =	vst v0  }
0x7c: {  	[tilespmem:$0x11E00] =	vst v0  }
0x7d: {  	[tilespmem:$0x11E10] =	vst v0  }
0x7e: {  	[tilespmem:$0x11E20] =	vst v0  }
0x7f: {  	[tilespmem:$0x11E30] =	vst v0  }
0x80: {  	[bflag:$0x0] =	sbarrier.arrive $0xFFFF  }
0x81: {  	[tilespmem:s3], [sflag:$0x1] =	stream.linear.gather [hbm4b:s5+s3], $0x8000, $0x38;
	[tilespmem:$0x12498] =	vst v63  }
0x82: {  	_ = 	snop  }
0x83: {  	[tilespmem:s18], [sflag:$0x2] =	stream.linear.gather [hbm4b:s6+s3], $0x8000, $0x38;
	[tilespmem:$0x12498] =	vst v63  }
0x84: {  	_ =	swait.ge [sflag:s19], $0x8000  }
0x85: {  	[sflag:s19] =	ssyncset.done $0x0  }
0x86: {  	s16 =	simm.s32 $0x0;
	[sflag:s19] =	ssyncadd.s32 $0xFFFF8000  }
0x87: {  	[tilespmem:s22], [sflag:$0x3] =	stream.indirect.gather [spmem:s2], $0x1, s21, s20, $0xb8;
	[tilespmem:$0x12498] =	vst v63  }
0x88: {  	v3 =	vld [tilespmem:s16+$0x50]  }
0x89: {  	v4 =	vld [tilespmem:s16+$0x40]  }
0x8a: {  	v5 =	vld [tilespmem:s16+$0x30]  }
0x8b: {  	v6 =	vld [tilespmem:s16+$0x20]  }
0x8c: {  	v7 =	vld [tilespmem:s16+$0x10]  }
0x8d: {  	v8 =	vld [tilespmem:s16+$0x0]  }
0x8e: {  	v9 =	vld [tilespmem:s16+$0x60]  }
0x8f: {  	v10 =	vld [tilespmem:s16+$0x70]  }
0x90: {  	v11 =	vld [tilespmem:s16+$0x80]  }
0x91: {  	v12 =	vld [tilespmem:s16+$0x90]  }
0x92: {  	v13 =	vld [tilespmem:s16+$0xA0];
	v8 =	vshll.u32 v8, $0x4  }
0x93: {  	v14 =	vld [tilespmem:s16+$0xB0];
	v7 =	vshll.u32 v7, $0x4;
	v8 =	vor.u32 v1, v8  }
0x94: {  	v15 =	vld [tilespmem:s16+$0xC0];
	v6 =	vshll.u32 v6, $0x4;
	v7 =	vor.u32 v1, v7  }
0x95: {  	v16 =	vld [tilespmem:s16+$0xD0];
	v5 =	vshll.u32 v5, $0x4;
	v6 =	vor.u32 v1, v6  }
0x96: {  	v17 =	vld [tilespmem:s16+$0xE0];
	v4 =	vshll.u32 v4, $0x4;
	v5 =	vor.u32 v1, v5  }
0x97: {  	v18 =	vld [tilespmem:s16+$0xF0];
	v3 =	vshll.u32 v3, $0x4;
	v4 =	vor.u32 v1, v4  }
0x98: {  	v9 =	vshll.u32 v9, $0x4;
	v3 =	vor.u32 v1, v3;
	[tilespmem:v8+s23+$0x0] =	vst.idx.add.f32.msk $0xffff, v2  }
0x99: {  	v52 =	vshll.u32 v10, $0x4;
	v53 =	vor.u32 v1, v9;
	[tilespmem:v7+s23+$0x0] =	vst.idx.add.f32.msk $0xffff, v2  }
0x9a: {  	v54 =	vshll.u32 v11, $0x4;
	v55 =	vor.u32 v1, v52;
	[tilespmem:v6+s23+$0x0] =	vst.idx.add.f32.msk $0xffff, v2  }
0x9b: {  	v56 =	vshll.u32 v12, $0x4;
	[tilespmem:v5+s23+$0x0] =	vst.idx.add.f32.msk $0xffff, v2;
	v5 =	vor.u32 v1, v54  }
0x9c: {  	v57 =	vshll.u32 v13, $0x4;
	[tilespmem:v4+s23+$0x0] =	vst.idx.add.f32.msk $0xffff, v2;
	v4 =	vor.u32 v1, v56  }
0x9d: {  	[tilespmem:v3+s23+$0x0] =	vst.idx.add.f32.msk $0xffff, v2;
	v3 =	vor.u32 v1, v57  }
0x9e: {  	v58 =	vshll.u32 v14, $0x4;
	[tilespmem:v53+s23+$0x0] =	vst.idx.add.f32.msk $0xffff, v2  }
0x9f: {  	v59 =	vshll.u32 v15, $0x4;
	v60 =	vor.u32 v1, v58;
	[tilespmem:v55+s23+$0x0] =	vst.idx.add.f32.msk $0xffff, v2  }
0xa0: {  	v61 =	vshll.u32 v16, $0x4;
	v62 =	vor.u32 v1, v59;
	[tilespmem:v5+s23+$0x0] =	vst.idx.add.f32.msk $0xffff, v2  }
0xa1: {  	v63 =	vshll.u32 v17, $0x4;
	v5 =	vor.u32 v1, v61;
	[tilespmem:v4+s23+$0x0] =	vst.idx.add.f32.msk $0xffff, v2  }
0xa2: {  	v4 =	vor.u32 v1, v63;
	[tilespmem:v3+s23+$0x0] =	vst.idx.add.f32.msk $0xffff, v2;
	v3 =	vshll.u32 v18, $0x4  }
0xa3: {  	v3 =	vor.u32 v1, v3  }
0xa4: {  	[tilespmem:v60+s23+$0x0] =	vst.idx.add.f32.msk $0xffff, v2  }
0xa5: {  	[tilespmem:v62+s23+$0x0] =	vst.idx.add.f32.msk $0xffff, v2  }
0xa6: {  	[tilespmem:v5+s23+$0x0] =	vst.idx.add.f32.msk $0xffff, v2  }
0xa7: {  	s0 =	simm.s32 $0x400;
	[tilespmem:v4+s23+$0x0] =	vst.idx.add.f32.msk $0xffff, v2  }
.LBB2_2:
0xa8: {  	s1 =	sshra.s32 s0, $0x2;
	p1 =	sne.s32 s0, $0x1CC00;
	s0 =	sadd.s32 $0x400, s0;
	[tilespmem:v3+s23+$0x0] =	vst.idx.add.f32.msk $0xffff, v2  }
0xa9: {  	v3 =	vld [tilespmem:s1+$0x50]  }
0xaa: {  	v4 =	vld [tilespmem:s1+$0x40]  }
0xab: {  	v5 =	vld [tilespmem:s1+$0x30]  }
0xac: {  	v6 =	vld [tilespmem:s1+$0x20]  }
0xad: {  	v7 =	vld [tilespmem:s1+$0x10]  }
0xae: {  	v8 =	vld [tilespmem:s1+$0x0];
	v3 =	vshll.u32 v3, $0x4  }
0xaf: {  	v9 =	vld [tilespmem:s1+$0x60];
	v4 =	vshll.u32 v4, $0x4  }
0xb0: {  	v10 =	vld [tilespmem:s1+$0x70];
	v5 =	vshll.u32 v5, $0x4  }
0xb1: {  	v11 =	vld [tilespmem:s1+$0x80];
	v6 =	vshll.u32 v6, $0x4  }
0xb2: {  	v12 =	vld [tilespmem:s1+$0x90];
	v7 =	vshll.u32 v7, $0x4  }
0xb3: {  	v13 =	vld [tilespmem:s1+$0xA0];
	v8 =	vshll.u32 v8, $0x4  }
0xb4: {  	v14 =	vld [tilespmem:s1+$0xB0];
	v9 =	vshll.u32 v9, $0x4;
	v8 =	vor.u32 v1, v8  }
0xb5: {  	v7 =	vor.u32 v1, v7;
	v15 =	vld [tilespmem:s1+$0xC0];
	v10 =	vshll.u32 v10, $0x4  }
0xb6: {  	v6 =	vor.u32 v1, v6;
	v16 =	vld [tilespmem:s1+$0xD0];
	v11 =	vshll.u32 v11, $0x4  }
0xb7: {  	v5 =	vor.u32 v1, v5;
	v17 =	vld [tilespmem:s1+$0xE0];
	v12 =	vshll.u32 v12, $0x4  }
0xb8: {  	v4 =	vor.u32 v1, v4;
	v18 =	vld [tilespmem:s1+$0xF0];
	v13 =	vshll.u32 v13, $0x4  }
0xb9: {  	v3 =	vor.u32 v1, v3;
	v14 =	vshll.u32 v14, $0x4;
	[tilespmem:v8+s23+$0x0] =	vst.idx.add.f32.msk $0xffff, v2  }
0xba: {  	v8 =	vshll.u32 v15, $0x4;
	[tilespmem:v7+s23+$0x0] =	vst.idx.add.f32.msk $0xffff, v2;
	v7 =	vor.u32 v1, v9  }
0xbb: {  	v9 =	vshll.u32 v16, $0x4;
	[tilespmem:v6+s23+$0x0] =	vst.idx.add.f32.msk $0xffff, v2;
	v6 =	vor.u32 v1, v10  }
0xbc: {  	v10 =	vshll.u32 v17, $0x4;
	[tilespmem:v5+s23+$0x0] =	vst.idx.add.f32.msk $0xffff, v2;
	v5 =	vor.u32 v1, v11  }
0xbd: {  	[tilespmem:v4+s23+$0x0] =	vst.idx.add.f32.msk $0xffff, v2;
	v4 =	vor.u32 v1, v12  }
0xbe: {  	[tilespmem:v3+s23+$0x0] =	vst.idx.add.f32.msk $0xffff, v2;
	v3 =	vor.u32 v1, v13  }
0xbf: {  	[tilespmem:v7+s23+$0x0] =	vst.idx.add.f32.msk $0xffff, v2;
	v7 =	vor.u32 v1, v14  }
0xc0: {  	[tilespmem:v6+s23+$0x0] =	vst.idx.add.f32.msk $0xffff, v2;
	v6 =	vor.u32 v1, v8  }
0xc1: {  	[tilespmem:v5+s23+$0x0] =	vst.idx.add.f32.msk $0xffff, v2;
	v5 =	vor.u32 v1, v9  }
0xc2: {  	v8 =	vshll.u32 v18, $0x4;
	[tilespmem:v4+s23+$0x0] =	vst.idx.add.f32.msk $0xffff, v2;
	v4 =	vor.u32 v1, v10  }
.Ltmp0:
0xc3: {  	[tilespmem:v3+s23+$0x0] =	vst.idx.add.f32.msk $0xffff, v2;
	v3 =	vor.u32 v1, v8;
	(pc) =	sbr.rel @p1 .LBB2_2-.Ltmp0, $4  }
0xc4: {  	[tilespmem:v7+s23+$0x0] =	vst.idx.add.f32.msk $0xffff, v2  }
0xc5: {  	[tilespmem:v6+s23+$0x0] =	vst.idx.add.f32.msk $0xffff, v2  }
0xc6: {  	[tilespmem:v5+s23+$0x0] =	vst.idx.add.f32.msk $0xffff, v2  }
0xc7: {  	[tilespmem:v4+s23+$0x0] =	vst.idx.add.f32.msk $0xffff, v2  }
0xc8: {  	_ =	sdelay $0x3  }
0xc9: {  	[tilespmem:v3+s23+$0x0] =	vst.idx.add.f32.msk $0xffff, v2  }
0xca: {  	_ =	swait.ge [sflag:s24], $0xC00  }
0xcb: {  	[sflag:s24] =	ssyncset.done $0x0  }
0xcc: {  	s16 =	simm.s32 $0x0;
	[sflag:s24] =	ssyncadd.s32 $0xFFFFF400  }
0xcd: {  	v3 =	vld [tilespmem:s16+$0x10070]  }
0xce: {  	v4 =	vld [tilespmem:s16+$0x10000]  }
0xcf: {  	v5 =	vld [tilespmem:s16+$0x10010]  }
0xd0: {  	v15 =	vld [tilespmem:s16+$0x10020]  }
0xd1: {  	v14 =	vld [tilespmem:s16+$0x10030]  }
0xd2: {  	v7 =	vimm.f32 $0.0e+00;
	v11 =	vimm.f32 $0.0e+00;
	v10 =	vld [tilespmem:s16+$0x10040]  }
0xd3: {  	v12 =	vimm.f32 $0.0e+00;
	v8 =	vimm.f32 $0.0e+00;
	v9 =	vld [tilespmem:s16+$0x10050];
	v3 =	vadd.f32 v3, v7  }
0xd4: {  	s0 =	simm.s32 $0x80;
	s1 =	simm.s32 $0x400;
	v6 =	vimm.f32 $0.0e+00;
	v13 =	vld [tilespmem:s16+$0x10060];
	v4 =	vadd.f32 v4, v7;
	v5 =	vadd.f32 v5, v7  }
.LBB2_4:
0xd5: {  	p1 =	sne.s32 s1, $0x2E00;
	v16 =	vld [tilespmem:s0+$0x10070];
	v7 =	vadd.f32 v15, v7  }
0xd6: {  	v17 =	vld [tilespmem:s0+$0x10000];
	v11 =	vadd.f32 v14, v11  }
0xd7: {  	v18 =	vld [tilespmem:s0+$0x10010];
	v12 =	vadd.f32 v10, v12  }
.Ltmp1:
0xd8: {  	v15 =	vld [tilespmem:s0+$0x10020];
	v8 =	vadd.f32 v9, v8;
	(pc) =	sbr.rel @p1 .LBB2_4-.Ltmp1, $4  }
0xd9: {  	v14 =	vld [tilespmem:s0+$0x10030];
	v6 =	vadd.f32 v13, v6  }
0xda: {  	v10 =	vld [tilespmem:s0+$0x10040];
	v3 =	vadd.f32 v16, v3  }
0xdb: {  	v9 =	vld [tilespmem:s0+$0x10050];
	v4 =	vadd.f32 v17, v4  }
0xdc: {  	v13 =	vld [tilespmem:s0+$0x10060];
	s0 =	sshra.s32 s1, $0x2;
	s1 =	sadd.s32 $0x200, s1;
	v5 =	vadd.f32 v18, v5  }
0xdd: {  	v16 =	vld [tilespmem:s0+$0x10070]  }
0xde: {  	v17 =	vld [tilespmem:s0+$0x10000]  }
0xdf: {  	v18 =	vld [tilespmem:s0+$0x10010]  }
0xe0: {  	v19 =	vld [tilespmem:s0+$0x10020]  }
0xe1: {  	v20 =	vld [tilespmem:s0+$0x10030]  }
0xe2: {  	v21 =	vld [tilespmem:s0+$0x10040]  }
0xe3: {  	v22 =	vld [tilespmem:s0+$0x10050];
	s1 =	simm.s32 $0x0  }
0xe4: {  	v23 =	vld [tilespmem:s0+$0x10060];
	[tilespmem:s1], [sflag:$0x1] =	stream.linear.gather [hbm4b:s7+s1], $0x8000, $0x38  }
0xe5: {  	_ =	swait.ge [sflag:s25], $0x8000  }
0xe6: {  	[sflag:s25] =	ssyncset.done $0x0  }
0xe7: {  	s16 =	simm.s32 $0x0;
	[sflag:s25] =	ssyncadd.s32 $0xFFFF8000  }
0xe8: {  	[tilespmem:s28], [sflag:$0x4] =	stream.indirect.gather [spmem:s2], $0x1, s26, s20, $0xb8;
	[tilespmem:$0x12498] =	vst v63  }
0xe9: {  	v24 =	vld [tilespmem:s16+$0x8050]  }
0xea: {  	v25 =	vld [tilespmem:s16+$0x8040]  }
0xeb: {  	v26 =	vld [tilespmem:s16+$0x8030]  }
0xec: {  	v27 =	vld [tilespmem:s16+$0x8020]  }
0xed: {  	v28 =	vld [tilespmem:s16+$0x8010]  }
0xee: {  	v29 =	vld [tilespmem:s16+$0x8000]  }
0xef: {  	v30 =	vld [tilespmem:s16+$0x8060]  }
0xf0: {  	v31 =	vld [tilespmem:s16+$0x8070]  }
0xf1: {  	v32 =	vld [tilespmem:s16+$0x8080]  }
0xf2: {  	v33 =	vld [tilespmem:s16+$0x8090]  }
0xf3: {  	v34 =	vld [tilespmem:s16+$0x80A0];
	v29 =	vshll.u32 v29, $0x4  }
0xf4: {  	v35 =	vld [tilespmem:s16+$0x80B0];
	v28 =	vshll.u32 v28, $0x4;
	v29 =	vor.u32 v1, v29  }
0xf5: {  	v36 =	vld [tilespmem:s16+$0x80C0];
	v27 =	vshll.u32 v27, $0x4;
	v28 =	vor.u32 v1, v28  }
0xf6: {  	v37 =	vld [tilespmem:s16+$0x80D0];
	v26 =	vshll.u32 v26, $0x4;
	v27 =	vor.u32 v1, v27  }
0xf7: {  	v38 =	vld [tilespmem:s16+$0x80E0];
	v25 =	vshll.u32 v25, $0x4;
	v26 =	vor.u32 v1, v26  }
0xf8: {  	v39 =	vld [tilespmem:s16+$0x80F0];
	v24 =	vshll.u32 v24, $0x4;
	v25 =	vor.u32 v1, v25  }
0xf9: {  	v54 =	vshll.u32 v30, $0x4;
	v24 =	vor.u32 v1, v24;
	[tilespmem:v29+s23+$0x0] =	vst.idx.add.f32.msk $0xffff, v2  }
0xfa: {  	v55 =	vshll.u32 v31, $0x4;
	v29 =	vor.u32 v1, v54;
	[tilespmem:v28+s23+$0x0] =	vst.idx.add.f32.msk $0xffff, v2  }
0xfb: {  	v56 =	vshll.u32 v32, $0x4;
	v28 =	vor.u32 v1, v55;
	[tilespmem:v27+s23+$0x0] =	vst.idx.add.f32.msk $0xffff, v2  }
0xfc: {  	v57 =	vshll.u32 v33, $0x4;
	v27 =	vor.u32 v1, v56;
	[tilespmem:v26+s23+$0x0] =	vst.idx.add.f32.msk $0xffff, v2  }
0xfd: {  	v58 =	vshll.u32 v34, $0x4;
	v26 =	vor.u32 v1, v57;
	[tilespmem:v25+s23+$0x0] =	vst.idx.add.f32.msk $0xffff, v2  }
0xfe: {  	v7 =	vadd.f32 v15, v7;
	v59 =	vshll.u32 v35, $0x4;
	v25 =	vor.u32 v1, v58;
	[tilespmem:v24+s23+$0x0] =	vst.idx.add.f32.msk $0xffff, v2  }
0xff: {  	v11 =	vadd.f32 v14, v11;
	v60 =	vshll.u32 v36, $0x4;
	v24 =	vor.u32 v1, v59;
	[tilespmem:v29+s23+$0x0] =	vst.idx.add.f32.msk $0xffff, v2  }
0x100: {  	v12 =	vadd.f32 v10, v12;
	v61 =	vshll.u32 v37, $0x4;
	v15 =	vor.u32 v1, v60;
	[tilespmem:v28+s23+$0x0] =	vst.idx.add.f32.msk $0xffff, v2  }
0x101: {  	v13 =	vadd.f32 v13, v6;
	v10 =	vshll.u32 v38, $0x4;
	v14 =	vor.u32 v1, v61;
	[tilespmem:v27+s23+$0x0] =	vst.idx.add.f32.msk $0xffff, v2  }
0x102: {  	v6 =	vadd.f32 v20, v11;
	v11 =	vshll.u32 v39, $0x4;
	v63 =	vor.u32 v1, v10;
	[tilespmem:v26+s23+$0x0] =	vst.idx.add.f32.msk $0xffff, v2  }
0x103: {  	v11 =	vor.u32 v1, v11;
	[tilespmem:v25+s23+$0x0] =	vst.idx.add.f32.msk $0xffff, v2  }
0x104: {  	v62 =	vadd.f32 v9, v8;
	v9 =	vadd.f32 v16, v3;
	[tilespmem:v24+s23+$0x0] =	vst.idx.add.f32.msk $0xffff, v2  }
0x105: {  	v8 =	vadd.f32 v18, v5;
	v7 =	vadd.f32 v19, v7;
	[tilespmem:v15+s23+$0x0] =	vst.idx.add.f32.msk $0xffff, v2  }
0x106: {  	v5 =	vadd.f32 v21, v12;
	v3 =	vadd.f32 v22, v62;
	[tilespmem:v14+s23+$0x0] =	vst.idx.add.f32.msk $0xffff, v2  }
0x107: {  	s0 =	simm.s32 $0x400;
	v10 =	vadd.f32 v17, v4;
	v4 =	vadd.f32 v23, v13;
	[tilespmem:v63+s23+$0x0] =	vst.idx.add.f32.msk $0xffff, v2  }
.LBB2_6:
0x108: {  	s1 =	sshra.s32 s0, $0x2;
	p1 =	sne.s32 s0, $0x1CC00;
	s0 =	sadd.s32 $0x400, s0;
	[tilespmem:v11+s23+$0x0] =	vst.idx.add.f32.msk $0xffff, v2  }
0x109: {  	v11 =	vld [tilespmem:s1+$0x8050]  }
0x10a: {  	v12 =	vld [tilespmem:s1+$0x8040]  }
0x10b: {  	v13 =	vld [tilespmem:s1+$0x8030]  }
0x10c: {  	v14 =	vld [tilespmem:s1+$0x8020]  }
0x10d: {  	v15 =	vld [tilespmem:s1+$0x8010]  }
0x10e: {  	v16 =	vld [tilespmem:s1+$0x8000];
	v11 =	vshll.u32 v11, $0x4  }
0x10f: {  	v17 =	vld [tilespmem:s1+$0x8060];
	v12 =	vshll.u32 v12, $0x4  }
0x110: {  	v18 =	vld [tilespmem:s1+$0x8070];
	v13 =	vshll.u32 v13, $0x4  }
0x111: {  	v19 =	vld [tilespmem:s1+$0x8080];
	v14 =	vshll.u32 v14, $0x4  }
0x112: {  	v20 =	vld [tilespmem:s1+$0x8090];
	v15 =	vshll.u32 v15, $0x4  }
0x113: {  	v21 =	vld [tilespmem:s1+$0x80A0];
	v16 =	vshll.u32 v16, $0x4  }
0x114: {  	v22 =	vld [tilespmem:s1+$0x80B0];
	v17 =	vshll.u32 v17, $0x4;
	v16 =	vor.u32 v1, v16  }
0x115: {  	v15 =	vor.u32 v1, v15;
	v23 =	vld [tilespmem:s1+$0x80C0];
	v18 =	vshll.u32 v18, $0x4  }
0x116: {  	v14 =	vor.u32 v1, v14;
	v24 =	vld [tilespmem:s1+$0x80D0];
	v19 =	vshll.u32 v19, $0x4  }
0x117: {  	v13 =	vor.u32 v1, v13;
	v25 =	vld [tilespmem:s1+$0x80E0];
	v20 =	vshll.u32 v20, $0x4  }
0x118: {  	v12 =	vor.u32 v1, v12;
	v26 =	vld [tilespmem:s1+$0x80F0];
	v21 =	vshll.u32 v21, $0x4  }
0x119: {  	v11 =	vor.u32 v1, v11;
	v22 =	vshll.u32 v22, $0x4;
	[tilespmem:v16+s23+$0x0] =	vst.idx.add.f32.msk $0xffff, v2  }
0x11a: {  	v16 =	vshll.u32 v23, $0x4;
	[tilespmem:v15+s23+$0x0] =	vst.idx.add.f32.msk $0xffff, v2;
	v15 =	vor.u32 v1, v17  }
0x11b: {  	v17 =	vshll.u32 v24, $0x4;
	[tilespmem:v14+s23+$0x0] =	vst.idx.add.f32.msk $0xffff, v2;
	v14 =	vor.u32 v1, v18  }
0x11c: {  	v18 =	vshll.u32 v25, $0x4;
	[tilespmem:v13+s23+$0x0] =	vst.idx.add.f32.msk $0xffff, v2;
	v13 =	vor.u32 v1, v19  }
0x11d: {  	[tilespmem:v12+s23+$0x0] =	vst.idx.add.f32.msk $0xffff, v2;
	v12 =	vor.u32 v1, v20  }
0x11e: {  	[tilespmem:v11+s23+$0x0] =	vst.idx.add.f32.msk $0xffff, v2;
	v11 =	vor.u32 v1, v21  }
0x11f: {  	[tilespmem:v15+s23+$0x0] =	vst.idx.add.f32.msk $0xffff, v2;
	v15 =	vor.u32 v1, v22  }
0x120: {  	[tilespmem:v14+s23+$0x0] =	vst.idx.add.f32.msk $0xffff, v2;
	v14 =	vor.u32 v1, v16  }
0x121: {  	[tilespmem:v13+s23+$0x0] =	vst.idx.add.f32.msk $0xffff, v2;
	v13 =	vor.u32 v1, v17  }
0x122: {  	v16 =	vshll.u32 v26, $0x4;
	[tilespmem:v12+s23+$0x0] =	vst.idx.add.f32.msk $0xffff, v2;
	v12 =	vor.u32 v1, v18  }
.Ltmp2:
0x123: {  	[tilespmem:v11+s23+$0x0] =	vst.idx.add.f32.msk $0xffff, v2;
	v11 =	vor.u32 v1, v16;
	(pc) =	sbr.rel @p1 .LBB2_6-.Ltmp2, $4  }
0x124: {  	[tilespmem:v15+s23+$0x0] =	vst.idx.add.f32.msk $0xffff, v2  }
0x125: {  	[tilespmem:v14+s23+$0x0] =	vst.idx.add.f32.msk $0xffff, v2  }
0x126: {  	[tilespmem:v13+s23+$0x0] =	vst.idx.add.f32.msk $0xffff, v2  }
0x127: {  	[tilespmem:v12+s23+$0x0] =	vst.idx.add.f32.msk $0xffff, v2  }
0x128: {  	_ =	sdelay $0x3  }
0x129: {  	[tilespmem:v11+s23+$0x0] =	vst.idx.add.f32.msk $0xffff, v2  }
0x12a: {  	_ =	swait.ge [sflag:s29], $0xC00  }
0x12b: {  	[sflag:s29] =	ssyncset.done $0x0  }
0x12c: {  	s16 =	simm.s32 $0x0;
	[sflag:s29] =	ssyncadd.s32 $0xFFFFF400  }
0x12d: {  	v11 =	vld [tilespmem:s16+$0x10C70]  }
0x12e: {  	v12 =	vld [tilespmem:s16+$0x10C00]  }
0x12f: {  	v16 =	vld [tilespmem:s16+$0x10C10]  }
0x130: {  	v15 =	vld [tilespmem:s16+$0x10C20]  }
0x131: {  	v14 =	vld [tilespmem:s16+$0x10C30]  }
0x132: {  	v13 =	vld [tilespmem:s16+$0x10C40]  }
0x133: {  	v9 =	vadd.f32 v11, v9;
	v11 =	vld [tilespmem:s16+$0x10C50]  }
0x134: {  	s0 =	simm.s32 $0x80;
	s1 =	simm.s32 $0x400;
	v10 =	vadd.f32 v12, v10;
	v12 =	vld [tilespmem:s16+$0x10C60];
	v8 =	vadd.f32 v16, v8  }
.LBB2_8:
0x135: {  	p1 =	sne.s32 s1, $0x2E00;
	v16 =	vld [tilespmem:s0+$0x10C70];
	v7 =	vadd.f32 v15, v7  }
0x136: {  	v17 =	vld [tilespmem:s0+$0x10C00];
	v6 =	vadd.f32 v14, v6  }
0x137: {  	v18 =	vld [tilespmem:s0+$0x10C10];
	v5 =	vadd.f32 v13, v5  }
.Ltmp3:
0x138: {  	v15 =	vld [tilespmem:s0+$0x10C20];
	v3 =	vadd.f32 v11, v3;
	(pc) =	sbr.rel @p1 .LBB2_8-.Ltmp3, $4  }
0x139: {  	v14 =	vld [tilespmem:s0+$0x10C30];
	v4 =	vadd.f32 v12, v4  }
0x13a: {  	v13 =	vld [tilespmem:s0+$0x10C40];
	v9 =	vadd.f32 v16, v9  }
0x13b: {  	v11 =	vld [tilespmem:s0+$0x10C50];
	v10 =	vadd.f32 v17, v10  }
0x13c: {  	v12 =	vld [tilespmem:s0+$0x10C60];
	s0 =	sshra.s32 s1, $0x2;
	s1 =	sadd.s32 $0x200, s1;
	v8 =	vadd.f32 v18, v8  }
0x13d: {  	v16 =	vld [tilespmem:s0+$0x10C70]  }
0x13e: {  	v17 =	vld [tilespmem:s0+$0x10C00]  }
0x13f: {  	v18 =	vld [tilespmem:s0+$0x10C10]  }
0x140: {  	v19 =	vld [tilespmem:s0+$0x10C20]  }
0x141: {  	v20 =	vld [tilespmem:s0+$0x10C30]  }
0x142: {  	v21 =	vld [tilespmem:s0+$0x10C40]  }
0x143: {  	v22 =	vld [tilespmem:s0+$0x10C50];
	s1 =	simm.s32 $0x0  }
0x144: {  	v23 =	vld [tilespmem:s0+$0x10C60];
	[tilespmem:s18], [sflag:$0x2] =	stream.linear.gather [hbm4b:s8+s1], $0x8000, $0x38  }
0x145: {  	_ =	swait.ge [sflag:s19], $0x8000  }
0x146: {  	[sflag:s19] =	ssyncset.done $0x0  }
0x147: {  	s16 =	simm.s32 $0x0;
	[sflag:s19] =	ssyncadd.s32 $0xFFFF8000  }
0x148: {  	[tilespmem:s22], [sflag:$0x3] =	stream.indirect.gather [spmem:s2], $0x1, s21, s20, $0xb8;
	[tilespmem:$0x12498] =	vst v63  }
0x149: {  	v24 =	vld [tilespmem:s16+$0x50]  }
0x14a: {  	v25 =	vld [tilespmem:s16+$0x40]  }
0x14b: {  	v26 =	vld [tilespmem:s16+$0x30]  }
0x14c: {  	v27 =	vld [tilespmem:s16+$0x20]  }
0x14d: {  	v28 =	vld [tilespmem:s16+$0x10]  }
0x14e: {  	v29 =	vld [tilespmem:s16+$0x0]  }
0x14f: {  	v30 =	vld [tilespmem:s16+$0x60]  }
0x150: {  	v31 =	vld [tilespmem:s16+$0x70]  }
0x151: {  	v32 =	vld [tilespmem:s16+$0x80]  }
0x152: {  	v33 =	vld [tilespmem:s16+$0x90]  }
0x153: {  	v34 =	vld [tilespmem:s16+$0xA0];
	v29 =	vshll.u32 v29, $0x4  }
0x154: {  	v35 =	vld [tilespmem:s16+$0xB0];
	v28 =	vshll.u32 v28, $0x4;
	v29 =	vor.u32 v1, v29  }
0x155: {  	v36 =	vld [tilespmem:s16+$0xC0];
	v27 =	vshll.u32 v27, $0x4;
	v28 =	vor.u32 v1, v28  }
0x156: {  	v37 =	vld [tilespmem:s16+$0xD0];
	v26 =	vshll.u32 v26, $0x4;
	v27 =	vor.u32 v1, v27  }
0x157: {  	v38 =	vld [tilespmem:s16+$0xE0];
	v25 =	vshll.u32 v25, $0x4;
	v26 =	vor.u32 v1, v26  }
0x158: {  	v39 =	vld [tilespmem:s16+$0xF0];
	v24 =	vshll.u32 v24, $0x4;
	v25 =	vor.u32 v1, v25  }
0x159: {  	v55 =	vshll.u32 v30, $0x4;
	v24 =	vor.u32 v1, v24;
	[tilespmem:v29+s23+$0x0] =	vst.idx.add.f32.msk $0xffff, v2  }
0x15a: {  	v56 =	vshll.u32 v31, $0x4;
	v29 =	vor.u32 v1, v55;
	[tilespmem:v28+s23+$0x0] =	vst.idx.add.f32.msk $0xffff, v2  }
0x15b: {  	v57 =	vshll.u32 v32, $0x4;
	v28 =	vor.u32 v1, v56;
	[tilespmem:v27+s23+$0x0] =	vst.idx.add.f32.msk $0xffff, v2  }
0x15c: {  	v58 =	vshll.u32 v33, $0x4;
	v27 =	vor.u32 v1, v57;
	[tilespmem:v26+s23+$0x0] =	vst.idx.add.f32.msk $0xffff, v2  }
0x15d: {  	v59 =	vshll.u32 v34, $0x4;
	v26 =	vor.u32 v1, v58;
	[tilespmem:v25+s23+$0x0] =	vst.idx.add.f32.msk $0xffff, v2  }
0x15e: {  	v60 =	vshll.u32 v35, $0x4;
	v25 =	vor.u32 v1, v59;
	[tilespmem:v24+s23+$0x0] =	vst.idx.add.f32.msk $0xffff, v2  }
0x15f: {  	v7 =	vadd.f32 v15, v7;
	v61 =	vshll.u32 v36, $0x4;
	v24 =	vor.u32 v1, v60;
	[tilespmem:v29+s23+$0x0] =	vst.idx.add.f32.msk $0xffff, v2  }
0x160: {  	v6 =	vadd.f32 v14, v6;
	v62 =	vshll.u32 v37, $0x4;
	v15 =	vor.u32 v1, v61;
	[tilespmem:v28+s23+$0x0] =	vst.idx.add.f32.msk $0xffff, v2  }
0x161: {  	v5 =	vadd.f32 v13, v5;
	v63 =	vshll.u32 v38, $0x4;
	v14 =	vor.u32 v1, v62;
	[tilespmem:v27+s23+$0x0] =	vst.idx.add.f32.msk $0xffff, v2  }
0x162: {  	v3 =	vadd.f32 v11, v3;
	v11 =	vshll.u32 v39, $0x4;
	v13 =	vor.u32 v1, v63;
	[tilespmem:v26+s23+$0x0] =	vst.idx.add.f32.msk $0xffff, v2  }
0x163: {  	v4 =	vadd.f32 v12, v4;
	v11 =	vor.u32 v1, v11;
	[tilespmem:v25+s23+$0x0] =	vst.idx.add.f32.msk $0xffff, v2  }
0x164: {  	v9 =	vadd.f32 v16, v9;
	v10 =	vadd.f32 v17, v10;
	[tilespmem:v24+s23+$0x0] =	vst.idx.add.f32.msk $0xffff, v2  }
0x165: {  	v8 =	vadd.f32 v18, v8;
	v7 =	vadd.f32 v19, v7;
	[tilespmem:v15+s23+$0x0] =	vst.idx.add.f32.msk $0xffff, v2  }
0x166: {  	v6 =	vadd.f32 v20, v6;
	v5 =	vadd.f32 v21, v5;
	[tilespmem:v14+s23+$0x0] =	vst.idx.add.f32.msk $0xffff, v2  }
0x167: {  	s0 =	simm.s32 $0x400;
	v3 =	vadd.f32 v22, v3;
	v4 =	vadd.f32 v23, v4;
	[tilespmem:v13+s23+$0x0] =	vst.idx.add.f32.msk $0xffff, v2  }
.LBB2_10:
0x168: {  	s1 =	sshra.s32 s0, $0x2;
	p1 =	sne.s32 s0, $0x1CC00;
	s0 =	sadd.s32 $0x400, s0;
	[tilespmem:v11+s23+$0x0] =	vst.idx.add.f32.msk $0xffff, v2  }
0x169: {  	v11 =	vld [tilespmem:s1+$0x50]  }
0x16a: {  	v12 =	vld [tilespmem:s1+$0x40]  }
0x16b: {  	v13 =	vld [tilespmem:s1+$0x30]  }
0x16c: {  	v14 =	vld [tilespmem:s1+$0x20]  }
0x16d: {  	v15 =	vld [tilespmem:s1+$0x10]  }
0x16e: {  	v16 =	vld [tilespmem:s1+$0x0];
	v11 =	vshll.u32 v11, $0x4  }
0x16f: {  	v17 =	vld [tilespmem:s1+$0x60];
	v12 =	vshll.u32 v12, $0x4  }
0x170: {  	v18 =	vld [tilespmem:s1+$0x70];
	v13 =	vshll.u32 v13, $0x4  }
0x171: {  	v19 =	vld [tilespmem:s1+$0x80];
	v14 =	vshll.u32 v14, $0x4  }
0x172: {  	v20 =	vld [tilespmem:s1+$0x90];
	v15 =	vshll.u32 v15, $0x4  }
0x173: {  	v21 =	vld [tilespmem:s1+$0xA0];
	v16 =	vshll.u32 v16, $0x4  }
0x174: {  	v22 =	vld [tilespmem:s1+$0xB0];
	v17 =	vshll.u32 v17, $0x4;
	v16 =	vor.u32 v1, v16  }
0x175: {  	v15 =	vor.u32 v1, v15;
	v23 =	vld [tilespmem:s1+$0xC0];
	v18 =	vshll.u32 v18, $0x4  }
0x176: {  	v14 =	vor.u32 v1, v14;
	v24 =	vld [tilespmem:s1+$0xD0];
	v19 =	vshll.u32 v19, $0x4  }
0x177: {  	v13 =	vor.u32 v1, v13;
	v25 =	vld [tilespmem:s1+$0xE0];
	v20 =	vshll.u32 v20, $0x4  }
0x178: {  	v12 =	vor.u32 v1, v12;
	v26 =	vld [tilespmem:s1+$0xF0];
	v21 =	vshll.u32 v21, $0x4  }
0x179: {  	v11 =	vor.u32 v1, v11;
	v22 =	vshll.u32 v22, $0x4;
	[tilespmem:v16+s23+$0x0] =	vst.idx.add.f32.msk $0xffff, v2  }
0x17a: {  	v16 =	vshll.u32 v23, $0x4;
	[tilespmem:v15+s23+$0x0] =	vst.idx.add.f32.msk $0xffff, v2;
	v15 =	vor.u32 v1, v17  }
0x17b: {  	v17 =	vshll.u32 v24, $0x4;
	[tilespmem:v14+s23+$0x0] =	vst.idx.add.f32.msk $0xffff, v2;
	v14 =	vor.u32 v1, v18  }
0x17c: {  	v18 =	vshll.u32 v25, $0x4;
	[tilespmem:v13+s23+$0x0] =	vst.idx.add.f32.msk $0xffff, v2;
	v13 =	vor.u32 v1, v19  }
0x17d: {  	[tilespmem:v12+s23+$0x0] =	vst.idx.add.f32.msk $0xffff, v2;
	v12 =	vor.u32 v1, v20  }
0x17e: {  	[tilespmem:v11+s23+$0x0] =	vst.idx.add.f32.msk $0xffff, v2;
	v11 =	vor.u32 v1, v21  }
0x17f: {  	[tilespmem:v15+s23+$0x0] =	vst.idx.add.f32.msk $0xffff, v2;
	v15 =	vor.u32 v1, v22  }
0x180: {  	[tilespmem:v14+s23+$0x0] =	vst.idx.add.f32.msk $0xffff, v2;
	v14 =	vor.u32 v1, v16  }
0x181: {  	[tilespmem:v13+s23+$0x0] =	vst.idx.add.f32.msk $0xffff, v2;
	v13 =	vor.u32 v1, v17  }
0x182: {  	v16 =	vshll.u32 v26, $0x4;
	[tilespmem:v12+s23+$0x0] =	vst.idx.add.f32.msk $0xffff, v2;
	v12 =	vor.u32 v1, v18  }
.Ltmp4:
0x183: {  	[tilespmem:v11+s23+$0x0] =	vst.idx.add.f32.msk $0xffff, v2;
	v11 =	vor.u32 v1, v16;
	(pc) =	sbr.rel @p1 .LBB2_10-.Ltmp4, $4  }
0x184: {  	[tilespmem:v15+s23+$0x0] =	vst.idx.add.f32.msk $0xffff, v2  }
0x185: {  	[tilespmem:v14+s23+$0x0] =	vst.idx.add.f32.msk $0xffff, v2  }
0x186: {  	[tilespmem:v13+s23+$0x0] =	vst.idx.add.f32.msk $0xffff, v2  }
0x187: {  	[tilespmem:v12+s23+$0x0] =	vst.idx.add.f32.msk $0xffff, v2  }
0x188: {  	_ =	sdelay $0x3  }
0x189: {  	[tilespmem:v11+s23+$0x0] =	vst.idx.add.f32.msk $0xffff, v2  }
0x18a: {  	_ =	swait.ge [sflag:s24], $0xC00  }
0x18b: {  	[sflag:s24] =	ssyncset.done $0x0  }
0x18c: {  	s16 =	simm.s32 $0x0;
	[sflag:s24] =	ssyncadd.s32 $0xFFFFF400  }
0x18d: {  	v11 =	vld [tilespmem:s16+$0x10070]  }
0x18e: {  	v12 =	vld [tilespmem:s16+$0x10000]  }
0x18f: {  	v16 =	vld [tilespmem:s16+$0x10010]  }
0x190: {  	v15 =	vld [tilespmem:s16+$0x10020]  }
0x191: {  	v14 =	vld [tilespmem:s16+$0x10030]  }
0x192: {  	v13 =	vld [tilespmem:s16+$0x10040]  }
0x193: {  	v9 =	vadd.f32 v11, v9;
	v11 =	vld [tilespmem:s16+$0x10050]  }
0x194: {  	s0 =	simm.s32 $0x80;
	s1 =	simm.s32 $0x400;
	v10 =	vadd.f32 v12, v10;
	v12 =	vld [tilespmem:s16+$0x10060];
	v8 =	vadd.f32 v16, v8  }
.LBB2_12:
0x195: {  	p1 =	sne.s32 s1, $0x2E00;
	v16 =	vld [tilespmem:s0+$0x10070];
	v7 =	vadd.f32 v15, v7  }
0x196: {  	v17 =	vld [tilespmem:s0+$0x10000];
	v6 =	vadd.f32 v14, v6  }
0x197: {  	v18 =	vld [tilespmem:s0+$0x10010];
	v5 =	vadd.f32 v13, v5  }
.Ltmp5:
0x198: {  	v15 =	vld [tilespmem:s0+$0x10020];
	v3 =	vadd.f32 v11, v3;
	(pc) =	sbr.rel @p1 .LBB2_12-.Ltmp5, $4  }
0x199: {  	v14 =	vld [tilespmem:s0+$0x10030];
	v4 =	vadd.f32 v12, v4  }
0x19a: {  	v13 =	vld [tilespmem:s0+$0x10040];
	v9 =	vadd.f32 v16, v9  }
0x19b: {  	v11 =	vld [tilespmem:s0+$0x10050];
	v10 =	vadd.f32 v17, v10  }
0x19c: {  	v12 =	vld [tilespmem:s0+$0x10060];
	s0 =	sshra.s32 s1, $0x2;
	s1 =	sadd.s32 $0x200, s1;
	v8 =	vadd.f32 v18, v8  }
0x19d: {  	v16 =	vld [tilespmem:s0+$0x10070]  }
0x19e: {  	v17 =	vld [tilespmem:s0+$0x10000]  }
0x19f: {  	v18 =	vld [tilespmem:s0+$0x10010]  }
0x1a0: {  	v19 =	vld [tilespmem:s0+$0x10020]  }
0x1a1: {  	v20 =	vld [tilespmem:s0+$0x10030]  }
0x1a2: {  	v21 =	vld [tilespmem:s0+$0x10040]  }
0x1a3: {  	v22 =	vld [tilespmem:s0+$0x10050];
	s1 =	simm.s32 $0x0  }
0x1a4: {  	v23 =	vld [tilespmem:s0+$0x10060];
	[tilespmem:s1], [sflag:$0x1] =	stream.linear.gather [hbm4b:s9+s1], $0x8000, $0x38  }
0x1a5: {  	_ =	swait.ge [sflag:s25], $0x8000  }
0x1a6: {  	[sflag:s25] =	ssyncset.done $0x0  }
0x1a7: {  	s16 =	simm.s32 $0x0;
	[sflag:s25] =	ssyncadd.s32 $0xFFFF8000  }
0x1a8: {  	[tilespmem:s28], [sflag:$0x4] =	stream.indirect.gather [spmem:s2], $0x1, s26, s20, $0xb8;
	[tilespmem:$0x12498] =	vst v63  }
0x1a9: {  	v24 =	vld [tilespmem:s16+$0x8050]  }
0x1aa: {  	v25 =	vld [tilespmem:s16+$0x8040]  }
0x1ab: {  	v26 =	vld [tilespmem:s16+$0x8030]  }
0x1ac: {  	v27 =	vld [tilespmem:s16+$0x8020]  }
0x1ad: {  	v28 =	vld [tilespmem:s16+$0x8010]  }
0x1ae: {  	v29 =	vld [tilespmem:s16+$0x8000]  }
0x1af: {  	v30 =	vld [tilespmem:s16+$0x8060]  }
0x1b0: {  	v31 =	vld [tilespmem:s16+$0x8070]  }
0x1b1: {  	v32 =	vld [tilespmem:s16+$0x8080]  }
0x1b2: {  	v33 =	vld [tilespmem:s16+$0x8090]  }
0x1b3: {  	v34 =	vld [tilespmem:s16+$0x80A0];
	v29 =	vshll.u32 v29, $0x4  }
0x1b4: {  	v35 =	vld [tilespmem:s16+$0x80B0];
	v28 =	vshll.u32 v28, $0x4;
	v29 =	vor.u32 v1, v29  }
0x1b5: {  	v36 =	vld [tilespmem:s16+$0x80C0];
	v27 =	vshll.u32 v27, $0x4;
	v28 =	vor.u32 v1, v28  }
0x1b6: {  	v37 =	vld [tilespmem:s16+$0x80D0];
	v26 =	vshll.u32 v26, $0x4;
	v27 =	vor.u32 v1, v27  }
0x1b7: {  	v38 =	vld [tilespmem:s16+$0x80E0];
	v25 =	vshll.u32 v25, $0x4;
	v26 =	vor.u32 v1, v26  }
0x1b8: {  	v39 =	vld [tilespmem:s16+$0x80F0];
	v24 =	vshll.u32 v24, $0x4;
	v25 =	vor.u32 v1, v25  }
0x1b9: {  	v55 =	vshll.u32 v30, $0x4;
	v24 =	vor.u32 v1, v24;
	[tilespmem:v29+s23+$0x0] =	vst.idx.add.f32.msk $0xffff, v2  }
0x1ba: {  	v56 =	vshll.u32 v31, $0x4;
	v29 =	vor.u32 v1, v55;
	[tilespmem:v28+s23+$0x0] =	vst.idx.add.f32.msk $0xffff, v2  }
0x1bb: {  	v57 =	vshll.u32 v32, $0x4;
	v28 =	vor.u32 v1, v56;
	[tilespmem:v27+s23+$0x0] =	vst.idx.add.f32.msk $0xffff, v2  }
0x1bc: {  	v58 =	vshll.u32 v33, $0x4;
	v27 =	vor.u32 v1, v57;
	[tilespmem:v26+s23+$0x0] =	vst.idx.add.f32.msk $0xffff, v2  }
0x1bd: {  	v59 =	vshll.u32 v34, $0x4;
	v26 =	vor.u32 v1, v58;
	[tilespmem:v25+s23+$0x0] =	vst.idx.add.f32.msk $0xffff, v2  }
0x1be: {  	v60 =	vshll.u32 v35, $0x4;
	v25 =	vor.u32 v1, v59;
	[tilespmem:v24+s23+$0x0] =	vst.idx.add.f32.msk $0xffff, v2  }
0x1bf: {  	v7 =	vadd.f32 v15, v7;
	v61 =	vshll.u32 v36, $0x4;
	v24 =	vor.u32 v1, v60;
	[tilespmem:v29+s23+$0x0] =	vst.idx.add.f32.msk $0xffff, v2  }
0x1c0: {  	v6 =	vadd.f32 v14, v6;
	v62 =	vshll.u32 v37, $0x4;
	v15 =	vor.u32 v1, v61;
	[tilespmem:v28+s23+$0x0] =	vst.idx.add.f32.msk $0xffff, v2  }
0x1c1: {  	v5 =	vadd.f32 v13, v5;
	v63 =	vshll.u32 v38, $0x4;
	v14 =	vor.u32 v1, v62;
	[tilespmem:v27+s23+$0x0] =	vst.idx.add.f32.msk $0xffff, v2  }
0x1c2: {  	v3 =	vadd.f32 v11, v3;
	v11 =	vshll.u32 v39, $0x4;
	v13 =	vor.u32 v1, v63;
	[tilespmem:v26+s23+$0x0] =	vst.idx.add.f32.msk $0xffff, v2  }
0x1c3: {  	v4 =	vadd.f32 v12, v4;
	v11 =	vor.u32 v1, v11;
	[tilespmem:v25+s23+$0x0] =	vst.idx.add.f32.msk $0xffff, v2  }
0x1c4: {  	v9 =	vadd.f32 v16, v9;
	v10 =	vadd.f32 v17, v10;
	[tilespmem:v24+s23+$0x0] =	vst.idx.add.f32.msk $0xffff, v2  }
0x1c5: {  	v8 =	vadd.f32 v18, v8;
	v7 =	vadd.f32 v19, v7;
	[tilespmem:v15+s23+$0x0] =	vst.idx.add.f32.msk $0xffff, v2  }
0x1c6: {  	v6 =	vadd.f32 v20, v6;
	v5 =	vadd.f32 v21, v5;
	[tilespmem:v14+s23+$0x0] =	vst.idx.add.f32.msk $0xffff, v2  }
0x1c7: {  	s0 =	simm.s32 $0x400;
	v3 =	vadd.f32 v22, v3;
	v4 =	vadd.f32 v23, v4;
	[tilespmem:v13+s23+$0x0] =	vst.idx.add.f32.msk $0xffff, v2  }
.LBB2_14:
0x1c8: {  	s1 =	sshra.s32 s0, $0x2;
	p1 =	sne.s32 s0, $0x1CC00;
	s0 =	sadd.s32 $0x400, s0;
	[tilespmem:v11+s23+$0x0] =	vst.idx.add.f32.msk $0xffff, v2  }
0x1c9: {  	v11 =	vld [tilespmem:s1+$0x8050]  }
0x1ca: {  	v12 =	vld [tilespmem:s1+$0x8040]  }
0x1cb: {  	v13 =	vld [tilespmem:s1+$0x8030]  }
0x1cc: {  	v14 =	vld [tilespmem:s1+$0x8020]  }
0x1cd: {  	v15 =	vld [tilespmem:s1+$0x8010]  }
0x1ce: {  	v16 =	vld [tilespmem:s1+$0x8000];
	v11 =	vshll.u32 v11, $0x4  }
0x1cf: {  	v17 =	vld [tilespmem:s1+$0x8060];
	v12 =	vshll.u32 v12, $0x4  }
0x1d0: {  	v18 =	vld [tilespmem:s1+$0x8070];
	v13 =	vshll.u32 v13, $0x4  }
0x1d1: {  	v19 =	vld [tilespmem:s1+$0x8080];
	v14 =	vshll.u32 v14, $0x4  }
0x1d2: {  	v20 =	vld [tilespmem:s1+$0x8090];
	v15 =	vshll.u32 v15, $0x4  }
0x1d3: {  	v21 =	vld [tilespmem:s1+$0x80A0];
	v16 =	vshll.u32 v16, $0x4  }
0x1d4: {  	v22 =	vld [tilespmem:s1+$0x80B0];
	v17 =	vshll.u32 v17, $0x4;
	v16 =	vor.u32 v1, v16  }
0x1d5: {  	v15 =	vor.u32 v1, v15;
	v23 =	vld [tilespmem:s1+$0x80C0];
	v18 =	vshll.u32 v18, $0x4  }
0x1d6: {  	v14 =	vor.u32 v1, v14;
	v24 =	vld [tilespmem:s1+$0x80D0];
	v19 =	vshll.u32 v19, $0x4  }
0x1d7: {  	v13 =	vor.u32 v1, v13;
	v25 =	vld [tilespmem:s1+$0x80E0];
	v20 =	vshll.u32 v20, $0x4  }
0x1d8: {  	v12 =	vor.u32 v1, v12;
	v26 =	vld [tilespmem:s1+$0x80F0];
	v21 =	vshll.u32 v21, $0x4  }
0x1d9: {  	v11 =	vor.u32 v1, v11;
	v22 =	vshll.u32 v22, $0x4;
	[tilespmem:v16+s23+$0x0] =	vst.idx.add.f32.msk $0xffff, v2  }
0x1da: {  	v16 =	vshll.u32 v23, $0x4;
	[tilespmem:v15+s23+$0x0] =	vst.idx.add.f32.msk $0xffff, v2;
	v15 =	vor.u32 v1, v17  }
0x1db: {  	v17 =	vshll.u32 v24, $0x4;
	[tilespmem:v14+s23+$0x0] =	vst.idx.add.f32.msk $0xffff, v2;
	v14 =	vor.u32 v1, v18  }
0x1dc: {  	v18 =	vshll.u32 v25, $0x4;
	[tilespmem:v13+s23+$0x0] =	vst.idx.add.f32.msk $0xffff, v2;
	v13 =	vor.u32 v1, v19  }
0x1dd: {  	[tilespmem:v12+s23+$0x0] =	vst.idx.add.f32.msk $0xffff, v2;
	v12 =	vor.u32 v1, v20  }
0x1de: {  	[tilespmem:v11+s23+$0x0] =	vst.idx.add.f32.msk $0xffff, v2;
	v11 =	vor.u32 v1, v21  }
0x1df: {  	[tilespmem:v15+s23+$0x0] =	vst.idx.add.f32.msk $0xffff, v2;
	v15 =	vor.u32 v1, v22  }
0x1e0: {  	[tilespmem:v14+s23+$0x0] =	vst.idx.add.f32.msk $0xffff, v2;
	v14 =	vor.u32 v1, v16  }
0x1e1: {  	[tilespmem:v13+s23+$0x0] =	vst.idx.add.f32.msk $0xffff, v2;
	v13 =	vor.u32 v1, v17  }
0x1e2: {  	v16 =	vshll.u32 v26, $0x4;
	[tilespmem:v12+s23+$0x0] =	vst.idx.add.f32.msk $0xffff, v2;
	v12 =	vor.u32 v1, v18  }
.Ltmp6:
0x1e3: {  	[tilespmem:v11+s23+$0x0] =	vst.idx.add.f32.msk $0xffff, v2;
	v11 =	vor.u32 v1, v16;
	(pc) =	sbr.rel @p1 .LBB2_14-.Ltmp6, $4  }
0x1e4: {  	[tilespmem:v15+s23+$0x0] =	vst.idx.add.f32.msk $0xffff, v2  }
0x1e5: {  	[tilespmem:v14+s23+$0x0] =	vst.idx.add.f32.msk $0xffff, v2  }
0x1e6: {  	[tilespmem:v13+s23+$0x0] =	vst.idx.add.f32.msk $0xffff, v2  }
0x1e7: {  	[tilespmem:v12+s23+$0x0] =	vst.idx.add.f32.msk $0xffff, v2  }
0x1e8: {  	_ =	sdelay $0x3  }
0x1e9: {  	[tilespmem:v11+s23+$0x0] =	vst.idx.add.f32.msk $0xffff, v2  }
0x1ea: {  	_ =	swait.ge [sflag:s29], $0xC00  }
0x1eb: {  	[sflag:s29] =	ssyncset.done $0x0  }
0x1ec: {  	s16 =	simm.s32 $0x0;
	[sflag:s29] =	ssyncadd.s32 $0xFFFFF400  }
0x1ed: {  	v11 =	vld [tilespmem:s16+$0x10C70]  }
0x1ee: {  	v12 =	vld [tilespmem:s16+$0x10C00]  }
0x1ef: {  	v16 =	vld [tilespmem:s16+$0x10C10]  }
0x1f0: {  	v15 =	vld [tilespmem:s16+$0x10C20]  }
0x1f1: {  	v14 =	vld [tilespmem:s16+$0x10C30]  }
0x1f2: {  	v13 =	vld [tilespmem:s16+$0x10C40]  }
0x1f3: {  	v9 =	vadd.f32 v11, v9;
	v11 =	vld [tilespmem:s16+$0x10C50]  }
0x1f4: {  	s0 =	simm.s32 $0x80;
	s1 =	simm.s32 $0x400;
	v10 =	vadd.f32 v12, v10;
	v12 =	vld [tilespmem:s16+$0x10C60];
	v8 =	vadd.f32 v16, v8  }
.LBB2_16:
0x1f5: {  	p1 =	sne.s32 s1, $0x2E00;
	v16 =	vld [tilespmem:s0+$0x10C70];
	v7 =	vadd.f32 v15, v7  }
0x1f6: {  	v17 =	vld [tilespmem:s0+$0x10C00];
	v6 =	vadd.f32 v14, v6  }
0x1f7: {  	v18 =	vld [tilespmem:s0+$0x10C10];
	v5 =	vadd.f32 v13, v5  }
.Ltmp7:
0x1f8: {  	v15 =	vld [tilespmem:s0+$0x10C20];
	v3 =	vadd.f32 v11, v3;
	(pc) =	sbr.rel @p1 .LBB2_16-.Ltmp7, $4  }
0x1f9: {  	v14 =	vld [tilespmem:s0+$0x10C30];
	v4 =	vadd.f32 v12, v4  }
0x1fa: {  	v13 =	vld [tilespmem:s0+$0x10C40];
	v9 =	vadd.f32 v16, v9  }
0x1fb: {  	v11 =	vld [tilespmem:s0+$0x10C50];
	v10 =	vadd.f32 v17, v10  }
0x1fc: {  	v12 =	vld [tilespmem:s0+$0x10C60];
	s0 =	sshra.s32 s1, $0x2;
	s1 =	sadd.s32 $0x200, s1;
	v8 =	vadd.f32 v18, v8  }
0x1fd: {  	v16 =	vld [tilespmem:s0+$0x10C70]  }
0x1fe: {  	v17 =	vld [tilespmem:s0+$0x10C00]  }
0x1ff: {  	v18 =	vld [tilespmem:s0+$0x10C10]  }
0x200: {  	v19 =	vld [tilespmem:s0+$0x10C20]  }
0x201: {  	v20 =	vld [tilespmem:s0+$0x10C30]  }
0x202: {  	v21 =	vld [tilespmem:s0+$0x10C40]  }
0x203: {  	v22 =	vld [tilespmem:s0+$0x10C50];
	s1 =	simm.s32 $0x0  }
0x204: {  	v23 =	vld [tilespmem:s0+$0x10C60];
	[tilespmem:s18], [sflag:$0x2] =	stream.linear.gather [hbm4b:s10+s1], $0x8000, $0x38  }
0x205: {  	_ =	swait.ge [sflag:s19], $0x8000  }
0x206: {  	[sflag:s19] =	ssyncset.done $0x0  }
0x207: {  	s16 =	simm.s32 $0x0;
	[sflag:s19] =	ssyncadd.s32 $0xFFFF8000  }
0x208: {  	[tilespmem:s22], [sflag:$0x3] =	stream.indirect.gather [spmem:s2], $0x1, s21, s20, $0xb8;
	[tilespmem:$0x12498] =	vst v63  }
0x209: {  	v24 =	vld [tilespmem:s16+$0x50]  }
0x20a: {  	v25 =	vld [tilespmem:s16+$0x40]  }
0x20b: {  	v26 =	vld [tilespmem:s16+$0x30]  }
0x20c: {  	v27 =	vld [tilespmem:s16+$0x20]  }
0x20d: {  	v28 =	vld [tilespmem:s16+$0x10]  }
0x20e: {  	v29 =	vld [tilespmem:s16+$0x0]  }
0x20f: {  	v30 =	vld [tilespmem:s16+$0x60]  }
0x210: {  	v31 =	vld [tilespmem:s16+$0x70]  }
0x211: {  	v32 =	vld [tilespmem:s16+$0x80]  }
0x212: {  	v33 =	vld [tilespmem:s16+$0x90]  }
0x213: {  	v34 =	vld [tilespmem:s16+$0xA0];
	v29 =	vshll.u32 v29, $0x4  }
0x214: {  	v35 =	vld [tilespmem:s16+$0xB0];
	v28 =	vshll.u32 v28, $0x4;
	v29 =	vor.u32 v1, v29  }
0x215: {  	v36 =	vld [tilespmem:s16+$0xC0];
	v27 =	vshll.u32 v27, $0x4;
	v28 =	vor.u32 v1, v28  }
0x216: {  	v37 =	vld [tilespmem:s16+$0xD0];
	v26 =	vshll.u32 v26, $0x4;
	v27 =	vor.u32 v1, v27  }
0x217: {  	v38 =	vld [tilespmem:s16+$0xE0];
	v25 =	vshll.u32 v25, $0x4;
	v26 =	vor.u32 v1, v26  }
0x218: {  	v39 =	vld [tilespmem:s16+$0xF0];
	v24 =	vshll.u32 v24, $0x4;
	v25 =	vor.u32 v1, v25  }
0x219: {  	v55 =	vshll.u32 v30, $0x4;
	v24 =	vor.u32 v1, v24;
	[tilespmem:v29+s23+$0x0] =	vst.idx.add.f32.msk $0xffff, v2  }
0x21a: {  	v56 =	vshll.u32 v31, $0x4;
	v29 =	vor.u32 v1, v55;
	[tilespmem:v28+s23+$0x0] =	vst.idx.add.f32.msk $0xffff, v2  }
0x21b: {  	v57 =	vshll.u32 v32, $0x4;
	v28 =	vor.u32 v1, v56;
	[tilespmem:v27+s23+$0x0] =	vst.idx.add.f32.msk $0xffff, v2  }
0x21c: {  	v58 =	vshll.u32 v33, $0x4;
	v27 =	vor.u32 v1, v57;
	[tilespmem:v26+s23+$0x0] =	vst.idx.add.f32.msk $0xffff, v2  }
0x21d: {  	v59 =	vshll.u32 v34, $0x4;
	v26 =	vor.u32 v1, v58;
	[tilespmem:v25+s23+$0x0] =	vst.idx.add.f32.msk $0xffff, v2  }
0x21e: {  	v60 =	vshll.u32 v35, $0x4;
	v25 =	vor.u32 v1, v59;
	[tilespmem:v24+s23+$0x0] =	vst.idx.add.f32.msk $0xffff, v2  }
0x21f: {  	v7 =	vadd.f32 v15, v7;
	v61 =	vshll.u32 v36, $0x4;
	v24 =	vor.u32 v1, v60;
	[tilespmem:v29+s23+$0x0] =	vst.idx.add.f32.msk $0xffff, v2  }
0x220: {  	v6 =	vadd.f32 v14, v6;
	v62 =	vshll.u32 v37, $0x4;
	v15 =	vor.u32 v1, v61;
	[tilespmem:v28+s23+$0x0] =	vst.idx.add.f32.msk $0xffff, v2  }
0x221: {  	v5 =	vadd.f32 v13, v5;
	v63 =	vshll.u32 v38, $0x4;
	v14 =	vor.u32 v1, v62;
	[tilespmem:v27+s23+$0x0] =	vst.idx.add.f32.msk $0xffff, v2  }
0x222: {  	v3 =	vadd.f32 v11, v3;
	v11 =	vshll.u32 v39, $0x4;
	v13 =	vor.u32 v1, v63;
	[tilespmem:v26+s23+$0x0] =	vst.idx.add.f32.msk $0xffff, v2  }
0x223: {  	v4 =	vadd.f32 v12, v4;
	v11 =	vor.u32 v1, v11;
	[tilespmem:v25+s23+$0x0] =	vst.idx.add.f32.msk $0xffff, v2  }
0x224: {  	v9 =	vadd.f32 v16, v9;
	v10 =	vadd.f32 v17, v10;
	[tilespmem:v24+s23+$0x0] =	vst.idx.add.f32.msk $0xffff, v2  }
0x225: {  	v8 =	vadd.f32 v18, v8;
	v7 =	vadd.f32 v19, v7;
	[tilespmem:v15+s23+$0x0] =	vst.idx.add.f32.msk $0xffff, v2  }
0x226: {  	v6 =	vadd.f32 v20, v6;
	v5 =	vadd.f32 v21, v5;
	[tilespmem:v14+s23+$0x0] =	vst.idx.add.f32.msk $0xffff, v2  }
0x227: {  	s0 =	simm.s32 $0x400;
	v3 =	vadd.f32 v22, v3;
	v4 =	vadd.f32 v23, v4;
	[tilespmem:v13+s23+$0x0] =	vst.idx.add.f32.msk $0xffff, v2  }
.LBB2_18:
0x228: {  	s1 =	sshra.s32 s0, $0x2;
	p1 =	sne.s32 s0, $0x1CC00;
	s0 =	sadd.s32 $0x400, s0;
	[tilespmem:v11+s23+$0x0] =	vst.idx.add.f32.msk $0xffff, v2  }
0x229: {  	v11 =	vld [tilespmem:s1+$0x50]  }
0x22a: {  	v12 =	vld [tilespmem:s1+$0x40]  }
0x22b: {  	v13 =	vld [tilespmem:s1+$0x30]  }
0x22c: {  	v14 =	vld [tilespmem:s1+$0x20]  }
0x22d: {  	v15 =	vld [tilespmem:s1+$0x10]  }
0x22e: {  	v16 =	vld [tilespmem:s1+$0x0];
	v11 =	vshll.u32 v11, $0x4  }
0x22f: {  	v17 =	vld [tilespmem:s1+$0x60];
	v12 =	vshll.u32 v12, $0x4  }
0x230: {  	v18 =	vld [tilespmem:s1+$0x70];
	v13 =	vshll.u32 v13, $0x4  }
0x231: {  	v19 =	vld [tilespmem:s1+$0x80];
	v14 =	vshll.u32 v14, $0x4  }
0x232: {  	v20 =	vld [tilespmem:s1+$0x90];
	v15 =	vshll.u32 v15, $0x4  }
0x233: {  	v21 =	vld [tilespmem:s1+$0xA0];
	v16 =	vshll.u32 v16, $0x4  }
0x234: {  	v22 =	vld [tilespmem:s1+$0xB0];
	v17 =	vshll.u32 v17, $0x4;
	v16 =	vor.u32 v1, v16  }
0x235: {  	v15 =	vor.u32 v1, v15;
	v23 =	vld [tilespmem:s1+$0xC0];
	v18 =	vshll.u32 v18, $0x4  }
0x236: {  	v14 =	vor.u32 v1, v14;
	v24 =	vld [tilespmem:s1+$0xD0];
	v19 =	vshll.u32 v19, $0x4  }
0x237: {  	v13 =	vor.u32 v1, v13;
	v25 =	vld [tilespmem:s1+$0xE0];
	v20 =	vshll.u32 v20, $0x4  }
0x238: {  	v12 =	vor.u32 v1, v12;
	v26 =	vld [tilespmem:s1+$0xF0];
	v21 =	vshll.u32 v21, $0x4  }
0x239: {  	v11 =	vor.u32 v1, v11;
	v22 =	vshll.u32 v22, $0x4;
	[tilespmem:v16+s23+$0x0] =	vst.idx.add.f32.msk $0xffff, v2  }
0x23a: {  	v16 =	vshll.u32 v23, $0x4;
	[tilespmem:v15+s23+$0x0] =	vst.idx.add.f32.msk $0xffff, v2;
	v15 =	vor.u32 v1, v17  }
0x23b: {  	v17 =	vshll.u32 v24, $0x4;
	[tilespmem:v14+s23+$0x0] =	vst.idx.add.f32.msk $0xffff, v2;
	v14 =	vor.u32 v1, v18  }
0x23c: {  	v18 =	vshll.u32 v25, $0x4;
	[tilespmem:v13+s23+$0x0] =	vst.idx.add.f32.msk $0xffff, v2;
	v13 =	vor.u32 v1, v19  }
0x23d: {  	[tilespmem:v12+s23+$0x0] =	vst.idx.add.f32.msk $0xffff, v2;
	v12 =	vor.u32 v1, v20  }
0x23e: {  	[tilespmem:v11+s23+$0x0] =	vst.idx.add.f32.msk $0xffff, v2;
	v11 =	vor.u32 v1, v21  }
0x23f: {  	[tilespmem:v15+s23+$0x0] =	vst.idx.add.f32.msk $0xffff, v2;
	v15 =	vor.u32 v1, v22  }
0x240: {  	[tilespmem:v14+s23+$0x0] =	vst.idx.add.f32.msk $0xffff, v2;
	v14 =	vor.u32 v1, v16  }
0x241: {  	[tilespmem:v13+s23+$0x0] =	vst.idx.add.f32.msk $0xffff, v2;
	v13 =	vor.u32 v1, v17  }
0x242: {  	v16 =	vshll.u32 v26, $0x4;
	[tilespmem:v12+s23+$0x0] =	vst.idx.add.f32.msk $0xffff, v2;
	v12 =	vor.u32 v1, v18  }
.Ltmp8:
0x243: {  	[tilespmem:v11+s23+$0x0] =	vst.idx.add.f32.msk $0xffff, v2;
	v11 =	vor.u32 v1, v16;
	(pc) =	sbr.rel @p1 .LBB2_18-.Ltmp8, $4  }
0x244: {  	[tilespmem:v15+s23+$0x0] =	vst.idx.add.f32.msk $0xffff, v2  }
0x245: {  	[tilespmem:v14+s23+$0x0] =	vst.idx.add.f32.msk $0xffff, v2  }
0x246: {  	[tilespmem:v13+s23+$0x0] =	vst.idx.add.f32.msk $0xffff, v2  }
0x247: {  	[tilespmem:v12+s23+$0x0] =	vst.idx.add.f32.msk $0xffff, v2  }
0x248: {  	_ =	sdelay $0x3  }
0x249: {  	[tilespmem:v11+s23+$0x0] =	vst.idx.add.f32.msk $0xffff, v2  }
0x24a: {  	_ =	swait.ge [sflag:s24], $0xC00  }
0x24b: {  	[sflag:s24] =	ssyncset.done $0x0  }
0x24c: {  	s16 =	simm.s32 $0x0;
	[sflag:s24] =	ssyncadd.s32 $0xFFFFF400  }
0x24d: {  	v11 =	vld [tilespmem:s16+$0x10070]  }
0x24e: {  	v12 =	vld [tilespmem:s16+$0x10000]  }
0x24f: {  	v16 =	vld [tilespmem:s16+$0x10010]  }
0x250: {  	v15 =	vld [tilespmem:s16+$0x10020]  }
0x251: {  	v14 =	vld [tilespmem:s16+$0x10030]  }
0x252: {  	v13 =	vld [tilespmem:s16+$0x10040]  }
0x253: {  	v9 =	vadd.f32 v11, v9;
	v11 =	vld [tilespmem:s16+$0x10050]  }
0x254: {  	s0 =	simm.s32 $0x80;
	s1 =	simm.s32 $0x400;
	v10 =	vadd.f32 v12, v10;
	v12 =	vld [tilespmem:s16+$0x10060];
	v8 =	vadd.f32 v16, v8  }
.LBB2_20:
0x255: {  	p1 =	sne.s32 s1, $0x2E00;
	v16 =	vld [tilespmem:s0+$0x10070];
	v7 =	vadd.f32 v15, v7  }
0x256: {  	v17 =	vld [tilespmem:s0+$0x10000];
	v6 =	vadd.f32 v14, v6  }
0x257: {  	v18 =	vld [tilespmem:s0+$0x10010];
	v5 =	vadd.f32 v13, v5  }
.Ltmp9:
0x258: {  	v15 =	vld [tilespmem:s0+$0x10020];
	v3 =	vadd.f32 v11, v3;
	(pc) =	sbr.rel @p1 .LBB2_20-.Ltmp9, $4  }
0x259: {  	v14 =	vld [tilespmem:s0+$0x10030];
	v4 =	vadd.f32 v12, v4  }
0x25a: {  	v13 =	vld [tilespmem:s0+$0x10040];
	v9 =	vadd.f32 v16, v9  }
0x25b: {  	v11 =	vld [tilespmem:s0+$0x10050];
	v10 =	vadd.f32 v17, v10  }
0x25c: {  	v12 =	vld [tilespmem:s0+$0x10060];
	s0 =	sshra.s32 s1, $0x2;
	s1 =	sadd.s32 $0x200, s1;
	v8 =	vadd.f32 v18, v8  }
0x25d: {  	v16 =	vld [tilespmem:s0+$0x10070]  }
0x25e: {  	v17 =	vld [tilespmem:s0+$0x10000]  }
0x25f: {  	v18 =	vld [tilespmem:s0+$0x10010]  }
0x260: {  	v19 =	vld [tilespmem:s0+$0x10020]  }
0x261: {  	v20 =	vld [tilespmem:s0+$0x10030]  }
0x262: {  	v21 =	vld [tilespmem:s0+$0x10040]  }
0x263: {  	v22 =	vld [tilespmem:s0+$0x10050];
	s1 =	simm.s32 $0x0  }
0x264: {  	v23 =	vld [tilespmem:s0+$0x10060];
	[tilespmem:s1], [sflag:$0x1] =	stream.linear.gather [hbm4b:s11+s1], $0x8000, $0x38  }
0x265: {  	_ =	swait.ge [sflag:s25], $0x8000  }
0x266: {  	[sflag:s25] =	ssyncset.done $0x0  }
0x267: {  	s16 =	simm.s32 $0x0;
	[sflag:s25] =	ssyncadd.s32 $0xFFFF8000  }
0x268: {  	[tilespmem:s28], [sflag:$0x4] =	stream.indirect.gather [spmem:s2], $0x1, s26, s20, $0xb8;
	[tilespmem:$0x12498] =	vst v63  }
0x269: {  	v24 =	vld [tilespmem:s16+$0x8050]  }
0x26a: {  	v25 =	vld [tilespmem:s16+$0x8040]  }
0x26b: {  	v26 =	vld [tilespmem:s16+$0x8030]  }
0x26c: {  	v27 =	vld [tilespmem:s16+$0x8020]  }
0x26d: {  	v28 =	vld [tilespmem:s16+$0x8010]  }
0x26e: {  	v29 =	vld [tilespmem:s16+$0x8000]  }
0x26f: {  	v30 =	vld [tilespmem:s16+$0x8060]  }
0x270: {  	v31 =	vld [tilespmem:s16+$0x8070]  }
0x271: {  	v32 =	vld [tilespmem:s16+$0x8080]  }
0x272: {  	v33 =	vld [tilespmem:s16+$0x8090]  }
0x273: {  	v34 =	vld [tilespmem:s16+$0x80A0];
	v29 =	vshll.u32 v29, $0x4  }
0x274: {  	v35 =	vld [tilespmem:s16+$0x80B0];
	v28 =	vshll.u32 v28, $0x4;
	v29 =	vor.u32 v1, v29  }
0x275: {  	v36 =	vld [tilespmem:s16+$0x80C0];
	v27 =	vshll.u32 v27, $0x4;
	v28 =	vor.u32 v1, v28  }
0x276: {  	v37 =	vld [tilespmem:s16+$0x80D0];
	v26 =	vshll.u32 v26, $0x4;
	v27 =	vor.u32 v1, v27  }
0x277: {  	v38 =	vld [tilespmem:s16+$0x80E0];
	v25 =	vshll.u32 v25, $0x4;
	v26 =	vor.u32 v1, v26  }
0x278: {  	v39 =	vld [tilespmem:s16+$0x80F0];
	v24 =	vshll.u32 v24, $0x4;
	v25 =	vor.u32 v1, v25  }
0x279: {  	v55 =	vshll.u32 v30, $0x4;
	v24 =	vor.u32 v1, v24;
	[tilespmem:v29+s23+$0x0] =	vst.idx.add.f32.msk $0xffff, v2  }
0x27a: {  	v56 =	vshll.u32 v31, $0x4;
	v29 =	vor.u32 v1, v55;
	[tilespmem:v28+s23+$0x0] =	vst.idx.add.f32.msk $0xffff, v2  }
0x27b: {  	v57 =	vshll.u32 v32, $0x4;
	v28 =	vor.u32 v1, v56;
	[tilespmem:v27+s23+$0x0] =	vst.idx.add.f32.msk $0xffff, v2  }
0x27c: {  	v58 =	vshll.u32 v33, $0x4;
	v27 =	vor.u32 v1, v57;
	[tilespmem:v26+s23+$0x0] =	vst.idx.add.f32.msk $0xffff, v2  }
0x27d: {  	v59 =	vshll.u32 v34, $0x4;
	v26 =	vor.u32 v1, v58;
	[tilespmem:v25+s23+$0x0] =	vst.idx.add.f32.msk $0xffff, v2  }
0x27e: {  	v60 =	vshll.u32 v35, $0x4;
	v25 =	vor.u32 v1, v59;
	[tilespmem:v24+s23+$0x0] =	vst.idx.add.f32.msk $0xffff, v2  }
0x27f: {  	v7 =	vadd.f32 v15, v7;
	v61 =	vshll.u32 v36, $0x4;
	v24 =	vor.u32 v1, v60;
	[tilespmem:v29+s23+$0x0] =	vst.idx.add.f32.msk $0xffff, v2  }
0x280: {  	v6 =	vadd.f32 v14, v6;
	v62 =	vshll.u32 v37, $0x4;
	v15 =	vor.u32 v1, v61;
	[tilespmem:v28+s23+$0x0] =	vst.idx.add.f32.msk $0xffff, v2  }
0x281: {  	v5 =	vadd.f32 v13, v5;
	v63 =	vshll.u32 v38, $0x4;
	v14 =	vor.u32 v1, v62;
	[tilespmem:v27+s23+$0x0] =	vst.idx.add.f32.msk $0xffff, v2  }
0x282: {  	v3 =	vadd.f32 v11, v3;
	v11 =	vshll.u32 v39, $0x4;
	v13 =	vor.u32 v1, v63;
	[tilespmem:v26+s23+$0x0] =	vst.idx.add.f32.msk $0xffff, v2  }
0x283: {  	v4 =	vadd.f32 v12, v4;
	v11 =	vor.u32 v1, v11;
	[tilespmem:v25+s23+$0x0] =	vst.idx.add.f32.msk $0xffff, v2  }
0x284: {  	v9 =	vadd.f32 v16, v9;
	v10 =	vadd.f32 v17, v10;
	[tilespmem:v24+s23+$0x0] =	vst.idx.add.f32.msk $0xffff, v2  }
0x285: {  	v8 =	vadd.f32 v18, v8;
	v7 =	vadd.f32 v19, v7;
	[tilespmem:v15+s23+$0x0] =	vst.idx.add.f32.msk $0xffff, v2  }
0x286: {  	v6 =	vadd.f32 v20, v6;
	v5 =	vadd.f32 v21, v5;
	[tilespmem:v14+s23+$0x0] =	vst.idx.add.f32.msk $0xffff, v2  }
0x287: {  	s0 =	simm.s32 $0x400;
	v3 =	vadd.f32 v22, v3;
	v4 =	vadd.f32 v23, v4;
	[tilespmem:v13+s23+$0x0] =	vst.idx.add.f32.msk $0xffff, v2  }
.LBB2_22:
0x288: {  	s1 =	sshra.s32 s0, $0x2;
	p1 =	sne.s32 s0, $0x1CC00;
	s0 =	sadd.s32 $0x400, s0;
	[tilespmem:v11+s23+$0x0] =	vst.idx.add.f32.msk $0xffff, v2  }
0x289: {  	v11 =	vld [tilespmem:s1+$0x8050]  }
0x28a: {  	v12 =	vld [tilespmem:s1+$0x8040]  }
0x28b: {  	v13 =	vld [tilespmem:s1+$0x8030]  }
0x28c: {  	v14 =	vld [tilespmem:s1+$0x8020]  }
0x28d: {  	v15 =	vld [tilespmem:s1+$0x8010]  }
0x28e: {  	v16 =	vld [tilespmem:s1+$0x8000];
	v11 =	vshll.u32 v11, $0x4  }
0x28f: {  	v17 =	vld [tilespmem:s1+$0x8060];
	v12 =	vshll.u32 v12, $0x4  }
0x290: {  	v18 =	vld [tilespmem:s1+$0x8070];
	v13 =	vshll.u32 v13, $0x4  }
0x291: {  	v19 =	vld [tilespmem:s1+$0x8080];
	v14 =	vshll.u32 v14, $0x4  }
0x292: {  	v20 =	vld [tilespmem:s1+$0x8090];
	v15 =	vshll.u32 v15, $0x4  }
0x293: {  	v21 =	vld [tilespmem:s1+$0x80A0];
	v16 =	vshll.u32 v16, $0x4  }
0x294: {  	v22 =	vld [tilespmem:s1+$0x80B0];
	v17 =	vshll.u32 v17, $0x4;
	v16 =	vor.u32 v1, v16  }
0x295: {  	v15 =	vor.u32 v1, v15;
	v23 =	vld [tilespmem:s1+$0x80C0];
	v18 =	vshll.u32 v18, $0x4  }
0x296: {  	v14 =	vor.u32 v1, v14;
	v24 =	vld [tilespmem:s1+$0x80D0];
	v19 =	vshll.u32 v19, $0x4  }
0x297: {  	v13 =	vor.u32 v1, v13;
	v25 =	vld [tilespmem:s1+$0x80E0];
	v20 =	vshll.u32 v20, $0x4  }
0x298: {  	v12 =	vor.u32 v1, v12;
	v26 =	vld [tilespmem:s1+$0x80F0];
	v21 =	vshll.u32 v21, $0x4  }
0x299: {  	v11 =	vor.u32 v1, v11;
	v22 =	vshll.u32 v22, $0x4;
	[tilespmem:v16+s23+$0x0] =	vst.idx.add.f32.msk $0xffff, v2  }
0x29a: {  	v16 =	vshll.u32 v23, $0x4;
	[tilespmem:v15+s23+$0x0] =	vst.idx.add.f32.msk $0xffff, v2;
	v15 =	vor.u32 v1, v17  }
0x29b: {  	v17 =	vshll.u32 v24, $0x4;
	[tilespmem:v14+s23+$0x0] =	vst.idx.add.f32.msk $0xffff, v2;
	v14 =	vor.u32 v1, v18  }
0x29c: {  	v18 =	vshll.u32 v25, $0x4;
	[tilespmem:v13+s23+$0x0] =	vst.idx.add.f32.msk $0xffff, v2;
	v13 =	vor.u32 v1, v19  }
0x29d: {  	[tilespmem:v12+s23+$0x0] =	vst.idx.add.f32.msk $0xffff, v2;
	v12 =	vor.u32 v1, v20  }
0x29e: {  	[tilespmem:v11+s23+$0x0] =	vst.idx.add.f32.msk $0xffff, v2;
	v11 =	vor.u32 v1, v21  }
0x29f: {  	[tilespmem:v15+s23+$0x0] =	vst.idx.add.f32.msk $0xffff, v2;
	v15 =	vor.u32 v1, v22  }
0x2a0: {  	[tilespmem:v14+s23+$0x0] =	vst.idx.add.f32.msk $0xffff, v2;
	v14 =	vor.u32 v1, v16  }
0x2a1: {  	[tilespmem:v13+s23+$0x0] =	vst.idx.add.f32.msk $0xffff, v2;
	v13 =	vor.u32 v1, v17  }
0x2a2: {  	v16 =	vshll.u32 v26, $0x4;
	[tilespmem:v12+s23+$0x0] =	vst.idx.add.f32.msk $0xffff, v2;
	v12 =	vor.u32 v1, v18  }
.Ltmp10:
0x2a3: {  	[tilespmem:v11+s23+$0x0] =	vst.idx.add.f32.msk $0xffff, v2;
	v11 =	vor.u32 v1, v16;
	(pc) =	sbr.rel @p1 .LBB2_22-.Ltmp10, $4  }
0x2a4: {  	[tilespmem:v15+s23+$0x0] =	vst.idx.add.f32.msk $0xffff, v2  }
0x2a5: {  	[tilespmem:v14+s23+$0x0] =	vst.idx.add.f32.msk $0xffff, v2  }
0x2a6: {  	[tilespmem:v13+s23+$0x0] =	vst.idx.add.f32.msk $0xffff, v2  }
0x2a7: {  	[tilespmem:v12+s23+$0x0] =	vst.idx.add.f32.msk $0xffff, v2  }
0x2a8: {  	_ =	sdelay $0x3  }
0x2a9: {  	[tilespmem:v11+s23+$0x0] =	vst.idx.add.f32.msk $0xffff, v2  }
0x2aa: {  	_ =	swait.ge [sflag:s29], $0xC00  }
0x2ab: {  	[sflag:s29] =	ssyncset.done $0x0  }
0x2ac: {  	s16 =	simm.s32 $0x0;
	[sflag:s29] =	ssyncadd.s32 $0xFFFFF400  }
0x2ad: {  	v11 =	vld [tilespmem:s16+$0x10C70]  }
0x2ae: {  	v12 =	vld [tilespmem:s16+$0x10C00]  }
0x2af: {  	v16 =	vld [tilespmem:s16+$0x10C10]  }
0x2b0: {  	v15 =	vld [tilespmem:s16+$0x10C20]  }
0x2b1: {  	v14 =	vld [tilespmem:s16+$0x10C30]  }
0x2b2: {  	v13 =	vld [tilespmem:s16+$0x10C40]  }
0x2b3: {  	v9 =	vadd.f32 v11, v9;
	v11 =	vld [tilespmem:s16+$0x10C50]  }
0x2b4: {  	s0 =	simm.s32 $0x80;
	s1 =	simm.s32 $0x400;
	v10 =	vadd.f32 v12, v10;
	v12 =	vld [tilespmem:s16+$0x10C60];
	v8 =	vadd.f32 v16, v8  }
.LBB2_24:
0x2b5: {  	p1 =	sne.s32 s1, $0x2E00;
	v16 =	vld [tilespmem:s0+$0x10C70];
	v7 =	vadd.f32 v15, v7  }
0x2b6: {  	v17 =	vld [tilespmem:s0+$0x10C00];
	v6 =	vadd.f32 v14, v6  }
0x2b7: {  	v18 =	vld [tilespmem:s0+$0x10C10];
	v5 =	vadd.f32 v13, v5  }
.Ltmp11:
0x2b8: {  	v15 =	vld [tilespmem:s0+$0x10C20];
	v3 =	vadd.f32 v11, v3;
	(pc) =	sbr.rel @p1 .LBB2_24-.Ltmp11, $4  }
0x2b9: {  	v14 =	vld [tilespmem:s0+$0x10C30];
	v4 =	vadd.f32 v12, v4  }
0x2ba: {  	v13 =	vld [tilespmem:s0+$0x10C40];
	v9 =	vadd.f32 v16, v9  }
0x2bb: {  	v11 =	vld [tilespmem:s0+$0x10C50];
	v10 =	vadd.f32 v17, v10  }
0x2bc: {  	v12 =	vld [tilespmem:s0+$0x10C60];
	s0 =	sshra.s32 s1, $0x2;
	s1 =	sadd.s32 $0x200, s1;
	v8 =	vadd.f32 v18, v8  }
0x2bd: {  	v16 =	vld [tilespmem:s0+$0x10C70]  }
0x2be: {  	v17 =	vld [tilespmem:s0+$0x10C00]  }
0x2bf: {  	v18 =	vld [tilespmem:s0+$0x10C10]  }
0x2c0: {  	v19 =	vld [tilespmem:s0+$0x10C20]  }
0x2c1: {  	v20 =	vld [tilespmem:s0+$0x10C30]  }
0x2c2: {  	v21 =	vld [tilespmem:s0+$0x10C40]  }
0x2c3: {  	v22 =	vld [tilespmem:s0+$0x10C50];
	s1 =	simm.s32 $0x0  }
0x2c4: {  	v23 =	vld [tilespmem:s0+$0x10C60];
	[tilespmem:s18], [sflag:$0x2] =	stream.linear.gather [hbm4b:s12+s1], $0x8000, $0x38  }
0x2c5: {  	_ =	swait.ge [sflag:s19], $0x8000  }
0x2c6: {  	[sflag:s19] =	ssyncset.done $0x0  }
0x2c7: {  	s16 =	simm.s32 $0x0;
	[sflag:s19] =	ssyncadd.s32 $0xFFFF8000  }
0x2c8: {  	[tilespmem:s22], [sflag:$0x3] =	stream.indirect.gather [spmem:s2], $0x1, s21, s20, $0xb8;
	[tilespmem:$0x12498] =	vst v63  }
0x2c9: {  	v24 =	vld [tilespmem:s16+$0x50]  }
0x2ca: {  	v25 =	vld [tilespmem:s16+$0x40]  }
0x2cb: {  	v26 =	vld [tilespmem:s16+$0x30]  }
0x2cc: {  	v27 =	vld [tilespmem:s16+$0x20]  }
0x2cd: {  	v28 =	vld [tilespmem:s16+$0x10]  }
0x2ce: {  	v29 =	vld [tilespmem:s16+$0x0]  }
0x2cf: {  	v30 =	vld [tilespmem:s16+$0x60]  }
0x2d0: {  	v31 =	vld [tilespmem:s16+$0x70]  }
0x2d1: {  	v32 =	vld [tilespmem:s16+$0x80]  }
0x2d2: {  	v33 =	vld [tilespmem:s16+$0x90]  }
0x2d3: {  	v34 =	vld [tilespmem:s16+$0xA0];
	v29 =	vshll.u32 v29, $0x4  }
0x2d4: {  	v35 =	vld [tilespmem:s16+$0xB0];
	v28 =	vshll.u32 v28, $0x4;
	v29 =	vor.u32 v1, v29  }
0x2d5: {  	v36 =	vld [tilespmem:s16+$0xC0];
	v27 =	vshll.u32 v27, $0x4;
	v28 =	vor.u32 v1, v28  }
0x2d6: {  	v37 =	vld [tilespmem:s16+$0xD0];
	v26 =	vshll.u32 v26, $0x4;
	v27 =	vor.u32 v1, v27  }
0x2d7: {  	v38 =	vld [tilespmem:s16+$0xE0];
	v25 =	vshll.u32 v25, $0x4;
	v26 =	vor.u32 v1, v26  }
0x2d8: {  	v39 =	vld [tilespmem:s16+$0xF0];
	v24 =	vshll.u32 v24, $0x4;
	v25 =	vor.u32 v1, v25  }
0x2d9: {  	v55 =	vshll.u32 v30, $0x4;
	v24 =	vor.u32 v1, v24;
	[tilespmem:v29+s23+$0x0] =	vst.idx.add.f32.msk $0xffff, v2  }
0x2da: {  	v56 =	vshll.u32 v31, $0x4;
	v29 =	vor.u32 v1, v55;
	[tilespmem:v28+s23+$0x0] =	vst.idx.add.f32.msk $0xffff, v2  }
0x2db: {  	v57 =	vshll.u32 v32, $0x4;
	v28 =	vor.u32 v1, v56;
	[tilespmem:v27+s23+$0x0] =	vst.idx.add.f32.msk $0xffff, v2  }
0x2dc: {  	v58 =	vshll.u32 v33, $0x4;
	v27 =	vor.u32 v1, v57;
	[tilespmem:v26+s23+$0x0] =	vst.idx.add.f32.msk $0xffff, v2  }
0x2dd: {  	v59 =	vshll.u32 v34, $0x4;
	v26 =	vor.u32 v1, v58;
	[tilespmem:v25+s23+$0x0] =	vst.idx.add.f32.msk $0xffff, v2  }
0x2de: {  	v60 =	vshll.u32 v35, $0x4;
	v25 =	vor.u32 v1, v59;
	[tilespmem:v24+s23+$0x0] =	vst.idx.add.f32.msk $0xffff, v2  }
0x2df: {  	v7 =	vadd.f32 v15, v7;
	v61 =	vshll.u32 v36, $0x4;
	v24 =	vor.u32 v1, v60;
	[tilespmem:v29+s23+$0x0] =	vst.idx.add.f32.msk $0xffff, v2  }
0x2e0: {  	v6 =	vadd.f32 v14, v6;
	v62 =	vshll.u32 v37, $0x4;
	v15 =	vor.u32 v1, v61;
	[tilespmem:v28+s23+$0x0] =	vst.idx.add.f32.msk $0xffff, v2  }
0x2e1: {  	v5 =	vadd.f32 v13, v5;
	v63 =	vshll.u32 v38, $0x4;
	v14 =	vor.u32 v1, v62;
	[tilespmem:v27+s23+$0x0] =	vst.idx.add.f32.msk $0xffff, v2  }
0x2e2: {  	v3 =	vadd.f32 v11, v3;
	v11 =	vshll.u32 v39, $0x4;
	v13 =	vor.u32 v1, v63;
	[tilespmem:v26+s23+$0x0] =	vst.idx.add.f32.msk $0xffff, v2  }
0x2e3: {  	v4 =	vadd.f32 v12, v4;
	v11 =	vor.u32 v1, v11;
	[tilespmem:v25+s23+$0x0] =	vst.idx.add.f32.msk $0xffff, v2  }
0x2e4: {  	v9 =	vadd.f32 v16, v9;
	v10 =	vadd.f32 v17, v10;
	[tilespmem:v24+s23+$0x0] =	vst.idx.add.f32.msk $0xffff, v2  }
0x2e5: {  	v8 =	vadd.f32 v18, v8;
	v7 =	vadd.f32 v19, v7;
	[tilespmem:v15+s23+$0x0] =	vst.idx.add.f32.msk $0xffff, v2  }
0x2e6: {  	v6 =	vadd.f32 v20, v6;
	v5 =	vadd.f32 v21, v5;
	[tilespmem:v14+s23+$0x0] =	vst.idx.add.f32.msk $0xffff, v2  }
0x2e7: {  	s0 =	simm.s32 $0x400;
	v3 =	vadd.f32 v22, v3;
	v4 =	vadd.f32 v23, v4;
	[tilespmem:v13+s23+$0x0] =	vst.idx.add.f32.msk $0xffff, v2  }
.LBB2_26:
0x2e8: {  	s1 =	sshra.s32 s0, $0x2;
	p1 =	sne.s32 s0, $0x1CC00;
	s0 =	sadd.s32 $0x400, s0;
	[tilespmem:v11+s23+$0x0] =	vst.idx.add.f32.msk $0xffff, v2  }
0x2e9: {  	v11 =	vld [tilespmem:s1+$0x50]  }
0x2ea: {  	v12 =	vld [tilespmem:s1+$0x40]  }
0x2eb: {  	v13 =	vld [tilespmem:s1+$0x30]  }
0x2ec: {  	v14 =	vld [tilespmem:s1+$0x20]  }
0x2ed: {  	v15 =	vld [tilespmem:s1+$0x10]  }
0x2ee: {  	v16 =	vld [tilespmem:s1+$0x0];
	v11 =	vshll.u32 v11, $0x4  }
0x2ef: {  	v17 =	vld [tilespmem:s1+$0x60];
	v12 =	vshll.u32 v12, $0x4  }
0x2f0: {  	v18 =	vld [tilespmem:s1+$0x70];
	v13 =	vshll.u32 v13, $0x4  }
0x2f1: {  	v19 =	vld [tilespmem:s1+$0x80];
	v14 =	vshll.u32 v14, $0x4  }
0x2f2: {  	v20 =	vld [tilespmem:s1+$0x90];
	v15 =	vshll.u32 v15, $0x4  }
0x2f3: {  	v21 =	vld [tilespmem:s1+$0xA0];
	v16 =	vshll.u32 v16, $0x4  }
0x2f4: {  	v22 =	vld [tilespmem:s1+$0xB0];
	v17 =	vshll.u32 v17, $0x4;
	v16 =	vor.u32 v1, v16  }
0x2f5: {  	v15 =	vor.u32 v1, v15;
	v23 =	vld [tilespmem:s1+$0xC0];
	v18 =	vshll.u32 v18, $0x4  }
0x2f6: {  	v14 =	vor.u32 v1, v14;
	v24 =	vld [tilespmem:s1+$0xD0];
	v19 =	vshll.u32 v19, $0x4  }
0x2f7: {  	v13 =	vor.u32 v1, v13;
	v25 =	vld [tilespmem:s1+$0xE0];
	v20 =	vshll.u32 v20, $0x4  }
0x2f8: {  	v12 =	vor.u32 v1, v12;
	v26 =	vld [tilespmem:s1+$0xF0];
	v21 =	vshll.u32 v21, $0x4  }
0x2f9: {  	v11 =	vor.u32 v1, v11;
	v22 =	vshll.u32 v22, $0x4;
	[tilespmem:v16+s23+$0x0] =	vst.idx.add.f32.msk $0xffff, v2  }
0x2fa: {  	v16 =	vshll.u32 v23, $0x4;
	[tilespmem:v15+s23+$0x0] =	vst.idx.add.f32.msk $0xffff, v2;
	v15 =	vor.u32 v1, v17  }
0x2fb: {  	v17 =	vshll.u32 v24, $0x4;
	[tilespmem:v14+s23+$0x0] =	vst.idx.add.f32.msk $0xffff, v2;
	v14 =	vor.u32 v1, v18  }
0x2fc: {  	v18 =	vshll.u32 v25, $0x4;
	[tilespmem:v13+s23+$0x0] =	vst.idx.add.f32.msk $0xffff, v2;
	v13 =	vor.u32 v1, v19  }
0x2fd: {  	[tilespmem:v12+s23+$0x0] =	vst.idx.add.f32.msk $0xffff, v2;
	v12 =	vor.u32 v1, v20  }
0x2fe: {  	[tilespmem:v11+s23+$0x0] =	vst.idx.add.f32.msk $0xffff, v2;
	v11 =	vor.u32 v1, v21  }
0x2ff: {  	[tilespmem:v15+s23+$0x0] =	vst.idx.add.f32.msk $0xffff, v2;
	v15 =	vor.u32 v1, v22  }
0x300: {  	[tilespmem:v14+s23+$0x0] =	vst.idx.add.f32.msk $0xffff, v2;
	v14 =	vor.u32 v1, v16  }
0x301: {  	[tilespmem:v13+s23+$0x0] =	vst.idx.add.f32.msk $0xffff, v2;
	v13 =	vor.u32 v1, v17  }
0x302: {  	v16 =	vshll.u32 v26, $0x4;
	[tilespmem:v12+s23+$0x0] =	vst.idx.add.f32.msk $0xffff, v2;
	v12 =	vor.u32 v1, v18  }
.Ltmp12:
0x303: {  	[tilespmem:v11+s23+$0x0] =	vst.idx.add.f32.msk $0xffff, v2;
	v11 =	vor.u32 v1, v16;
	(pc) =	sbr.rel @p1 .LBB2_26-.Ltmp12, $4  }
0x304: {  	[tilespmem:v15+s23+$0x0] =	vst.idx.add.f32.msk $0xffff, v2  }
0x305: {  	[tilespmem:v14+s23+$0x0] =	vst.idx.add.f32.msk $0xffff, v2  }
0x306: {  	[tilespmem:v13+s23+$0x0] =	vst.idx.add.f32.msk $0xffff, v2  }
0x307: {  	[tilespmem:v12+s23+$0x0] =	vst.idx.add.f32.msk $0xffff, v2  }
0x308: {  	_ =	sdelay $0x3  }
0x309: {  	[tilespmem:v11+s23+$0x0] =	vst.idx.add.f32.msk $0xffff, v2  }
0x30a: {  	_ =	swait.ge [sflag:s24], $0xC00  }
0x30b: {  	[sflag:s24] =	ssyncset.done $0x0  }
0x30c: {  	s16 =	simm.s32 $0x0;
	[sflag:s24] =	ssyncadd.s32 $0xFFFFF400  }
0x30d: {  	v11 =	vld [tilespmem:s16+$0x10070]  }
0x30e: {  	v12 =	vld [tilespmem:s16+$0x10000]  }
0x30f: {  	v16 =	vld [tilespmem:s16+$0x10010]  }
0x310: {  	v15 =	vld [tilespmem:s16+$0x10020]  }
0x311: {  	v14 =	vld [tilespmem:s16+$0x10030]  }
0x312: {  	v13 =	vld [tilespmem:s16+$0x10040]  }
0x313: {  	v9 =	vadd.f32 v11, v9;
	v11 =	vld [tilespmem:s16+$0x10050]  }
0x314: {  	s0 =	simm.s32 $0x80;
	s1 =	simm.s32 $0x400;
	v10 =	vadd.f32 v12, v10;
	v12 =	vld [tilespmem:s16+$0x10060];
	v8 =	vadd.f32 v16, v8  }
.LBB2_28:
0x315: {  	p1 =	sne.s32 s1, $0x2E00;
	v16 =	vld [tilespmem:s0+$0x10070];
	v7 =	vadd.f32 v15, v7  }
0x316: {  	v17 =	vld [tilespmem:s0+$0x10000];
	v6 =	vadd.f32 v14, v6  }
0x317: {  	v18 =	vld [tilespmem:s0+$0x10010];
	v5 =	vadd.f32 v13, v5  }
.Ltmp13:
0x318: {  	v15 =	vld [tilespmem:s0+$0x10020];
	v3 =	vadd.f32 v11, v3;
	(pc) =	sbr.rel @p1 .LBB2_28-.Ltmp13, $4  }
0x319: {  	v14 =	vld [tilespmem:s0+$0x10030];
	v4 =	vadd.f32 v12, v4  }
0x31a: {  	v13 =	vld [tilespmem:s0+$0x10040];
	v9 =	vadd.f32 v16, v9  }
0x31b: {  	v11 =	vld [tilespmem:s0+$0x10050];
	v10 =	vadd.f32 v17, v10  }
0x31c: {  	v12 =	vld [tilespmem:s0+$0x10060];
	s0 =	sshra.s32 s1, $0x2;
	s1 =	sadd.s32 $0x200, s1;
	v8 =	vadd.f32 v18, v8  }
0x31d: {  	v16 =	vld [tilespmem:s0+$0x10070]  }
0x31e: {  	v17 =	vld [tilespmem:s0+$0x10000]  }
0x31f: {  	v18 =	vld [tilespmem:s0+$0x10010]  }
0x320: {  	v19 =	vld [tilespmem:s0+$0x10020]  }
0x321: {  	v20 =	vld [tilespmem:s0+$0x10030]  }
0x322: {  	v21 =	vld [tilespmem:s0+$0x10040]  }
0x323: {  	v22 =	vld [tilespmem:s0+$0x10050]  }
0x324: {  	v23 =	vld [tilespmem:s0+$0x10060];
	_ =	swait.ge [sflag:s25], $0x8000  }
0x325: {  	[sflag:s25] =	ssyncset.done $0x0  }
0x326: {  	s16 =	simm.s32 $0x0;
	[sflag:s25] =	ssyncadd.s32 $0xFFFF8000  }
0x327: {  	[tilespmem:s28], [sflag:$0x4] =	stream.indirect.gather [spmem:s2], $0x1, s26, s20, $0xb8;
	[tilespmem:$0x12498] =	vst v63  }
0x328: {  	v24 =	vld [tilespmem:s16+$0x8050]  }
0x329: {  	v25 =	vld [tilespmem:s16+$0x8040]  }
0x32a: {  	v26 =	vld [tilespmem:s16+$0x8030]  }
0x32b: {  	v27 =	vld [tilespmem:s16+$0x8020]  }
0x32c: {  	v28 =	vld [tilespmem:s16+$0x8010]  }
0x32d: {  	v29 =	vld [tilespmem:s16+$0x8000]  }
0x32e: {  	v30 =	vld [tilespmem:s16+$0x8060]  }
0x32f: {  	v31 =	vld [tilespmem:s16+$0x8070]  }
0x330: {  	v32 =	vld [tilespmem:s16+$0x8080]  }
0x331: {  	v33 =	vld [tilespmem:s16+$0x8090]  }
0x332: {  	v34 =	vld [tilespmem:s16+$0x80A0];
	v29 =	vshll.u32 v29, $0x4  }
0x333: {  	v35 =	vld [tilespmem:s16+$0x80B0];
	v28 =	vshll.u32 v28, $0x4;
	v29 =	vor.u32 v1, v29  }
0x334: {  	v36 =	vld [tilespmem:s16+$0x80C0];
	v27 =	vshll.u32 v27, $0x4;
	v28 =	vor.u32 v1, v28  }
0x335: {  	v37 =	vld [tilespmem:s16+$0x80D0];
	v26 =	vshll.u32 v26, $0x4;
	v27 =	vor.u32 v1, v27  }
0x336: {  	v38 =	vld [tilespmem:s16+$0x80E0];
	v25 =	vshll.u32 v25, $0x4;
	v26 =	vor.u32 v1, v26  }
0x337: {  	v39 =	vld [tilespmem:s16+$0x80F0];
	v24 =	vshll.u32 v24, $0x4;
	v25 =	vor.u32 v1, v25  }
0x338: {  	v54 =	vshll.u32 v30, $0x4;
	v24 =	vor.u32 v1, v24;
	[tilespmem:v29+s23+$0x0] =	vst.idx.add.f32.msk $0xffff, v2  }
0x339: {  	v55 =	vshll.u32 v31, $0x4;
	v29 =	vor.u32 v1, v54;
	[tilespmem:v28+s23+$0x0] =	vst.idx.add.f32.msk $0xffff, v2  }
0x33a: {  	v56 =	vshll.u32 v32, $0x4;
	v28 =	vor.u32 v1, v55;
	[tilespmem:v27+s23+$0x0] =	vst.idx.add.f32.msk $0xffff, v2  }
0x33b: {  	v57 =	vshll.u32 v33, $0x4;
	v27 =	vor.u32 v1, v56;
	[tilespmem:v26+s23+$0x0] =	vst.idx.add.f32.msk $0xffff, v2  }
0x33c: {  	v7 =	vadd.f32 v15, v7;
	v58 =	vshll.u32 v34, $0x4;
	v26 =	vor.u32 v1, v57;
	[tilespmem:v25+s23+$0x0] =	vst.idx.add.f32.msk $0xffff, v2  }
0x33d: {  	v6 =	vadd.f32 v14, v6;
	v59 =	vshll.u32 v35, $0x4;
	v25 =	vor.u32 v1, v58;
	[tilespmem:v24+s23+$0x0] =	vst.idx.add.f32.msk $0xffff, v2  }
0x33e: {  	v5 =	vadd.f32 v13, v5;
	v60 =	vshll.u32 v36, $0x4;
	v24 =	vor.u32 v1, v59;
	[tilespmem:v29+s23+$0x0] =	vst.idx.add.f32.msk $0xffff, v2  }
0x33f: {  	v3 =	vadd.f32 v11, v3;
	v61 =	vshll.u32 v37, $0x4;
	v15 =	vor.u32 v1, v60;
	[tilespmem:v28+s23+$0x0] =	vst.idx.add.f32.msk $0xffff, v2  }
0x340: {  	v11 =	vadd.f32 v12, v4;
	v62 =	vshll.u32 v38, $0x4;
	v14 =	vor.u32 v1, v61;
	[tilespmem:v27+s23+$0x0] =	vst.idx.add.f32.msk $0xffff, v2  }
0x341: {  	v4 =	vadd.f32 v22, v3;
	v63 =	vshll.u32 v39, $0x4;
	v13 =	vor.u32 v1, v62;
	[tilespmem:v26+s23+$0x0] =	vst.idx.add.f32.msk $0xffff, v2  }
0x342: {  	v3 =	vadd.f32 v23, v11;
	v11 =	vor.u32 v1, v63;
	[tilespmem:v25+s23+$0x0] =	vst.idx.add.f32.msk $0xffff, v2  }
0x343: {  	[tilespmem:v24+s23+$0x0] =	vst.idx.add.f32.msk $0xffff, v2  }
0x344: {  	v9 =	vadd.f32 v16, v9;
	v10 =	vadd.f32 v17, v10;
	[tilespmem:v15+s23+$0x0] =	vst.idx.add.f32.msk $0xffff, v2  }
0x345: {  	v8 =	vadd.f32 v18, v8;
	v7 =	vadd.f32 v19, v7;
	[tilespmem:v14+s23+$0x0] =	vst.idx.add.f32.msk $0xffff, v2  }
0x346: {  	s0 =	simm.s32 $0x400;
	v6 =	vadd.f32 v20, v6;
	v5 =	vadd.f32 v21, v5;
	[tilespmem:v13+s23+$0x0] =	vst.idx.add.f32.msk $0xffff, v2  }
.LBB2_30:
0x347: {  	s1 =	sshra.s32 s0, $0x2;
	p1 =	sne.s32 s0, $0x1CC00;
	s0 =	sadd.s32 $0x400, s0;
	[tilespmem:v11+s23+$0x0] =	vst.idx.add.f32.msk $0xffff, v2  }
0x348: {  	v11 =	vld [tilespmem:s1+$0x8050]  }
0x349: {  	v12 =	vld [tilespmem:s1+$0x8040]  }
0x34a: {  	v13 =	vld [tilespmem:s1+$0x8030]  }
0x34b: {  	v14 =	vld [tilespmem:s1+$0x8020]  }
0x34c: {  	v15 =	vld [tilespmem:s1+$0x8010]  }
0x34d: {  	v16 =	vld [tilespmem:s1+$0x8000];
	v11 =	vshll.u32 v11, $0x4  }
0x34e: {  	v17 =	vld [tilespmem:s1+$0x8060];
	v12 =	vshll.u32 v12, $0x4  }
0x34f: {  	v18 =	vld [tilespmem:s1+$0x8070];
	v13 =	vshll.u32 v13, $0x4  }
0x350: {  	v19 =	vld [tilespmem:s1+$0x8080];
	v14 =	vshll.u32 v14, $0x4  }
0x351: {  	v20 =	vld [tilespmem:s1+$0x8090];
	v15 =	vshll.u32 v15, $0x4  }
0x352: {  	v21 =	vld [tilespmem:s1+$0x80A0];
	v16 =	vshll.u32 v16, $0x4  }
0x353: {  	v22 =	vld [tilespmem:s1+$0x80B0];
	v17 =	vshll.u32 v17, $0x4;
	v16 =	vor.u32 v1, v16  }
0x354: {  	v15 =	vor.u32 v1, v15;
	v23 =	vld [tilespmem:s1+$0x80C0];
	v18 =	vshll.u32 v18, $0x4  }
0x355: {  	v14 =	vor.u32 v1, v14;
	v24 =	vld [tilespmem:s1+$0x80D0];
	v19 =	vshll.u32 v19, $0x4  }
0x356: {  	v13 =	vor.u32 v1, v13;
	v25 =	vld [tilespmem:s1+$0x80E0];
	v20 =	vshll.u32 v20, $0x4  }
0x357: {  	v12 =	vor.u32 v1, v12;
	v26 =	vld [tilespmem:s1+$0x80F0];
	v21 =	vshll.u32 v21, $0x4  }
0x358: {  	v11 =	vor.u32 v1, v11;
	v22 =	vshll.u32 v22, $0x4;
	[tilespmem:v16+s23+$0x0] =	vst.idx.add.f32.msk $0xffff, v2  }
0x359: {  	v16 =	vshll.u32 v23, $0x4;
	[tilespmem:v15+s23+$0x0] =	vst.idx.add.f32.msk $0xffff, v2;
	v15 =	vor.u32 v1, v17  }
0x35a: {  	v17 =	vshll.u32 v24, $0x4;
	[tilespmem:v14+s23+$0x0] =	vst.idx.add.f32.msk $0xffff, v2;
	v14 =	vor.u32 v1, v18  }
0x35b: {  	v18 =	vshll.u32 v25, $0x4;
	[tilespmem:v13+s23+$0x0] =	vst.idx.add.f32.msk $0xffff, v2;
	v13 =	vor.u32 v1, v19  }
0x35c: {  	[tilespmem:v12+s23+$0x0] =	vst.idx.add.f32.msk $0xffff, v2;
	v12 =	vor.u32 v1, v20  }
0x35d: {  	[tilespmem:v11+s23+$0x0] =	vst.idx.add.f32.msk $0xffff, v2;
	v11 =	vor.u32 v1, v21  }
0x35e: {  	[tilespmem:v15+s23+$0x0] =	vst.idx.add.f32.msk $0xffff, v2;
	v15 =	vor.u32 v1, v22  }
0x35f: {  	[tilespmem:v14+s23+$0x0] =	vst.idx.add.f32.msk $0xffff, v2;
	v14 =	vor.u32 v1, v16  }
0x360: {  	[tilespmem:v13+s23+$0x0] =	vst.idx.add.f32.msk $0xffff, v2;
	v13 =	vor.u32 v1, v17  }
0x361: {  	v16 =	vshll.u32 v26, $0x4;
	[tilespmem:v12+s23+$0x0] =	vst.idx.add.f32.msk $0xffff, v2;
	v12 =	vor.u32 v1, v18  }
.Ltmp14:
0x362: {  	[tilespmem:v11+s23+$0x0] =	vst.idx.add.f32.msk $0xffff, v2;
	v11 =	vor.u32 v1, v16;
	(pc) =	sbr.rel @p1 .LBB2_30-.Ltmp14, $4  }
0x363: {  	[tilespmem:v15+s23+$0x0] =	vst.idx.add.f32.msk $0xffff, v2  }
0x364: {  	[tilespmem:v14+s23+$0x0] =	vst.idx.add.f32.msk $0xffff, v2  }
0x365: {  	[tilespmem:v13+s23+$0x0] =	vst.idx.add.f32.msk $0xffff, v2  }
0x366: {  	[tilespmem:v12+s23+$0x0] =	vst.idx.add.f32.msk $0xffff, v2  }
0x367: {  	_ =	sdelay $0x3  }
0x368: {  	[tilespmem:v11+s23+$0x0] =	vst.idx.add.f32.msk $0xffff, v2  }
0x369: {  	_ =	swait.ge [sflag:s29], $0xC00  }
0x36a: {  	[sflag:s29] =	ssyncset.done $0x0  }
0x36b: {  	s16 =	simm.s32 $0x0;
	[sflag:s29] =	ssyncadd.s32 $0xFFFFF400  }
0x36c: {  	v11 =	vld [tilespmem:s16+$0x10C70]  }
0x36d: {  	v13 =	vld [tilespmem:s16+$0x10C00]  }
0x36e: {  	v16 =	vld [tilespmem:s16+$0x10C10]  }
0x36f: {  	v15 =	vld [tilespmem:s16+$0x10C20]  }
0x370: {  	v14 =	vld [tilespmem:s16+$0x10C30]  }
0x371: {  	v12 =	vld [tilespmem:s16+$0x10C40]  }
0x372: {  	v9 =	vadd.f32 v11, v9;
	v11 =	vld [tilespmem:s16+$0x10C50]  }
0x373: {  	s0 =	simm.s32 $0x80;
	s1 =	simm.s32 $0x400;
	v13 =	vadd.f32 v13, v10;
	v10 =	vld [tilespmem:s16+$0x10C60];
	v8 =	vadd.f32 v16, v8  }
.LBB2_32:
0x374: {  	p1 =	sne.s32 s1, $0x2E00;
	v16 =	vld [tilespmem:s0+$0x10C70];
	v7 =	vadd.f32 v15, v7  }
0x375: {  	v17 =	vld [tilespmem:s0+$0x10C00];
	v6 =	vadd.f32 v14, v6  }
0x376: {  	v18 =	vld [tilespmem:s0+$0x10C10];
	v5 =	vadd.f32 v12, v5  }
.Ltmp15:
0x377: {  	v15 =	vld [tilespmem:s0+$0x10C20];
	v4 =	vadd.f32 v11, v4;
	(pc) =	sbr.rel @p1 .LBB2_32-.Ltmp15, $4  }
0x378: {  	v14 =	vld [tilespmem:s0+$0x10C30];
	v3 =	vadd.f32 v10, v3  }
0x379: {  	v12 =	vld [tilespmem:s0+$0x10C40];
	v9 =	vadd.f32 v16, v9  }
0x37a: {  	v11 =	vld [tilespmem:s0+$0x10C50];
	v13 =	vadd.f32 v17, v13  }
0x37b: {  	v10 =	vld [tilespmem:s0+$0x10C60];
	s0 =	sshra.s32 s1, $0x2;
	s1 =	sadd.s32 $0x200, s1;
	v8 =	vadd.f32 v18, v8  }
0x37c: {  	v16 =	vld [tilespmem:s0+$0x10C00]  }
0x37d: {  	v17 =	vld [tilespmem:s0+$0x10C10];
	_ =	sdelay $0x1  }
0x37e: {  	v18 =	vld [tilespmem:s0+$0x10C20];
	_ =	sdelay $0x1  }
0x37f: {  	v7 =	vadd.f32 v15, v7;
	v22 =	vld [tilespmem:s0+$0x10C30]  }
0x380: {  	v13 =	vadd.f32 v16, v13;
	v8 =	vadd.f32 v17, v8  }
0x381: {  	v23 =	vld [tilespmem:s0+$0x10C40];
	v6 =	vadd.f32 v14, v6  }
0x382: {  	v7 =	vadd.f32 v18, v7;
	v8 =	vadd.f32 v8, v13  }
0x383: {  	v24 =	vld [tilespmem:s0+$0x10C50];
	v5 =	vadd.f32 v12, v5  }
0x384: {  	v6 =	vadd.f32 v22, v6;
	v7 =	vadd.f32 v7, v8  }
0x385: {  	v25 =	vld [tilespmem:s0+$0x10C60];
	v4 =	vadd.f32 v11, v4  }
0x386: {  	v5 =	vadd.f32 v23, v5;
	v6 =	vadd.f32 v6, v7  }
0x387: {  	v26 =	vld [tilespmem:s0+$0x10C70];
	v3 =	vadd.f32 v10, v3  }
0x388: {  	v27 =	vld [tilespmem:$0x11800];
	v4 =	vadd.f32 v24, v4;
	v5 =	vadd.f32 v5, v6  }
0x389: {  	v28 =	vld [tilespmem:$0x11E40]  }
0x38a: {  	v29 =	vld [tilespmem:$0x11810];
	v3 =	vadd.f32 v25, v3;
	v4 =	vadd.f32 v4, v5  }
0x38b: {  	v30 =	vld [tilespmem:$0x11E50]  }
0x38c: {  	v31 =	vld [tilespmem:$0x11820];
	v7 =	vadd.f32 v26, v9;
	v3 =	vadd.f32 v3, v4  }
0x38d: {  	v32 =	vld [tilespmem:$0x11E60]  }
0x38e: {  	v33 =	vld [tilespmem:$0x11830];
	v6 =	vmul.f32 v28, v27;
	v3 =	vadd.f32 v7, v3  }
0x38f: {  	v34 =	vld [tilespmem:$0x11E70]  }
0x390: {  	v35 =	vld [tilespmem:$0x11840];
	v5 =	vmul.f32 v30, v29;
	v3 =	vadd.f32 v6, v3  }
0x391: {  	v36 =	vld [tilespmem:$0x11E80]  }
0x392: {  	v37 =	vld [tilespmem:$0x11850];
	v4 =	vmul.f32 v32, v31;
	v3 =	vadd.f32 v5, v3  }
0x393: {  	v38 =	vld [tilespmem:$0x11E90]  }
0x394: {  	v40 =	vld [tilespmem:$0x11860];
	v39 =	vmul.f32 v34, v33;
	v3 =	vadd.f32 v4, v3  }
0x395: {  	v41 =	vld [tilespmem:$0x11EA0]  }
0x396: {  	v43 =	vld [tilespmem:$0x11870];
	v42 =	vmul.f32 v36, v35;
	v3 =	vadd.f32 v39, v3  }
0x397: {  	v44 =	vld [tilespmem:$0x11EB0]  }
0x398: {  	v46 =	vld [tilespmem:$0x11880];
	v45 =	vmul.f32 v38, v37;
	v3 =	vadd.f32 v42, v3  }
0x399: {  	v47 =	vld [tilespmem:$0x11EC0]  }
0x39a: {  	v49 =	vld [tilespmem:$0x11890];
	v48 =	vmul.f32 v41, v40;
	v3 =	vadd.f32 v45, v3  }
0x39b: {  	v50 =	vld [tilespmem:$0x11ED0]  }
0x39c: {  	v52 =	vld [tilespmem:$0x118A0];
	v51 =	vmul.f32 v44, v43;
	v3 =	vadd.f32 v48, v3  }
0x39d: {  	v53 =	vld [tilespmem:$0x11EE0]  }
0x39e: {  	v55 =	vld [tilespmem:$0x118B0];
	v54 =	vmul.f32 v47, v46;
	v3 =	vadd.f32 v51, v3  }
0x39f: {  	v56 =	vld [tilespmem:$0x11EF0]  }
0x3a0: {  	v58 =	vld [tilespmem:$0x118C0];
	v57 =	vmul.f32 v50, v49;
	v3 =	vadd.f32 v54, v3  }
0x3a1: {  	v59 =	vld [tilespmem:$0x11F00]  }
0x3a2: {  	v61 =	vld [tilespmem:$0x118D0];
	v60 =	vmul.f32 v53, v52;
	v3 =	vadd.f32 v57, v3  }
0x3a3: {  	v62 =	vld [tilespmem:$0x11F10]  }
0x3a4: {  	v12 =	vld [tilespmem:$0x118E0];
	v63 =	vmul.f32 v56, v55;
	v3 =	vadd.f32 v60, v3  }
0x3a5: {  	v13 =	vld [tilespmem:$0x11F20]  }
0x3a6: {  	v15 =	vld [tilespmem:$0x118F0];
	v14 =	vmul.f32 v59, v58;
	v3 =	vadd.f32 v63, v3  }
0x3a7: {  	v16 =	vld [tilespmem:$0x11F30]  }
0x3a8: {  	v19 =	vld [tilespmem:$0x11F40];
	v17 =	vmul.f32 v62, v61;
	v3 =	vadd.f32 v14, v3  }
0x3a9: {  	v18 =	vld [tilespmem:$0x11900]  }
0x3aa: {  	v21 =	vld [tilespmem:$0x11910];
	v20 =	vmul.f32 v13, v12;
	v3 =	vadd.f32 v17, v3  }
0x3ab: {  	v22 =	vld [tilespmem:$0x11F50]  }
0x3ac: {  	v24 =	vld [tilespmem:$0x11920];
	v23 =	vmul.f32 v16, v15;
	v3 =	vadd.f32 v20, v3  }
0x3ad: {  	v25 =	vld [tilespmem:$0x11F60]  }
0x3ae: {  	v26 =	vmul.f32 v19, v18;
	v27 =	vld [tilespmem:$0x11930];
	v3 =	vadd.f32 v23, v3  }
0x3af: {  	v28 =	vld [tilespmem:$0x11F70]  }
0x3b0: {  	v29 =	vmul.f32 v22, v21;
	v30 =	vld [tilespmem:$0x11940];
	v3 =	vadd.f32 v26, v3  }
0x3b1: {  	v31 =	vld [tilespmem:$0x11F80]  }
0x3b2: {  	v33 =	vld [tilespmem:$0x11950];
	v32 =	vmul.f32 v25, v24;
	v3 =	vadd.f32 v29, v3  }
0x3b3: {  	v34 =	vld [tilespmem:$0x11F90]  }
0x3b4: {  	v36 =	vld [tilespmem:$0x11960];
	v35 =	vmul.f32 v28, v27;
	v3 =	vadd.f32 v32, v3  }
0x3b5: {  	v37 =	vld [tilespmem:$0x11FA0]  }
0x3b6: {  	v40 =	vld [tilespmem:$0x11FB0];
	v38 =	vmul.f32 v31, v30;
	v3 =	vadd.f32 v35, v3  }
0x3b7: {  	v39 =	vld [tilespmem:$0x11970]  }
0x3b8: {  	v43 =	vld [tilespmem:$0x11FC0];
	v41 =	vmul.f32 v34, v33;
	v3 =	vadd.f32 v38, v3  }
0x3b9: {  	v42 =	vld [tilespmem:$0x11980]  }
0x3ba: {  	v46 =	vld [tilespmem:$0x11FD0];
	v44 =	vmul.f32 v37, v36;
	v3 =	vadd.f32 v41, v3  }
0x3bb: {  	v45 =	vld [tilespmem:$0x11990]  }
0x3bc: {  	v49 =	vld [tilespmem:$0x11FE0];
	v47 =	vmul.f32 v40, v39;
	v3 =	vadd.f32 v44, v3  }
0x3bd: {  	v48 =	vld [tilespmem:$0x119A0]  }
0x3be: {  	v52 =	vld [tilespmem:$0x11FF0];
	v50 =	vmul.f32 v43, v42;
	v3 =	vadd.f32 v47, v3  }
0x3bf: {  	v51 =	vld [tilespmem:$0x119B0]  }
0x3c0: {  	v55 =	vld [tilespmem:$0x12000];
	v53 =	vmul.f32 v46, v45;
	v3 =	vadd.f32 v50, v3  }
0x3c1: {  	v54 =	vld [tilespmem:$0x119C0]  }
0x3c2: {  	v58 =	vld [tilespmem:$0x12010];
	v56 =	vmul.f32 v49, v48;
	v3 =	vadd.f32 v53, v3  }
0x3c3: {  	v57 =	vld [tilespmem:$0x119D0]  }
0x3c4: {  	v61 =	vld [tilespmem:$0x12020];
	v59 =	vmul.f32 v52, v51;
	v3 =	vadd.f32 v56, v3  }
0x3c5: {  	v60 =	vld [tilespmem:$0x119E0]  }
0x3c6: {  	v12 =	vld [tilespmem:$0x12030];
	v62 =	vmul.f32 v55, v54;
	v3 =	vadd.f32 v59, v3  }
0x3c7: {  	v63 =	vld [tilespmem:$0x119F0]  }
0x3c8: {  	v15 =	vld [tilespmem:$0x12040];
	v13 =	vmul.f32 v58, v57;
	v3 =	vadd.f32 v62, v3  }
0x3c9: {  	v14 =	vld [tilespmem:$0x11A00]  }
0x3ca: {  	v18 =	vld [tilespmem:$0x12050];
	v16 =	vmul.f32 v61, v60;
	v3 =	vadd.f32 v13, v3  }
0x3cb: {  	v17 =	vld [tilespmem:$0x11A10]  }
0x3cc: {  	v21 =	vld [tilespmem:$0x12060];
	v19 =	vmul.f32 v12, v63;
	v3 =	vadd.f32 v16, v3  }
0x3cd: {  	v20 =	vld [tilespmem:$0x11A20]  }
0x3ce: {  	v24 =	vld [tilespmem:$0x12070];
	v22 =	vmul.f32 v15, v14;
	v3 =	vadd.f32 v19, v3  }
0x3cf: {  	v23 =	vld [tilespmem:$0x11A30]  }
0x3d0: {  	v27 =	vld [tilespmem:$0x12080];
	v25 =	vmul.f32 v18, v17;
	v3 =	vadd.f32 v22, v3  }
0x3d1: {  	v26 =	vld [tilespmem:$0x11A40]  }
0x3d2: {  	v30 =	vld [tilespmem:$0x12090];
	v28 =	vmul.f32 v21, v20;
	v3 =	vadd.f32 v25, v3  }
0x3d3: {  	v29 =	vld [tilespmem:$0x11A50]  }
0x3d4: {  	v33 =	vld [tilespmem:$0x120A0];
	v31 =	vmul.f32 v24, v23;
	v3 =	vadd.f32 v28, v3  }
0x3d5: {  	v32 =	vld [tilespmem:$0x11A60]  }
0x3d6: {  	v36 =	vld [tilespmem:$0x120B0];
	v34 =	vmul.f32 v27, v26;
	v3 =	vadd.f32 v31, v3  }
0x3d7: {  	v35 =	vld [tilespmem:$0x11A70]  }
0x3d8: {  	v39 =	vld [tilespmem:$0x120C0];
	v37 =	vmul.f32 v30, v29;
	v3 =	vadd.f32 v34, v3  }
0x3d9: {  	v38 =	vld [tilespmem:$0x11A80]  }
0x3da: {  	v42 =	vld [tilespmem:$0x120D0];
	v40 =	vmul.f32 v33, v32;
	v3 =	vadd.f32 v37, v3  }
0x3db: {  	v41 =	vld [tilespmem:$0x11A90]  }
0x3dc: {  	v45 =	vld [tilespmem:$0x120E0];
	v43 =	vmul.f32 v36, v35;
	v3 =	vadd.f32 v40, v3  }
0x3dd: {  	v44 =	vld [tilespmem:$0x11AA0]  }
0x3de: {  	v48 =	vld [tilespmem:$0x120F0];
	v46 =	vmul.f32 v39, v38;
	v3 =	vadd.f32 v43, v3  }
0x3df: {  	v47 =	vld [tilespmem:$0x11AB0]  }
0x3e0: {  	v51 =	vld [tilespmem:$0x12100];
	v49 =	vmul.f32 v42, v41;
	v3 =	vadd.f32 v46, v3  }
0x3e1: {  	v50 =	vld [tilespmem:$0x11AC0]  }
0x3e2: {  	v54 =	vld [tilespmem:$0x12110];
	v52 =	vmul.f32 v45, v44;
	v3 =	vadd.f32 v49, v3  }
0x3e3: {  	v53 =	vld [tilespmem:$0x11AD0]  }
0x3e4: {  	v57 =	vld [tilespmem:$0x12120];
	v55 =	vmul.f32 v48, v47;
	v3 =	vadd.f32 v52, v3  }
0x3e5: {  	v56 =	vld [tilespmem:$0x11AE0]  }
0x3e6: {  	v60 =	vld [tilespmem:$0x12130];
	v58 =	vmul.f32 v51, v50;
	v3 =	vadd.f32 v55, v3  }
0x3e7: {  	v59 =	vld [tilespmem:$0x11AF0]  }
0x3e8: {  	v63 =	vld [tilespmem:$0x12140];
	v61 =	vmul.f32 v54, v53;
	v3 =	vadd.f32 v58, v3  }
0x3e9: {  	v62 =	vld [tilespmem:$0x11B00]  }
0x3ea: {  	v14 =	vld [tilespmem:$0x12150];
	v12 =	vmul.f32 v57, v56;
	v3 =	vadd.f32 v61, v3  }
0x3eb: {  	v13 =	vld [tilespmem:$0x11B10]  }
0x3ec: {  	v17 =	vld [tilespmem:$0x12160];
	v15 =	vmul.f32 v60, v59;
	v3 =	vadd.f32 v12, v3  }
0x3ed: {  	v16 =	vld [tilespmem:$0x11B20]  }
0x3ee: {  	v20 =	vld [tilespmem:$0x12170];
	v18 =	vmul.f32 v63, v62;
	v3 =	vadd.f32 v15, v3  }
0x3ef: {  	v19 =	vld [tilespmem:$0x11B30]  }
0x3f0: {  	v23 =	vld [tilespmem:$0x12180];
	v21 =	vmul.f32 v14, v13;
	v3 =	vadd.f32 v18, v3  }
0x3f1: {  	v22 =	vld [tilespmem:$0x11B40]  }
0x3f2: {  	v26 =	vld [tilespmem:$0x12190];
	v24 =	vmul.f32 v17, v16;
	v3 =	vadd.f32 v21, v3  }
0x3f3: {  	v25 =	vld [tilespmem:$0x11B50]  }
0x3f4: {  	v29 =	vld [tilespmem:$0x121A0];
	v27 =	vmul.f32 v20, v19;
	v3 =	vadd.f32 v24, v3  }
0x3f5: {  	v28 =	vld [tilespmem:$0x11B60]  }
0x3f6: {  	v32 =	vld [tilespmem:$0x121B0];
	v30 =	vmul.f32 v23, v22;
	v3 =	vadd.f32 v27, v3  }
0x3f7: {  	v31 =	vld [tilespmem:$0x11B70]  }
0x3f8: {  	v35 =	vld [tilespmem:$0x121C0];
	v33 =	vmul.f32 v26, v25;
	v3 =	vadd.f32 v30, v3  }
0x3f9: {  	v34 =	vld [tilespmem:$0x11B80]  }
0x3fa: {  	v38 =	vld [tilespmem:$0x121D0];
	v36 =	vmul.f32 v29, v28;
	v3 =	vadd.f32 v33, v3  }
0x3fb: {  	v37 =	vld [tilespmem:$0x11B90]  }
0x3fc: {  	v41 =	vld [tilespmem:$0x121E0];
	v39 =	vmul.f32 v32, v31;
	v3 =	vadd.f32 v36, v3  }
0x3fd: {  	v40 =	vld [tilespmem:$0x11BA0]  }
0x3fe: {  	v44 =	vld [tilespmem:$0x121F0];
	v42 =	vmul.f32 v35, v34;
	v3 =	vadd.f32 v39, v3  }
0x3ff: {  	v43 =	vld [tilespmem:$0x11BB0]  }
0x400: {  	v47 =	vld [tilespmem:$0x12200];
	v45 =	vmul.f32 v38, v37;
	v3 =	vadd.f32 v42, v3  }
0x401: {  	v46 =	vld [tilespmem:$0x11BC0]  }
0x402: {  	v50 =	vld [tilespmem:$0x12210];
	v48 =	vmul.f32 v41, v40;
	v3 =	vadd.f32 v45, v3  }
0x403: {  	v49 =	vld [tilespmem:$0x11BD0]  }
0x404: {  	v53 =	vld [tilespmem:$0x12220];
	v51 =	vmul.f32 v44, v43;
	v3 =	vadd.f32 v48, v3  }
0x405: {  	v52 =	vld [tilespmem:$0x11BE0]  }
0x406: {  	v56 =	vld [tilespmem:$0x12230];
	v54 =	vmul.f32 v47, v46;
	v3 =	vadd.f32 v51, v3  }
0x407: {  	v55 =	vld [tilespmem:$0x11BF0]  }
0x408: {  	v59 =	vld [tilespmem:$0x12240];
	v57 =	vmul.f32 v50, v49;
	v3 =	vadd.f32 v54, v3  }
0x409: {  	v58 =	vld [tilespmem:$0x11C00]  }
0x40a: {  	v62 =	vld [tilespmem:$0x12250];
	v60 =	vmul.f32 v53, v52;
	v3 =	vadd.f32 v57, v3  }
0x40b: {  	v61 =	vld [tilespmem:$0x11C10]  }
0x40c: {  	v13 =	vld [tilespmem:$0x12260];
	v63 =	vmul.f32 v56, v55;
	v3 =	vadd.f32 v60, v3  }
0x40d: {  	v12 =	vld [tilespmem:$0x11C20]  }
0x40e: {  	v16 =	vld [tilespmem:$0x12270];
	v14 =	vmul.f32 v59, v58;
	v3 =	vadd.f32 v63, v3  }
0x40f: {  	v15 =	vld [tilespmem:$0x11C30]  }
0x410: {  	v19 =	vld [tilespmem:$0x12280];
	v17 =	vmul.f32 v62, v61;
	v3 =	vadd.f32 v14, v3  }
0x411: {  	v18 =	vld [tilespmem:$0x11C40]  }
0x412: {  	v22 =	vld [tilespmem:$0x12290];
	v20 =	vmul.f32 v13, v12;
	v3 =	vadd.f32 v17, v3  }
0x413: {  	v21 =	vld [tilespmem:$0x11C50]  }
0x414: {  	v25 =	vld [tilespmem:$0x122A0];
	v23 =	vmul.f32 v16, v15;
	v3 =	vadd.f32 v20, v3  }
0x415: {  	v24 =	vld [tilespmem:$0x11C60]  }
0x416: {  	v28 =	vld [tilespmem:$0x122B0];
	v26 =	vmul.f32 v19, v18;
	v3 =	vadd.f32 v23, v3  }
0x417: {  	v27 =	vld [tilespmem:$0x11C70]  }
0x418: {  	v31 =	vld [tilespmem:$0x122C0];
	v29 =	vmul.f32 v22, v21;
	v3 =	vadd.f32 v26, v3  }
0x419: {  	v30 =	vld [tilespmem:$0x11C80]  }
0x41a: {  	v34 =	vld [tilespmem:$0x122D0];
	v32 =	vmul.f32 v25, v24;
	v3 =	vadd.f32 v29, v3  }
0x41b: {  	v33 =	vld [tilespmem:$0x11C90]  }
0x41c: {  	v37 =	vld [tilespmem:$0x122E0];
	v35 =	vmul.f32 v28, v27;
	v3 =	vadd.f32 v32, v3  }
0x41d: {  	v36 =	vld [tilespmem:$0x11CA0]  }
0x41e: {  	v40 =	vld [tilespmem:$0x122F0];
	v38 =	vmul.f32 v31, v30;
	v3 =	vadd.f32 v35, v3  }
0x41f: {  	v39 =	vld [tilespmem:$0x11CB0]  }
0x420: {  	v43 =	vld [tilespmem:$0x12300];
	v41 =	vmul.f32 v34, v33;
	v3 =	vadd.f32 v38, v3  }
0x421: {  	v42 =	vld [tilespmem:$0x11CC0]  }
0x422: {  	v46 =	vld [tilespmem:$0x12310];
	v44 =	vmul.f32 v37, v36;
	v3 =	vadd.f32 v41, v3  }
0x423: {  	v45 =	vld [tilespmem:$0x11CD0]  }
0x424: {  	v49 =	vld [tilespmem:$0x12320];
	v47 =	vmul.f32 v40, v39;
	v3 =	vadd.f32 v44, v3  }
0x425: {  	v48 =	vld [tilespmem:$0x11CE0]  }
0x426: {  	v52 =	vld [tilespmem:$0x12330];
	v50 =	vmul.f32 v43, v42;
	v3 =	vadd.f32 v47, v3  }
0x427: {  	v51 =	vld [tilespmem:$0x11CF0]  }
0x428: {  	v55 =	vld [tilespmem:$0x12340];
	v53 =	vmul.f32 v46, v45;
	v3 =	vadd.f32 v50, v3  }
0x429: {  	v54 =	vld [tilespmem:$0x11D00]  }
0x42a: {  	v58 =	vld [tilespmem:$0x12350];
	v56 =	vmul.f32 v49, v48;
	v3 =	vadd.f32 v53, v3  }
0x42b: {  	v57 =	vld [tilespmem:$0x11D10]  }
0x42c: {  	v61 =	vld [tilespmem:$0x12360];
	v59 =	vmul.f32 v52, v51;
	v3 =	vadd.f32 v56, v3  }
0x42d: {  	v60 =	vld [tilespmem:$0x11D20]  }
0x42e: {  	v12 =	vld [tilespmem:$0x12370];
	v62 =	vmul.f32 v55, v54;
	v3 =	vadd.f32 v59, v3  }
0x42f: {  	v63 =	vld [tilespmem:$0x11D30]  }
0x430: {  	v15 =	vld [tilespmem:$0x12380];
	v13 =	vmul.f32 v58, v57;
	v3 =	vadd.f32 v62, v3  }
0x431: {  	v14 =	vld [tilespmem:$0x11D40]  }
0x432: {  	v18 =	vld [tilespmem:$0x12390];
	v16 =	vmul.f32 v61, v60;
	v3 =	vadd.f32 v13, v3  }
0x433: {  	v17 =	vld [tilespmem:$0x11D50]  }
0x434: {  	v21 =	vld [tilespmem:$0x123A0];
	v19 =	vmul.f32 v12, v63;
	v3 =	vadd.f32 v16, v3  }
0x435: {  	v20 =	vld [tilespmem:$0x11D60]  }
0x436: {  	v24 =	vld [tilespmem:$0x123B0];
	v22 =	vmul.f32 v15, v14;
	v3 =	vadd.f32 v19, v3  }
0x437: {  	v23 =	vld [tilespmem:$0x11D70]  }
0x438: {  	v27 =	vld [tilespmem:$0x123C0];
	v25 =	vmul.f32 v18, v17;
	v3 =	vadd.f32 v22, v3  }
0x439: {  	v26 =	vld [tilespmem:$0x11D80]  }
0x43a: {  	v30 =	vld [tilespmem:$0x123D0];
	v28 =	vmul.f32 v21, v20;
	v3 =	vadd.f32 v25, v3  }
0x43b: {  	v29 =	vld [tilespmem:$0x11D90]  }
0x43c: {  	v33 =	vld [tilespmem:$0x123E0];
	v31 =	vmul.f32 v24, v23;
	v3 =	vadd.f32 v28, v3  }
0x43d: {  	v32 =	vld [tilespmem:$0x11DA0]  }
0x43e: {  	v36 =	vld [tilespmem:$0x123F0];
	v34 =	vmul.f32 v27, v26;
	v3 =	vadd.f32 v31, v3  }
0x43f: {  	v35 =	vld [tilespmem:$0x11DB0]  }
0x440: {  	v39 =	vld [tilespmem:$0x12400];
	v37 =	vmul.f32 v30, v29;
	v3 =	vadd.f32 v34, v3  }
0x441: {  	v38 =	vld [tilespmem:$0x11DC0]  }
0x442: {  	v42 =	vld [tilespmem:$0x12410];
	v40 =	vmul.f32 v33, v32;
	v3 =	vadd.f32 v37, v3  }
0x443: {  	v41 =	vld [tilespmem:$0x11DD0]  }
0x444: {  	v45 =	vld [tilespmem:$0x12420];
	v43 =	vmul.f32 v36, v35;
	v3 =	vadd.f32 v40, v3  }
0x445: {  	v44 =	vld [tilespmem:$0x11DE0]  }
0x446: {  	v48 =	vld [tilespmem:$0x12430];
	v46 =	vmul.f32 v39, v38;
	v3 =	vadd.f32 v43, v3  }
0x447: {  	v47 =	vld [tilespmem:$0x11DF0]  }
0x448: {  	v51 =	vld [tilespmem:$0x12440];
	v49 =	vmul.f32 v42, v41;
	v3 =	vadd.f32 v46, v3  }
0x449: {  	v50 =	vld [tilespmem:$0x11E00]  }
0x44a: {  	v54 =	vld [tilespmem:$0x12450];
	v52 =	vmul.f32 v45, v44;
	v3 =	vadd.f32 v49, v3  }
0x44b: {  	v53 =	vld [tilespmem:$0x11E10]  }
0x44c: {  	v57 =	vld [tilespmem:$0x12460];
	v55 =	vmul.f32 v48, v47;
	v3 =	vadd.f32 v52, v3  }
0x44d: {  	v56 =	vld [tilespmem:$0x11E20]  }
0x44e: {  	v60 =	vld [tilespmem:$0x12470];
	v58 =	vmul.f32 v51, v50;
	v3 =	vadd.f32 v55, v3  }
0x44f: {  	v59 =	vld [tilespmem:$0x11E30]  }
0x450: {  	v61 =	vmul.f32 v54, v53;
	v3 =	vadd.f32 v58, v3;
	_ =	sdelay $0x1  }
0x451: {  	v62 =	vmul.f32 v57, v56;
	v3 =	vadd.f32 v61, v3;
	_ =	sdelay $0x1  }
0x452: {  	v63 =	vmul.f32 v60, v59;
	v3 =	vadd.f32 v62, v3;
	_ =	sdelay $0x1  }
0x453: {  	s31 =	sadd.s32 $0x1, s31;
	v3 =	vadd.f32 v63, v3  }
0x454: {  	p1 =	sne.s32 s31, s14  }
.Ltmp16:
0x455: {  	[tilespmem:$0x12488] =	vst v3;
	(pc) =	sbr.rel @p1 .LBB2_1-.Ltmp16, $4  }
0x456: {  	[hbm4b:s13+s3] =	stream.linear.scatter [tilespmem:s30], [sflag:$0x5], $0x10, $0x38;
	[tilespmem:$0x12498] =	vst v63  }
0x457: {  	_ =	swait.ge [sflag:s17], $0x10  }
0x458: {  	[sflag:s17] =	ssyncset.done $0x0  }
0x459: {  	[sflag:s17] =	ssyncadd.s32 $0xFFFFFFF0  }
0x45a: {  	_ =	sfence.sel $0x180000  }
0x45b: {  	[bflag:$0x0] =	sbarrier.arrive $0xFFFF  }
0x45c: {  	_ =	strace $0x90000047  }
0x45d: {  	[bflag:$0x2] =	sbarrier.arrive $0xFFFF  }
0x45e: {  	s0 =	rddreg [dreg:$0x4]  }
0x45f: {  	s0 =	sadd.s32 @!p0 $0x100000, s0  }
0x460: {  	[sflag:s0] =	ssyncadd.tile.s32 @!p0 $0x1;
	_ =	shalt  }
.Lfunc_end2:
_tile_overlayer_lowered:
.L_overlay_start_2:
0x461: {  	(tag) =	ssettag $0x2  }
0x462: {  	s0 =	rddreg [dreg:$0x0];
	s2 =	stileid.u32  }
0x463: {  	s1 =	rddreg [dreg:$0x1];
	p0 =	sne.s32 s2, $0x0  }
0x464: {  	s3 =	rddreg [dreg:$0x2];
	[bflag:$0x3] =	sbarrier.arrive $0xFFFF;
	s2 =	simm.s32 @!p0 $0x1C05  }
0x465: {  	[timem:s3], [sflag:s2] =	dma.local @!p0 [hbm:s0], s1  }
0x466: {  	s0 =	simm.s32 @!p0 $0x5  }
0x467: {  	_ =	swait.ge @!p0 [sflag:s0], s1  }
0x468: {  	s1 =	ssub.s32 @!p0 $0x0, s1;
	[sflag:s0] =	ssyncset.done @!p0 $0x0  }
0x469: {  	[sflag:s0] =	ssyncadd.s32 @!p0 s1  }
0x46a: {  	[bflag:$0x3] =	sbarrier.arrive $0xFFFF  }
0x46b: {  	_ =	shalt  }

</sc_bundles>
